<compile_context>
chip_gen: v7x
topology: tpu7x:2x2x1
jax: 0.10.2.dev20260603
libtpu: 0.0.44.dev20260713+nightly
codegen_flags: <defaults>
</compile_context>

<pallas_src>
import functools

import jax
import jax.numpy as jnp
from jax import lax
from jax.experimental import pallas as pl
from jax.experimental.pallas import tpu as pltpu
from jax.experimental.pallas import tpu_sc as plsc

NC = 2
NS = 16
NW = NC * NS
CHUNK = 128
PAD_ROWS = 16


def _mesh():
    return plsc.VectorSubcoreMesh(core_axis_name="c", subcore_axis_name="s")


def _make_deg_kernel(n_chunks: int, nr: int):

    @functools.partial(
        pl.kernel,
        mesh=_mesh(),
        out_type=(
            jax.ShapeDtypeStruct((nr,), jnp.float32),
            jax.ShapeDtypeStruct((nr,), jnp.float32),
        ),
        scratch_types=[
            pltpu.VMEM((n_chunks, CHUNK), jnp.int32),
            pltpu.VMEM((CHUNK,), jnp.float32),
            pltpu.VMEM_SHARED((nr,), jnp.float32),
            pltpu.SemaphoreType.DMA,
        ],
    )
    def deg_k(colp3_hbm, zeros1_hbm, ones1_hbm, out0_hbm, out1_hbm,
              cidx_all, ones_v, deg_sh, sem):
        cid = lax.axis_index("c")
        sid = lax.axis_index("s")
        wid = cid * NS + sid

        @pl.when(sid == 0)
        def _zero():
            pltpu.sync_copy(zeros1_hbm, deg_sh)

        pltpu.sync_copy(ones1_hbm, ones_v)
        pltpu.sync_copy(colp3_hbm.at[wid], cidx_all)
        plsc.subcore_barrier()

        blk = 8

        def block(q, carry):
            for j in range(blk):
                pltpu.async_copy(
                    ones_v, deg_sh.at[cidx_all.at[blk * q + j]], sem, add=True)
            for j in range(blk):
                pltpu.make_async_copy(
                    ones_v, deg_sh.at[cidx_all.at[blk * q + j]], sem).wait()
            return carry

        lax.fori_loop(0, n_chunks // blk, block, 0)
        plsc.subcore_barrier()

        @pl.when(jnp.logical_and(sid == 0, cid == 0))
        def _out0():
            pltpu.sync_copy(deg_sh, out0_hbm)

        @pl.when(jnp.logical_and(sid == 0, cid == 1))
        def _out1():
            pltpu.sync_copy(deg_sh, out1_hbm)

    return deg_k


def _make_agg_kernel(n_nodes: int, d: int, chunk: int, n_chunks: int,
                     nr: int, r_tile: int):

    last_tile = n_nodes - (NS - 1) * r_tile

    nbuf = 3
    shift = 14
    mask = (1 << shift) - 1

    @functools.partial(
        pl.kernel,
        mesh=_mesh(),
        out_type=jax.ShapeDtypeStruct((NC, n_nodes, d), jnp.float32),
        scratch_types=[
            pltpu.VMEM((chunk, d), jnp.float32),
            pltpu.VMEM((chunk, d), jnp.float32),
            pltpu.VMEM((chunk, d), jnp.float32),
            pltpu.VMEM((n_chunks, chunk), jnp.int32),
            pltpu.VMEM((chunk,), jnp.int32),
            pltpu.VMEM((chunk,), jnp.int32),
            pltpu.VMEM((chunk,), jnp.int32),
            pltpu.VMEM((chunk,), jnp.int32),
            pltpu.VMEM((chunk,), jnp.int32),
            pltpu.VMEM((chunk,), jnp.int32),
            pltpu.VMEM_SHARED((nr, d), jnp.float32),
            pltpu.SemaphoreType.DMA,
            pltpu.SemaphoreType.DMA,
            pltpu.SemaphoreType.DMA,
            pltpu.SemaphoreType.DMA,
            pltpu.SemaphoreType.DMA,
            pltpu.SemaphoreType.DMA,
            pltpu.SemaphoreType.DMA,
            pltpu.SemaphoreType.DMA,
            pltpu.SemaphoreType.DMA,
        ],
    )
    def agg_k(g_hbm, pidx3_hbm, out_hbm,
              rbuf0, rbuf1, rbuf2, pidx_all, ridx0, ridx1, ridx2,
              cidx0, cidx1, cidx2, acc_sh,
              gsem0, gsem1, gsem2, hsem0, hsem1, hsem2,
              ssem0, ssem1, ssem2):
        cid = lax.axis_index("c")
        sid = lax.axis_index("s")
        wid = cid * NS + sid
        rbuf = (rbuf0, rbuf1, rbuf2)
        ridx = (ridx0, ridx1, ridx2)
        cidx = (cidx0, cidx1, cidx2)
        gsem = (gsem0, gsem1, gsem2)
        hsem = (hsem0, hsem1, hsem2)
        ssem = (ssem0, ssem1, ssem2)
        sp1 = chunk // 16 // 2 * 16
        sp2 = chunk - sp1
        pltpu.sync_copy(pidx3_hbm.at[wid], pidx_all)

        def unpack(ci, b):
            for c in range(chunk // 16):
                v = pidx_all[ci, pl.ds(c * 16, 16)]
                ridx[b][pl.ds(c * 16, 16)] = lax.shift_right_logical(v, shift)
                cidx[b][pl.ds(c * 16, 16)] = lax.bitwise_and(v, mask)

        def gather(b):
            pltpu.async_copy(g_hbm.at[ridx[b].at[pl.ds(0, sp1)]],
                             rbuf[b].at[pl.ds(0, sp1)], gsem[b])
            pltpu.async_copy(g_hbm.at[ridx[b].at[pl.ds(sp1, sp2)]],
                             rbuf[b].at[pl.ds(sp1, sp2)], hsem[b])

        def wait_gather(b):
            pltpu.make_async_copy(g_hbm.at[ridx[b].at[pl.ds(0, sp1)]],
                                  rbuf[b].at[pl.ds(0, sp1)], gsem[b]).wait()
            pltpu.make_async_copy(g_hbm.at[ridx[b].at[pl.ds(sp1, sp2)]],
                                  rbuf[b].at[pl.ds(sp1, sp2)], hsem[b]).wait()

        def scatter(b):
            pltpu.async_copy(rbuf[b], acc_sh.at[cidx[b]], ssem[b], add=True)

        def wait_scatter(b):
            pltpu.make_async_copy(rbuf[b], acc_sh.at[cidx[b]], ssem[b]).wait()

        unpack(0, 0)
        gather(0)
        unpack(1, 1)
        gather(1)

        zero16 = jnp.zeros((16,), jnp.float32)

        def zrow(i, carry):
            for c in range(d // 16):
                rbuf2[i, pl.ds(c * 16, 16)] = zero16
            return carry

        lax.fori_loop(0, chunk, zrow, 0)
        full_reps = r_tile // chunk
        for k in range(full_reps):
            pltpu.sync_copy(rbuf2,
                            acc_sh.at[pl.ds(sid * r_tile + k * chunk, chunk)])
        rem = r_tile - full_reps * chunk
        if rem:
            pltpu.sync_copy(
                rbuf2.at[pl.ds(0, rem)],
                acc_sh.at[pl.ds(sid * r_tile + full_reps * chunk, rem)])
        plsc.subcore_barrier()

        def outer(q, carry):
            for b in range(nbuf):
                i = nbuf * q + b
                bp = (b + 2) % nbuf
                wait_gather(b)
                scatter(b)

                @pl.when(jnp.logical_and(i >= 1, i + 2 < n_chunks))
                def _reclaim():
                    wait_scatter(bp)

                @pl.when(i + 2 < n_chunks)
                def _refill():
                    unpack(i + 2, bp)
                    gather(bp)
            return carry

        lax.fori_loop(0, n_chunks // nbuf, outer, 0)
        wait_scatter(0)
        wait_scatter(1)
        wait_scatter(2)
        plsc.subcore_barrier()

        @pl.when(sid < NS - 1)
        def _copy_full():
            pltpu.sync_copy(
                acc_sh.at[pl.ds(sid * r_tile, r_tile)],
                out_hbm.at[cid, pl.ds(sid * r_tile, r_tile)],
            )

        @pl.when(sid == NS - 1)
        def _copy_last():
            pltpu.sync_copy(
                acc_sh.at[pl.ds((NS - 1) * r_tile, last_tile)],
                out_hbm.at[cid, pl.ds((NS - 1) * r_tile, last_tile)],
            )

    return agg_k


def _tc_scale_mm(x, w, d0, d1):
    n, din = x.shape
    dout = w.shape[1]

    def body(x_ref, w_ref, d0_ref, d1_ref, g_ref, dis_ref):
        deg = d0_ref[...] + d1_ref[...] + 1.0
        dis = lax.rsqrt(deg)
        h = jnp.dot(x_ref[...], w_ref[...], preferred_element_type=jnp.float32)
        g_ref[...] = dis * h
        dis_ref[...] = dis

    return pl.pallas_call(
        body,
        out_shape=(
            jax.ShapeDtypeStruct((n, dout), jnp.float32),
            jax.ShapeDtypeStruct((n, 1), jnp.float32),
        ),
    )(x, w, d0, d1)


def _tc_mid(a0, a1, g1, dis, b1, gamma, beta, mu, var, w2):
    n, d = g1.shape
    dout = w2.shape[1]

    def body(a0_ref, a1_ref, g1_ref, dis_ref, b1_ref, ga_ref, be_ref,
             mu_ref, var_ref, w2_ref, g2_ref):
        dis = dis_ref[...]
        y = dis * (a0_ref[...] + a1_ref[...] + g1_ref[...]) + b1_ref[...]
        y = (y - mu_ref[...]) * lax.rsqrt(var_ref[...] + 1e-5) * ga_ref[...]
        y = y + be_ref[...]
        y = jnp.maximum(y, 0.0)
        g2_ref[...] = dis * jnp.dot(y, w2_ref[...],
                                    preferred_element_type=jnp.float32)

    return pl.pallas_call(
        body,
        out_shape=jax.ShapeDtypeStruct((n, dout), jnp.float32),
    )(a0, a1, g1, dis, b1, gamma, beta, mu, var, w2)


def _tc_final(a0, a1, g2, dis, b2):
    n, d = g2.shape

    def body(a0_ref, a1_ref, g2_ref, dis_ref, b2_ref, o_ref):
        o_ref[...] = (dis_ref[...] * (a0_ref[...] + a1_ref[...] + g2_ref[...])
                      + b2_ref[...])

    return pl.pallas_call(
        body,
        out_shape=jax.ShapeDtypeStruct((n, d), jnp.float32),
    )(a0, a1, g2, dis, b2)


def kernel(x, edge_index, W1, b1, gamma, beta, bn_mean, bn_var, W2, b2):
    n, d = x.shape
    e = edge_index.shape[1]
    row = edge_index[0].astype(jnp.int32)
    col = edge_index[1].astype(jnp.int32)

    def _padded(chunk, mult):
        base = -(-e // (NW * chunk))
        nch = max(2 * mult, (base + mult - 1) // mult * mult)
        pad = NW * nch * chunk - e
        ar = jnp.arange(pad, dtype=jnp.int32)
        rp = jnp.concatenate([row, (ar * 97) % n])
        cp = jnp.concatenate([col, n + (ar % PAD_ROWS)])
        return rp.reshape(NW, nch, chunk), cp.reshape(NW, nch, chunk), nch

    _, colp3, n_chunks_deg = _padded(CHUNK, 8)
    ch_agg = 80
    rowp3, colp3a, n_chunks_agg = _padded(ch_agg, 3)
    pidx3 = rowp3 * (1 << 14) + colp3a

    r_tile = ((n + PAD_ROWS + NS - 1) // NS + 7) // 8 * 8
    nr = NS * r_tile

    zeros1 = jnp.zeros((nr,), jnp.float32)
    ones1 = jnp.ones((CHUNK,), jnp.float32)

    deg0, deg1 = _make_deg_kernel(n_chunks_deg, nr)(colp3, zeros1, ones1)
    d0 = deg0[:n, None]
    d1 = deg1[:n, None]

    g1, dis = _tc_scale_mm(x, W1, d0, d1)

    agg = _make_agg_kernel(n, d, ch_agg, n_chunks_agg, nr, r_tile)
    a1 = agg(g1, pidx3)
    g2 = _tc_mid(a1[0], a1[1], g1, dis, b1[None, :], gamma[None, :],
                 beta[None, :], bn_mean[None, :], bn_var[None, :], W2)
    a2 = agg(g2, pidx3)
    return _tc_final(a2[0], a2[1], g2, dis, b2[None, :])

# --- scband reference (transcript-rebuilt; emitter-appended) ---
"""Pipeline reference for scband-gcn-30305289241273 (READ-ONLY COPY).

The authoritative reference and input builder live on the scoring server;
editing this copy changes nothing except your own understanding.
"""

import jax, jax.numpy as jnp
import numpy as np

N_NODES = 10000
N_EDGES = 320000
D_IN = 128
D_HID = 128
D_OUT = 128


def setup_inputs(seed: int = 0) -> dict:
    key = jax.random.key(seed)
    ks = jax.random.split(key, 8)
    x = jax.random.normal(ks[0], (N_NODES, D_IN), dtype=jnp.float32)
    edge_index = jax.random.randint(ks[1], (2, N_EDGES), 0, N_NODES, dtype=jnp.int64)
    W1 = jax.random.normal(ks[2], (D_IN, D_HID), dtype=jnp.float32) * (1.0 / np.sqrt(D_IN))
    b1 = jnp.zeros((D_HID,), dtype=jnp.float32)
    gamma = jnp.ones((D_HID,), dtype=jnp.float32)
    beta = jnp.zeros((D_HID,), dtype=jnp.float32)
    bn_mean = jnp.zeros((D_HID,), dtype=jnp.float32)
    bn_var = jnp.ones((D_HID,), dtype=jnp.float32)
    W2 = jax.random.normal(ks[3], (D_HID, D_OUT), dtype=jnp.float32) * (1.0 / np.sqrt(D_HID))
    b2 = jnp.zeros((D_OUT,), dtype=jnp.float32)
    return {"x": x, "edge_index": edge_index, "W1": W1, "b1": b1, "gamma": gamma, "beta": beta, "bn_mean": bn_mean, "bn_var": bn_var, "W2": W2, "b2": b2}


def _gcn_norm(edge_index, num_nodes):
    # PyG gcn_norm: add self-loops (weight 1), symmetric normalization D^-1/2 A D^-1/2
    row = edge_index[0]
    col = edge_index[1]
    loop = jnp.arange(num_nodes, dtype=row.dtype)
    row = jnp.concatenate([row, loop])
    col = jnp.concatenate([col, loop])
    ew = jnp.ones(row.shape[0], dtype=jnp.float32)
    deg = jnp.zeros((num_nodes,), dtype=jnp.float32).at[col].add(ew)
    deg_inv_sqrt = jnp.where(deg > 0, deg ** -0.5, 0.0)
    norm = deg_inv_sqrt[row] * ew * deg_inv_sqrt[col]
    return row, col, norm


def _gcn_conv(x, row, col, norm, W, b):
    h = x @ W
    msg = h[row] * norm[:, None]
    out = jnp.zeros_like(h).at[col].add(msg)
    return out + b


def _batch_norm(x, gamma, beta, mean, var, eps=1e-5):
    # eval-mode BatchNorm1d with freshly-initialized running stats
    return (x - mean) / jnp.sqrt(var + eps) * gamma + beta


def reference(x, edge_index, W1, b1, gamma, beta, bn_mean, bn_var, W2, b2):
    row, col, norm = _gcn_norm(edge_index, x.shape[0])
    h = _gcn_conv(x, row, col, norm, W1, b1)
    h = _batch_norm(h, gamma, beta, bn_mean, bn_var)
    h = jax.nn.relu(h)
    # dropout is identity in eval mode
    out = _gcn_conv(h, row, col, norm, W2, b2)
    return out

if __name__ == "__main__":
    import jax
    _d = setup_inputs()
    print(jax.jit(kernel)(*tuple(_d.values())))

</pallas_src>

<mosaic_0001>
#map = affine_map<(d0, d1) -> (0, 0, 0)>
#map1 = affine_map<(d0, d1) -> (0)>
module attributes {stable_mosaic.version = 14 : i64} {
  func.func @deg_k(%arg0: i32, %arg1: i32, %arg2: memref<32x80x128xi32, #tpu.memory_space<hbm>>, %arg3: memref<10112xf32, #tpu.memory_space<hbm>>, %arg4: memref<128xf32, #tpu.memory_space<hbm>>, %arg5: memref<10112xf32, #tpu.memory_space<hbm>>, %arg6: memref<10112xf32, #tpu.memory_space<hbm>>, %arg7: memref<80x128xi32, #tpu.memory_space<vmem>>, %arg8: memref<128xf32, #tpu.memory_space<vmem>>, %arg9: memref<10112xf32, #tpu.memory_space<vmem_shared>>, %arg10: memref<!tpu.dma_semaphore, #tpu.memory_space<semaphore_mem>>) attributes {dimension_semantics = [#tpu.dimension_semantics<core_parallel>, #tpu.dimension_semantics<subcore_parallel>], iteration_bounds = array<i64: 2, 16>, scalar_prefetch = 0 : i64, scratch_operands = 4 : i64, tpu.core_type = #tpu.core_type<sc_vector_subcore>, window_params = [{transform_indices = #map}, {transform_indices = #map1}, {transform_indices = #map1}, {transform_indices = #map1}, {transform_indices = #map1}]} {
    %mul3A = arith.constant 16 : i32
    %mul3A_0 = arith.muli %arg0, %mul3A : i32
    %add3A = arith.addi %mul3A_0, %arg1 : i32
    %eq3A = arith.constant 0 : i32
    %eq3A_1 = arith.cmpi eq, %arg1, %eq3A : i32
    %convert_element_type3A = arith.extui %eq3A_1 : i1 to i32
    %cond3A = arith.constant 0 : i32
    %cond3A_2 = arith.cmpi ne, %convert_element_type3A, %cond3A : i32
    scf.if %cond3A_2 {
      "tpu.region"() ({
        %run_scoped3A = tpu.sem_alloc : memref<!tpu.dma_semaphore, #tpu.memory_space<semaphore_mem>>
        tpu.enqueue_dma source(%arg3 : memref<10112xf32, #tpu.memory_space<hbm>>) target(%arg9 : memref<10112xf32, #tpu.memory_space<vmem_shared>>) target_semaphore(%run_scoped3A : memref<!tpu.dma_semaphore, #tpu.memory_space<semaphore_mem>>)
        tpu.wait_dma2 semaphore(%run_scoped3A : memref<!tpu.dma_semaphore, #tpu.memory_space<semaphore_mem>>) src(%arg3 : memref<10112xf32, #tpu.memory_space<hbm>>) dst(%arg9 : memref<10112xf32, #tpu.memory_space<vmem_shared>>)
        tpu.yield
      }) : () -> ()
    } else {
    }
    "tpu.region"() ({
      %run_scoped3A = tpu.sem_alloc : memref<!tpu.dma_semaphore, #tpu.memory_space<semaphore_mem>>
      tpu.enqueue_dma source(%arg4 : memref<128xf32, #tpu.memory_space<hbm>>) target(%arg8 : memref<128xf32, #tpu.memory_space<vmem>>) target_semaphore(%run_scoped3A : memref<!tpu.dma_semaphore, #tpu.memory_space<semaphore_mem>>)
      tpu.wait_dma2 semaphore(%run_scoped3A : memref<!tpu.dma_semaphore, #tpu.memory_space<semaphore_mem>>) src(%arg4 : memref<128xf32, #tpu.memory_space<hbm>>) dst(%arg8 : memref<128xf32, #tpu.memory_space<vmem>>)
      tpu.yield
    }) : () -> ()
    "tpu.region"() ({
      %run_scoped3A = tpu.sem_alloc : memref<!tpu.dma_semaphore, #tpu.memory_space<semaphore_mem>>
      %dma_start3A = arith.constant 0 : i32
      %dma_start3A_24 = arith.constant 0 : i32
      %dma_start3A_25 = tpu.memref_slice %arg2[%add3A, %dma_start3A, %dma_start3A_24] : memref<32x80x128xi32, #tpu.memory_space<hbm>> -> memref<1x80x128xi32, #tpu.memory_space<hbm>>
      %dma_start3A_26 = tpu.memref_squeeze %dma_start3A_25 : memref<1x80x128xi32, #tpu.memory_space<hbm>> -> memref<80x128xi32, #tpu.memory_space<hbm>>
      %dma_start3A_27 = arith.constant 0 : i32
      %dma_start3A_28 = arith.constant 0 : i32
      %dma_start3A_29 = tpu.memref_slice %arg2[%add3A, %dma_start3A_27, %dma_start3A_28] : memref<32x80x128xi32, #tpu.memory_space<hbm>> -> memref<1x80x128xi32, #tpu.memory_space<hbm>>
      %dma_start3A_30 = tpu.memref_squeeze %dma_start3A_29 : memref<1x80x128xi32, #tpu.memory_space<hbm>> -> memref<80x128xi32, #tpu.memory_space<hbm>>
      tpu.enqueue_dma source(%dma_start3A_30 : memref<80x128xi32, #tpu.memory_space<hbm>>) target(%arg7 : memref<80x128xi32, #tpu.memory_space<vmem>>) target_semaphore(%run_scoped3A : memref<!tpu.dma_semaphore, #tpu.memory_space<semaphore_mem>>)
      %dma_wait3A = arith.constant 0 : i32
      %dma_wait3A_31 = arith.constant 0 : i32
      %dma_wait3A_32 = tpu.memref_slice %arg2[%add3A, %dma_wait3A, %dma_wait3A_31] : memref<32x80x128xi32, #tpu.memory_space<hbm>> -> memref<1x80x128xi32, #tpu.memory_space<hbm>>
      %dma_wait3A_33 = tpu.memref_squeeze %dma_wait3A_32 : memref<1x80x128xi32, #tpu.memory_space<hbm>> -> memref<80x128xi32, #tpu.memory_space<hbm>>
      %dma_wait3A_34 = arith.constant 0 : i32
      %dma_wait3A_35 = arith.constant 0 : i32
      %dma_wait3A_36 = tpu.memref_slice %arg2[%add3A, %dma_wait3A_34, %dma_wait3A_35] : memref<32x80x128xi32, #tpu.memory_space<hbm>> -> memref<1x80x128xi32, #tpu.memory_space<hbm>>
      %dma_wait3A_37 = tpu.memref_squeeze %dma_wait3A_36 : memref<1x80x128xi32, #tpu.memory_space<hbm>> -> memref<80x128xi32, #tpu.memory_space<hbm>>
      tpu.wait_dma2 semaphore(%run_scoped3A : memref<!tpu.dma_semaphore, #tpu.memory_space<semaphore_mem>>) src(%dma_wait3A_37 : memref<80x128xi32, #tpu.memory_space<hbm>>) dst(%arg7 : memref<80x128xi32, #tpu.memory_space<vmem>>)
      tpu.yield
    }) : () -> ()
    %barrier3A = arith.constant 0 : index
    tpu.barrier barrier_id(%barrier3A)
    %scan3A = arith.constant 0 : i32
    %scan3A_3 = arith.constant 0 : i32
    %scan3A_4 = arith.constant 10 : i32
    %scan3A_5 = arith.addi %scan3A_3, %scan3A_4 : i32
    %scan3A_6 = arith.constant 1 : i32
    scf.for %scan3A_24 = %scan3A_3 to %scan3A_5 step %scan3A_6  : i32 {
      %mul3A_25 = arith.constant 8 : i32
      %mul3A_26 = arith.muli %mul3A_25, %scan3A_24 : i32
      %add3A_27 = arith.constant 0 : i32
      %add3A_28 = arith.addi %mul3A_26, %add3A_27 : i32
      %dma_start3A = arith.constant 0 : i32
      %dma_start3A_29 = tpu.memref_slice %arg7[%add3A_28, %dma_start3A] : memref<80x128xi32, #tpu.memory_space<vmem>> -> memref<1x128xi32, #tpu.memory_space<vmem>>
      %dma_start3A_30 = tpu.memref_squeeze %dma_start3A_29 : memref<1x128xi32, #tpu.memory_space<vmem>> -> memref<128xi32, #tpu.memory_space<vmem>>
      %dma_start3A_31 = arith.constant 0 : i32
      %dma_start3A_32 = tpu.memref_slice %arg9[%dma_start3A_31] : memref<10112xf32, #tpu.memory_space<vmem_shared>> -> memref<10112xf32, #tpu.memory_space<vmem_shared>>
      tpu.enqueue_indirect_dma source(%arg8 : memref<128xf32, #tpu.memory_space<vmem>>) target(%dma_start3A_32 : memref<10112xf32, #tpu.memory_space<vmem_shared>>) offsets(%dma_start3A_30 : memref<128xi32, #tpu.memory_space<vmem>>) semaphore(%arg10 : memref<!tpu.dma_semaphore, #tpu.memory_space<semaphore_mem>>) {add = true}
      %mul3A_33 = arith.constant 8 : i32
      %mul3A_34 = arith.muli %mul3A_33, %scan3A_24 : i32
      %add3A_35 = arith.constant 1 : i32
      %add3A_36 = arith.addi %mul3A_34, %add3A_35 : i32
      %dma_start3A_37 = arith.constant 0 : i32
      %dma_start3A_38 = tpu.memref_slice %arg7[%add3A_36, %dma_start3A_37] : memref<80x128xi32, #tpu.memory_space<vmem>> -> memref<1x128xi32, #tpu.memory_space<vmem>>
      %dma_start3A_39 = tpu.memref_squeeze %dma_start3A_38 : memref<1x128xi32, #tpu.memory_space<vmem>> -> memref<128xi32, #tpu.memory_space<vmem>>
      %dma_start3A_40 = arith.constant 0 : i32
      %dma_start3A_41 = tpu.memref_slice %arg9[%dma_start3A_40] : memref<10112xf32, #tpu.memory_space<vmem_shared>> -> memref<10112xf32, #tpu.memory_space<vmem_shared>>
      tpu.enqueue_indirect_dma source(%arg8 : memref<128xf32, #tpu.memory_space<vmem>>) target(%dma_start3A_41 : memref<10112xf32, #tpu.memory_space<vmem_shared>>) offsets(%dma_start3A_39 : memref<128xi32, #tpu.memory_space<vmem>>) semaphore(%arg10 : memref<!tpu.dma_semaphore, #tpu.memory_space<semaphore_mem>>) {add = true}
      %mul3A_42 = arith.constant 8 : i32
      %mul3A_43 = arith.muli %mul3A_42, %scan3A_24 : i32
      %add3A_44 = arith.constant 2 : i32
      %add3A_45 = arith.addi %mul3A_43, %add3A_44 : i32
      %dma_start3A_46 = arith.constant 0 : i32
      %dma_start3A_47 = tpu.memref_slice %arg7[%add3A_45, %dma_start3A_46] : memref<80x128xi32, #tpu.memory_space<vmem>> -> memref<1x128xi32, #tpu.memory_space<vmem>>
      %dma_start3A_48 = tpu.memref_squeeze %dma_start3A_47 : memref<1x128xi32, #tpu.memory_space<vmem>> -> memref<128xi32, #tpu.memory_space<vmem>>
      %dma_start3A_49 = arith.constant 0 : i32
      %dma_start3A_50 = tpu.memref_slice %arg9[%dma_start3A_49] : memref<10112xf32, #tpu.memory_space<vmem_shared>> -> memref<10112xf32, #tpu.memory_space<vmem_shared>>
      tpu.enqueue_indirect_dma source(%arg8 : memref<128xf32, #tpu.memory_space<vmem>>) target(%dma_start3A_50 : memref<10112xf32, #tpu.memory_space<vmem_shared>>) offsets(%dma_start3A_48 : memref<128xi32, #tpu.memory_space<vmem>>) semaphore(%arg10 : memref<!tpu.dma_semaphore, #tpu.memory_space<semaphore_mem>>) {add = true}
      %mul3A_51 = arith.constant 8 : i32
      %mul3A_52 = arith.muli %mul3A_51, %scan3A_24 : i32
      %add3A_53 = arith.constant 3 : i32
      %add3A_54 = arith.addi %mul3A_52, %add3A_53 : i32
      %dma_start3A_55 = arith.constant 0 : i32
      %dma_start3A_56 = tpu.memref_slice %arg7[%add3A_54, %dma_start3A_55] : memref<80x128xi32, #tpu.memory_space<vmem>> -> memref<1x128xi32, #tpu.memory_space<vmem>>
      %dma_start3A_57 = tpu.memref_squeeze %dma_start3A_56 : memref<1x128xi32, #tpu.memory_space<vmem>> -> memref<128xi32, #tpu.memory_space<vmem>>
      %dma_start3A_58 = arith.constant 0 : i32
      %dma_start3A_59 = tpu.memref_slice %arg9[%dma_start3A_58] : memref<10112xf32, #tpu.memory_space<vmem_shared>> -> memref<10112xf32, #tpu.memory_space<vmem_shared>>
      tpu.enqueue_indirect_dma source(%arg8 : memref<128xf32, #tpu.memory_space<vmem>>) target(%dma_start3A_59 : memref<10112xf32, #tpu.memory_space<vmem_shared>>) offsets(%dma_start3A_57 : memref<128xi32, #tpu.memory_space<vmem>>) semaphore(%arg10 : memref<!tpu.dma_semaphore, #tpu.memory_space<semaphore_mem>>) {add = true}
      %mul3A_60 = arith.constant 8 : i32
      %mul3A_61 = arith.muli %mul3A_60, %scan3A_24 : i32
      %add3A_62 = arith.constant 4 : i32
      %add3A_63 = arith.addi %mul3A_61, %add3A_62 : i32
      %dma_start3A_64 = arith.constant 0 : i32
      %dma_start3A_65 = tpu.memref_slice %arg7[%add3A_63, %dma_start3A_64] : memref<80x128xi32, #tpu.memory_space<vmem>> -> memref<1x128xi32, #tpu.memory_space<vmem>>
      %dma_start3A_66 = tpu.memref_squeeze %dma_start3A_65 : memref<1x128xi32, #tpu.memory_space<vmem>> -> memref<128xi32, #tpu.memory_space<vmem>>
      %dma_start3A_67 = arith.constant 0 : i32
      %dma_start3A_68 = tpu.memref_slice %arg9[%dma_start3A_67] : memref<10112xf32, #tpu.memory_space<vmem_shared>> -> memref<10112xf32, #tpu.memory_space<vmem_shared>>
      tpu.enqueue_indirect_dma source(%arg8 : memref<128xf32, #tpu.memory_space<vmem>>) target(%dma_start3A_68 : memref<10112xf32, #tpu.memory_space<vmem_shared>>) offsets(%dma_start3A_66 : memref<128xi32, #tpu.memory_space<vmem>>) semaphore(%arg10 : memref<!tpu.dma_semaphore, #tpu.memory_space<semaphore_mem>>) {add = true}
      %mul3A_69 = arith.constant 8 : i32
      %mul3A_70 = arith.muli %mul3A_69, %scan3A_24 : i32
      %add3A_71 = arith.constant 5 : i32
      %add3A_72 = arith.addi %mul3A_70, %add3A_71 : i32
      %dma_start3A_73 = arith.constant 0 : i32
      %dma_start3A_74 = tpu.memref_slice %arg7[%add3A_72, %dma_start3A_73] : memref<80x128xi32, #tpu.memory_space<vmem>> -> memref<1x128xi32, #tpu.memory_space<vmem>>
      %dma_start3A_75 = tpu.memref_squeeze %dma_start3A_74 : memref<1x128xi32, #tpu.memory_space<vmem>> -> memref<128xi32, #tpu.memory_space<vmem>>
      %dma_start3A_76 = arith.constant 0 : i32
      %dma_start3A_77 = tpu.memref_slice %arg9[%dma_start3A_76] : memref<10112xf32, #tpu.memory_space<vmem_shared>> -> memref<10112xf32, #tpu.memory_space<vmem_shared>>
      tpu.enqueue_indirect_dma source(%arg8 : memref<128xf32, #tpu.memory_space<vmem>>) target(%dma_start3A_77 : memref<10112xf32, #tpu.memory_space<vmem_shared>>) offsets(%dma_start3A_75 : memref<128xi32, #tpu.memory_space<vmem>>) semaphore(%arg10 : memref<!tpu.dma_semaphore, #tpu.memory_space<semaphore_mem>>) {add = true}
      %mul3A_78 = arith.constant 8 : i32
      %mul3A_79 = arith.muli %mul3A_78, %scan3A_24 : i32
      %add3A_80 = arith.constant 6 : i32
      %add3A_81 = arith.addi %mul3A_79, %add3A_80 : i32
      %dma_start3A_82 = arith.constant 0 : i32
      %dma_start3A_83 = tpu.memref_slice %arg7[%add3A_81, %dma_start3A_82] : memref<80x128xi32, #tpu.memory_space<vmem>> -> memref<1x128xi32, #tpu.memory_space<vmem>>
      %dma_start3A_84 = tpu.memref_squeeze %dma_start3A_83 : memref<1x128xi32, #tpu.memory_space<vmem>> -> memref<128xi32, #tpu.memory_space<vmem>>
      %dma_start3A_85 = arith.constant 0 : i32
      %dma_start3A_86 = tpu.memref_slice %arg9[%dma_start3A_85] : memref<10112xf32, #tpu.memory_space<vmem_shared>> -> memref<10112xf32, #tpu.memory_space<vmem_shared>>
      tpu.enqueue_indirect_dma source(%arg8 : memref<128xf32, #tpu.memory_space<vmem>>) target(%dma_start3A_86 : memref<10112xf32, #tpu.memory_space<vmem_shared>>) offsets(%dma_start3A_84 : memref<128xi32, #tpu.memory_space<vmem>>) semaphore(%arg10 : memref<!tpu.dma_semaphore, #tpu.memory_space<semaphore_mem>>) {add = true}
      %mul3A_87 = arith.constant 8 : i32
      %mul3A_88 = arith.muli %mul3A_87, %scan3A_24 : i32
      %add3A_89 = arith.constant 7 : i32
      %add3A_90 = arith.addi %mul3A_88, %add3A_89 : i32
      %dma_start3A_91 = arith.constant 0 : i32
      %dma_start3A_92 = tpu.memref_slice %arg7[%add3A_90, %dma_start3A_91] : memref<80x128xi32, #tpu.memory_space<vmem>> -> memref<1x128xi32, #tpu.memory_space<vmem>>
      %dma_start3A_93 = tpu.memref_squeeze %dma_start3A_92 : memref<1x128xi32, #tpu.memory_space<vmem>> -> memref<128xi32, #tpu.memory_space<vmem>>
      %dma_start3A_94 = arith.constant 0 : i32
      %dma_start3A_95 = tpu.memref_slice %arg9[%dma_start3A_94] : memref<10112xf32, #tpu.memory_space<vmem_shared>> -> memref<10112xf32, #tpu.memory_space<vmem_shared>>
      tpu.enqueue_indirect_dma source(%arg8 : memref<128xf32, #tpu.memory_space<vmem>>) target(%dma_start3A_95 : memref<10112xf32, #tpu.memory_space<vmem_shared>>) offsets(%dma_start3A_93 : memref<128xi32, #tpu.memory_space<vmem>>) semaphore(%arg10 : memref<!tpu.dma_semaphore, #tpu.memory_space<semaphore_mem>>) {add = true}
      %mul3A_96 = arith.constant 8 : i32
      %mul3A_97 = arith.muli %mul3A_96, %scan3A_24 : i32
      %add3A_98 = arith.constant 0 : i32
      %add3A_99 = arith.addi %mul3A_97, %add3A_98 : i32
      %dma_wait3A = arith.constant 0 : i32
      %dma_wait3A_100 = tpu.memref_slice %arg7[%add3A_99, %dma_wait3A] : memref<80x128xi32, #tpu.memory_space<vmem>> -> memref<1x128xi32, #tpu.memory_space<vmem>>
      %dma_wait3A_101 = tpu.memref_squeeze %dma_wait3A_100 : memref<1x128xi32, #tpu.memory_space<vmem>> -> memref<128xi32, #tpu.memory_space<vmem>>
      %dma_wait3A_102 = arith.constant 0 : i32
      %dma_wait3A_103 = tpu.memref_slice %arg9[%dma_wait3A_102] : memref<10112xf32, #tpu.memory_space<vmem_shared>> -> memref<10112xf32, #tpu.memory_space<vmem_shared>>
      tpu.wait_indirect_dma semaphore(%arg10 : memref<!tpu.dma_semaphore, #tpu.memory_space<semaphore_mem>>) src(%arg8 : memref<128xf32, #tpu.memory_space<vmem>>) dst(%dma_wait3A_103 : memref<10112xf32, #tpu.memory_space<vmem_shared>>)
      %mul3A_104 = arith.constant 8 : i32
      %mul3A_105 = arith.muli %mul3A_104, %scan3A_24 : i32
      %add3A_106 = arith.constant 1 : i32
      %add3A_107 = arith.addi %mul3A_105, %add3A_106 : i32
      %dma_wait3A_108 = arith.constant 0 : i32
      %dma_wait3A_109 = tpu.memref_slice %arg7[%add3A_107, %dma_wait3A_108] : memref<80x128xi32, #tpu.memory_space<vmem>> -> memref<1x128xi32, #tpu.memory_space<vmem>>
      %dma_wait3A_110 = tpu.memref_squeeze %dma_wait3A_109 : memref<1x128xi32, #tpu.memory_space<vmem>> -> memref<128xi32, #tpu.memory_space<vmem>>
      %dma_wait3A_111 = arith.constant 0 : i32
      %dma_wait3A_112 = tpu.memref_slice %arg9[%dma_wait3A_111] : memref<10112xf32, #tpu.memory_space<vmem_shared>> -> memref<10112xf32, #tpu.memory_space<vmem_shared>>
      tpu.wait_indirect_dma semaphore(%arg10 : memref<!tpu.dma_semaphore, #tpu.memory_space<semaphore_mem>>) src(%arg8 : memref<128xf32, #tpu.memory_space<vmem>>) dst(%dma_wait3A_112 : memref<10112xf32, #tpu.memory_space<vmem_shared>>)
      %mul3A_113 = arith.constant 8 : i32
      %mul3A_114 = arith.muli %mul3A_113, %scan3A_24 : i32
      %add3A_115 = arith.constant 2 : i32
      %add3A_116 = arith.addi %mul3A_114, %add3A_115 : i32
      %dma_wait3A_117 = arith.constant 0 : i32
      %dma_wait3A_118 = tpu.memref_slice %arg7[%add3A_116, %dma_wait3A_117] : memref<80x128xi32, #tpu.memory_space<vmem>> -> memref<1x128xi32, #tpu.memory_space<vmem>>
      %dma_wait3A_119 = tpu.memref_squeeze %dma_wait3A_118 : memref<1x128xi32, #tpu.memory_space<vmem>> -> memref<128xi32, #tpu.memory_space<vmem>>
      %dma_wait3A_120 = arith.constant 0 : i32
      %dma_wait3A_121 = tpu.memref_slice %arg9[%dma_wait3A_120] : memref<10112xf32, #tpu.memory_space<vmem_shared>> -> memref<10112xf32, #tpu.memory_space<vmem_shared>>
      tpu.wait_indirect_dma semaphore(%arg10 : memref<!tpu.dma_semaphore, #tpu.memory_space<semaphore_mem>>) src(%arg8 : memref<128xf32, #tpu.memory_space<vmem>>) dst(%dma_wait3A_121 : memref<10112xf32, #tpu.memory_space<vmem_shared>>)
      %mul3A_122 = arith.constant 8 : i32
      %mul3A_123 = arith.muli %mul3A_122, %scan3A_24 : i32
      %add3A_124 = arith.constant 3 : i32
      %add3A_125 = arith.addi %mul3A_123, %add3A_124 : i32
      %dma_wait3A_126 = arith.constant 0 : i32
      %dma_wait3A_127 = tpu.memref_slice %arg7[%add3A_125, %dma_wait3A_126] : memref<80x128xi32, #tpu.memory_space<vmem>> -> memref<1x128xi32, #tpu.memory_space<vmem>>
      %dma_wait3A_128 = tpu.memref_squeeze %dma_wait3A_127 : memref<1x128xi32, #tpu.memory_space<vmem>> -> memref<128xi32, #tpu.memory_space<vmem>>
      %dma_wait3A_129 = arith.constant 0 : i32
      %dma_wait3A_130 = tpu.memref_slice %arg9[%dma_wait3A_129] : memref<10112xf32, #tpu.memory_space<vmem_shared>> -> memref<10112xf32, #tpu.memory_space<vmem_shared>>
      tpu.wait_indirect_dma semaphore(%arg10 : memref<!tpu.dma_semaphore, #tpu.memory_space<semaphore_mem>>) src(%arg8 : memref<128xf32, #tpu.memory_space<vmem>>) dst(%dma_wait3A_130 : memref<10112xf32, #tpu.memory_space<vmem_shared>>)
      %mul3A_131 = arith.constant 8 : i32
      %mul3A_132 = arith.muli %mul3A_131, %scan3A_24 : i32
      %add3A_133 = arith.constant 4 : i32
      %add3A_134 = arith.addi %mul3A_132, %add3A_133 : i32
      %dma_wait3A_135 = arith.constant 0 : i32
      %dma_wait3A_136 = tpu.memref_slice %arg7[%add3A_134, %dma_wait3A_135] : memref<80x128xi32, #tpu.memory_space<vmem>> -> memref<1x128xi32, #tpu.memory_space<vmem>>
      %dma_wait3A_137 = tpu.memref_squeeze %dma_wait3A_136 : memref<1x128xi32, #tpu.memory_space<vmem>> -> memref<128xi32, #tpu.memory_space<vmem>>
      %dma_wait3A_138 = arith.constant 0 : i32
      %dma_wait3A_139 = tpu.memref_slice %arg9[%dma_wait3A_138] : memref<10112xf32, #tpu.memory_space<vmem_shared>> -> memref<10112xf32, #tpu.memory_space<vmem_shared>>
      tpu.wait_indirect_dma semaphore(%arg10 : memref<!tpu.dma_semaphore, #tpu.memory_space<semaphore_mem>>) src(%arg8 : memref<128xf32, #tpu.memory_space<vmem>>) dst(%dma_wait3A_139 : memref<10112xf32, #tpu.memory_space<vmem_shared>>)
      %mul3A_140 = arith.constant 8 : i32
      %mul3A_141 = arith.muli %mul3A_140, %scan3A_24 : i32
      %add3A_142 = arith.constant 5 : i32
      %add3A_143 = arith.addi %mul3A_141, %add3A_142 : i32
      %dma_wait3A_144 = arith.constant 0 : i32
      %dma_wait3A_145 = tpu.memref_slice %arg7[%add3A_143, %dma_wait3A_144] : memref<80x128xi32, #tpu.memory_space<vmem>> -> memref<1x128xi32, #tpu.memory_space<vmem>>
      %dma_wait3A_146 = tpu.memref_squeeze %dma_wait3A_145 : memref<1x128xi32, #tpu.memory_space<vmem>> -> memref<128xi32, #tpu.memory_space<vmem>>
      %dma_wait3A_147 = arith.constant 0 : i32
      %dma_wait3A_148 = tpu.memref_slice %arg9[%dma_wait3A_147] : memref<10112xf32, #tpu.memory_space<vmem_shared>> -> memref<10112xf32, #tpu.memory_space<vmem_shared>>
      tpu.wait_indirect_dma semaphore(%arg10 : memref<!tpu.dma_semaphore, #tpu.memory_space<semaphore_mem>>) src(%arg8 : memref<128xf32, #tpu.memory_space<vmem>>) dst(%dma_wait3A_148 : memref<10112xf32, #tpu.memory_space<vmem_shared>>)
      %mul3A_149 = arith.constant 8 : i32
      %mul3A_150 = arith.muli %mul3A_149, %scan3A_24 : i32
      %add3A_151 = arith.constant 6 : i32
      %add3A_152 = arith.addi %mul3A_150, %add3A_151 : i32
      %dma_wait3A_153 = arith.constant 0 : i32
      %dma_wait3A_154 = tpu.memref_slice %arg7[%add3A_152, %dma_wait3A_153] : memref<80x128xi32, #tpu.memory_space<vmem>> -> memref<1x128xi32, #tpu.memory_space<vmem>>
      %dma_wait3A_155 = tpu.memref_squeeze %dma_wait3A_154 : memref<1x128xi32, #tpu.memory_space<vmem>> -> memref<128xi32, #tpu.memory_space<vmem>>
      %dma_wait3A_156 = arith.constant 0 : i32
      %dma_wait3A_157 = tpu.memref_slice %arg9[%dma_wait3A_156] : memref<10112xf32, #tpu.memory_space<vmem_shared>> -> memref<10112xf32, #tpu.memory_space<vmem_shared>>
      tpu.wait_indirect_dma semaphore(%arg10 : memref<!tpu.dma_semaphore, #tpu.memory_space<semaphore_mem>>) src(%arg8 : memref<128xf32, #tpu.memory_space<vmem>>) dst(%dma_wait3A_157 : memref<10112xf32, #tpu.memory_space<vmem_shared>>)
      %mul3A_158 = arith.constant 8 : i32
      %mul3A_159 = arith.muli %mul3A_158, %scan3A_24 : i32
      %add3A_160 = arith.constant 7 : i32
      %add3A_161 = arith.addi %mul3A_159, %add3A_160 : i32
      %dma_wait3A_162 = arith.constant 0 : i32
      %dma_wait3A_163 = tpu.memref_slice %arg7[%add3A_161, %dma_wait3A_162] : memref<80x128xi32, #tpu.memory_space<vmem>> -> memref<1x128xi32, #tpu.memory_space<vmem>>
      %dma_wait3A_164 = tpu.memref_squeeze %dma_wait3A_163 : memref<1x128xi32, #tpu.memory_space<vmem>> -> memref<128xi32, #tpu.memory_space<vmem>>
      %dma_wait3A_165 = arith.constant 0 : i32
      %dma_wait3A_166 = tpu.memref_slice %arg9[%dma_wait3A_165] : memref<10112xf32, #tpu.memory_space<vmem_shared>> -> memref<10112xf32, #tpu.memory_space<vmem_shared>>
      tpu.wait_indirect_dma semaphore(%arg10 : memref<!tpu.dma_semaphore, #tpu.memory_space<semaphore_mem>>) src(%arg8 : memref<128xf32, #tpu.memory_space<vmem>>) dst(%dma_wait3A_166 : memref<10112xf32, #tpu.memory_space<vmem_shared>>)
    }
    %scan3A_7 = arith.constant 10 : i32
    %barrier3A_8 = arith.constant 0 : index
    tpu.barrier barrier_id(%barrier3A_8)
    %eq3A_9 = arith.constant 0 : i32
    %eq3A_10 = arith.cmpi eq, %arg1, %eq3A_9 : i32
    %eq3A_11 = arith.constant 0 : i32
    %eq3A_12 = arith.cmpi eq, %arg0, %eq3A_11 : i32
    %and3A = arith.andi %eq3A_10, %eq3A_12 : i1
    %convert_element_type3A_13 = arith.extui %and3A : i1 to i32
    %cond3A_14 = arith.constant 0 : i32
    %cond3A_15 = arith.cmpi ne, %convert_element_type3A_13, %cond3A_14 : i32
    scf.if %cond3A_15 {
      "tpu.region"() ({
        %run_scoped3A = tpu.sem_alloc : memref<!tpu.dma_semaphore, #tpu.memory_space<semaphore_mem>>
        tpu.enqueue_dma source(%arg9 : memref<10112xf32, #tpu.memory_space<vmem_shared>>) target(%arg5 : memref<10112xf32, #tpu.memory_space<hbm>>) target_semaphore(%run_scoped3A : memref<!tpu.dma_semaphore, #tpu.memory_space<semaphore_mem>>)
        tpu.wait_dma2 semaphore(%run_scoped3A : memref<!tpu.dma_semaphore, #tpu.memory_space<semaphore_mem>>) src(%arg9 : memref<10112xf32, #tpu.memory_space<vmem_shared>>) dst(%arg5 : memref<10112xf32, #tpu.memory_space<hbm>>)
        tpu.yield
      }) : () -> ()
    } else {
    }
    %eq3A_16 = arith.constant 0 : i32
    %eq3A_17 = arith.cmpi eq, %arg1, %eq3A_16 : i32
    %eq3A_18 = arith.constant 1 : i32
    %eq3A_19 = arith.cmpi eq, %arg0, %eq3A_18 : i32
    %and3A_20 = arith.andi %eq3A_17, %eq3A_19 : i1
    %convert_element_type3A_21 = arith.extui %and3A_20 : i1 to i32
    %cond3A_22 = arith.constant 0 : i32
    %cond3A_23 = arith.cmpi ne, %convert_element_type3A_21, %cond3A_22 : i32
    scf.if %cond3A_23 {
      "tpu.region"() ({
        %run_scoped3A = tpu.sem_alloc : memref<!tpu.dma_semaphore, #tpu.memory_space<semaphore_mem>>
        tpu.enqueue_dma source(%arg9 : memref<10112xf32, #tpu.memory_space<vmem_shared>>) target(%arg6 : memref<10112xf32, #tpu.memory_space<hbm>>) target_semaphore(%run_scoped3A : memref<!tpu.dma_semaphore, #tpu.memory_space<semaphore_mem>>)
        tpu.wait_dma2 semaphore(%run_scoped3A : memref<!tpu.dma_semaphore, #tpu.memory_space<semaphore_mem>>) src(%arg9 : memref<10112xf32, #tpu.memory_space<vmem_shared>>) dst(%arg6 : memref<10112xf32, #tpu.memory_space<hbm>>)
        tpu.yield
      }) : () -> ()
    } else {
    }
    return
  }
}

#map = affine_map<(d0, d1) -> (0, 0)>
#map1 = affine_map<(d0, d1) -> (0, 0, 0)>
module attributes {stable_mosaic.version = 14 : i64} {
  func.func @agg_k(%arg0: i32, %arg1: i32, %arg2: memref<10000x128xf32, #tpu.memory_space<hbm>>, %arg3: memref<32x126x80xi32, #tpu.memory_space<hbm>>, %arg4: memref<2x10000x128xf32, #tpu.memory_space<hbm>>, %arg5: memref<80x128xf32, #tpu.memory_space<vmem>>, %arg6: memref<80x128xf32, #tpu.memory_space<vmem>>, %arg7: memref<80x128xf32, #tpu.memory_space<vmem>>, %arg8: memref<126x80xi32, #tpu.memory_space<vmem>>, %arg9: memref<80xi32, #tpu.memory_space<vmem>>, %arg10: memref<80xi32, #tpu.memory_space<vmem>>, %arg11: memref<80xi32, #tpu.memory_space<vmem>>, %arg12: memref<80xi32, #tpu.memory_space<vmem>>, %arg13: memref<80xi32, #tpu.memory_space<vmem>>, %arg14: memref<80xi32, #tpu.memory_space<vmem>>, %arg15: memref<10112x128xf32, #tpu.memory_space<vmem_shared>>, %arg16: memref<!tpu.dma_semaphore, #tpu.memory_space<semaphore_mem>>, %arg17: memref<!tpu.dma_semaphore, #tpu.memory_space<semaphore_mem>>, %arg18: memref<!tpu.dma_semaphore, #tpu.memory_space<semaphore_mem>>, %arg19: memref<!tpu.dma_semaphore, #tpu.memory_space<semaphore_mem>>, %arg20: memref<!tpu.dma_semaphore, #tpu.memory_space<semaphore_mem>>, %arg21: memref<!tpu.dma_semaphore, #tpu.memory_space<semaphore_mem>>, %arg22: memref<!tpu.dma_semaphore, #tpu.memory_space<semaphore_mem>>, %arg23: memref<!tpu.dma_semaphore, #tpu.memory_space<semaphore_mem>>, %arg24: memref<!tpu.dma_semaphore, #tpu.memory_space<semaphore_mem>>) attributes {dimension_semantics = [#tpu.dimension_semantics<core_parallel>, #tpu.dimension_semantics<subcore_parallel>], iteration_bounds = array<i64: 2, 16>, scalar_prefetch = 0 : i64, scratch_operands = 20 : i64, tpu.core_type = #tpu.core_type<sc_vector_subcore>, window_params = [{transform_indices = #map}, {transform_indices = #map1}, {transform_indices = #map1}]} {
    %mul3A = arith.constant 16 : i32
    %mul3A_0 = arith.muli %arg0, %mul3A : i32
    %add3A = arith.addi %mul3A_0, %arg1 : i32
    "tpu.region"() ({
      %run_scoped3A = tpu.sem_alloc : memref<!tpu.dma_semaphore, #tpu.memory_space<semaphore_mem>>
      %dma_start3A_277 = arith.constant 0 : i32
      %dma_start3A_278 = arith.constant 0 : i32
      %dma_start3A_279 = tpu.memref_slice %arg3[%add3A, %dma_start3A_277, %dma_start3A_278] : memref<32x126x80xi32, #tpu.memory_space<hbm>> -> memref<1x126x80xi32, #tpu.memory_space<hbm>>
      %dma_start3A_280 = tpu.memref_squeeze %dma_start3A_279 : memref<1x126x80xi32, #tpu.memory_space<hbm>> -> memref<126x80xi32, #tpu.memory_space<hbm>>
      %dma_start3A_281 = arith.constant 0 : i32
      %dma_start3A_282 = arith.constant 0 : i32
      %dma_start3A_283 = tpu.memref_slice %arg3[%add3A, %dma_start3A_281, %dma_start3A_282] : memref<32x126x80xi32, #tpu.memory_space<hbm>> -> memref<1x126x80xi32, #tpu.memory_space<hbm>>
      %dma_start3A_284 = tpu.memref_squeeze %dma_start3A_283 : memref<1x126x80xi32, #tpu.memory_space<hbm>> -> memref<126x80xi32, #tpu.memory_space<hbm>>
      tpu.enqueue_dma source(%dma_start3A_284 : memref<126x80xi32, #tpu.memory_space<hbm>>) target(%arg8 : memref<126x80xi32, #tpu.memory_space<vmem>>) target_semaphore(%run_scoped3A : memref<!tpu.dma_semaphore, #tpu.memory_space<semaphore_mem>>)
      %dma_wait3A_285 = arith.constant 0 : i32
      %dma_wait3A_286 = arith.constant 0 : i32
      %dma_wait3A_287 = tpu.memref_slice %arg3[%add3A, %dma_wait3A_285, %dma_wait3A_286] : memref<32x126x80xi32, #tpu.memory_space<hbm>> -> memref<1x126x80xi32, #tpu.memory_space<hbm>>
      %dma_wait3A_288 = tpu.memref_squeeze %dma_wait3A_287 : memref<1x126x80xi32, #tpu.memory_space<hbm>> -> memref<126x80xi32, #tpu.memory_space<hbm>>
      %dma_wait3A_289 = arith.constant 0 : i32
      %dma_wait3A_290 = arith.constant 0 : i32
      %dma_wait3A_291 = tpu.memref_slice %arg3[%add3A, %dma_wait3A_289, %dma_wait3A_290] : memref<32x126x80xi32, #tpu.memory_space<hbm>> -> memref<1x126x80xi32, #tpu.memory_space<hbm>>
      %dma_wait3A_292 = tpu.memref_squeeze %dma_wait3A_291 : memref<1x126x80xi32, #tpu.memory_space<hbm>> -> memref<126x80xi32, #tpu.memory_space<hbm>>
      tpu.wait_dma2 semaphore(%run_scoped3A : memref<!tpu.dma_semaphore, #tpu.memory_space<semaphore_mem>>) src(%dma_wait3A_292 : memref<126x80xi32, #tpu.memory_space<hbm>>) dst(%arg8 : memref<126x80xi32, #tpu.memory_space<vmem>>)
      tpu.yield
    }) : () -> ()
    %get3A = arith.constant 0 : i32
    %get3A_1 = arith.index_cast %get3A : i32 to index
    %get3A_2 = arith.constant 0 : index
    %get3A_3 = tpu.vector_load %arg8[%get3A_1, %get3A_2] {strides = array<i32>} : memref<126x80xi32, #tpu.memory_space<vmem>>, vector<1x16xi32>,
    %get3A_4 = vector.shape_cast %get3A_3 : vector<1x16xi32> to vector<16xi32>
    %shift_right_logical3A = arith.constant 14 : i32
    %shift_right_logical3A_5 = vector.broadcast %shift_right_logical3A : i32 to vector<16xi32>
    %shift_right_logical3A_6 = arith.shrui %get3A_4, %shift_right_logical3A_5 : vector<16xi32>
    %swap3A = arith.constant 0 : index
    %swap3A_7 = tpu.vector_load %arg9[%swap3A] {strides = array<i32>} : memref<80xi32, #tpu.memory_space<vmem>>, vector<16xi32>,
    %swap3A_8 = vector.shape_cast %swap3A_7 : vector<16xi32> to vector<16xi32>
    %swap3A_9 = vector.shape_cast %shift_right_logical3A_6 : vector<16xi32> to vector<16xi32>
    tpu.vector_store %arg9[%swap3A], %swap3A_9 {strides = array<i32>} : memref<80xi32, #tpu.memory_space<vmem>>, vector<16xi32>,
    %and3A = arith.constant 16383 : i32
    %and3A_10 = vector.broadcast %and3A : i32 to vector<16xi32>
    %and3A_11 = arith.andi %get3A_4, %and3A_10 : vector<16xi32>
    %swap3A_12 = arith.constant 0 : index
    %swap3A_13 = tpu.vector_load %arg12[%swap3A_12] {strides = array<i32>} : memref<80xi32, #tpu.memory_space<vmem>>, vector<16xi32>,
    %swap3A_14 = vector.shape_cast %swap3A_13 : vector<16xi32> to vector<16xi32>
    %swap3A_15 = vector.shape_cast %and3A_11 : vector<16xi32> to vector<16xi32>
    tpu.vector_store %arg12[%swap3A_12], %swap3A_15 {strides = array<i32>} : memref<80xi32, #tpu.memory_space<vmem>>, vector<16xi32>,
    %get3A_16 = arith.constant 0 : i32
    %get3A_17 = arith.index_cast %get3A_16 : i32 to index
    %get3A_18 = arith.constant 16 : index
    %get3A_19 = tpu.vector_load %arg8[%get3A_17, %get3A_18] {strides = array<i32>} : memref<126x80xi32, #tpu.memory_space<vmem>>, vector<1x16xi32>,
    %get3A_20 = vector.shape_cast %get3A_19 : vector<1x16xi32> to vector<16xi32>
    %shift_right_logical3A_21 = arith.constant 14 : i32
    %shift_right_logical3A_22 = vector.broadcast %shift_right_logical3A_21 : i32 to vector<16xi32>
    %shift_right_logical3A_23 = arith.shrui %get3A_20, %shift_right_logical3A_22 : vector<16xi32>
    %swap3A_24 = arith.constant 16 : index
    %swap3A_25 = tpu.vector_load %arg9[%swap3A_24] {strides = array<i32>} : memref<80xi32, #tpu.memory_space<vmem>>, vector<16xi32>,
    %swap3A_26 = vector.shape_cast %swap3A_25 : vector<16xi32> to vector<16xi32>
    %swap3A_27 = vector.shape_cast %shift_right_logical3A_23 : vector<16xi32> to vector<16xi32>
    tpu.vector_store %arg9[%swap3A_24], %swap3A_27 {strides = array<i32>} : memref<80xi32, #tpu.memory_space<vmem>>, vector<16xi32>,
    %and3A_28 = arith.constant 16383 : i32
    %and3A_29 = vector.broadcast %and3A_28 : i32 to vector<16xi32>
    %and3A_30 = arith.andi %get3A_20, %and3A_29 : vector<16xi32>
    %swap3A_31 = arith.constant 16 : index
    %swap3A_32 = tpu.vector_load %arg12[%swap3A_31] {strides = array<i32>} : memref<80xi32, #tpu.memory_space<vmem>>, vector<16xi32>,
    %swap3A_33 = vector.shape_cast %swap3A_32 : vector<16xi32> to vector<16xi32>
    %swap3A_34 = vector.shape_cast %and3A_30 : vector<16xi32> to vector<16xi32>
    tpu.vector_store %arg12[%swap3A_31], %swap3A_34 {strides = array<i32>} : memref<80xi32, #tpu.memory_space<vmem>>, vector<16xi32>,
    %get3A_35 = arith.constant 0 : i32
    %get3A_36 = arith.index_cast %get3A_35 : i32 to index
    %get3A_37 = arith.constant 32 : index
    %get3A_38 = tpu.vector_load %arg8[%get3A_36, %get3A_37] {strides = array<i32>} : memref<126x80xi32, #tpu.memory_space<vmem>>, vector<1x16xi32>,
    %get3A_39 = vector.shape_cast %get3A_38 : vector<1x16xi32> to vector<16xi32>
    %shift_right_logical3A_40 = arith.constant 14 : i32
    %shift_right_logical3A_41 = vector.broadcast %shift_right_logical3A_40 : i32 to vector<16xi32>
    %shift_right_logical3A_42 = arith.shrui %get3A_39, %shift_right_logical3A_41 : vector<16xi32>
    %swap3A_43 = arith.constant 32 : index
    %swap3A_44 = tpu.vector_load %arg9[%swap3A_43] {strides = array<i32>} : memref<80xi32, #tpu.memory_space<vmem>>, vector<16xi32>,
    %swap3A_45 = vector.shape_cast %swap3A_44 : vector<16xi32> to vector<16xi32>
    %swap3A_46 = vector.shape_cast %shift_right_logical3A_42 : vector<16xi32> to vector<16xi32>
    tpu.vector_store %arg9[%swap3A_43], %swap3A_46 {strides = array<i32>} : memref<80xi32, #tpu.memory_space<vmem>>, vector<16xi32>,
    %and3A_47 = arith.constant 16383 : i32
    %and3A_48 = vector.broadcast %and3A_47 : i32 to vector<16xi32>
    %and3A_49 = arith.andi %get3A_39, %and3A_48 : vector<16xi32>
    %swap3A_50 = arith.constant 32 : index
    %swap3A_51 = tpu.vector_load %arg12[%swap3A_50] {strides = array<i32>} : memref<80xi32, #tpu.memory_space<vmem>>, vector<16xi32>,
    %swap3A_52 = vector.shape_cast %swap3A_51 : vector<16xi32> to vector<16xi32>
    %swap3A_53 = vector.shape_cast %and3A_49 : vector<16xi32> to vector<16xi32>
    tpu.vector_store %arg12[%swap3A_50], %swap3A_53 {strides = array<i32>} : memref<80xi32, #tpu.memory_space<vmem>>, vector<16xi32>,
    %get3A_54 = arith.constant 0 : i32
    %get3A_55 = arith.index_cast %get3A_54 : i32 to index
    %get3A_56 = arith.constant 48 : index
    %get3A_57 = tpu.vector_load %arg8[%get3A_55, %get3A_56] {strides = array<i32>} : memref<126x80xi32, #tpu.memory_space<vmem>>, vector<1x16xi32>,
    %get3A_58 = vector.shape_cast %get3A_57 : vector<1x16xi32> to vector<16xi32>
    %shift_right_logical3A_59 = arith.constant 14 : i32
    %shift_right_logical3A_60 = vector.broadcast %shift_right_logical3A_59 : i32 to vector<16xi32>
    %shift_right_logical3A_61 = arith.shrui %get3A_58, %shift_right_logical3A_60 : vector<16xi32>
    %swap3A_62 = arith.constant 48 : index
    %swap3A_63 = tpu.vector_load %arg9[%swap3A_62] {strides = array<i32>} : memref<80xi32, #tpu.memory_space<vmem>>, vector<16xi32>,
    %swap3A_64 = vector.shape_cast %swap3A_63 : vector<16xi32> to vector<16xi32>
    %swap3A_65 = vector.shape_cast %shift_right_logical3A_61 : vector<16xi32> to vector<16xi32>
    tpu.vector_store %arg9[%swap3A_62], %swap3A_65 {strides = array<i32>} : memref<80xi32, #tpu.memory_space<vmem>>, vector<16xi32>,
    %and3A_66 = arith.constant 16383 : i32
    %and3A_67 = vector.broadcast %and3A_66 : i32 to vector<16xi32>
    %and3A_68 = arith.andi %get3A_58, %and3A_67 : vector<16xi32>
    %swap3A_69 = arith.constant 48 : index
    %swap3A_70 = tpu.vector_load %arg12[%swap3A_69] {strides = array<i32>} : memref<80xi32, #tpu.memory_space<vmem>>, vector<16xi32>,
    %swap3A_71 = vector.shape_cast %swap3A_70 : vector<16xi32> to vector<16xi32>
    %swap3A_72 = vector.shape_cast %and3A_68 : vector<16xi32> to vector<16xi32>
    tpu.vector_store %arg12[%swap3A_69], %swap3A_72 {strides = array<i32>} : memref<80xi32, #tpu.memory_space<vmem>>, vector<16xi32>,
    %get3A_73 = arith.constant 0 : i32
    %get3A_74 = arith.index_cast %get3A_73 : i32 to index
    %get3A_75 = arith.constant 64 : index
    %get3A_76 = tpu.vector_load %arg8[%get3A_74, %get3A_75] {strides = array<i32>} : memref<126x80xi32, #tpu.memory_space<vmem>>, vector<1x16xi32>,
    %get3A_77 = vector.shape_cast %get3A_76 : vector<1x16xi32> to vector<16xi32>
    %shift_right_logical3A_78 = arith.constant 14 : i32
    %shift_right_logical3A_79 = vector.broadcast %shift_right_logical3A_78 : i32 to vector<16xi32>
    %shift_right_logical3A_80 = arith.shrui %get3A_77, %shift_right_logical3A_79 : vector<16xi32>
    %swap3A_81 = arith.constant 64 : index
    %swap3A_82 = tpu.vector_load %arg9[%swap3A_81] {strides = array<i32>} : memref<80xi32, #tpu.memory_space<vmem>>, vector<16xi32>,
    %swap3A_83 = vector.shape_cast %swap3A_82 : vector<16xi32> to vector<16xi32>
    %swap3A_84 = vector.shape_cast %shift_right_logical3A_80 : vector<16xi32> to vector<16xi32>
    tpu.vector_store %arg9[%swap3A_81], %swap3A_84 {strides = array<i32>} : memref<80xi32, #tpu.memory_space<vmem>>, vector<16xi32>,
    %and3A_85 = arith.constant 16383 : i32
    %and3A_86 = vector.broadcast %and3A_85 : i32 to vector<16xi32>
    %and3A_87 = arith.andi %get3A_77, %and3A_86 : vector<16xi32>
    %swap3A_88 = arith.constant 64 : index
    %swap3A_89 = tpu.vector_load %arg12[%swap3A_88] {strides = array<i32>} : memref<80xi32, #tpu.memory_space<vmem>>, vector<16xi32>,
    %swap3A_90 = vector.shape_cast %swap3A_89 : vector<16xi32> to vector<16xi32>
    %swap3A_91 = vector.shape_cast %and3A_87 : vector<16xi32> to vector<16xi32>
    tpu.vector_store %arg12[%swap3A_88], %swap3A_91 {strides = array<i32>} : memref<80xi32, #tpu.memory_space<vmem>>, vector<16xi32>,
    %dma_start3A = arith.constant 0 : i32
    %dma_start3A_92 = arith.constant 0 : i32
    %dma_start3A_93 = tpu.memref_slice %arg5[%dma_start3A, %dma_start3A_92] : memref<80x128xf32, #tpu.memory_space<vmem>> -> memref<32x128xf32, #tpu.memory_space<vmem>>
    %dma_start3A_94 = arith.constant 0 : i32
    %dma_start3A_95 = tpu.memref_slice %arg9[%dma_start3A_94] : memref<80xi32, #tpu.memory_space<vmem>> -> memref<32xi32, #tpu.memory_space<vmem>>
    %dma_start3A_96 = arith.constant 0 : i32
    %dma_start3A_97 = arith.constant 0 : i32
    %dma_start3A_98 = tpu.memref_slice %arg2[%dma_start3A_96, %dma_start3A_97] : memref<10000x128xf32, #tpu.memory_space<hbm>> -> memref<10000x128xf32, #tpu.memory_space<hbm>>
    tpu.enqueue_indirect_dma source(%dma_start3A_98 : memref<10000x128xf32, #tpu.memory_space<hbm>>) target(%dma_start3A_93 : memref<32x128xf32, #tpu.memory_space<vmem>>) offsets(%dma_start3A_95 : memref<32xi32, #tpu.memory_space<vmem>>) semaphore(%arg16 : memref<!tpu.dma_semaphore, #tpu.memory_space<semaphore_mem>>)
    %dma_start3A_99 = arith.constant 32 : i32
    %dma_start3A_100 = arith.constant 0 : i32
    %dma_start3A_101 = tpu.memref_slice %arg5[%dma_start3A_99, %dma_start3A_100] : memref<80x128xf32, #tpu.memory_space<vmem>> -> memref<48x128xf32, #tpu.memory_space<vmem>>
    %dma_start3A_102 = arith.constant 32 : i32
    %dma_start3A_103 = tpu.memref_slice %arg9[%dma_start3A_102] : memref<80xi32, #tpu.memory_space<vmem>> -> memref<48xi32, #tpu.memory_space<vmem>>
    %dma_start3A_104 = arith.constant 0 : i32
    %dma_start3A_105 = arith.constant 0 : i32
    %dma_start3A_106 = tpu.memref_slice %arg2[%dma_start3A_104, %dma_start3A_105] : memref<10000x128xf32, #tpu.memory_space<hbm>> -> memref<10000x128xf32, #tpu.memory_space<hbm>>
    tpu.enqueue_indirect_dma source(%dma_start3A_106 : memref<10000x128xf32, #tpu.memory_space<hbm>>) target(%dma_start3A_101 : memref<48x128xf32, #tpu.memory_space<vmem>>) offsets(%dma_start3A_103 : memref<48xi32, #tpu.memory_space<vmem>>) semaphore(%arg19 : memref<!tpu.dma_semaphore, #tpu.memory_space<semaphore_mem>>)
    %get3A_107 = arith.constant 1 : i32
    %get3A_108 = arith.index_cast %get3A_107 : i32 to index
    %get3A_109 = arith.constant 0 : index
    %get3A_110 = tpu.vector_load %arg8[%get3A_108, %get3A_109] {strides = array<i32>} : memref<126x80xi32, #tpu.memory_space<vmem>>, vector<1x16xi32>,
    %get3A_111 = vector.shape_cast %get3A_110 : vector<1x16xi32> to vector<16xi32>
    %shift_right_logical3A_112 = arith.constant 14 : i32
    %shift_right_logical3A_113 = vector.broadcast %shift_right_logical3A_112 : i32 to vector<16xi32>
    %shift_right_logical3A_114 = arith.shrui %get3A_111, %shift_right_logical3A_113 : vector<16xi32>
    %swap3A_115 = arith.constant 0 : index
    %swap3A_116 = tpu.vector_load %arg10[%swap3A_115] {strides = array<i32>} : memref<80xi32, #tpu.memory_space<vmem>>, vector<16xi32>,
    %swap3A_117 = vector.shape_cast %swap3A_116 : vector<16xi32> to vector<16xi32>
    %swap3A_118 = vector.shape_cast %shift_right_logical3A_114 : vector<16xi32> to vector<16xi32>
    tpu.vector_store %arg10[%swap3A_115], %swap3A_118 {strides = array<i32>} : memref<80xi32, #tpu.memory_space<vmem>>, vector<16xi32>,
    %and3A_119 = arith.constant 16383 : i32
    %and3A_120 = vector.broadcast %and3A_119 : i32 to vector<16xi32>
    %and3A_121 = arith.andi %get3A_111, %and3A_120 : vector<16xi32>
    %swap3A_122 = arith.constant 0 : index
    %swap3A_123 = tpu.vector_load %arg13[%swap3A_122] {strides = array<i32>} : memref<80xi32, #tpu.memory_space<vmem>>, vector<16xi32>,
    %swap3A_124 = vector.shape_cast %swap3A_123 : vector<16xi32> to vector<16xi32>
    %swap3A_125 = vector.shape_cast %and3A_121 : vector<16xi32> to vector<16xi32>
    tpu.vector_store %arg13[%swap3A_122], %swap3A_125 {strides = array<i32>} : memref<80xi32, #tpu.memory_space<vmem>>, vector<16xi32>,
    %get3A_126 = arith.constant 1 : i32
    %get3A_127 = arith.index_cast %get3A_126 : i32 to index
    %get3A_128 = arith.constant 16 : index
    %get3A_129 = tpu.vector_load %arg8[%get3A_127, %get3A_128] {strides = array<i32>} : memref<126x80xi32, #tpu.memory_space<vmem>>, vector<1x16xi32>,
    %get3A_130 = vector.shape_cast %get3A_129 : vector<1x16xi32> to vector<16xi32>
    %shift_right_logical3A_131 = arith.constant 14 : i32
    %shift_right_logical3A_132 = vector.broadcast %shift_right_logical3A_131 : i32 to vector<16xi32>
    %shift_right_logical3A_133 = arith.shrui %get3A_130, %shift_right_logical3A_132 : vector<16xi32>
    %swap3A_134 = arith.constant 16 : index
    %swap3A_135 = tpu.vector_load %arg10[%swap3A_134] {strides = array<i32>} : memref<80xi32, #tpu.memory_space<vmem>>, vector<16xi32>,
    %swap3A_136 = vector.shape_cast %swap3A_135 : vector<16xi32> to vector<16xi32>
    %swap3A_137 = vector.shape_cast %shift_right_logical3A_133 : vector<16xi32> to vector<16xi32>
    tpu.vector_store %arg10[%swap3A_134], %swap3A_137 {strides = array<i32>} : memref<80xi32, #tpu.memory_space<vmem>>, vector<16xi32>,
    %and3A_138 = arith.constant 16383 : i32
    %and3A_139 = vector.broadcast %and3A_138 : i32 to vector<16xi32>
    %and3A_140 = arith.andi %get3A_130, %and3A_139 : vector<16xi32>
    %swap3A_141 = arith.constant 16 : index
    %swap3A_142 = tpu.vector_load %arg13[%swap3A_141] {strides = array<i32>} : memref<80xi32, #tpu.memory_space<vmem>>, vector<16xi32>,
    %swap3A_143 = vector.shape_cast %swap3A_142 : vector<16xi32> to vector<16xi32>
    %swap3A_144 = vector.shape_cast %and3A_140 : vector<16xi32> to vector<16xi32>
    tpu.vector_store %arg13[%swap3A_141], %swap3A_144 {strides = array<i32>} : memref<80xi32, #tpu.memory_space<vmem>>, vector<16xi32>,
    %get3A_145 = arith.constant 1 : i32
    %get3A_146 = arith.index_cast %get3A_145 : i32 to index
    %get3A_147 = arith.constant 32 : index
    %get3A_148 = tpu.vector_load %arg8[%get3A_146, %get3A_147] {strides = array<i32>} : memref<126x80xi32, #tpu.memory_space<vmem>>, vector<1x16xi32>,
    %get3A_149 = vector.shape_cast %get3A_148 : vector<1x16xi32> to vector<16xi32>
    %shift_right_logical3A_150 = arith.constant 14 : i32
    %shift_right_logical3A_151 = vector.broadcast %shift_right_logical3A_150 : i32 to vector<16xi32>
    %shift_right_logical3A_152 = arith.shrui %get3A_149, %shift_right_logical3A_151 : vector<16xi32>
    %swap3A_153 = arith.constant 32 : index
    %swap3A_154 = tpu.vector_load %arg10[%swap3A_153] {strides = array<i32>} : memref<80xi32, #tpu.memory_space<vmem>>, vector<16xi32>,
    %swap3A_155 = vector.shape_cast %swap3A_154 : vector<16xi32> to vector<16xi32>
    %swap3A_156 = vector.shape_cast %shift_right_logical3A_152 : vector<16xi32> to vector<16xi32>
    tpu.vector_store %arg10[%swap3A_153], %swap3A_156 {strides = array<i32>} : memref<80xi32, #tpu.memory_space<vmem>>, vector<16xi32>,
    %and3A_157 = arith.constant 16383 : i32
    %and3A_158 = vector.broadcast %and3A_157 : i32 to vector<16xi32>
    %and3A_159 = arith.andi %get3A_149, %and3A_158 : vector<16xi32>
    %swap3A_160 = arith.constant 32 : index
    %swap3A_161 = tpu.vector_load %arg13[%swap3A_160] {strides = array<i32>} : memref<80xi32, #tpu.memory_space<vmem>>, vector<16xi32>,
    %swap3A_162 = vector.shape_cast %swap3A_161 : vector<16xi32> to vector<16xi32>
    %swap3A_163 = vector.shape_cast %and3A_159 : vector<16xi32> to vector<16xi32>
    tpu.vector_store %arg13[%swap3A_160], %swap3A_163 {strides = array<i32>} : memref<80xi32, #tpu.memory_space<vmem>>, vector<16xi32>,
    %get3A_164 = arith.constant 1 : i32
    %get3A_165 = arith.index_cast %get3A_164 : i32 to index
    %get3A_166 = arith.constant 48 : index
    %get3A_167 = tpu.vector_load %arg8[%get3A_165, %get3A_166] {strides = array<i32>} : memref<126x80xi32, #tpu.memory_space<vmem>>, vector<1x16xi32>,
    %get3A_168 = vector.shape_cast %get3A_167 : vector<1x16xi32> to vector<16xi32>
    %shift_right_logical3A_169 = arith.constant 14 : i32
    %shift_right_logical3A_170 = vector.broadcast %shift_right_logical3A_169 : i32 to vector<16xi32>
    %shift_right_logical3A_171 = arith.shrui %get3A_168, %shift_right_logical3A_170 : vector<16xi32>
    %swap3A_172 = arith.constant 48 : index
    %swap3A_173 = tpu.vector_load %arg10[%swap3A_172] {strides = array<i32>} : memref<80xi32, #tpu.memory_space<vmem>>, vector<16xi32>,
    %swap3A_174 = vector.shape_cast %swap3A_173 : vector<16xi32> to vector<16xi32>
    %swap3A_175 = vector.shape_cast %shift_right_logical3A_171 : vector<16xi32> to vector<16xi32>
    tpu.vector_store %arg10[%swap3A_172], %swap3A_175 {strides = array<i32>} : memref<80xi32, #tpu.memory_space<vmem>>, vector<16xi32>,
    %and3A_176 = arith.constant 16383 : i32
    %and3A_177 = vector.broadcast %and3A_176 : i32 to vector<16xi32>
    %and3A_178 = arith.andi %get3A_168, %and3A_177 : vector<16xi32>
    %swap3A_179 = arith.constant 48 : index
    %swap3A_180 = tpu.vector_load %arg13[%swap3A_179] {strides = array<i32>} : memref<80xi32, #tpu.memory_space<vmem>>, vector<16xi32>,
    %swap3A_181 = vector.shape_cast %swap3A_180 : vector<16xi32> to vector<16xi32>
    %swap3A_182 = vector.shape_cast %and3A_178 : vector<16xi32> to vector<16xi32>
    tpu.vector_store %arg13[%swap3A_179], %swap3A_182 {strides = array<i32>} : memref<80xi32, #tpu.memory_space<vmem>>, vector<16xi32>,
    %get3A_183 = arith.constant 1 : i32
    %get3A_184 = arith.index_cast %get3A_183 : i32 to index
    %get3A_185 = arith.constant 64 : index
    %get3A_186 = tpu.vector_load %arg8[%get3A_184, %get3A_185] {strides = array<i32>} : memref<126x80xi32, #tpu.memory_space<vmem>>, vector<1x16xi32>,
    %get3A_187 = vector.shape_cast %get3A_186 : vector<1x16xi32> to vector<16xi32>
    %shift_right_logical3A_188 = arith.constant 14 : i32
    %shift_right_logical3A_189 = vector.broadcast %shift_right_logical3A_188 : i32 to vector<16xi32>
    %shift_right_logical3A_190 = arith.shrui %get3A_187, %shift_right_logical3A_189 : vector<16xi32>
    %swap3A_191 = arith.constant 64 : index
    %swap3A_192 = tpu.vector_load %arg10[%swap3A_191] {strides = array<i32>} : memref<80xi32, #tpu.memory_space<vmem>>, vector<16xi32>,
    %swap3A_193 = vector.shape_cast %swap3A_192 : vector<16xi32> to vector<16xi32>
    %swap3A_194 = vector.shape_cast %shift_right_logical3A_190 : vector<16xi32> to vector<16xi32>
    tpu.vector_store %arg10[%swap3A_191], %swap3A_194 {strides = array<i32>} : memref<80xi32, #tpu.memory_space<vmem>>, vector<16xi32>,
    %and3A_195 = arith.constant 16383 : i32
    %and3A_196 = vector.broadcast %and3A_195 : i32 to vector<16xi32>
    %and3A_197 = arith.andi %get3A_187, %and3A_196 : vector<16xi32>
    %swap3A_198 = arith.constant 64 : index
    %swap3A_199 = tpu.vector_load %arg13[%swap3A_198] {strides = array<i32>} : memref<80xi32, #tpu.memory_space<vmem>>, vector<16xi32>,
    %swap3A_200 = vector.shape_cast %swap3A_199 : vector<16xi32> to vector<16xi32>
    %swap3A_201 = vector.shape_cast %and3A_197 : vector<16xi32> to vector<16xi32>
    tpu.vector_store %arg13[%swap3A_198], %swap3A_201 {strides = array<i32>} : memref<80xi32, #tpu.memory_space<vmem>>, vector<16xi32>,
    %dma_start3A_202 = arith.constant 0 : i32
    %dma_start3A_203 = arith.constant 0 : i32
    %dma_start3A_204 = tpu.memref_slice %arg6[%dma_start3A_202, %dma_start3A_203] : memref<80x128xf32, #tpu.memory_space<vmem>> -> memref<32x128xf32, #tpu.memory_space<vmem>>
    %dma_start3A_205 = arith.constant 0 : i32
    %dma_start3A_206 = tpu.memref_slice %arg10[%dma_start3A_205] : memref<80xi32, #tpu.memory_space<vmem>> -> memref<32xi32, #tpu.memory_space<vmem>>
    %dma_start3A_207 = arith.constant 0 : i32
    %dma_start3A_208 = arith.constant 0 : i32
    %dma_start3A_209 = tpu.memref_slice %arg2[%dma_start3A_207, %dma_start3A_208] : memref<10000x128xf32, #tpu.memory_space<hbm>> -> memref<10000x128xf32, #tpu.memory_space<hbm>>
    tpu.enqueue_indirect_dma source(%dma_start3A_209 : memref<10000x128xf32, #tpu.memory_space<hbm>>) target(%dma_start3A_204 : memref<32x128xf32, #tpu.memory_space<vmem>>) offsets(%dma_start3A_206 : memref<32xi32, #tpu.memory_space<vmem>>) semaphore(%arg17 : memref<!tpu.dma_semaphore, #tpu.memory_space<semaphore_mem>>)
    %dma_start3A_210 = arith.constant 32 : i32
    %dma_start3A_211 = arith.constant 0 : i32
    %dma_start3A_212 = tpu.memref_slice %arg6[%dma_start3A_210, %dma_start3A_211] : memref<80x128xf32, #tpu.memory_space<vmem>> -> memref<48x128xf32, #tpu.memory_space<vmem>>
    %dma_start3A_213 = arith.constant 32 : i32
    %dma_start3A_214 = tpu.memref_slice %arg10[%dma_start3A_213] : memref<80xi32, #tpu.memory_space<vmem>> -> memref<48xi32, #tpu.memory_space<vmem>>
    %dma_start3A_215 = arith.constant 0 : i32
    %dma_start3A_216 = arith.constant 0 : i32
    %dma_start3A_217 = tpu.memref_slice %arg2[%dma_start3A_215, %dma_start3A_216] : memref<10000x128xf32, #tpu.memory_space<hbm>> -> memref<10000x128xf32, #tpu.memory_space<hbm>>
    tpu.enqueue_indirect_dma source(%dma_start3A_217 : memref<10000x128xf32, #tpu.memory_space<hbm>>) target(%dma_start3A_212 : memref<48x128xf32, #tpu.memory_space<vmem>>) offsets(%dma_start3A_214 : memref<48xi32, #tpu.memory_space<vmem>>) semaphore(%arg20 : memref<!tpu.dma_semaphore, #tpu.memory_space<semaphore_mem>>)
    %broadcast_in_dim3A = arith.constant 0.000000e+00 : f32
    %broadcast_in_dim3A_218 = vector.broadcast %broadcast_in_dim3A : f32 to vector<16xf32>
    %scan3A = arith.constant 0 : i32
    %scan3A_219 = arith.constant 0 : i32
    %scan3A_220 = arith.constant 80 : i32
    %scan3A_221 = arith.addi %scan3A_219, %scan3A_220 : i32
    %scan3A_222 = arith.constant 1 : i32
    scf.for %scan3A_277 = %scan3A_219 to %scan3A_221 step %scan3A_222  : i32 {
      %swap3A_278 = arith.index_cast %scan3A_277 : i32 to index
      %swap3A_279 = arith.constant 0 : index
      %swap3A_280 = tpu.vector_load %arg7[%swap3A_278, %swap3A_279] {strides = array<i32>} : memref<80x128xf32, #tpu.memory_space<vmem>>, vector<1x16xf32>,
      %swap3A_281 = vector.shape_cast %swap3A_280 : vector<1x16xf32> to vector<16xf32>
      %swap3A_282 = vector.shape_cast %broadcast_in_dim3A_218 : vector<16xf32> to vector<1x16xf32>
      tpu.vector_store %arg7[%swap3A_278, %swap3A_279], %swap3A_282 {strides = array<i32>} : memref<80x128xf32, #tpu.memory_space<vmem>>, vector<1x16xf32>,
      %swap3A_283 = arith.index_cast %scan3A_277 : i32 to index
      %swap3A_284 = arith.constant 16 : index
      %swap3A_285 = tpu.vector_load %arg7[%swap3A_283, %swap3A_284] {strides = array<i32>} : memref<80x128xf32, #tpu.memory_space<vmem>>, vector<1x16xf32>,
      %swap3A_286 = vector.shape_cast %swap3A_285 : vector<1x16xf32> to vector<16xf32>
      %swap3A_287 = vector.shape_cast %broadcast_in_dim3A_218 : vector<16xf32> to vector<1x16xf32>
      tpu.vector_store %arg7[%swap3A_283, %swap3A_284], %swap3A_287 {strides = array<i32>} : memref<80x128xf32, #tpu.memory_space<vmem>>, vector<1x16xf32>,
      %swap3A_288 = arith.index_cast %scan3A_277 : i32 to index
      %swap3A_289 = arith.constant 32 : index
      %swap3A_290 = tpu.vector_load %arg7[%swap3A_288, %swap3A_289] {strides = array<i32>} : memref<80x128xf32, #tpu.memory_space<vmem>>, vector<1x16xf32>,
      %swap3A_291 = vector.shape_cast %swap3A_290 : vector<1x16xf32> to vector<16xf32>
      %swap3A_292 = vector.shape_cast %broadcast_in_dim3A_218 : vector<16xf32> to vector<1x16xf32>
      tpu.vector_store %arg7[%swap3A_288, %swap3A_289], %swap3A_292 {strides = array<i32>} : memref<80x128xf32, #tpu.memory_space<vmem>>, vector<1x16xf32>,
      %swap3A_293 = arith.index_cast %scan3A_277 : i32 to index
      %swap3A_294 = arith.constant 48 : index
      %swap3A_295 = tpu.vector_load %arg7[%swap3A_293, %swap3A_294] {strides = array<i32>} : memref<80x128xf32, #tpu.memory_space<vmem>>, vector<1x16xf32>,
      %swap3A_296 = vector.shape_cast %swap3A_295 : vector<1x16xf32> to vector<16xf32>
      %swap3A_297 = vector.shape_cast %broadcast_in_dim3A_218 : vector<16xf32> to vector<1x16xf32>
      tpu.vector_store %arg7[%swap3A_293, %swap3A_294], %swap3A_297 {strides = array<i32>} : memref<80x128xf32, #tpu.memory_space<vmem>>, vector<1x16xf32>,
      %swap3A_298 = arith.index_cast %scan3A_277 : i32 to index
      %swap3A_299 = arith.constant 64 : index
      %swap3A_300 = tpu.vector_load %arg7[%swap3A_298, %swap3A_299] {strides = array<i32>} : memref<80x128xf32, #tpu.memory_space<vmem>>, vector<1x16xf32>,
      %swap3A_301 = vector.shape_cast %swap3A_300 : vector<1x16xf32> to vector<16xf32>
      %swap3A_302 = vector.shape_cast %broadcast_in_dim3A_218 : vector<16xf32> to vector<1x16xf32>
      tpu.vector_store %arg7[%swap3A_298, %swap3A_299], %swap3A_302 {strides = array<i32>} : memref<80x128xf32, #tpu.memory_space<vmem>>, vector<1x16xf32>,
      %swap3A_303 = arith.index_cast %scan3A_277 : i32 to index
      %swap3A_304 = arith.constant 80 : index
      %swap3A_305 = tpu.vector_load %arg7[%swap3A_303, %swap3A_304] {strides = array<i32>} : memref<80x128xf32, #tpu.memory_space<vmem>>, vector<1x16xf32>,
      %swap3A_306 = vector.shape_cast %swap3A_305 : vector<1x16xf32> to vector<16xf32>
      %swap3A_307 = vector.shape_cast %broadcast_in_dim3A_218 : vector<16xf32> to vector<1x16xf32>
      tpu.vector_store %arg7[%swap3A_303, %swap3A_304], %swap3A_307 {strides = array<i32>} : memref<80x128xf32, #tpu.memory_space<vmem>>, vector<1x16xf32>,
      %swap3A_308 = arith.index_cast %scan3A_277 : i32 to index
      %swap3A_309 = arith.constant 96 : index
      %swap3A_310 = tpu.vector_load %arg7[%swap3A_308, %swap3A_309] {strides = array<i32>} : memref<80x128xf32, #tpu.memory_space<vmem>>, vector<1x16xf32>,
      %swap3A_311 = vector.shape_cast %swap3A_310 : vector<1x16xf32> to vector<16xf32>
      %swap3A_312 = vector.shape_cast %broadcast_in_dim3A_218 : vector<16xf32> to vector<1x16xf32>
      tpu.vector_store %arg7[%swap3A_308, %swap3A_309], %swap3A_312 {strides = array<i32>} : memref<80x128xf32, #tpu.memory_space<vmem>>, vector<1x16xf32>,
      %swap3A_313 = arith.index_cast %scan3A_277 : i32 to index
      %swap3A_314 = arith.constant 112 : index
      %swap3A_315 = tpu.vector_load %arg7[%swap3A_313, %swap3A_314] {strides = array<i32>} : memref<80x128xf32, #tpu.memory_space<vmem>>, vector<1x16xf32>,
      %swap3A_316 = vector.shape_cast %swap3A_315 : vector<1x16xf32> to vector<16xf32>
      %swap3A_317 = vector.shape_cast %broadcast_in_dim3A_218 : vector<16xf32> to vector<1x16xf32>
      tpu.vector_store %arg7[%swap3A_313, %swap3A_314], %swap3A_317 {strides = array<i32>} : memref<80x128xf32, #tpu.memory_space<vmem>>, vector<1x16xf32>,
    }
    %scan3A_223 = arith.constant 80 : i32
    %mul3A_224 = arith.constant 632 : i32
    %mul3A_225 = arith.muli %arg1, %mul3A_224 : i32
    %add3A_226 = arith.constant 0 : i32
    %add3A_227 = arith.addi %mul3A_225, %add3A_226 : i32
    "tpu.region"() ({
      %run_scoped3A = tpu.sem_alloc : memref<!tpu.dma_semaphore, #tpu.memory_space<semaphore_mem>>
      %dma_start3A_277 = arith.constant 0 : i32
      %dma_start3A_278 = tpu.memref_slice %arg15[%add3A_227, %dma_start3A_277] : memref<10112x128xf32, #tpu.memory_space<vmem_shared>> -> memref<80x128xf32, #tpu.memory_space<vmem_shared>>
      %dma_start3A_279 = arith.constant 0 : i32
      %dma_start3A_280 = tpu.memref_slice %arg15[%add3A_227, %dma_start3A_279] : memref<10112x128xf32, #tpu.memory_space<vmem_shared>> -> memref<80x128xf32, #tpu.memory_space<vmem_shared>>
      tpu.enqueue_dma source(%arg7 : memref<80x128xf32, #tpu.memory_space<vmem>>) target(%dma_start3A_280 : memref<80x128xf32, #tpu.memory_space<vmem_shared>>) target_semaphore(%run_scoped3A : memref<!tpu.dma_semaphore, #tpu.memory_space<semaphore_mem>>)
      %dma_wait3A_281 = arith.constant 0 : i32
      %dma_wait3A_282 = tpu.memref_slice %arg15[%add3A_227, %dma_wait3A_281] : memref<10112x128xf32, #tpu.memory_space<vmem_shared>> -> memref<80x128xf32, #tpu.memory_space<vmem_shared>>
      %dma_wait3A_283 = arith.constant 0 : i32
      %dma_wait3A_284 = tpu.memref_slice %arg15[%add3A_227, %dma_wait3A_283] : memref<10112x128xf32, #tpu.memory_space<vmem_shared>> -> memref<80x128xf32, #tpu.memory_space<vmem_shared>>
      tpu.wait_dma2 semaphore(%run_scoped3A : memref<!tpu.dma_semaphore, #tpu.memory_space<semaphore_mem>>) src(%arg7 : memref<80x128xf32, #tpu.memory_space<vmem>>) dst(%dma_wait3A_284 : memref<80x128xf32, #tpu.memory_space<vmem_shared>>)
      tpu.yield
    }) : () -> ()
    %mul3A_228 = arith.constant 632 : i32
    %mul3A_229 = arith.muli %arg1, %mul3A_228 : i32
    %add3A_230 = arith.constant 80 : i32
    %add3A_231 = arith.addi %mul3A_229, %add3A_230 : i32
    "tpu.region"() ({
      %run_scoped3A = tpu.sem_alloc : memref<!tpu.dma_semaphore, #tpu.memory_space<semaphore_mem>>
      %dma_start3A_277 = arith.constant 0 : i32
      %dma_start3A_278 = tpu.memref_slice %arg15[%add3A_231, %dma_start3A_277] : memref<10112x128xf32, #tpu.memory_space<vmem_shared>> -> memref<80x128xf32, #tpu.memory_space<vmem_shared>>
      %dma_start3A_279 = arith.constant 0 : i32
      %dma_start3A_280 = tpu.memref_slice %arg15[%add3A_231, %dma_start3A_279] : memref<10112x128xf32, #tpu.memory_space<vmem_shared>> -> memref<80x128xf32, #tpu.memory_space<vmem_shared>>
      tpu.enqueue_dma source(%arg7 : memref<80x128xf32, #tpu.memory_space<vmem>>) target(%dma_start3A_280 : memref<80x128xf32, #tpu.memory_space<vmem_shared>>) target_semaphore(%run_scoped3A : memref<!tpu.dma_semaphore, #tpu.memory_space<semaphore_mem>>)
      %dma_wait3A_281 = arith.constant 0 : i32
      %dma_wait3A_282 = tpu.memref_slice %arg15[%add3A_231, %dma_wait3A_281] : memref<10112x128xf32, #tpu.memory_space<vmem_shared>> -> memref<80x128xf32, #tpu.memory_space<vmem_shared>>
      %dma_wait3A_283 = arith.constant 0 : i32
      %dma_wait3A_284 = tpu.memref_slice %arg15[%add3A_231, %dma_wait3A_283] : memref<10112x128xf32, #tpu.memory_space<vmem_shared>> -> memref<80x128xf32, #tpu.memory_space<vmem_shared>>
      tpu.wait_dma2 semaphore(%run_scoped3A : memref<!tpu.dma_semaphore, #tpu.memory_space<semaphore_mem>>) src(%arg7 : memref<80x128xf32, #tpu.memory_space<vmem>>) dst(%dma_wait3A_284 : memref<80x128xf32, #tpu.memory_space<vmem_shared>>)
      tpu.yield
    }) : () -> ()
    %mul3A_232 = arith.constant 632 : i32
    %mul3A_233 = arith.muli %arg1, %mul3A_232 : i32
    %add3A_234 = arith.constant 160 : i32
    %add3A_235 = arith.addi %mul3A_233, %add3A_234 : i32
    "tpu.region"() ({
      %run_scoped3A = tpu.sem_alloc : memref<!tpu.dma_semaphore, #tpu.memory_space<semaphore_mem>>
      %dma_start3A_277 = arith.constant 0 : i32
      %dma_start3A_278 = tpu.memref_slice %arg15[%add3A_235, %dma_start3A_277] : memref<10112x128xf32, #tpu.memory_space<vmem_shared>> -> memref<80x128xf32, #tpu.memory_space<vmem_shared>>
      %dma_start3A_279 = arith.constant 0 : i32
      %dma_start3A_280 = tpu.memref_slice %arg15[%add3A_235, %dma_start3A_279] : memref<10112x128xf32, #tpu.memory_space<vmem_shared>> -> memref<80x128xf32, #tpu.memory_space<vmem_shared>>
      tpu.enqueue_dma source(%arg7 : memref<80x128xf32, #tpu.memory_space<vmem>>) target(%dma_start3A_280 : memref<80x128xf32, #tpu.memory_space<vmem_shared>>) target_semaphore(%run_scoped3A : memref<!tpu.dma_semaphore, #tpu.memory_space<semaphore_mem>>)
      %dma_wait3A_281 = arith.constant 0 : i32
      %dma_wait3A_282 = tpu.memref_slice %arg15[%add3A_235, %dma_wait3A_281] : memref<10112x128xf32, #tpu.memory_space<vmem_shared>> -> memref<80x128xf32, #tpu.memory_space<vmem_shared>>
      %dma_wait3A_283 = arith.constant 0 : i32
      %dma_wait3A_284 = tpu.memref_slice %arg15[%add3A_235, %dma_wait3A_283] : memref<10112x128xf32, #tpu.memory_space<vmem_shared>> -> memref<80x128xf32, #tpu.memory_space<vmem_shared>>
      tpu.wait_dma2 semaphore(%run_scoped3A : memref<!tpu.dma_semaphore, #tpu.memory_space<semaphore_mem>>) src(%arg7 : memref<80x128xf32, #tpu.memory_space<vmem>>) dst(%dma_wait3A_284 : memref<80x128xf32, #tpu.memory_space<vmem_shared>>)
      tpu.yield
    }) : () -> ()
    %mul3A_236 = arith.constant 632 : i32
    %mul3A_237 = arith.muli %arg1, %mul3A_236 : i32
    %add3A_238 = arith.constant 240 : i32
    %add3A_239 = arith.addi %mul3A_237, %add3A_238 : i32
    "tpu.region"() ({
      %run_scoped3A = tpu.sem_alloc : memref<!tpu.dma_semaphore, #tpu.memory_space<semaphore_mem>>
      %dma_start3A_277 = arith.constant 0 : i32
      %dma_start3A_278 = tpu.memref_slice %arg15[%add3A_239, %dma_start3A_277] : memref<10112x128xf32, #tpu.memory_space<vmem_shared>> -> memref<80x128xf32, #tpu.memory_space<vmem_shared>>
      %dma_start3A_279 = arith.constant 0 : i32
      %dma_start3A_280 = tpu.memref_slice %arg15[%add3A_239, %dma_start3A_279] : memref<10112x128xf32, #tpu.memory_space<vmem_shared>> -> memref<80x128xf32, #tpu.memory_space<vmem_shared>>
      tpu.enqueue_dma source(%arg7 : memref<80x128xf32, #tpu.memory_space<vmem>>) target(%dma_start3A_280 : memref<80x128xf32, #tpu.memory_space<vmem_shared>>) target_semaphore(%run_scoped3A : memref<!tpu.dma_semaphore, #tpu.memory_space<semaphore_mem>>)
      %dma_wait3A_281 = arith.constant 0 : i32
      %dma_wait3A_282 = tpu.memref_slice %arg15[%add3A_239, %dma_wait3A_281] : memref<10112x128xf32, #tpu.memory_space<vmem_shared>> -> memref<80x128xf32, #tpu.memory_space<vmem_shared>>
      %dma_wait3A_283 = arith.constant 0 : i32
      %dma_wait3A_284 = tpu.memref_slice %arg15[%add3A_239, %dma_wait3A_283] : memref<10112x128xf32, #tpu.memory_space<vmem_shared>> -> memref<80x128xf32, #tpu.memory_space<vmem_shared>>
      tpu.wait_dma2 semaphore(%run_scoped3A : memref<!tpu.dma_semaphore, #tpu.memory_space<semaphore_mem>>) src(%arg7 : memref<80x128xf32, #tpu.memory_space<vmem>>) dst(%dma_wait3A_284 : memref<80x128xf32, #tpu.memory_space<vmem_shared>>)
      tpu.yield
    }) : () -> ()
    %mul3A_240 = arith.constant 632 : i32
    %mul3A_241 = arith.muli %arg1, %mul3A_240 : i32
    %add3A_242 = arith.constant 320 : i32
    %add3A_243 = arith.addi %mul3A_241, %add3A_242 : i32
    "tpu.region"() ({
      %run_scoped3A = tpu.sem_alloc : memref<!tpu.dma_semaphore, #tpu.memory_space<semaphore_mem>>
      %dma_start3A_277 = arith.constant 0 : i32
      %dma_start3A_278 = tpu.memref_slice %arg15[%add3A_243, %dma_start3A_277] : memref<10112x128xf32, #tpu.memory_space<vmem_shared>> -> memref<80x128xf32, #tpu.memory_space<vmem_shared>>
      %dma_start3A_279 = arith.constant 0 : i32
      %dma_start3A_280 = tpu.memref_slice %arg15[%add3A_243, %dma_start3A_279] : memref<10112x128xf32, #tpu.memory_space<vmem_shared>> -> memref<80x128xf32, #tpu.memory_space<vmem_shared>>
      tpu.enqueue_dma source(%arg7 : memref<80x128xf32, #tpu.memory_space<vmem>>) target(%dma_start3A_280 : memref<80x128xf32, #tpu.memory_space<vmem_shared>>) target_semaphore(%run_scoped3A : memref<!tpu.dma_semaphore, #tpu.memory_space<semaphore_mem>>)
      %dma_wait3A_281 = arith.constant 0 : i32
      %dma_wait3A_282 = tpu.memref_slice %arg15[%add3A_243, %dma_wait3A_281] : memref<10112x128xf32, #tpu.memory_space<vmem_shared>> -> memref<80x128xf32, #tpu.memory_space<vmem_shared>>
      %dma_wait3A_283 = arith.constant 0 : i32
      %dma_wait3A_284 = tpu.memref_slice %arg15[%add3A_243, %dma_wait3A_283] : memref<10112x128xf32, #tpu.memory_space<vmem_shared>> -> memref<80x128xf32, #tpu.memory_space<vmem_shared>>
      tpu.wait_dma2 semaphore(%run_scoped3A : memref<!tpu.dma_semaphore, #tpu.memory_space<semaphore_mem>>) src(%arg7 : memref<80x128xf32, #tpu.memory_space<vmem>>) dst(%dma_wait3A_284 : memref<80x128xf32, #tpu.memory_space<vmem_shared>>)
      tpu.yield
    }) : () -> ()
    %mul3A_244 = arith.constant 632 : i32
    %mul3A_245 = arith.muli %arg1, %mul3A_244 : i32
    %add3A_246 = arith.constant 400 : i32
    %add3A_247 = arith.addi %mul3A_245, %add3A_246 : i32
    "tpu.region"() ({
      %run_scoped3A = tpu.sem_alloc : memref<!tpu.dma_semaphore, #tpu.memory_space<semaphore_mem>>
      %dma_start3A_277 = arith.constant 0 : i32
      %dma_start3A_278 = tpu.memref_slice %arg15[%add3A_247, %dma_start3A_277] : memref<10112x128xf32, #tpu.memory_space<vmem_shared>> -> memref<80x128xf32, #tpu.memory_space<vmem_shared>>
      %dma_start3A_279 = arith.constant 0 : i32
      %dma_start3A_280 = tpu.memref_slice %arg15[%add3A_247, %dma_start3A_279] : memref<10112x128xf32, #tpu.memory_space<vmem_shared>> -> memref<80x128xf32, #tpu.memory_space<vmem_shared>>
      tpu.enqueue_dma source(%arg7 : memref<80x128xf32, #tpu.memory_space<vmem>>) target(%dma_start3A_280 : memref<80x128xf32, #tpu.memory_space<vmem_shared>>) target_semaphore(%run_scoped3A : memref<!tpu.dma_semaphore, #tpu.memory_space<semaphore_mem>>)
      %dma_wait3A_281 = arith.constant 0 : i32
      %dma_wait3A_282 = tpu.memref_slice %arg15[%add3A_247, %dma_wait3A_281] : memref<10112x128xf32, #tpu.memory_space<vmem_shared>> -> memref<80x128xf32, #tpu.memory_space<vmem_shared>>
      %dma_wait3A_283 = arith.constant 0 : i32
      %dma_wait3A_284 = tpu.memref_slice %arg15[%add3A_247, %dma_wait3A_283] : memref<10112x128xf32, #tpu.memory_space<vmem_shared>> -> memref<80x128xf32, #tpu.memory_space<vmem_shared>>
      tpu.wait_dma2 semaphore(%run_scoped3A : memref<!tpu.dma_semaphore, #tpu.memory_space<semaphore_mem>>) src(%arg7 : memref<80x128xf32, #tpu.memory_space<vmem>>) dst(%dma_wait3A_284 : memref<80x128xf32, #tpu.memory_space<vmem_shared>>)
      tpu.yield
    }) : () -> ()
    %mul3A_248 = arith.constant 632 : i32
    %mul3A_249 = arith.muli %arg1, %mul3A_248 : i32
    %add3A_250 = arith.constant 480 : i32
    %add3A_251 = arith.addi %mul3A_249, %add3A_250 : i32
    "tpu.region"() ({
      %run_scoped3A = tpu.sem_alloc : memref<!tpu.dma_semaphore, #tpu.memory_space<semaphore_mem>>
      %dma_start3A_277 = arith.constant 0 : i32
      %dma_start3A_278 = tpu.memref_slice %arg15[%add3A_251, %dma_start3A_277] : memref<10112x128xf32, #tpu.memory_space<vmem_shared>> -> memref<80x128xf32, #tpu.memory_space<vmem_shared>>
      %dma_start3A_279 = arith.constant 0 : i32
      %dma_start3A_280 = tpu.memref_slice %arg15[%add3A_251, %dma_start3A_279] : memref<10112x128xf32, #tpu.memory_space<vmem_shared>> -> memref<80x128xf32, #tpu.memory_space<vmem_shared>>
      tpu.enqueue_dma source(%arg7 : memref<80x128xf32, #tpu.memory_space<vmem>>) target(%dma_start3A_280 : memref<80x128xf32, #tpu.memory_space<vmem_shared>>) target_semaphore(%run_scoped3A : memref<!tpu.dma_semaphore, #tpu.memory_space<semaphore_mem>>)
      %dma_wait3A_281 = arith.constant 0 : i32
      %dma_wait3A_282 = tpu.memref_slice %arg15[%add3A_251, %dma_wait3A_281] : memref<10112x128xf32, #tpu.memory_space<vmem_shared>> -> memref<80x128xf32, #tpu.memory_space<vmem_shared>>
      %dma_wait3A_283 = arith.constant 0 : i32
      %dma_wait3A_284 = tpu.memref_slice %arg15[%add3A_251, %dma_wait3A_283] : memref<10112x128xf32, #tpu.memory_space<vmem_shared>> -> memref<80x128xf32, #tpu.memory_space<vmem_shared>>
      tpu.wait_dma2 semaphore(%run_scoped3A : memref<!tpu.dma_semaphore, #tpu.memory_space<semaphore_mem>>) src(%arg7 : memref<80x128xf32, #tpu.memory_space<vmem>>) dst(%dma_wait3A_284 : memref<80x128xf32, #tpu.memory_space<vmem_shared>>)
      tpu.yield
    }) : () -> ()
    %mul3A_252 = arith.constant 632 : i32
    %mul3A_253 = arith.muli %arg1, %mul3A_252 : i32
    %add3A_254 = arith.constant 560 : i32
    %add3A_255 = arith.addi %mul3A_253, %add3A_254 : i32
    "tpu.region"() ({
      %run_scoped3A = tpu.sem_alloc : memref<!tpu.dma_semaphore, #tpu.memory_space<semaphore_mem>>
      %dma_start3A_277 = arith.constant 0 : i32
      %dma_start3A_278 = arith.constant 0 : i32
      %dma_start3A_279 = tpu.memref_slice %arg7[%dma_start3A_277, %dma_start3A_278] : memref<80x128xf32, #tpu.memory_space<vmem>> -> memref<72x128xf32, #tpu.memory_space<vmem>>
      %dma_start3A_280 = arith.constant 0 : i32
      %dma_start3A_281 = tpu.memref_slice %arg15[%add3A_255, %dma_start3A_280] : memref<10112x128xf32, #tpu.memory_space<vmem_shared>> -> memref<72x128xf32, #tpu.memory_space<vmem_shared>>
      %dma_start3A_282 = arith.constant 0 : i32
      %dma_start3A_283 = tpu.memref_slice %arg15[%add3A_255, %dma_start3A_282] : memref<10112x128xf32, #tpu.memory_space<vmem_shared>> -> memref<72x128xf32, #tpu.memory_space<vmem_shared>>
      %dma_start3A_284 = arith.constant 0 : i32
      %dma_start3A_285 = arith.constant 0 : i32
      %dma_start3A_286 = tpu.memref_slice %arg7[%dma_start3A_284, %dma_start3A_285] : memref<80x128xf32, #tpu.memory_space<vmem>> -> memref<72x128xf32, #tpu.memory_space<vmem>>
      tpu.enqueue_dma source(%dma_start3A_286 : memref<72x128xf32, #tpu.memory_space<vmem>>) target(%dma_start3A_283 : memref<72x128xf32, #tpu.memory_space<vmem_shared>>) target_semaphore(%run_scoped3A : memref<!tpu.dma_semaphore, #tpu.memory_space<semaphore_mem>>)
      %dma_wait3A_287 = arith.constant 0 : i32
      %dma_wait3A_288 = arith.constant 0 : i32
      %dma_wait3A_289 = tpu.memref_slice %arg7[%dma_wait3A_287, %dma_wait3A_288] : memref<80x128xf32, #tpu.memory_space<vmem>> -> memref<72x128xf32, #tpu.memory_space<vmem>>
      %dma_wait3A_290 = arith.constant 0 : i32
      %dma_wait3A_291 = tpu.memref_slice %arg15[%add3A_255, %dma_wait3A_290] : memref<10112x128xf32, #tpu.memory_space<vmem_shared>> -> memref<72x128xf32, #tpu.memory_space<vmem_shared>>
      %dma_wait3A_292 = arith.constant 0 : i32
      %dma_wait3A_293 = tpu.memref_slice %arg15[%add3A_255, %dma_wait3A_292] : memref<10112x128xf32, #tpu.memory_space<vmem_shared>> -> memref<72x128xf32, #tpu.memory_space<vmem_shared>>
      %dma_wait3A_294 = arith.constant 0 : i32
      %dma_wait3A_295 = arith.constant 0 : i32
      %dma_wait3A_296 = tpu.memref_slice %arg7[%dma_wait3A_294, %dma_wait3A_295] : memref<80x128xf32, #tpu.memory_space<vmem>> -> memref<72x128xf32, #tpu.memory_space<vmem>>
      tpu.wait_dma2 semaphore(%run_scoped3A : memref<!tpu.dma_semaphore, #tpu.memory_space<semaphore_mem>>) src(%dma_wait3A_296 : memref<72x128xf32, #tpu.memory_space<vmem>>) dst(%dma_wait3A_293 : memref<72x128xf32, #tpu.memory_space<vmem_shared>>)
      tpu.yield
    }) : () -> ()
    %barrier3A = arith.constant 0 : index
    tpu.barrier barrier_id(%barrier3A)
    %scan3A_256 = arith.constant 0 : i32
    %scan3A_257 = arith.constant 0 : i32
    %scan3A_258 = arith.constant 42 : i32
    %scan3A_259 = arith.addi %scan3A_257, %scan3A_258 : i32
    %scan3A_260 = arith.constant 1 : i32
    scf.for %scan3A_277 = %scan3A_257 to %scan3A_259 step %scan3A_260  : i32 {
      %mul3A_278 = arith.constant 3 : i32
      %mul3A_279 = arith.muli %mul3A_278, %scan3A_277 : i32
      %add3A_280 = arith.constant 0 : i32
      %add3A_281 = arith.addi %mul3A_279, %add3A_280 : i32
      %dma_wait3A_282 = arith.constant 0 : i32
      %dma_wait3A_283 = arith.constant 0 : i32
      %dma_wait3A_284 = tpu.memref_slice %arg5[%dma_wait3A_282, %dma_wait3A_283] : memref<80x128xf32, #tpu.memory_space<vmem>> -> memref<32x128xf32, #tpu.memory_space<vmem>>
      %dma_wait3A_285 = arith.constant 0 : i32
      %dma_wait3A_286 = tpu.memref_slice %arg9[%dma_wait3A_285] : memref<80xi32, #tpu.memory_space<vmem>> -> memref<32xi32, #tpu.memory_space<vmem>>
      %dma_wait3A_287 = arith.constant 0 : i32
      %dma_wait3A_288 = arith.constant 0 : i32
      %dma_wait3A_289 = tpu.memref_slice %arg2[%dma_wait3A_287, %dma_wait3A_288] : memref<10000x128xf32, #tpu.memory_space<hbm>> -> memref<10000x128xf32, #tpu.memory_space<hbm>>
      tpu.wait_indirect_dma semaphore(%arg16 : memref<!tpu.dma_semaphore, #tpu.memory_space<semaphore_mem>>) src(%dma_wait3A_289 : memref<10000x128xf32, #tpu.memory_space<hbm>>) dst(%dma_wait3A_284 : memref<32x128xf32, #tpu.memory_space<vmem>>)
      %dma_wait3A_290 = arith.constant 32 : i32
      %dma_wait3A_291 = arith.constant 0 : i32
      %dma_wait3A_292 = tpu.memref_slice %arg5[%dma_wait3A_290, %dma_wait3A_291] : memref<80x128xf32, #tpu.memory_space<vmem>> -> memref<48x128xf32, #tpu.memory_space<vmem>>
      %dma_wait3A_293 = arith.constant 32 : i32
      %dma_wait3A_294 = tpu.memref_slice %arg9[%dma_wait3A_293] : memref<80xi32, #tpu.memory_space<vmem>> -> memref<48xi32, #tpu.memory_space<vmem>>
      %dma_wait3A_295 = arith.constant 0 : i32
      %dma_wait3A_296 = arith.constant 0 : i32
      %dma_wait3A_297 = tpu.memref_slice %arg2[%dma_wait3A_295, %dma_wait3A_296] : memref<10000x128xf32, #tpu.memory_space<hbm>> -> memref<10000x128xf32, #tpu.memory_space<hbm>>
      tpu.wait_indirect_dma semaphore(%arg19 : memref<!tpu.dma_semaphore, #tpu.memory_space<semaphore_mem>>) src(%dma_wait3A_297 : memref<10000x128xf32, #tpu.memory_space<hbm>>) dst(%dma_wait3A_292 : memref<48x128xf32, #tpu.memory_space<vmem>>)
      %dma_start3A_298 = arith.constant 0 : i32
      %dma_start3A_299 = arith.constant 0 : i32
      %dma_start3A_300 = tpu.memref_slice %arg15[%dma_start3A_298, %dma_start3A_299] : memref<10112x128xf32, #tpu.memory_space<vmem_shared>> -> memref<10112x128xf32, #tpu.memory_space<vmem_shared>>
      tpu.enqueue_indirect_dma source(%arg5 : memref<80x128xf32, #tpu.memory_space<vmem>>) target(%dma_start3A_300 : memref<10112x128xf32, #tpu.memory_space<vmem_shared>>) offsets(%arg12 : memref<80xi32, #tpu.memory_space<vmem>>) semaphore(%arg22 : memref<!tpu.dma_semaphore, #tpu.memory_space<semaphore_mem>>) {add = true}
      %ge3A = arith.constant 1 : i32
      %ge3A_301 = arith.cmpi sge, %add3A_281, %ge3A : i32
      %add3A_302 = arith.constant 2 : i32
      %add3A_303 = arith.addi %add3A_281, %add3A_302 : i32
      %lt3A_304 = arith.constant 126 : i32
      %lt3A_305 = arith.cmpi slt, %add3A_303, %lt3A_304 : i32
      %and3A_306 = arith.andi %ge3A_301, %lt3A_305 : i1
      %convert_element_type3A_307 = arith.extui %and3A_306 : i1 to i32
      %cond3A_308 = arith.constant 0 : i32
      %cond3A_309 = arith.cmpi ne, %convert_element_type3A_307, %cond3A_308 : i32
      scf.if %cond3A_309 {
        %dma_wait3A_397 = arith.constant 0 : i32
        %dma_wait3A_398 = arith.constant 0 : i32
        %dma_wait3A_399 = tpu.memref_slice %arg15[%dma_wait3A_397, %dma_wait3A_398] : memref<10112x128xf32, #tpu.memory_space<vmem_shared>> -> memref<10112x128xf32, #tpu.memory_space<vmem_shared>>
        tpu.wait_indirect_dma semaphore(%arg24 : memref<!tpu.dma_semaphore, #tpu.memory_space<semaphore_mem>>) src(%arg7 : memref<80x128xf32, #tpu.memory_space<vmem>>) dst(%dma_wait3A_399 : memref<10112x128xf32, #tpu.memory_space<vmem_shared>>)
      } else {
      }
      %add3A_310 = arith.constant 2 : i32
      %add3A_311 = arith.addi %add3A_281, %add3A_310 : i32
      %lt3A_312 = arith.constant 126 : i32
      %lt3A_313 = arith.cmpi slt, %add3A_311, %lt3A_312 : i32
      %convert_element_type3A_314 = arith.extui %lt3A_313 : i1 to i32
      %cond3A_315 = arith.constant 0 : i32
      %cond3A_316 = arith.cmpi ne, %convert_element_type3A_314, %cond3A_315 : i32
      scf.if %cond3A_316 {
        %add3A_397 = arith.constant 2 : i32
        %add3A_398 = arith.addi %add3A_281, %add3A_397 : i32
        %get3A_399 = arith.index_cast %add3A_398 : i32 to index
        %get3A_400 = arith.constant 0 : index
        %get3A_401 = tpu.vector_load %arg8[%get3A_399, %get3A_400] {strides = array<i32>} : memref<126x80xi32, #tpu.memory_space<vmem>>, vector<1x16xi32>,
        %get3A_402 = vector.shape_cast %get3A_401 : vector<1x16xi32> to vector<16xi32>
        %shift_right_logical3A_403 = arith.constant 14 : i32
        %shift_right_logical3A_404 = vector.broadcast %shift_right_logical3A_403 : i32 to vector<16xi32>
        %shift_right_logical3A_405 = arith.shrui %get3A_402, %shift_right_logical3A_404 : vector<16xi32>
        %swap3A_406 = arith.constant 0 : index
        %swap3A_407 = tpu.vector_load %arg11[%swap3A_406] {strides = array<i32>} : memref<80xi32, #tpu.memory_space<vmem>>, vector<16xi32>,
        %swap3A_408 = vector.shape_cast %swap3A_407 : vector<16xi32> to vector<16xi32>
        %swap3A_409 = vector.shape_cast %shift_right_logical3A_405 : vector<16xi32> to vector<16xi32>
        tpu.vector_store %arg11[%swap3A_406], %swap3A_409 {strides = array<i32>} : memref<80xi32, #tpu.memory_space<vmem>>, vector<16xi32>,
        %and3A_410 = arith.constant 16383 : i32
        %and3A_411 = vector.broadcast %and3A_410 : i32 to vector<16xi32>
        %and3A_412 = arith.andi %get3A_402, %and3A_411 : vector<16xi32>
        %swap3A_413 = arith.constant 0 : index
        %swap3A_414 = tpu.vector_load %arg14[%swap3A_413] {strides = array<i32>} : memref<80xi32, #tpu.memory_space<vmem>>, vector<16xi32>,
        %swap3A_415 = vector.shape_cast %swap3A_414 : vector<16xi32> to vector<16xi32>
        %swap3A_416 = vector.shape_cast %and3A_412 : vector<16xi32> to vector<16xi32>
        tpu.vector_store %arg14[%swap3A_413], %swap3A_416 {strides = array<i32>} : memref<80xi32, #tpu.memory_space<vmem>>, vector<16xi32>,
        %get3A_417 = arith.index_cast %add3A_398 : i32 to index
        %get3A_418 = arith.constant 16 : index
        %get3A_419 = tpu.vector_load %arg8[%get3A_417, %get3A_418] {strides = array<i32>} : memref<126x80xi32, #tpu.memory_space<vmem>>, vector<1x16xi32>,
        %get3A_420 = vector.shape_cast %get3A_419 : vector<1x16xi32> to vector<16xi32>
        %shift_right_logical3A_421 = arith.constant 14 : i32
        %shift_right_logical3A_422 = vector.broadcast %shift_right_logical3A_421 : i32 to vector<16xi32>
        %shift_right_logical3A_423 = arith.shrui %get3A_420, %shift_right_logical3A_422 : vector<16xi32>
        %swap3A_424 = arith.constant 16 : index
        %swap3A_425 = tpu.vector_load %arg11[%swap3A_424] {strides = array<i32>} : memref<80xi32, #tpu.memory_space<vmem>>, vector<16xi32>,
        %swap3A_426 = vector.shape_cast %swap3A_425 : vector<16xi32> to vector<16xi32>
        %swap3A_427 = vector.shape_cast %shift_right_logical3A_423 : vector<16xi32> to vector<16xi32>
        tpu.vector_store %arg11[%swap3A_424], %swap3A_427 {strides = array<i32>} : memref<80xi32, #tpu.memory_space<vmem>>, vector<16xi32>,
        %and3A_428 = arith.constant 16383 : i32
        %and3A_429 = vector.broadcast %and3A_428 : i32 to vector<16xi32>
        %and3A_430 = arith.andi %get3A_420, %and3A_429 : vector<16xi32>
        %swap3A_431 = arith.constant 16 : index
        %swap3A_432 = tpu.vector_load %arg14[%swap3A_431] {strides = array<i32>} : memref<80xi32, #tpu.memory_space<vmem>>, vector<16xi32>,
        %swap3A_433 = vector.shape_cast %swap3A_432 : vector<16xi32> to vector<16xi32>
        %swap3A_434 = vector.shape_cast %and3A_430 : vector<16xi32> to vector<16xi32>
        tpu.vector_store %arg14[%swap3A_431], %swap3A_434 {strides = array<i32>} : memref<80xi32, #tpu.memory_space<vmem>>, vector<16xi32>,
        %get3A_435 = arith.index_cast %add3A_398 : i32 to index
        %get3A_436 = arith.constant 32 : index
        %get3A_437 = tpu.vector_load %arg8[%get3A_435, %get3A_436] {strides = array<i32>} : memref<126x80xi32, #tpu.memory_space<vmem>>, vector<1x16xi32>,
        %get3A_438 = vector.shape_cast %get3A_437 : vector<1x16xi32> to vector<16xi32>
        %shift_right_logical3A_439 = arith.constant 14 : i32
        %shift_right_logical3A_440 = vector.broadcast %shift_right_logical3A_439 : i32 to vector<16xi32>
        %shift_right_logical3A_441 = arith.shrui %get3A_438, %shift_right_logical3A_440 : vector<16xi32>
        %swap3A_442 = arith.constant 32 : index
        %swap3A_443 = tpu.vector_load %arg11[%swap3A_442] {strides = array<i32>} : memref<80xi32, #tpu.memory_space<vmem>>, vector<16xi32>,
        %swap3A_444 = vector.shape_cast %swap3A_443 : vector<16xi32> to vector<16xi32>
        %swap3A_445 = vector.shape_cast %shift_right_logical3A_441 : vector<16xi32> to vector<16xi32>
        tpu.vector_store %arg11[%swap3A_442], %swap3A_445 {strides = array<i32>} : memref<80xi32, #tpu.memory_space<vmem>>, vector<16xi32>,
        %and3A_446 = arith.constant 16383 : i32
        %and3A_447 = vector.broadcast %and3A_446 : i32 to vector<16xi32>
        %and3A_448 = arith.andi %get3A_438, %and3A_447 : vector<16xi32>
        %swap3A_449 = arith.constant 32 : index
        %swap3A_450 = tpu.vector_load %arg14[%swap3A_449] {strides = array<i32>} : memref<80xi32, #tpu.memory_space<vmem>>, vector<16xi32>,
        %swap3A_451 = vector.shape_cast %swap3A_450 : vector<16xi32> to vector<16xi32>
        %swap3A_452 = vector.shape_cast %and3A_448 : vector<16xi32> to vector<16xi32>
        tpu.vector_store %arg14[%swap3A_449], %swap3A_452 {strides = array<i32>} : memref<80xi32, #tpu.memory_space<vmem>>, vector<16xi32>,
        %get3A_453 = arith.index_cast %add3A_398 : i32 to index
        %get3A_454 = arith.constant 48 : index
        %get3A_455 = tpu.vector_load %arg8[%get3A_453, %get3A_454] {strides = array<i32>} : memref<126x80xi32, #tpu.memory_space<vmem>>, vector<1x16xi32>,
        %get3A_456 = vector.shape_cast %get3A_455 : vector<1x16xi32> to vector<16xi32>
        %shift_right_logical3A_457 = arith.constant 14 : i32
        %shift_right_logical3A_458 = vector.broadcast %shift_right_logical3A_457 : i32 to vector<16xi32>
        %shift_right_logical3A_459 = arith.shrui %get3A_456, %shift_right_logical3A_458 : vector<16xi32>
        %swap3A_460 = arith.constant 48 : index
        %swap3A_461 = tpu.vector_load %arg11[%swap3A_460] {strides = array<i32>} : memref<80xi32, #tpu.memory_space<vmem>>, vector<16xi32>,
        %swap3A_462 = vector.shape_cast %swap3A_461 : vector<16xi32> to vector<16xi32>
        %swap3A_463 = vector.shape_cast %shift_right_logical3A_459 : vector<16xi32> to vector<16xi32>
        tpu.vector_store %arg11[%swap3A_460], %swap3A_463 {strides = array<i32>} : memref<80xi32, #tpu.memory_space<vmem>>, vector<16xi32>,
        %and3A_464 = arith.constant 16383 : i32
        %and3A_465 = vector.broadcast %and3A_464 : i32 to vector<16xi32>
        %and3A_466 = arith.andi %get3A_456, %and3A_465 : vector<16xi32>
        %swap3A_467 = arith.constant 48 : index
        %swap3A_468 = tpu.vector_load %arg14[%swap3A_467] {strides = array<i32>} : memref<80xi32, #tpu.memory_space<vmem>>, vector<16xi32>,
        %swap3A_469 = vector.shape_cast %swap3A_468 : vector<16xi32> to vector<16xi32>
        %swap3A_470 = vector.shape_cast %and3A_466 : vector<16xi32> to vector<16xi32>
        tpu.vector_store %arg14[%swap3A_467], %swap3A_470 {strides = array<i32>} : memref<80xi32, #tpu.memory_space<vmem>>, vector<16xi32>,
        %get3A_471 = arith.index_cast %add3A_398 : i32 to index
        %get3A_472 = arith.constant 64 : index
        %get3A_473 = tpu.vector_load %arg8[%get3A_471, %get3A_472] {strides = array<i32>} : memref<126x80xi32, #tpu.memory_space<vmem>>, vector<1x16xi32>,
        %get3A_474 = vector.shape_cast %get3A_473 : vector<1x16xi32> to vector<16xi32>
        %shift_right_logical3A_475 = arith.constant 14 : i32
        %shift_right_logical3A_476 = vector.broadcast %shift_right_logical3A_475 : i32 to vector<16xi32>
        %shift_right_logical3A_477 = arith.shrui %get3A_474, %shift_right_logical3A_476 : vector<16xi32>
        %swap3A_478 = arith.constant 64 : index
        %swap3A_479 = tpu.vector_load %arg11[%swap3A_478] {strides = array<i32>} : memref<80xi32, #tpu.memory_space<vmem>>, vector<16xi32>,
        %swap3A_480 = vector.shape_cast %swap3A_479 : vector<16xi32> to vector<16xi32>
        %swap3A_481 = vector.shape_cast %shift_right_logical3A_477 : vector<16xi32> to vector<16xi32>
        tpu.vector_store %arg11[%swap3A_478], %swap3A_481 {strides = array<i32>} : memref<80xi32, #tpu.memory_space<vmem>>, vector<16xi32>,
        %and3A_482 = arith.constant 16383 : i32
        %and3A_483 = vector.broadcast %and3A_482 : i32 to vector<16xi32>
        %and3A_484 = arith.andi %get3A_474, %and3A_483 : vector<16xi32>
        %swap3A_485 = arith.constant 64 : index
        %swap3A_486 = tpu.vector_load %arg14[%swap3A_485] {strides = array<i32>} : memref<80xi32, #tpu.memory_space<vmem>>, vector<16xi32>,
        %swap3A_487 = vector.shape_cast %swap3A_486 : vector<16xi32> to vector<16xi32>
        %swap3A_488 = vector.shape_cast %and3A_484 : vector<16xi32> to vector<16xi32>
        tpu.vector_store %arg14[%swap3A_485], %swap3A_488 {strides = array<i32>} : memref<80xi32, #tpu.memory_space<vmem>>, vector<16xi32>,
        %dma_start3A_489 = arith.constant 0 : i32
        %dma_start3A_490 = arith.constant 0 : i32
        %dma_start3A_491 = tpu.memref_slice %arg7[%dma_start3A_489, %dma_start3A_490] : memref<80x128xf32, #tpu.memory_space<vmem>> -> memref<32x128xf32, #tpu.memory_space<vmem>>
        %dma_start3A_492 = arith.constant 0 : i32
        %dma_start3A_493 = tpu.memref_slice %arg11[%dma_start3A_492] : memref<80xi32, #tpu.memory_space<vmem>> -> memref<32xi32, #tpu.memory_space<vmem>>
        %dma_start3A_494 = arith.constant 0 : i32
        %dma_start3A_495 = arith.constant 0 : i32
        %dma_start3A_496 = tpu.memref_slice %arg2[%dma_start3A_494, %dma_start3A_495] : memref<10000x128xf32, #tpu.memory_space<hbm>> -> memref<10000x128xf32, #tpu.memory_space<hbm>>
        tpu.enqueue_indirect_dma source(%dma_start3A_496 : memref<10000x128xf32, #tpu.memory_space<hbm>>) target(%dma_start3A_491 : memref<32x128xf32, #tpu.memory_space<vmem>>) offsets(%dma_start3A_493 : memref<32xi32, #tpu.memory_space<vmem>>) semaphore(%arg18 : memref<!tpu.dma_semaphore, #tpu.memory_space<semaphore_mem>>)
        %dma_start3A_497 = arith.constant 32 : i32
        %dma_start3A_498 = arith.constant 0 : i32
        %dma_start3A_499 = tpu.memref_slice %arg7[%dma_start3A_497, %dma_start3A_498] : memref<80x128xf32, #tpu.memory_space<vmem>> -> memref<48x128xf32, #tpu.memory_space<vmem>>
        %dma_start3A_500 = arith.constant 32 : i32
        %dma_start3A_501 = tpu.memref_slice %arg11[%dma_start3A_500] : memref<80xi32, #tpu.memory_space<vmem>> -> memref<48xi32, #tpu.memory_space<vmem>>
        %dma_start3A_502 = arith.constant 0 : i32
        %dma_start3A_503 = arith.constant 0 : i32
        %dma_start3A_504 = tpu.memref_slice %arg2[%dma_start3A_502, %dma_start3A_503] : memref<10000x128xf32, #tpu.memory_space<hbm>> -> memref<10000x128xf32, #tpu.memory_space<hbm>>
        tpu.enqueue_indirect_dma source(%dma_start3A_504 : memref<10000x128xf32, #tpu.memory_space<hbm>>) target(%dma_start3A_499 : memref<48x128xf32, #tpu.memory_space<vmem>>) offsets(%dma_start3A_501 : memref<48xi32, #tpu.memory_space<vmem>>) semaphore(%arg21 : memref<!tpu.dma_semaphore, #tpu.memory_space<semaphore_mem>>)
      } else {
      }
      %mul3A_317 = arith.constant 3 : i32
      %mul3A_318 = arith.muli %mul3A_317, %scan3A_277 : i32
      %add3A_319 = arith.constant 1 : i32
      %add3A_320 = arith.addi %mul3A_318, %add3A_319 : i32
      %dma_wait3A_321 = arith.constant 0 : i32
      %dma_wait3A_322 = arith.constant 0 : i32
      %dma_wait3A_323 = tpu.memref_slice %arg6[%dma_wait3A_321, %dma_wait3A_322] : memref<80x128xf32, #tpu.memory_space<vmem>> -> memref<32x128xf32, #tpu.memory_space<vmem>>
      %dma_wait3A_324 = arith.constant 0 : i32
      %dma_wait3A_325 = tpu.memref_slice %arg10[%dma_wait3A_324] : memref<80xi32, #tpu.memory_space<vmem>> -> memref<32xi32, #tpu.memory_space<vmem>>
      %dma_wait3A_326 = arith.constant 0 : i32
      %dma_wait3A_327 = arith.constant 0 : i32
      %dma_wait3A_328 = tpu.memref_slice %arg2[%dma_wait3A_326, %dma_wait3A_327] : memref<10000x128xf32, #tpu.memory_space<hbm>> -> memref<10000x128xf32, #tpu.memory_space<hbm>>
      tpu.wait_indirect_dma semaphore(%arg17 : memref<!tpu.dma_semaphore, #tpu.memory_space<semaphore_mem>>) src(%dma_wait3A_328 : memref<10000x128xf32, #tpu.memory_space<hbm>>) dst(%dma_wait3A_323 : memref<32x128xf32, #tpu.memory_space<vmem>>)
      %dma_wait3A_329 = arith.constant 32 : i32
      %dma_wait3A_330 = arith.constant 0 : i32
      %dma_wait3A_331 = tpu.memref_slice %arg6[%dma_wait3A_329, %dma_wait3A_330] : memref<80x128xf32, #tpu.memory_space<vmem>> -> memref<48x128xf32, #tpu.memory_space<vmem>>
      %dma_wait3A_332 = arith.constant 32 : i32
      %dma_wait3A_333 = tpu.memref_slice %arg10[%dma_wait3A_332] : memref<80xi32, #tpu.memory_space<vmem>> -> memref<48xi32, #tpu.memory_space<vmem>>
      %dma_wait3A_334 = arith.constant 0 : i32
      %dma_wait3A_335 = arith.constant 0 : i32
      %dma_wait3A_336 = tpu.memref_slice %arg2[%dma_wait3A_334, %dma_wait3A_335] : memref<10000x128xf32, #tpu.memory_space<hbm>> -> memref<10000x128xf32, #tpu.memory_space<hbm>>
      tpu.wait_indirect_dma semaphore(%arg20 : memref<!tpu.dma_semaphore, #tpu.memory_space<semaphore_mem>>) src(%dma_wait3A_336 : memref<10000x128xf32, #tpu.memory_space<hbm>>) dst(%dma_wait3A_331 : memref<48x128xf32, #tpu.memory_space<vmem>>)
      %dma_start3A_337 = arith.constant 0 : i32
      %dma_start3A_338 = arith.constant 0 : i32
      %dma_start3A_339 = tpu.memref_slice %arg15[%dma_start3A_337, %dma_start3A_338] : memref<10112x128xf32, #tpu.memory_space<vmem_shared>> -> memref<10112x128xf32, #tpu.memory_space<vmem_shared>>
      tpu.enqueue_indirect_dma source(%arg6 : memref<80x128xf32, #tpu.memory_space<vmem>>) target(%dma_start3A_339 : memref<10112x128xf32, #tpu.memory_space<vmem_shared>>) offsets(%arg13 : memref<80xi32, #tpu.memory_space<vmem>>) semaphore(%arg23 : memref<!tpu.dma_semaphore, #tpu.memory_space<semaphore_mem>>) {add = true}
      %ge3A_340 = arith.constant 1 : i32
      %ge3A_341 = arith.cmpi sge, %add3A_320, %ge3A_340 : i32
      %add3A_342 = arith.constant 2 : i32
      %add3A_343 = arith.addi %add3A_320, %add3A_342 : i32
      %lt3A_344 = arith.constant 126 : i32
      %lt3A_345 = arith.cmpi slt, %add3A_343, %lt3A_344 : i32
      %and3A_346 = arith.andi %ge3A_341, %lt3A_345 : i1
      %convert_element_type3A_347 = arith.extui %and3A_346 : i1 to i32
      %cond3A_348 = arith.constant 0 : i32
      %cond3A_349 = arith.cmpi ne, %convert_element_type3A_347, %cond3A_348 : i32
      scf.if %cond3A_349 {
        %dma_wait3A_397 = arith.constant 0 : i32
        %dma_wait3A_398 = arith.constant 0 : i32
        %dma_wait3A_399 = tpu.memref_slice %arg15[%dma_wait3A_397, %dma_wait3A_398] : memref<10112x128xf32, #tpu.memory_space<vmem_shared>> -> memref<10112x128xf32, #tpu.memory_space<vmem_shared>>
        tpu.wait_indirect_dma semaphore(%arg22 : memref<!tpu.dma_semaphore, #tpu.memory_space<semaphore_mem>>) src(%arg5 : memref<80x128xf32, #tpu.memory_space<vmem>>) dst(%dma_wait3A_399 : memref<10112x128xf32, #tpu.memory_space<vmem_shared>>)
      } else {
      }
      %add3A_350 = arith.constant 2 : i32
      %add3A_351 = arith.addi %add3A_320, %add3A_350 : i32
      %lt3A_352 = arith.constant 126 : i32
      %lt3A_353 = arith.cmpi slt, %add3A_351, %lt3A_352 : i32
      %convert_element_type3A_354 = arith.extui %lt3A_353 : i1 to i32
      %cond3A_355 = arith.constant 0 : i32
      %cond3A_356 = arith.cmpi ne, %convert_element_type3A_354, %cond3A_355 : i32
      scf.if %cond3A_356 {
        %add3A_397 = arith.constant 2 : i32
        %add3A_398 = arith.addi %add3A_320, %add3A_397 : i32
        %get3A_399 = arith.index_cast %add3A_398 : i32 to index
        %get3A_400 = arith.constant 0 : index
        %get3A_401 = tpu.vector_load %arg8[%get3A_399, %get3A_400] {strides = array<i32>} : memref<126x80xi32, #tpu.memory_space<vmem>>, vector<1x16xi32>,
        %get3A_402 = vector.shape_cast %get3A_401 : vector<1x16xi32> to vector<16xi32>
        %shift_right_logical3A_403 = arith.constant 14 : i32
        %shift_right_logical3A_404 = vector.broadcast %shift_right_logical3A_403 : i32 to vector<16xi32>
        %shift_right_logical3A_405 = arith.shrui %get3A_402, %shift_right_logical3A_404 : vector<16xi32>
        %swap3A_406 = arith.constant 0 : index
        %swap3A_407 = tpu.vector_load %arg9[%swap3A_406] {strides = array<i32>} : memref<80xi32, #tpu.memory_space<vmem>>, vector<16xi32>,
        %swap3A_408 = vector.shape_cast %swap3A_407 : vector<16xi32> to vector<16xi32>
        %swap3A_409 = vector.shape_cast %shift_right_logical3A_405 : vector<16xi32> to vector<16xi32>
        tpu.vector_store %arg9[%swap3A_406], %swap3A_409 {strides = array<i32>} : memref<80xi32, #tpu.memory_space<vmem>>, vector<16xi32>,
        %and3A_410 = arith.constant 16383 : i32
        %and3A_411 = vector.broadcast %and3A_410 : i32 to vector<16xi32>
        %and3A_412 = arith.andi %get3A_402, %and3A_411 : vector<16xi32>
        %swap3A_413 = arith.constant 0 : index
        %swap3A_414 = tpu.vector_load %arg12[%swap3A_413] {strides = array<i32>} : memref<80xi32, #tpu.memory_space<vmem>>, vector<16xi32>,
        %swap3A_415 = vector.shape_cast %swap3A_414 : vector<16xi32> to vector<16xi32>
        %swap3A_416 = vector.shape_cast %and3A_412 : vector<16xi32> to vector<16xi32>
        tpu.vector_store %arg12[%swap3A_413], %swap3A_416 {strides = array<i32>} : memref<80xi32, #tpu.memory_space<vmem>>, vector<16xi32>,
        %get3A_417 = arith.index_cast %add3A_398 : i32 to index
        %get3A_418 = arith.constant 16 : index
        %get3A_419 = tpu.vector_load %arg8[%get3A_417, %get3A_418] {strides = array<i32>} : memref<126x80xi32, #tpu.memory_space<vmem>>, vector<1x16xi32>,
        %get3A_420 = vector.shape_cast %get3A_419 : vector<1x16xi32> to vector<16xi32>
        %shift_right_logical3A_421 = arith.constant 14 : i32
        %shift_right_logical3A_422 = vector.broadcast %shift_right_logical3A_421 : i32 to vector<16xi32>
        %shift_right_logical3A_423 = arith.shrui %get3A_420, %shift_right_logical3A_422 : vector<16xi32>
        %swap3A_424 = arith.constant 16 : index
        %swap3A_425 = tpu.vector_load %arg9[%swap3A_424] {strides = array<i32>} : memref<80xi32, #tpu.memory_space<vmem>>, vector<16xi32>,
        %swap3A_426 = vector.shape_cast %swap3A_425 : vector<16xi32> to vector<16xi32>
        %swap3A_427 = vector.shape_cast %shift_right_logical3A_423 : vector<16xi32> to vector<16xi32>
        tpu.vector_store %arg9[%swap3A_424], %swap3A_427 {strides = array<i32>} : memref<80xi32, #tpu.memory_space<vmem>>, vector<16xi32>,
        %and3A_428 = arith.constant 16383 : i32
        %and3A_429 = vector.broadcast %and3A_428 : i32 to vector<16xi32>
        %and3A_430 = arith.andi %get3A_420, %and3A_429 : vector<16xi32>
        %swap3A_431 = arith.constant 16 : index
        %swap3A_432 = tpu.vector_load %arg12[%swap3A_431] {strides = array<i32>} : memref<80xi32, #tpu.memory_space<vmem>>, vector<16xi32>,
        %swap3A_433 = vector.shape_cast %swap3A_432 : vector<16xi32> to vector<16xi32>
        %swap3A_434 = vector.shape_cast %and3A_430 : vector<16xi32> to vector<16xi32>
        tpu.vector_store %arg12[%swap3A_431], %swap3A_434 {strides = array<i32>} : memref<80xi32, #tpu.memory_space<vmem>>, vector<16xi32>,
        %get3A_435 = arith.index_cast %add3A_398 : i32 to index
        %get3A_436 = arith.constant 32 : index
        %get3A_437 = tpu.vector_load %arg8[%get3A_435, %get3A_436] {strides = array<i32>} : memref<126x80xi32, #tpu.memory_space<vmem>>, vector<1x16xi32>,
        %get3A_438 = vector.shape_cast %get3A_437 : vector<1x16xi32> to vector<16xi32>
        %shift_right_logical3A_439 = arith.constant 14 : i32
        %shift_right_logical3A_440 = vector.broadcast %shift_right_logical3A_439 : i32 to vector<16xi32>
        %shift_right_logical3A_441 = arith.shrui %get3A_438, %shift_right_logical3A_440 : vector<16xi32>
        %swap3A_442 = arith.constant 32 : index
        %swap3A_443 = tpu.vector_load %arg9[%swap3A_442] {strides = array<i32>} : memref<80xi32, #tpu.memory_space<vmem>>, vector<16xi32>,
        %swap3A_444 = vector.shape_cast %swap3A_443 : vector<16xi32> to vector<16xi32>
        %swap3A_445 = vector.shape_cast %shift_right_logical3A_441 : vector<16xi32> to vector<16xi32>
        tpu.vector_store %arg9[%swap3A_442], %swap3A_445 {strides = array<i32>} : memref<80xi32, #tpu.memory_space<vmem>>, vector<16xi32>,
        %and3A_446 = arith.constant 16383 : i32
        %and3A_447 = vector.broadcast %and3A_446 : i32 to vector<16xi32>
        %and3A_448 = arith.andi %get3A_438, %and3A_447 : vector<16xi32>
        %swap3A_449 = arith.constant 32 : index
        %swap3A_450 = tpu.vector_load %arg12[%swap3A_449] {strides = array<i32>} : memref<80xi32, #tpu.memory_space<vmem>>, vector<16xi32>,
        %swap3A_451 = vector.shape_cast %swap3A_450 : vector<16xi32> to vector<16xi32>
        %swap3A_452 = vector.shape_cast %and3A_448 : vector<16xi32> to vector<16xi32>
        tpu.vector_store %arg12[%swap3A_449], %swap3A_452 {strides = array<i32>} : memref<80xi32, #tpu.memory_space<vmem>>, vector<16xi32>,
        %get3A_453 = arith.index_cast %add3A_398 : i32 to index
        %get3A_454 = arith.constant 48 : index
        %get3A_455 = tpu.vector_load %arg8[%get3A_453, %get3A_454] {strides = array<i32>} : memref<126x80xi32, #tpu.memory_space<vmem>>, vector<1x16xi32>,
        %get3A_456 = vector.shape_cast %get3A_455 : vector<1x16xi32> to vector<16xi32>
        %shift_right_logical3A_457 = arith.constant 14 : i32
        %shift_right_logical3A_458 = vector.broadcast %shift_right_logical3A_457 : i32 to vector<16xi32>
        %shift_right_logical3A_459 = arith.shrui %get3A_456, %shift_right_logical3A_458 : vector<16xi32>
        %swap3A_460 = arith.constant 48 : index
        %swap3A_461 = tpu.vector_load %arg9[%swap3A_460] {strides = array<i32>} : memref<80xi32, #tpu.memory_space<vmem>>, vector<16xi32>,
        %swap3A_462 = vector.shape_cast %swap3A_461 : vector<16xi32> to vector<16xi32>
        %swap3A_463 = vector.shape_cast %shift_right_logical3A_459 : vector<16xi32> to vector<16xi32>
        tpu.vector_store %arg9[%swap3A_460], %swap3A_463 {strides = array<i32>} : memref<80xi32, #tpu.memory_space<vmem>>, vector<16xi32>,
        %and3A_464 = arith.constant 16383 : i32
        %and3A_465 = vector.broadcast %and3A_464 : i32 to vector<16xi32>
        %and3A_466 = arith.andi %get3A_456, %and3A_465 : vector<16xi32>
        %swap3A_467 = arith.constant 48 : index
        %swap3A_468 = tpu.vector_load %arg12[%swap3A_467] {strides = array<i32>} : memref<80xi32, #tpu.memory_space<vmem>>, vector<16xi32>,
        %swap3A_469 = vector.shape_cast %swap3A_468 : vector<16xi32> to vector<16xi32>
        %swap3A_470 = vector.shape_cast %and3A_466 : vector<16xi32> to vector<16xi32>
        tpu.vector_store %arg12[%swap3A_467], %swap3A_470 {strides = array<i32>} : memref<80xi32, #tpu.memory_space<vmem>>, vector<16xi32>,
        %get3A_471 = arith.index_cast %add3A_398 : i32 to index
        %get3A_472 = arith.constant 64 : index
        %get3A_473 = tpu.vector_load %arg8[%get3A_471, %get3A_472] {strides = array<i32>} : memref<126x80xi32, #tpu.memory_space<vmem>>, vector<1x16xi32>,
        %get3A_474 = vector.shape_cast %get3A_473 : vector<1x16xi32> to vector<16xi32>
        %shift_right_logical3A_475 = arith.constant 14 : i32
        %shift_right_logical3A_476 = vector.broadcast %shift_right_logical3A_475 : i32 to vector<16xi32>
        %shift_right_logical3A_477 = arith.shrui %get3A_474, %shift_right_logical3A_476 : vector<16xi32>
        %swap3A_478 = arith.constant 64 : index
        %swap3A_479 = tpu.vector_load %arg9[%swap3A_478] {strides = array<i32>} : memref<80xi32, #tpu.memory_space<vmem>>, vector<16xi32>,
        %swap3A_480 = vector.shape_cast %swap3A_479 : vector<16xi32> to vector<16xi32>
        %swap3A_481 = vector.shape_cast %shift_right_logical3A_477 : vector<16xi32> to vector<16xi32>
        tpu.vector_store %arg9[%swap3A_478], %swap3A_481 {strides = array<i32>} : memref<80xi32, #tpu.memory_space<vmem>>, vector<16xi32>,
        %and3A_482 = arith.constant 16383 : i32
        %and3A_483 = vector.broadcast %and3A_482 : i32 to vector<16xi32>
        %and3A_484 = arith.andi %get3A_474, %and3A_483 : vector<16xi32>
        %swap3A_485 = arith.constant 64 : index
        %swap3A_486 = tpu.vector_load %arg12[%swap3A_485] {strides = array<i32>} : memref<80xi32, #tpu.memory_space<vmem>>, vector<16xi32>,
        %swap3A_487 = vector.shape_cast %swap3A_486 : vector<16xi32> to vector<16xi32>
        %swap3A_488 = vector.shape_cast %and3A_484 : vector<16xi32> to vector<16xi32>
        tpu.vector_store %arg12[%swap3A_485], %swap3A_488 {strides = array<i32>} : memref<80xi32, #tpu.memory_space<vmem>>, vector<16xi32>,
        %dma_start3A_489 = arith.constant 0 : i32
        %dma_start3A_490 = arith.constant 0 : i32
        %dma_start3A_491 = tpu.memref_slice %arg5[%dma_start3A_489, %dma_start3A_490] : memref<80x128xf32, #tpu.memory_space<vmem>> -> memref<32x128xf32, #tpu.memory_space<vmem>>
        %dma_start3A_492 = arith.constant 0 : i32
        %dma_start3A_493 = tpu.memref_slice %arg9[%dma_start3A_492] : memref<80xi32, #tpu.memory_space<vmem>> -> memref<32xi32, #tpu.memory_space<vmem>>
        %dma_start3A_494 = arith.constant 0 : i32
        %dma_start3A_495 = arith.constant 0 : i32
        %dma_start3A_496 = tpu.memref_slice %arg2[%dma_start3A_494, %dma_start3A_495] : memref<10000x128xf32, #tpu.memory_space<hbm>> -> memref<10000x128xf32, #tpu.memory_space<hbm>>
        tpu.enqueue_indirect_dma source(%dma_start3A_496 : memref<10000x128xf32, #tpu.memory_space<hbm>>) target(%dma_start3A_491 : memref<32x128xf32, #tpu.memory_space<vmem>>) offsets(%dma_start3A_493 : memref<32xi32, #tpu.memory_space<vmem>>) semaphore(%arg16 : memref<!tpu.dma_semaphore, #tpu.memory_space<semaphore_mem>>)
        %dma_start3A_497 = arith.constant 32 : i32
        %dma_start3A_498 = arith.constant 0 : i32
        %dma_start3A_499 = tpu.memref_slice %arg5[%dma_start3A_497, %dma_start3A_498] : memref<80x128xf32, #tpu.memory_space<vmem>> -> memref<48x128xf32, #tpu.memory_space<vmem>>
        %dma_start3A_500 = arith.constant 32 : i32
        %dma_start3A_501 = tpu.memref_slice %arg9[%dma_start3A_500] : memref<80xi32, #tpu.memory_space<vmem>> -> memref<48xi32, #tpu.memory_space<vmem>>
        %dma_start3A_502 = arith.constant 0 : i32
        %dma_start3A_503 = arith.constant 0 : i32
        %dma_start3A_504 = tpu.memref_slice %arg2[%dma_start3A_502, %dma_start3A_503] : memref<10000x128xf32, #tpu.memory_space<hbm>> -> memref<10000x128xf32, #tpu.memory_space<hbm>>
        tpu.enqueue_indirect_dma source(%dma_start3A_504 : memref<10000x128xf32, #tpu.memory_space<hbm>>) target(%dma_start3A_499 : memref<48x128xf32, #tpu.memory_space<vmem>>) offsets(%dma_start3A_501 : memref<48xi32, #tpu.memory_space<vmem>>) semaphore(%arg19 : memref<!tpu.dma_semaphore, #tpu.memory_space<semaphore_mem>>)
      } else {
      }
      %mul3A_357 = arith.constant 3 : i32
      %mul3A_358 = arith.muli %mul3A_357, %scan3A_277 : i32
      %add3A_359 = arith.constant 2 : i32
      %add3A_360 = arith.addi %mul3A_358, %add3A_359 : i32
      %dma_wait3A_361 = arith.constant 0 : i32
      %dma_wait3A_362 = arith.constant 0 : i32
      %dma_wait3A_363 = tpu.memref_slice %arg7[%dma_wait3A_361, %dma_wait3A_362] : memref<80x128xf32, #tpu.memory_space<vmem>> -> memref<32x128xf32, #tpu.memory_space<vmem>>
      %dma_wait3A_364 = arith.constant 0 : i32
      %dma_wait3A_365 = tpu.memref_slice %arg11[%dma_wait3A_364] : memref<80xi32, #tpu.memory_space<vmem>> -> memref<32xi32, #tpu.memory_space<vmem>>
      %dma_wait3A_366 = arith.constant 0 : i32
      %dma_wait3A_367 = arith.constant 0 : i32
      %dma_wait3A_368 = tpu.memref_slice %arg2[%dma_wait3A_366, %dma_wait3A_367] : memref<10000x128xf32, #tpu.memory_space<hbm>> -> memref<10000x128xf32, #tpu.memory_space<hbm>>
      tpu.wait_indirect_dma semaphore(%arg18 : memref<!tpu.dma_semaphore, #tpu.memory_space<semaphore_mem>>) src(%dma_wait3A_368 : memref<10000x128xf32, #tpu.memory_space<hbm>>) dst(%dma_wait3A_363 : memref<32x128xf32, #tpu.memory_space<vmem>>)
      %dma_wait3A_369 = arith.constant 32 : i32
      %dma_wait3A_370 = arith.constant 0 : i32
      %dma_wait3A_371 = tpu.memref_slice %arg7[%dma_wait3A_369, %dma_wait3A_370] : memref<80x128xf32, #tpu.memory_space<vmem>> -> memref<48x128xf32, #tpu.memory_space<vmem>>
      %dma_wait3A_372 = arith.constant 32 : i32
      %dma_wait3A_373 = tpu.memref_slice %arg11[%dma_wait3A_372] : memref<80xi32, #tpu.memory_space<vmem>> -> memref<48xi32, #tpu.memory_space<vmem>>
      %dma_wait3A_374 = arith.constant 0 : i32
      %dma_wait3A_375 = arith.constant 0 : i32
      %dma_wait3A_376 = tpu.memref_slice %arg2[%dma_wait3A_374, %dma_wait3A_375] : memref<10000x128xf32, #tpu.memory_space<hbm>> -> memref<10000x128xf32, #tpu.memory_space<hbm>>
      tpu.wait_indirect_dma semaphore(%arg21 : memref<!tpu.dma_semaphore, #tpu.memory_space<semaphore_mem>>) src(%dma_wait3A_376 : memref<10000x128xf32, #tpu.memory_space<hbm>>) dst(%dma_wait3A_371 : memref<48x128xf32, #tpu.memory_space<vmem>>)
      %dma_start3A_377 = arith.constant 0 : i32
      %dma_start3A_378 = arith.constant 0 : i32
      %dma_start3A_379 = tpu.memref_slice %arg15[%dma_start3A_377, %dma_start3A_378] : memref<10112x128xf32, #tpu.memory_space<vmem_shared>> -> memref<10112x128xf32, #tpu.memory_space<vmem_shared>>
      tpu.enqueue_indirect_dma source(%arg7 : memref<80x128xf32, #tpu.memory_space<vmem>>) target(%dma_start3A_379 : memref<10112x128xf32, #tpu.memory_space<vmem_shared>>) offsets(%arg14 : memref<80xi32, #tpu.memory_space<vmem>>) semaphore(%arg24 : memref<!tpu.dma_semaphore, #tpu.memory_space<semaphore_mem>>) {add = true}
      %ge3A_380 = arith.constant 1 : i32
      %ge3A_381 = arith.cmpi sge, %add3A_360, %ge3A_380 : i32
      %add3A_382 = arith.constant 2 : i32
      %add3A_383 = arith.addi %add3A_360, %add3A_382 : i32
      %lt3A_384 = arith.constant 126 : i32
      %lt3A_385 = arith.cmpi slt, %add3A_383, %lt3A_384 : i32
      %and3A_386 = arith.andi %ge3A_381, %lt3A_385 : i1
      %convert_element_type3A_387 = arith.extui %and3A_386 : i1 to i32
      %cond3A_388 = arith.constant 0 : i32
      %cond3A_389 = arith.cmpi ne, %convert_element_type3A_387, %cond3A_388 : i32
      scf.if %cond3A_389 {
        %dma_wait3A_397 = arith.constant 0 : i32
        %dma_wait3A_398 = arith.constant 0 : i32
        %dma_wait3A_399 = tpu.memref_slice %arg15[%dma_wait3A_397, %dma_wait3A_398] : memref<10112x128xf32, #tpu.memory_space<vmem_shared>> -> memref<10112x128xf32, #tpu.memory_space<vmem_shared>>
        tpu.wait_indirect_dma semaphore(%arg23 : memref<!tpu.dma_semaphore, #tpu.memory_space<semaphore_mem>>) src(%arg6 : memref<80x128xf32, #tpu.memory_space<vmem>>) dst(%dma_wait3A_399 : memref<10112x128xf32, #tpu.memory_space<vmem_shared>>)
      } else {
      }
      %add3A_390 = arith.constant 2 : i32
      %add3A_391 = arith.addi %add3A_360, %add3A_390 : i32
      %lt3A_392 = arith.constant 126 : i32
      %lt3A_393 = arith.cmpi slt, %add3A_391, %lt3A_392 : i32
      %convert_element_type3A_394 = arith.extui %lt3A_393 : i1 to i32
      %cond3A_395 = arith.constant 0 : i32
      %cond3A_396 = arith.cmpi ne, %convert_element_type3A_394, %cond3A_395 : i32
      scf.if %cond3A_396 {
        %add3A_397 = arith.constant 2 : i32
        %add3A_398 = arith.addi %add3A_360, %add3A_397 : i32
        %get3A_399 = arith.index_cast %add3A_398 : i32 to index
        %get3A_400 = arith.constant 0 : index
        %get3A_401 = tpu.vector_load %arg8[%get3A_399, %get3A_400] {strides = array<i32>} : memref<126x80xi32, #tpu.memory_space<vmem>>, vector<1x16xi32>,
        %get3A_402 = vector.shape_cast %get3A_401 : vector<1x16xi32> to vector<16xi32>
        %shift_right_logical3A_403 = arith.constant 14 : i32
        %shift_right_logical3A_404 = vector.broadcast %shift_right_logical3A_403 : i32 to vector<16xi32>
        %shift_right_logical3A_405 = arith.shrui %get3A_402, %shift_right_logical3A_404 : vector<16xi32>
        %swap3A_406 = arith.constant 0 : index
        %swap3A_407 = tpu.vector_load %arg10[%swap3A_406] {strides = array<i32>} : memref<80xi32, #tpu.memory_space<vmem>>, vector<16xi32>,
        %swap3A_408 = vector.shape_cast %swap3A_407 : vector<16xi32> to vector<16xi32>
        %swap3A_409 = vector.shape_cast %shift_right_logical3A_405 : vector<16xi32> to vector<16xi32>
        tpu.vector_store %arg10[%swap3A_406], %swap3A_409 {strides = array<i32>} : memref<80xi32, #tpu.memory_space<vmem>>, vector<16xi32>,
        %and3A_410 = arith.constant 16383 : i32
        %and3A_411 = vector.broadcast %and3A_410 : i32 to vector<16xi32>
        %and3A_412 = arith.andi %get3A_402, %and3A_411 : vector<16xi32>
        %swap3A_413 = arith.constant 0 : index
        %swap3A_414 = tpu.vector_load %arg13[%swap3A_413] {strides = array<i32>} : memref<80xi32, #tpu.memory_space<vmem>>, vector<16xi32>,
        %swap3A_415 = vector.shape_cast %swap3A_414 : vector<16xi32> to vector<16xi32>
        %swap3A_416 = vector.shape_cast %and3A_412 : vector<16xi32> to vector<16xi32>
        tpu.vector_store %arg13[%swap3A_413], %swap3A_416 {strides = array<i32>} : memref<80xi32, #tpu.memory_space<vmem>>, vector<16xi32>,
        %get3A_417 = arith.index_cast %add3A_398 : i32 to index
        %get3A_418 = arith.constant 16 : index
        %get3A_419 = tpu.vector_load %arg8[%get3A_417, %get3A_418] {strides = array<i32>} : memref<126x80xi32, #tpu.memory_space<vmem>>, vector<1x16xi32>,
        %get3A_420 = vector.shape_cast %get3A_419 : vector<1x16xi32> to vector<16xi32>
        %shift_right_logical3A_421 = arith.constant 14 : i32
        %shift_right_logical3A_422 = vector.broadcast %shift_right_logical3A_421 : i32 to vector<16xi32>
        %shift_right_logical3A_423 = arith.shrui %get3A_420, %shift_right_logical3A_422 : vector<16xi32>
        %swap3A_424 = arith.constant 16 : index
        %swap3A_425 = tpu.vector_load %arg10[%swap3A_424] {strides = array<i32>} : memref<80xi32, #tpu.memory_space<vmem>>, vector<16xi32>,
        %swap3A_426 = vector.shape_cast %swap3A_425 : vector<16xi32> to vector<16xi32>
        %swap3A_427 = vector.shape_cast %shift_right_logical3A_423 : vector<16xi32> to vector<16xi32>
        tpu.vector_store %arg10[%swap3A_424], %swap3A_427 {strides = array<i32>} : memref<80xi32, #tpu.memory_space<vmem>>, vector<16xi32>,
        %and3A_428 = arith.constant 16383 : i32
        %and3A_429 = vector.broadcast %and3A_428 : i32 to vector<16xi32>
        %and3A_430 = arith.andi %get3A_420, %and3A_429 : vector<16xi32>
        %swap3A_431 = arith.constant 16 : index
        %swap3A_432 = tpu.vector_load %arg13[%swap3A_431] {strides = array<i32>} : memref<80xi32, #tpu.memory_space<vmem>>, vector<16xi32>,
        %swap3A_433 = vector.shape_cast %swap3A_432 : vector<16xi32> to vector<16xi32>
        %swap3A_434 = vector.shape_cast %and3A_430 : vector<16xi32> to vector<16xi32>
        tpu.vector_store %arg13[%swap3A_431], %swap3A_434 {strides = array<i32>} : memref<80xi32, #tpu.memory_space<vmem>>, vector<16xi32>,
        %get3A_435 = arith.index_cast %add3A_398 : i32 to index
        %get3A_436 = arith.constant 32 : index
        %get3A_437 = tpu.vector_load %arg8[%get3A_435, %get3A_436] {strides = array<i32>} : memref<126x80xi32, #tpu.memory_space<vmem>>, vector<1x16xi32>,
        %get3A_438 = vector.shape_cast %get3A_437 : vector<1x16xi32> to vector<16xi32>
        %shift_right_logical3A_439 = arith.constant 14 : i32
        %shift_right_logical3A_440 = vector.broadcast %shift_right_logical3A_439 : i32 to vector<16xi32>
        %shift_right_logical3A_441 = arith.shrui %get3A_438, %shift_right_logical3A_440 : vector<16xi32>
        %swap3A_442 = arith.constant 32 : index
        %swap3A_443 = tpu.vector_load %arg10[%swap3A_442] {strides = array<i32>} : memref<80xi32, #tpu.memory_space<vmem>>, vector<16xi32>,
        %swap3A_444 = vector.shape_cast %swap3A_443 : vector<16xi32> to vector<16xi32>
        %swap3A_445 = vector.shape_cast %shift_right_logical3A_441 : vector<16xi32> to vector<16xi32>
        tpu.vector_store %arg10[%swap3A_442], %swap3A_445 {strides = array<i32>} : memref<80xi32, #tpu.memory_space<vmem>>, vector<16xi32>,
        %and3A_446 = arith.constant 16383 : i32
        %and3A_447 = vector.broadcast %and3A_446 : i32 to vector<16xi32>
        %and3A_448 = arith.andi %get3A_438, %and3A_447 : vector<16xi32>
        %swap3A_449 = arith.constant 32 : index
        %swap3A_450 = tpu.vector_load %arg13[%swap3A_449] {strides = array<i32>} : memref<80xi32, #tpu.memory_space<vmem>>, vector<16xi32>,
        %swap3A_451 = vector.shape_cast %swap3A_450 : vector<16xi32> to vector<16xi32>
        %swap3A_452 = vector.shape_cast %and3A_448 : vector<16xi32> to vector<16xi32>
        tpu.vector_store %arg13[%swap3A_449], %swap3A_452 {strides = array<i32>} : memref<80xi32, #tpu.memory_space<vmem>>, vector<16xi32>,
        %get3A_453 = arith.index_cast %add3A_398 : i32 to index
        %get3A_454 = arith.constant 48 : index
        %get3A_455 = tpu.vector_load %arg8[%get3A_453, %get3A_454] {strides = array<i32>} : memref<126x80xi32, #tpu.memory_space<vmem>>, vector<1x16xi32>,
        %get3A_456 = vector.shape_cast %get3A_455 : vector<1x16xi32> to vector<16xi32>
        %shift_right_logical3A_457 = arith.constant 14 : i32
        %shift_right_logical3A_458 = vector.broadcast %shift_right_logical3A_457 : i32 to vector<16xi32>
        %shift_right_logical3A_459 = arith.shrui %get3A_456, %shift_right_logical3A_458 : vector<16xi32>
        %swap3A_460 = arith.constant 48 : index
        %swap3A_461 = tpu.vector_load %arg10[%swap3A_460] {strides = array<i32>} : memref<80xi32, #tpu.memory_space<vmem>>, vector<16xi32>,
        %swap3A_462 = vector.shape_cast %swap3A_461 : vector<16xi32> to vector<16xi32>
        %swap3A_463 = vector.shape_cast %shift_right_logical3A_459 : vector<16xi32> to vector<16xi32>
        tpu.vector_store %arg10[%swap3A_460], %swap3A_463 {strides = array<i32>} : memref<80xi32, #tpu.memory_space<vmem>>, vector<16xi32>,
        %and3A_464 = arith.constant 16383 : i32
        %and3A_465 = vector.broadcast %and3A_464 : i32 to vector<16xi32>
        %and3A_466 = arith.andi %get3A_456, %and3A_465 : vector<16xi32>
        %swap3A_467 = arith.constant 48 : index
        %swap3A_468 = tpu.vector_load %arg13[%swap3A_467] {strides = array<i32>} : memref<80xi32, #tpu.memory_space<vmem>>, vector<16xi32>,
        %swap3A_469 = vector.shape_cast %swap3A_468 : vector<16xi32> to vector<16xi32>
        %swap3A_470 = vector.shape_cast %and3A_466 : vector<16xi32> to vector<16xi32>
        tpu.vector_store %arg13[%swap3A_467], %swap3A_470 {strides = array<i32>} : memref<80xi32, #tpu.memory_space<vmem>>, vector<16xi32>,
        %get3A_471 = arith.index_cast %add3A_398 : i32 to index
        %get3A_472 = arith.constant 64 : index
        %get3A_473 = tpu.vector_load %arg8[%get3A_471, %get3A_472] {strides = array<i32>} : memref<126x80xi32, #tpu.memory_space<vmem>>, vector<1x16xi32>,
        %get3A_474 = vector.shape_cast %get3A_473 : vector<1x16xi32> to vector<16xi32>
        %shift_right_logical3A_475 = arith.constant 14 : i32
        %shift_right_logical3A_476 = vector.broadcast %shift_right_logical3A_475 : i32 to vector<16xi32>
        %shift_right_logical3A_477 = arith.shrui %get3A_474, %shift_right_logical3A_476 : vector<16xi32>
        %swap3A_478 = arith.constant 64 : index
        %swap3A_479 = tpu.vector_load %arg10[%swap3A_478] {strides = array<i32>} : memref<80xi32, #tpu.memory_space<vmem>>, vector<16xi32>,
        %swap3A_480 = vector.shape_cast %swap3A_479 : vector<16xi32> to vector<16xi32>
        %swap3A_481 = vector.shape_cast %shift_right_logical3A_477 : vector<16xi32> to vector<16xi32>
        tpu.vector_store %arg10[%swap3A_478], %swap3A_481 {strides = array<i32>} : memref<80xi32, #tpu.memory_space<vmem>>, vector<16xi32>,
        %and3A_482 = arith.constant 16383 : i32
        %and3A_483 = vector.broadcast %and3A_482 : i32 to vector<16xi32>
        %and3A_484 = arith.andi %get3A_474, %and3A_483 : vector<16xi32>
        %swap3A_485 = arith.constant 64 : index
        %swap3A_486 = tpu.vector_load %arg13[%swap3A_485] {strides = array<i32>} : memref<80xi32, #tpu.memory_space<vmem>>, vector<16xi32>,
        %swap3A_487 = vector.shape_cast %swap3A_486 : vector<16xi32> to vector<16xi32>
        %swap3A_488 = vector.shape_cast %and3A_484 : vector<16xi32> to vector<16xi32>
        tpu.vector_store %arg13[%swap3A_485], %swap3A_488 {strides = array<i32>} : memref<80xi32, #tpu.memory_space<vmem>>, vector<16xi32>,
        %dma_start3A_489 = arith.constant 0 : i32
        %dma_start3A_490 = arith.constant 0 : i32
        %dma_start3A_491 = tpu.memref_slice %arg6[%dma_start3A_489, %dma_start3A_490] : memref<80x128xf32, #tpu.memory_space<vmem>> -> memref<32x128xf32, #tpu.memory_space<vmem>>
        %dma_start3A_492 = arith.constant 0 : i32
        %dma_start3A_493 = tpu.memref_slice %arg10[%dma_start3A_492] : memref<80xi32, #tpu.memory_space<vmem>> -> memref<32xi32, #tpu.memory_space<vmem>>
        %dma_start3A_494 = arith.constant 0 : i32
        %dma_start3A_495 = arith.constant 0 : i32
        %dma_start3A_496 = tpu.memref_slice %arg2[%dma_start3A_494, %dma_start3A_495] : memref<10000x128xf32, #tpu.memory_space<hbm>> -> memref<10000x128xf32, #tpu.memory_space<hbm>>
        tpu.enqueue_indirect_dma source(%dma_start3A_496 : memref<10000x128xf32, #tpu.memory_space<hbm>>) target(%dma_start3A_491 : memref<32x128xf32, #tpu.memory_space<vmem>>) offsets(%dma_start3A_493 : memref<32xi32, #tpu.memory_space<vmem>>) semaphore(%arg17 : memref<!tpu.dma_semaphore, #tpu.memory_space<semaphore_mem>>)
        %dma_start3A_497 = arith.constant 32 : i32
        %dma_start3A_498 = arith.constant 0 : i32
        %dma_start3A_499 = tpu.memref_slice %arg6[%dma_start3A_497, %dma_start3A_498] : memref<80x128xf32, #tpu.memory_space<vmem>> -> memref<48x128xf32, #tpu.memory_space<vmem>>
        %dma_start3A_500 = arith.constant 32 : i32
        %dma_start3A_501 = tpu.memref_slice %arg10[%dma_start3A_500] : memref<80xi32, #tpu.memory_space<vmem>> -> memref<48xi32, #tpu.memory_space<vmem>>
        %dma_start3A_502 = arith.constant 0 : i32
        %dma_start3A_503 = arith.constant 0 : i32
        %dma_start3A_504 = tpu.memref_slice %arg2[%dma_start3A_502, %dma_start3A_503] : memref<10000x128xf32, #tpu.memory_space<hbm>> -> memref<10000x128xf32, #tpu.memory_space<hbm>>
        tpu.enqueue_indirect_dma source(%dma_start3A_504 : memref<10000x128xf32, #tpu.memory_space<hbm>>) target(%dma_start3A_499 : memref<48x128xf32, #tpu.memory_space<vmem>>) offsets(%dma_start3A_501 : memref<48xi32, #tpu.memory_space<vmem>>) semaphore(%arg20 : memref<!tpu.dma_semaphore, #tpu.memory_space<semaphore_mem>>)
      } else {
      }
    }
    %scan3A_261 = arith.constant 42 : i32
    %dma_wait3A = arith.constant 0 : i32
    %dma_wait3A_262 = arith.constant 0 : i32
    %dma_wait3A_263 = tpu.memref_slice %arg15[%dma_wait3A, %dma_wait3A_262] : memref<10112x128xf32, #tpu.memory_space<vmem_shared>> -> memref<10112x128xf32, #tpu.memory_space<vmem_shared>>
    tpu.wait_indirect_dma semaphore(%arg22 : memref<!tpu.dma_semaphore, #tpu.memory_space<semaphore_mem>>) src(%arg5 : memref<80x128xf32, #tpu.memory_space<vmem>>) dst(%dma_wait3A_263 : memref<10112x128xf32, #tpu.memory_space<vmem_shared>>)
    %dma_wait3A_264 = arith.constant 0 : i32
    %dma_wait3A_265 = arith.constant 0 : i32
    %dma_wait3A_266 = tpu.memref_slice %arg15[%dma_wait3A_264, %dma_wait3A_265] : memref<10112x128xf32, #tpu.memory_space<vmem_shared>> -> memref<10112x128xf32, #tpu.memory_space<vmem_shared>>
    tpu.wait_indirect_dma semaphore(%arg23 : memref<!tpu.dma_semaphore, #tpu.memory_space<semaphore_mem>>) src(%arg6 : memref<80x128xf32, #tpu.memory_space<vmem>>) dst(%dma_wait3A_266 : memref<10112x128xf32, #tpu.memory_space<vmem_shared>>)
    %dma_wait3A_267 = arith.constant 0 : i32
    %dma_wait3A_268 = arith.constant 0 : i32
    %dma_wait3A_269 = tpu.memref_slice %arg15[%dma_wait3A_267, %dma_wait3A_268] : memref<10112x128xf32, #tpu.memory_space<vmem_shared>> -> memref<10112x128xf32, #tpu.memory_space<vmem_shared>>
    tpu.wait_indirect_dma semaphore(%arg24 : memref<!tpu.dma_semaphore, #tpu.memory_space<semaphore_mem>>) src(%arg7 : memref<80x128xf32, #tpu.memory_space<vmem>>) dst(%dma_wait3A_269 : memref<10112x128xf32, #tpu.memory_space<vmem_shared>>)
    %barrier3A_270 = arith.constant 0 : index
    tpu.barrier barrier_id(%barrier3A_270)
    %lt3A = arith.constant 15 : i32
    %lt3A_271 = arith.cmpi slt, %arg1, %lt3A : i32
    %convert_element_type3A = arith.extui %lt3A_271 : i1 to i32
    %cond3A = arith.constant 0 : i32
    %cond3A_272 = arith.cmpi ne, %convert_element_type3A, %cond3A : i32
    scf.if %cond3A_272 {
      %mul3A_277 = arith.constant 632 : i32
      %mul3A_278 = arith.muli %arg1, %mul3A_277 : i32
      %mul3A_279 = arith.constant 632 : i32
      %mul3A_280 = arith.muli %arg1, %mul3A_279 : i32
      "tpu.region"() ({
        %run_scoped3A = tpu.sem_alloc : memref<!tpu.dma_semaphore, #tpu.memory_space<semaphore_mem>>
        %dma_start3A_281 = arith.constant 0 : i32
        %dma_start3A_282 = tpu.memref_slice %arg4[%arg0, %mul3A_280, %dma_start3A_281] : memref<2x10000x128xf32, #tpu.memory_space<hbm>> -> memref<1x632x128xf32, #tpu.memory_space<hbm>>
        %dma_start3A_283 = tpu.memref_squeeze %dma_start3A_282 : memref<1x632x128xf32, #tpu.memory_space<hbm>> -> memref<632x128xf32, #tpu.memory_space<hbm>>
        %dma_start3A_284 = arith.constant 0 : i32
        %dma_start3A_285 = tpu.memref_slice %arg15[%mul3A_278, %dma_start3A_284] : memref<10112x128xf32, #tpu.memory_space<vmem_shared>> -> memref<632x128xf32, #tpu.memory_space<vmem_shared>>
        tpu.enqueue_dma source(%dma_start3A_285 : memref<632x128xf32, #tpu.memory_space<vmem_shared>>) target(%dma_start3A_283 : memref<632x128xf32, #tpu.memory_space<hbm>>) target_semaphore(%run_scoped3A : memref<!tpu.dma_semaphore, #tpu.memory_space<semaphore_mem>>)
        %dma_wait3A_286 = arith.constant 0 : i32
        %dma_wait3A_287 = tpu.memref_slice %arg4[%arg0, %mul3A_280, %dma_wait3A_286] : memref<2x10000x128xf32, #tpu.memory_space<hbm>> -> memref<1x632x128xf32, #tpu.memory_space<hbm>>
        %dma_wait3A_288 = tpu.memref_squeeze %dma_wait3A_287 : memref<1x632x128xf32, #tpu.memory_space<hbm>> -> memref<632x128xf32, #tpu.memory_space<hbm>>
        %dma_wait3A_289 = arith.constant 0 : i32
        %dma_wait3A_290 = tpu.memref_slice %arg15[%mul3A_278, %dma_wait3A_289] : memref<10112x128xf32, #tpu.memory_space<vmem_shared>> -> memref<632x128xf32, #tpu.memory_space<vmem_shared>>
        tpu.wait_dma2 semaphore(%run_scoped3A : memref<!tpu.dma_semaphore, #tpu.memory_space<semaphore_mem>>) src(%dma_wait3A_290 : memref<632x128xf32, #tpu.memory_space<vmem_shared>>) dst(%dma_wait3A_288 : memref<632x128xf32, #tpu.memory_space<hbm>>)
        tpu.yield
      }) : () -> ()
    } else {
    }
    %eq3A = arith.constant 15 : i32
    %eq3A_273 = arith.cmpi eq, %arg1, %eq3A : i32
    %convert_element_type3A_274 = arith.extui %eq3A_273 : i1 to i32
    %cond3A_275 = arith.constant 0 : i32
    %cond3A_276 = arith.cmpi ne, %convert_element_type3A_274, %cond3A_275 : i32
    scf.if %cond3A_276 {
      "tpu.region"() ({
        %run_scoped3A = tpu.sem_alloc : memref<!tpu.dma_semaphore, #tpu.memory_space<semaphore_mem>>
        %dma_start3A_277 = arith.constant 9480 : i32
        %dma_start3A_278 = arith.constant 0 : i32
        %dma_start3A_279 = tpu.memref_slice %arg4[%arg0, %dma_start3A_277, %dma_start3A_278] : memref<2x10000x128xf32, #tpu.memory_space<hbm>> -> memref<1x520x128xf32, #tpu.memory_space<hbm>>
        %dma_start3A_280 = tpu.memref_squeeze %dma_start3A_279 : memref<1x520x128xf32, #tpu.memory_space<hbm>> -> memref<520x128xf32, #tpu.memory_space<hbm>>
        %dma_start3A_281 = arith.constant 9480 : i32
        %dma_start3A_282 = arith.constant 0 : i32
        %dma_start3A_283 = tpu.memref_slice %arg15[%dma_start3A_281, %dma_start3A_282] : memref<10112x128xf32, #tpu.memory_space<vmem_shared>> -> memref<520x128xf32, #tpu.memory_space<vmem_shared>>
        tpu.enqueue_dma source(%dma_start3A_283 : memref<520x128xf32, #tpu.memory_space<vmem_shared>>) target(%dma_start3A_280 : memref<520x128xf32, #tpu.memory_space<hbm>>) target_semaphore(%run_scoped3A : memref<!tpu.dma_semaphore, #tpu.memory_space<semaphore_mem>>)
        %dma_wait3A_284 = arith.constant 9480 : i32
        %dma_wait3A_285 = arith.constant 0 : i32
        %dma_wait3A_286 = tpu.memref_slice %arg4[%arg0, %dma_wait3A_284, %dma_wait3A_285] : memref<2x10000x128xf32, #tpu.memory_space<hbm>> -> memref<1x520x128xf32, #tpu.memory_space<hbm>>
        %dma_wait3A_287 = tpu.memref_squeeze %dma_wait3A_286 : memref<1x520x128xf32, #tpu.memory_space<hbm>> -> memref<520x128xf32, #tpu.memory_space<hbm>>
        %dma_wait3A_288 = arith.constant 9480 : i32
        %dma_wait3A_289 = arith.constant 0 : i32
        %dma_wait3A_290 = tpu.memref_slice %arg15[%dma_wait3A_288, %dma_wait3A_289] : memref<10112x128xf32, #tpu.memory_space<vmem_shared>> -> memref<520x128xf32, #tpu.memory_space<vmem_shared>>
        tpu.wait_dma2 semaphore(%run_scoped3A : memref<!tpu.dma_semaphore, #tpu.memory_space<semaphore_mem>>) src(%dma_wait3A_290 : memref<520x128xf32, #tpu.memory_space<vmem_shared>>) dst(%dma_wait3A_287 : memref<520x128xf32, #tpu.memory_space<hbm>>)
        tpu.yield
      }) : () -> ()
    } else {
    }
    return
  }
}

#map = affine_map<(d0, d1) -> (0, 0)>
#map1 = affine_map<(d0, d1) -> (0, 0, 0)>
module attributes {stable_mosaic.version = 14 : i64} {
  func.func @agg_k(%arg0: i32, %arg1: i32, %arg2: memref<10000x128xf32, #tpu.memory_space<hbm>>, %arg3: memref<32x126x80xi32, #tpu.memory_space<hbm>>, %arg4: memref<2x10000x128xf32, #tpu.memory_space<hbm>>, %arg5: memref<80x128xf32, #tpu.memory_space<vmem>>, %arg6: memref<80x128xf32, #tpu.memory_space<vmem>>, %arg7: memref<80x128xf32, #tpu.memory_space<vmem>>, %arg8: memref<126x80xi32, #tpu.memory_space<vmem>>, %arg9: memref<80xi32, #tpu.memory_space<vmem>>, %arg10: memref<80xi32, #tpu.memory_space<vmem>>, %arg11: memref<80xi32, #tpu.memory_space<vmem>>, %arg12: memref<80xi32, #tpu.memory_space<vmem>>, %arg13: memref<80xi32, #tpu.memory_space<vmem>>, %arg14: memref<80xi32, #tpu.memory_space<vmem>>, %arg15: memref<10112x128xf32, #tpu.memory_space<vmem_shared>>, %arg16: memref<!tpu.dma_semaphore, #tpu.memory_space<semaphore_mem>>, %arg17: memref<!tpu.dma_semaphore, #tpu.memory_space<semaphore_mem>>, %arg18: memref<!tpu.dma_semaphore, #tpu.memory_space<semaphore_mem>>, %arg19: memref<!tpu.dma_semaphore, #tpu.memory_space<semaphore_mem>>, %arg20: memref<!tpu.dma_semaphore, #tpu.memory_space<semaphore_mem>>, %arg21: memref<!tpu.dma_semaphore, #tpu.memory_space<semaphore_mem>>, %arg22: memref<!tpu.dma_semaphore, #tpu.memory_space<semaphore_mem>>, %arg23: memref<!tpu.dma_semaphore, #tpu.memory_space<semaphore_mem>>, %arg24: memref<!tpu.dma_semaphore, #tpu.memory_space<semaphore_mem>>) attributes {dimension_semantics = [#tpu.dimension_semantics<core_parallel>, #tpu.dimension_semantics<subcore_parallel>], iteration_bounds = array<i64: 2, 16>, scalar_prefetch = 0 : i64, scratch_operands = 20 : i64, tpu.core_type = #tpu.core_type<sc_vector_subcore>, window_params = [{transform_indices = #map}, {transform_indices = #map1}, {transform_indices = #map1}]} {
    %mul3A = arith.constant 16 : i32
    %mul3A_0 = arith.muli %arg0, %mul3A : i32
    %add3A = arith.addi %mul3A_0, %arg1 : i32
    "tpu.region"() ({
      %run_scoped3A = tpu.sem_alloc : memref<!tpu.dma_semaphore, #tpu.memory_space<semaphore_mem>>
      %dma_start3A_277 = arith.constant 0 : i32
      %dma_start3A_278 = arith.constant 0 : i32
      %dma_start3A_279 = tpu.memref_slice %arg3[%add3A, %dma_start3A_277, %dma_start3A_278] : memref<32x126x80xi32, #tpu.memory_space<hbm>> -> memref<1x126x80xi32, #tpu.memory_space<hbm>>
      %dma_start3A_280 = tpu.memref_squeeze %dma_start3A_279 : memref<1x126x80xi32, #tpu.memory_space<hbm>> -> memref<126x80xi32, #tpu.memory_space<hbm>>
      %dma_start3A_281 = arith.constant 0 : i32
      %dma_start3A_282 = arith.constant 0 : i32
      %dma_start3A_283 = tpu.memref_slice %arg3[%add3A, %dma_start3A_281, %dma_start3A_282] : memref<32x126x80xi32, #tpu.memory_space<hbm>> -> memref<1x126x80xi32, #tpu.memory_space<hbm>>
      %dma_start3A_284 = tpu.memref_squeeze %dma_start3A_283 : memref<1x126x80xi32, #tpu.memory_space<hbm>> -> memref<126x80xi32, #tpu.memory_space<hbm>>
      tpu.enqueue_dma source(%dma_start3A_284 : memref<126x80xi32, #tpu.memory_space<hbm>>) target(%arg8 : memref<126x80xi32, #tpu.memory_space<vmem>>) target_semaphore(%run_scoped3A : memref<!tpu.dma_semaphore, #tpu.memory_space<semaphore_mem>>)
      %dma_wait3A_285 = arith.constant 0 : i32
      %dma_wait3A_286 = arith.constant 0 : i32
      %dma_wait3A_287 = tpu.memref_slice %arg3[%add3A, %dma_wait3A_285, %dma_wait3A_286] : memref<32x126x80xi32, #tpu.memory_space<hbm>> -> memref<1x126x80xi32, #tpu.memory_space<hbm>>
      %dma_wait3A_288 = tpu.memref_squeeze %dma_wait3A_287 : memref<1x126x80xi32, #tpu.memory_space<hbm>> -> memref<126x80xi32, #tpu.memory_space<hbm>>
      %dma_wait3A_289 = arith.constant 0 : i32
      %dma_wait3A_290 = arith.constant 0 : i32
      %dma_wait3A_291 = tpu.memref_slice %arg3[%add3A, %dma_wait3A_289, %dma_wait3A_290] : memref<32x126x80xi32, #tpu.memory_space<hbm>> -> memref<1x126x80xi32, #tpu.memory_space<hbm>>
      %dma_wait3A_292 = tpu.memref_squeeze %dma_wait3A_291 : memref<1x126x80xi32, #tpu.memory_space<hbm>> -> memref<126x80xi32, #tpu.memory_space<hbm>>
      tpu.wait_dma2 semaphore(%run_scoped3A : memref<!tpu.dma_semaphore, #tpu.memory_space<semaphore_mem>>) src(%dma_wait3A_292 : memref<126x80xi32, #tpu.memory_space<hbm>>) dst(%arg8 : memref<126x80xi32, #tpu.memory_space<vmem>>)
      tpu.yield
    }) : () -> ()
    %get3A = arith.constant 0 : i32
    %get3A_1 = arith.index_cast %get3A : i32 to index
    %get3A_2 = arith.constant 0 : index
    %get3A_3 = tpu.vector_load %arg8[%get3A_1, %get3A_2] {strides = array<i32>} : memref<126x80xi32, #tpu.memory_space<vmem>>, vector<1x16xi32>,
    %get3A_4 = vector.shape_cast %get3A_3 : vector<1x16xi32> to vector<16xi32>
    %shift_right_logical3A = arith.constant 14 : i32
    %shift_right_logical3A_5 = vector.broadcast %shift_right_logical3A : i32 to vector<16xi32>
    %shift_right_logical3A_6 = arith.shrui %get3A_4, %shift_right_logical3A_5 : vector<16xi32>
    %swap3A = arith.constant 0 : index
    %swap3A_7 = tpu.vector_load %arg9[%swap3A] {strides = array<i32>} : memref<80xi32, #tpu.memory_space<vmem>>, vector<16xi32>,
    %swap3A_8 = vector.shape_cast %swap3A_7 : vector<16xi32> to vector<16xi32>
    %swap3A_9 = vector.shape_cast %shift_right_logical3A_6 : vector<16xi32> to vector<16xi32>
    tpu.vector_store %arg9[%swap3A], %swap3A_9 {strides = array<i32>} : memref<80xi32, #tpu.memory_space<vmem>>, vector<16xi32>,
    %and3A = arith.constant 16383 : i32
    %and3A_10 = vector.broadcast %and3A : i32 to vector<16xi32>
    %and3A_11 = arith.andi %get3A_4, %and3A_10 : vector<16xi32>
    %swap3A_12 = arith.constant 0 : index
    %swap3A_13 = tpu.vector_load %arg12[%swap3A_12] {strides = array<i32>} : memref<80xi32, #tpu.memory_space<vmem>>, vector<16xi32>,
    %swap3A_14 = vector.shape_cast %swap3A_13 : vector<16xi32> to vector<16xi32>
    %swap3A_15 = vector.shape_cast %and3A_11 : vector<16xi32> to vector<16xi32>
    tpu.vector_store %arg12[%swap3A_12], %swap3A_15 {strides = array<i32>} : memref<80xi32, #tpu.memory_space<vmem>>, vector<16xi32>,
    %get3A_16 = arith.constant 0 : i32
    %get3A_17 = arith.index_cast %get3A_16 : i32 to index
    %get3A_18 = arith.constant 16 : index
    %get3A_19 = tpu.vector_load %arg8[%get3A_17, %get3A_18] {strides = array<i32>} : memref<126x80xi32, #tpu.memory_space<vmem>>, vector<1x16xi32>,
    %get3A_20 = vector.shape_cast %get3A_19 : vector<1x16xi32> to vector<16xi32>
    %shift_right_logical3A_21 = arith.constant 14 : i32
    %shift_right_logical3A_22 = vector.broadcast %shift_right_logical3A_21 : i32 to vector<16xi32>
    %shift_right_logical3A_23 = arith.shrui %get3A_20, %shift_right_logical3A_22 : vector<16xi32>
    %swap3A_24 = arith.constant 16 : index
    %swap3A_25 = tpu.vector_load %arg9[%swap3A_24] {strides = array<i32>} : memref<80xi32, #tpu.memory_space<vmem>>, vector<16xi32>,
    %swap3A_26 = vector.shape_cast %swap3A_25 : vector<16xi32> to vector<16xi32>
    %swap3A_27 = vector.shape_cast %shift_right_logical3A_23 : vector<16xi32> to vector<16xi32>
    tpu.vector_store %arg9[%swap3A_24], %swap3A_27 {strides = array<i32>} : memref<80xi32, #tpu.memory_space<vmem>>, vector<16xi32>,
    %and3A_28 = arith.constant 16383 : i32
    %and3A_29 = vector.broadcast %and3A_28 : i32 to vector<16xi32>
    %and3A_30 = arith.andi %get3A_20, %and3A_29 : vector<16xi32>
    %swap3A_31 = arith.constant 16 : index
    %swap3A_32 = tpu.vector_load %arg12[%swap3A_31] {strides = array<i32>} : memref<80xi32, #tpu.memory_space<vmem>>, vector<16xi32>,
    %swap3A_33 = vector.shape_cast %swap3A_32 : vector<16xi32> to vector<16xi32>
    %swap3A_34 = vector.shape_cast %and3A_30 : vector<16xi32> to vector<16xi32>
    tpu.vector_store %arg12[%swap3A_31], %swap3A_34 {strides = array<i32>} : memref<80xi32, #tpu.memory_space<vmem>>, vector<16xi32>,
    %get3A_35 = arith.constant 0 : i32
    %get3A_36 = arith.index_cast %get3A_35 : i32 to index
    %get3A_37 = arith.constant 32 : index
    %get3A_38 = tpu.vector_load %arg8[%get3A_36, %get3A_37] {strides = array<i32>} : memref<126x80xi32, #tpu.memory_space<vmem>>, vector<1x16xi32>,
    %get3A_39 = vector.shape_cast %get3A_38 : vector<1x16xi32> to vector<16xi32>
    %shift_right_logical3A_40 = arith.constant 14 : i32
    %shift_right_logical3A_41 = vector.broadcast %shift_right_logical3A_40 : i32 to vector<16xi32>
    %shift_right_logical3A_42 = arith.shrui %get3A_39, %shift_right_logical3A_41 : vector<16xi32>
    %swap3A_43 = arith.constant 32 : index
    %swap3A_44 = tpu.vector_load %arg9[%swap3A_43] {strides = array<i32>} : memref<80xi32, #tpu.memory_space<vmem>>, vector<16xi32>,
    %swap3A_45 = vector.shape_cast %swap3A_44 : vector<16xi32> to vector<16xi32>
    %swap3A_46 = vector.shape_cast %shift_right_logical3A_42 : vector<16xi32> to vector<16xi32>
    tpu.vector_store %arg9[%swap3A_43], %swap3A_46 {strides = array<i32>} : memref<80xi32, #tpu.memory_space<vmem>>, vector<16xi32>,
    %and3A_47 = arith.constant 16383 : i32
    %and3A_48 = vector.broadcast %and3A_47 : i32 to vector<16xi32>
    %and3A_49 = arith.andi %get3A_39, %and3A_48 : vector<16xi32>
    %swap3A_50 = arith.constant 32 : index
    %swap3A_51 = tpu.vector_load %arg12[%swap3A_50] {strides = array<i32>} : memref<80xi32, #tpu.memory_space<vmem>>, vector<16xi32>,
    %swap3A_52 = vector.shape_cast %swap3A_51 : vector<16xi32> to vector<16xi32>
    %swap3A_53 = vector.shape_cast %and3A_49 : vector<16xi32> to vector<16xi32>
    tpu.vector_store %arg12[%swap3A_50], %swap3A_53 {strides = array<i32>} : memref<80xi32, #tpu.memory_space<vmem>>, vector<16xi32>,
    %get3A_54 = arith.constant 0 : i32
    %get3A_55 = arith.index_cast %get3A_54 : i32 to index
    %get3A_56 = arith.constant 48 : index
    %get3A_57 = tpu.vector_load %arg8[%get3A_55, %get3A_56] {strides = array<i32>} : memref<126x80xi32, #tpu.memory_space<vmem>>, vector<1x16xi32>,
    %get3A_58 = vector.shape_cast %get3A_57 : vector<1x16xi32> to vector<16xi32>
    %shift_right_logical3A_59 = arith.constant 14 : i32
    %shift_right_logical3A_60 = vector.broadcast %shift_right_logical3A_59 : i32 to vector<16xi32>
    %shift_right_logical3A_61 = arith.shrui %get3A_58, %shift_right_logical3A_60 : vector<16xi32>
    %swap3A_62 = arith.constant 48 : index
    %swap3A_63 = tpu.vector_load %arg9[%swap3A_62] {strides = array<i32>} : memref<80xi32, #tpu.memory_space<vmem>>, vector<16xi32>,
    %swap3A_64 = vector.shape_cast %swap3A_63 : vector<16xi32> to vector<16xi32>
    %swap3A_65 = vector.shape_cast %shift_right_logical3A_61 : vector<16xi32> to vector<16xi32>
    tpu.vector_store %arg9[%swap3A_62], %swap3A_65 {strides = array<i32>} : memref<80xi32, #tpu.memory_space<vmem>>, vector<16xi32>,
    %and3A_66 = arith.constant 16383 : i32
    %and3A_67 = vector.broadcast %and3A_66 : i32 to vector<16xi32>
    %and3A_68 = arith.andi %get3A_58, %and3A_67 : vector<16xi32>
    %swap3A_69 = arith.constant 48 : index
    %swap3A_70 = tpu.vector_load %arg12[%swap3A_69] {strides = array<i32>} : memref<80xi32, #tpu.memory_space<vmem>>, vector<16xi32>,
    %swap3A_71 = vector.shape_cast %swap3A_70 : vector<16xi32> to vector<16xi32>
    %swap3A_72 = vector.shape_cast %and3A_68 : vector<16xi32> to vector<16xi32>
    tpu.vector_store %arg12[%swap3A_69], %swap3A_72 {strides = array<i32>} : memref<80xi32, #tpu.memory_space<vmem>>, vector<16xi32>,
    %get3A_73 = arith.constant 0 : i32
    %get3A_74 = arith.index_cast %get3A_73 : i32 to index
    %get3A_75 = arith.constant 64 : index
    %get3A_76 = tpu.vector_load %arg8[%get3A_74, %get3A_75] {strides = array<i32>} : memref<126x80xi32, #tpu.memory_space<vmem>>, vector<1x16xi32>,
    %get3A_77 = vector.shape_cast %get3A_76 : vector<1x16xi32> to vector<16xi32>
    %shift_right_logical3A_78 = arith.constant 14 : i32
    %shift_right_logical3A_79 = vector.broadcast %shift_right_logical3A_78 : i32 to vector<16xi32>
    %shift_right_logical3A_80 = arith.shrui %get3A_77, %shift_right_logical3A_79 : vector<16xi32>
    %swap3A_81 = arith.constant 64 : index
    %swap3A_82 = tpu.vector_load %arg9[%swap3A_81] {strides = array<i32>} : memref<80xi32, #tpu.memory_space<vmem>>, vector<16xi32>,
    %swap3A_83 = vector.shape_cast %swap3A_82 : vector<16xi32> to vector<16xi32>
    %swap3A_84 = vector.shape_cast %shift_right_logical3A_80 : vector<16xi32> to vector<16xi32>
    tpu.vector_store %arg9[%swap3A_81], %swap3A_84 {strides = array<i32>} : memref<80xi32, #tpu.memory_space<vmem>>, vector<16xi32>,
    %and3A_85 = arith.constant 16383 : i32
    %and3A_86 = vector.broadcast %and3A_85 : i32 to vector<16xi32>
    %and3A_87 = arith.andi %get3A_77, %and3A_86 : vector<16xi32>
    %swap3A_88 = arith.constant 64 : index
    %swap3A_89 = tpu.vector_load %arg12[%swap3A_88] {strides = array<i32>} : memref<80xi32, #tpu.memory_space<vmem>>, vector<16xi32>,
    %swap3A_90 = vector.shape_cast %swap3A_89 : vector<16xi32> to vector<16xi32>
    %swap3A_91 = vector.shape_cast %and3A_87 : vector<16xi32> to vector<16xi32>
    tpu.vector_store %arg12[%swap3A_88], %swap3A_91 {strides = array<i32>} : memref<80xi32, #tpu.memory_space<vmem>>, vector<16xi32>,
    %dma_start3A = arith.constant 0 : i32
    %dma_start3A_92 = arith.constant 0 : i32
    %dma_start3A_93 = tpu.memref_slice %arg5[%dma_start3A, %dma_start3A_92] : memref<80x128xf32, #tpu.memory_space<vmem>> -> memref<32x128xf32, #tpu.memory_space<vmem>>
    %dma_start3A_94 = arith.constant 0 : i32
    %dma_start3A_95 = tpu.memref_slice %arg9[%dma_start3A_94] : memref<80xi32, #tpu.memory_space<vmem>> -> memref<32xi32, #tpu.memory_space<vmem>>
    %dma_start3A_96 = arith.constant 0 : i32
    %dma_start3A_97 = arith.constant 0 : i32
    %dma_start3A_98 = tpu.memref_slice %arg2[%dma_start3A_96, %dma_start3A_97] : memref<10000x128xf32, #tpu.memory_space<hbm>> -> memref<10000x128xf32, #tpu.memory_space<hbm>>
    tpu.enqueue_indirect_dma source(%dma_start3A_98 : memref<10000x128xf32, #tpu.memory_space<hbm>>) target(%dma_start3A_93 : memref<32x128xf32, #tpu.memory_space<vmem>>) offsets(%dma_start3A_95 : memref<32xi32, #tpu.memory_space<vmem>>) semaphore(%arg16 : memref<!tpu.dma_semaphore, #tpu.memory_space<semaphore_mem>>)
    %dma_start3A_99 = arith.constant 32 : i32
    %dma_start3A_100 = arith.constant 0 : i32
    %dma_start3A_101 = tpu.memref_slice %arg5[%dma_start3A_99, %dma_start3A_100] : memref<80x128xf32, #tpu.memory_space<vmem>> -> memref<48x128xf32, #tpu.memory_space<vmem>>
    %dma_start3A_102 = arith.constant 32 : i32
    %dma_start3A_103 = tpu.memref_slice %arg9[%dma_start3A_102] : memref<80xi32, #tpu.memory_space<vmem>> -> memref<48xi32, #tpu.memory_space<vmem>>
    %dma_start3A_104 = arith.constant 0 : i32
    %dma_start3A_105 = arith.constant 0 : i32
    %dma_start3A_106 = tpu.memref_slice %arg2[%dma_start3A_104, %dma_start3A_105] : memref<10000x128xf32, #tpu.memory_space<hbm>> -> memref<10000x128xf32, #tpu.memory_space<hbm>>
    tpu.enqueue_indirect_dma source(%dma_start3A_106 : memref<10000x128xf32, #tpu.memory_space<hbm>>) target(%dma_start3A_101 : memref<48x128xf32, #tpu.memory_space<vmem>>) offsets(%dma_start3A_103 : memref<48xi32, #tpu.memory_space<vmem>>) semaphore(%arg19 : memref<!tpu.dma_semaphore, #tpu.memory_space<semaphore_mem>>)
    %get3A_107 = arith.constant 1 : i32
    %get3A_108 = arith.index_cast %get3A_107 : i32 to index
    %get3A_109 = arith.constant 0 : index
    %get3A_110 = tpu.vector_load %arg8[%get3A_108, %get3A_109] {strides = array<i32>} : memref<126x80xi32, #tpu.memory_space<vmem>>, vector<1x16xi32>,
    %get3A_111 = vector.shape_cast %get3A_110 : vector<1x16xi32> to vector<16xi32>
    %shift_right_logical3A_112 = arith.constant 14 : i32
    %shift_right_logical3A_113 = vector.broadcast %shift_right_logical3A_112 : i32 to vector<16xi32>
    %shift_right_logical3A_114 = arith.shrui %get3A_111, %shift_right_logical3A_113 : vector<16xi32>
    %swap3A_115 = arith.constant 0 : index
    %swap3A_116 = tpu.vector_load %arg10[%swap3A_115] {strides = array<i32>} : memref<80xi32, #tpu.memory_space<vmem>>, vector<16xi32>,
    %swap3A_117 = vector.shape_cast %swap3A_116 : vector<16xi32> to vector<16xi32>
    %swap3A_118 = vector.shape_cast %shift_right_logical3A_114 : vector<16xi32> to vector<16xi32>
    tpu.vector_store %arg10[%swap3A_115], %swap3A_118 {strides = array<i32>} : memref<80xi32, #tpu.memory_space<vmem>>, vector<16xi32>,
    %and3A_119 = arith.constant 16383 : i32
    %and3A_120 = vector.broadcast %and3A_119 : i32 to vector<16xi32>
    %and3A_121 = arith.andi %get3A_111, %and3A_120 : vector<16xi32>
    %swap3A_122 = arith.constant 0 : index
    %swap3A_123 = tpu.vector_load %arg13[%swap3A_122] {strides = array<i32>} : memref<80xi32, #tpu.memory_space<vmem>>, vector<16xi32>,
    %swap3A_124 = vector.shape_cast %swap3A_123 : vector<16xi32> to vector<16xi32>
    %swap3A_125 = vector.shape_cast %and3A_121 : vector<16xi32> to vector<16xi32>
    tpu.vector_store %arg13[%swap3A_122], %swap3A_125 {strides = array<i32>} : memref<80xi32, #tpu.memory_space<vmem>>, vector<16xi32>,
    %get3A_126 = arith.constant 1 : i32
    %get3A_127 = arith.index_cast %get3A_126 : i32 to index
    %get3A_128 = arith.constant 16 : index
    %get3A_129 = tpu.vector_load %arg8[%get3A_127, %get3A_128] {strides = array<i32>} : memref<126x80xi32, #tpu.memory_space<vmem>>, vector<1x16xi32>,
    %get3A_130 = vector.shape_cast %get3A_129 : vector<1x16xi32> to vector<16xi32>
    %shift_right_logical3A_131 = arith.constant 14 : i32
    %shift_right_logical3A_132 = vector.broadcast %shift_right_logical3A_131 : i32 to vector<16xi32>
    %shift_right_logical3A_133 = arith.shrui %get3A_130, %shift_right_logical3A_132 : vector<16xi32>
    %swap3A_134 = arith.constant 16 : index
    %swap3A_135 = tpu.vector_load %arg10[%swap3A_134] {strides = array<i32>} : memref<80xi32, #tpu.memory_space<vmem>>, vector<16xi32>,
    %swap3A_136 = vector.shape_cast %swap3A_135 : vector<16xi32> to vector<16xi32>
    %swap3A_137 = vector.shape_cast %shift_right_logical3A_133 : vector<16xi32> to vector<16xi32>
    tpu.vector_store %arg10[%swap3A_134], %swap3A_137 {strides = array<i32>} : memref<80xi32, #tpu.memory_space<vmem>>, vector<16xi32>,
    %and3A_138 = arith.constant 16383 : i32
    %and3A_139 = vector.broadcast %and3A_138 : i32 to vector<16xi32>
    %and3A_140 = arith.andi %get3A_130, %and3A_139 : vector<16xi32>
    %swap3A_141 = arith.constant 16 : index
    %swap3A_142 = tpu.vector_load %arg13[%swap3A_141] {strides = array<i32>} : memref<80xi32, #tpu.memory_space<vmem>>, vector<16xi32>,
    %swap3A_143 = vector.shape_cast %swap3A_142 : vector<16xi32> to vector<16xi32>
    %swap3A_144 = vector.shape_cast %and3A_140 : vector<16xi32> to vector<16xi32>
    tpu.vector_store %arg13[%swap3A_141], %swap3A_144 {strides = array<i32>} : memref<80xi32, #tpu.memory_space<vmem>>, vector<16xi32>,
    %get3A_145 = arith.constant 1 : i32
    %get3A_146 = arith.index_cast %get3A_145 : i32 to index
    %get3A_147 = arith.constant 32 : index
    %get3A_148 = tpu.vector_load %arg8[%get3A_146, %get3A_147] {strides = array<i32>} : memref<126x80xi32, #tpu.memory_space<vmem>>, vector<1x16xi32>,
    %get3A_149 = vector.shape_cast %get3A_148 : vector<1x16xi32> to vector<16xi32>
    %shift_right_logical3A_150 = arith.constant 14 : i32
    %shift_right_logical3A_151 = vector.broadcast %shift_right_logical3A_150 : i32 to vector<16xi32>
    %shift_right_logical3A_152 = arith.shrui %get3A_149, %shift_right_logical3A_151 : vector<16xi32>
    %swap3A_153 = arith.constant 32 : index
    %swap3A_154 = tpu.vector_load %arg10[%swap3A_153] {strides = array<i32>} : memref<80xi32, #tpu.memory_space<vmem>>, vector<16xi32>,
    %swap3A_155 = vector.shape_cast %swap3A_154 : vector<16xi32> to vector<16xi32>
    %swap3A_156 = vector.shape_cast %shift_right_logical3A_152 : vector<16xi32> to vector<16xi32>
    tpu.vector_store %arg10[%swap3A_153], %swap3A_156 {strides = array<i32>} : memref<80xi32, #tpu.memory_space<vmem>>, vector<16xi32>,
    %and3A_157 = arith.constant 16383 : i32
    %and3A_158 = vector.broadcast %and3A_157 : i32 to vector<16xi32>
    %and3A_159 = arith.andi %get3A_149, %and3A_158 : vector<16xi32>
    %swap3A_160 = arith.constant 32 : index
    %swap3A_161 = tpu.vector_load %arg13[%swap3A_160] {strides = array<i32>} : memref<80xi32, #tpu.memory_space<vmem>>, vector<16xi32>,
    %swap3A_162 = vector.shape_cast %swap3A_161 : vector<16xi32> to vector<16xi32>
    %swap3A_163 = vector.shape_cast %and3A_159 : vector<16xi32> to vector<16xi32>
    tpu.vector_store %arg13[%swap3A_160], %swap3A_163 {strides = array<i32>} : memref<80xi32, #tpu.memory_space<vmem>>, vector<16xi32>,
    %get3A_164 = arith.constant 1 : i32
    %get3A_165 = arith.index_cast %get3A_164 : i32 to index
    %get3A_166 = arith.constant 48 : index
    %get3A_167 = tpu.vector_load %arg8[%get3A_165, %get3A_166] {strides = array<i32>} : memref<126x80xi32, #tpu.memory_space<vmem>>, vector<1x16xi32>,
    %get3A_168 = vector.shape_cast %get3A_167 : vector<1x16xi32> to vector<16xi32>
    %shift_right_logical3A_169 = arith.constant 14 : i32
    %shift_right_logical3A_170 = vector.broadcast %shift_right_logical3A_169 : i32 to vector<16xi32>
    %shift_right_logical3A_171 = arith.shrui %get3A_168, %shift_right_logical3A_170 : vector<16xi32>
    %swap3A_172 = arith.constant 48 : index
    %swap3A_173 = tpu.vector_load %arg10[%swap3A_172] {strides = array<i32>} : memref<80xi32, #tpu.memory_space<vmem>>, vector<16xi32>,
    %swap3A_174 = vector.shape_cast %swap3A_173 : vector<16xi32> to vector<16xi32>
    %swap3A_175 = vector.shape_cast %shift_right_logical3A_171 : vector<16xi32> to vector<16xi32>
    tpu.vector_store %arg10[%swap3A_172], %swap3A_175 {strides = array<i32>} : memref<80xi32, #tpu.memory_space<vmem>>, vector<16xi32>,
    %and3A_176 = arith.constant 16383 : i32
    %and3A_177 = vector.broadcast %and3A_176 : i32 to vector<16xi32>
    %and3A_178 = arith.andi %get3A_168, %and3A_177 : vector<16xi32>
    %swap3A_179 = arith.constant 48 : index
    %swap3A_180 = tpu.vector_load %arg13[%swap3A_179] {strides = array<i32>} : memref<80xi32, #tpu.memory_space<vmem>>, vector<16xi32>,
    %swap3A_181 = vector.shape_cast %swap3A_180 : vector<16xi32> to vector<16xi32>
    %swap3A_182 = vector.shape_cast %and3A_178 : vector<16xi32> to vector<16xi32>
    tpu.vector_store %arg13[%swap3A_179], %swap3A_182 {strides = array<i32>} : memref<80xi32, #tpu.memory_space<vmem>>, vector<16xi32>,
    %get3A_183 = arith.constant 1 : i32
    %get3A_184 = arith.index_cast %get3A_183 : i32 to index
    %get3A_185 = arith.constant 64 : index
    %get3A_186 = tpu.vector_load %arg8[%get3A_184, %get3A_185] {strides = array<i32>} : memref<126x80xi32, #tpu.memory_space<vmem>>, vector<1x16xi32>,
    %get3A_187 = vector.shape_cast %get3A_186 : vector<1x16xi32> to vector<16xi32>
    %shift_right_logical3A_188 = arith.constant 14 : i32
    %shift_right_logical3A_189 = vector.broadcast %shift_right_logical3A_188 : i32 to vector<16xi32>
    %shift_right_logical3A_190 = arith.shrui %get3A_187, %shift_right_logical3A_189 : vector<16xi32>
    %swap3A_191 = arith.constant 64 : index
    %swap3A_192 = tpu.vector_load %arg10[%swap3A_191] {strides = array<i32>} : memref<80xi32, #tpu.memory_space<vmem>>, vector<16xi32>,
    %swap3A_193 = vector.shape_cast %swap3A_192 : vector<16xi32> to vector<16xi32>
    %swap3A_194 = vector.shape_cast %shift_right_logical3A_190 : vector<16xi32> to vector<16xi32>
    tpu.vector_store %arg10[%swap3A_191], %swap3A_194 {strides = array<i32>} : memref<80xi32, #tpu.memory_space<vmem>>, vector<16xi32>,
    %and3A_195 = arith.constant 16383 : i32
    %and3A_196 = vector.broadcast %and3A_195 : i32 to vector<16xi32>
    %and3A_197 = arith.andi %get3A_187, %and3A_196 : vector<16xi32>
    %swap3A_198 = arith.constant 64 : index
    %swap3A_199 = tpu.vector_load %arg13[%swap3A_198] {strides = array<i32>} : memref<80xi32, #tpu.memory_space<vmem>>, vector<16xi32>,
    %swap3A_200 = vector.shape_cast %swap3A_199 : vector<16xi32> to vector<16xi32>
    %swap3A_201 = vector.shape_cast %and3A_197 : vector<16xi32> to vector<16xi32>
    tpu.vector_store %arg13[%swap3A_198], %swap3A_201 {strides = array<i32>} : memref<80xi32, #tpu.memory_space<vmem>>, vector<16xi32>,
    %dma_start3A_202 = arith.constant 0 : i32
    %dma_start3A_203 = arith.constant 0 : i32
    %dma_start3A_204 = tpu.memref_slice %arg6[%dma_start3A_202, %dma_start3A_203] : memref<80x128xf32, #tpu.memory_space<vmem>> -> memref<32x128xf32, #tpu.memory_space<vmem>>
    %dma_start3A_205 = arith.constant 0 : i32
    %dma_start3A_206 = tpu.memref_slice %arg10[%dma_start3A_205] : memref<80xi32, #tpu.memory_space<vmem>> -> memref<32xi32, #tpu.memory_space<vmem>>
    %dma_start3A_207 = arith.constant 0 : i32
    %dma_start3A_208 = arith.constant 0 : i32
    %dma_start3A_209 = tpu.memref_slice %arg2[%dma_start3A_207, %dma_start3A_208] : memref<10000x128xf32, #tpu.memory_space<hbm>> -> memref<10000x128xf32, #tpu.memory_space<hbm>>
    tpu.enqueue_indirect_dma source(%dma_start3A_209 : memref<10000x128xf32, #tpu.memory_space<hbm>>) target(%dma_start3A_204 : memref<32x128xf32, #tpu.memory_space<vmem>>) offsets(%dma_start3A_206 : memref<32xi32, #tpu.memory_space<vmem>>) semaphore(%arg17 : memref<!tpu.dma_semaphore, #tpu.memory_space<semaphore_mem>>)
    %dma_start3A_210 = arith.constant 32 : i32
    %dma_start3A_211 = arith.constant 0 : i32
    %dma_start3A_212 = tpu.memref_slice %arg6[%dma_start3A_210, %dma_start3A_211] : memref<80x128xf32, #tpu.memory_space<vmem>> -> memref<48x128xf32, #tpu.memory_space<vmem>>
    %dma_start3A_213 = arith.constant 32 : i32
    %dma_start3A_214 = tpu.memref_slice %arg10[%dma_start3A_213] : memref<80xi32, #tpu.memory_space<vmem>> -> memref<48xi32, #tpu.memory_space<vmem>>
    %dma_start3A_215 = arith.constant 0 : i32
    %dma_start3A_216 = arith.constant 0 : i32
    %dma_start3A_217 = tpu.memref_slice %arg2[%dma_start3A_215, %dma_start3A_216] : memref<10000x128xf32, #tpu.memory_space<hbm>> -> memref<10000x128xf32, #tpu.memory_space<hbm>>
    tpu.enqueue_indirect_dma source(%dma_start3A_217 : memref<10000x128xf32, #tpu.memory_space<hbm>>) target(%dma_start3A_212 : memref<48x128xf32, #tpu.memory_space<vmem>>) offsets(%dma_start3A_214 : memref<48xi32, #tpu.memory_space<vmem>>) semaphore(%arg20 : memref<!tpu.dma_semaphore, #tpu.memory_space<semaphore_mem>>)
    %broadcast_in_dim3A = arith.constant 0.000000e+00 : f32
    %broadcast_in_dim3A_218 = vector.broadcast %broadcast_in_dim3A : f32 to vector<16xf32>
    %scan3A = arith.constant 0 : i32
    %scan3A_219 = arith.constant 0 : i32
    %scan3A_220 = arith.constant 80 : i32
    %scan3A_221 = arith.addi %scan3A_219, %scan3A_220 : i32
    %scan3A_222 = arith.constant 1 : i32
    scf.for %scan3A_277 = %scan3A_219 to %scan3A_221 step %scan3A_222  : i32 {
      %swap3A_278 = arith.index_cast %scan3A_277 : i32 to index
      %swap3A_279 = arith.constant 0 : index
      %swap3A_280 = tpu.vector_load %arg7[%swap3A_278, %swap3A_279] {strides = array<i32>} : memref<80x128xf32, #tpu.memory_space<vmem>>, vector<1x16xf32>,
      %swap3A_281 = vector.shape_cast %swap3A_280 : vector<1x16xf32> to vector<16xf32>
      %swap3A_282 = vector.shape_cast %broadcast_in_dim3A_218 : vector<16xf32> to vector<1x16xf32>
      tpu.vector_store %arg7[%swap3A_278, %swap3A_279], %swap3A_282 {strides = array<i32>} : memref<80x128xf32, #tpu.memory_space<vmem>>, vector<1x16xf32>,
      %swap3A_283 = arith.index_cast %scan3A_277 : i32 to index
      %swap3A_284 = arith.constant 16 : index
      %swap3A_285 = tpu.vector_load %arg7[%swap3A_283, %swap3A_284] {strides = array<i32>} : memref<80x128xf32, #tpu.memory_space<vmem>>, vector<1x16xf32>,
      %swap3A_286 = vector.shape_cast %swap3A_285 : vector<1x16xf32> to vector<16xf32>
      %swap3A_287 = vector.shape_cast %broadcast_in_dim3A_218 : vector<16xf32> to vector<1x16xf32>
      tpu.vector_store %arg7[%swap3A_283, %swap3A_284], %swap3A_287 {strides = array<i32>} : memref<80x128xf32, #tpu.memory_space<vmem>>, vector<1x16xf32>,
      %swap3A_288 = arith.index_cast %scan3A_277 : i32 to index
      %swap3A_289 = arith.constant 32 : index
      %swap3A_290 = tpu.vector_load %arg7[%swap3A_288, %swap3A_289] {strides = array<i32>} : memref<80x128xf32, #tpu.memory_space<vmem>>, vector<1x16xf32>,
      %swap3A_291 = vector.shape_cast %swap3A_290 : vector<1x16xf32> to vector<16xf32>
      %swap3A_292 = vector.shape_cast %broadcast_in_dim3A_218 : vector<16xf32> to vector<1x16xf32>
      tpu.vector_store %arg7[%swap3A_288, %swap3A_289], %swap3A_292 {strides = array<i32>} : memref<80x128xf32, #tpu.memory_space<vmem>>, vector<1x16xf32>,
      %swap3A_293 = arith.index_cast %scan3A_277 : i32 to index
      %swap3A_294 = arith.constant 48 : index
      %swap3A_295 = tpu.vector_load %arg7[%swap3A_293, %swap3A_294] {strides = array<i32>} : memref<80x128xf32, #tpu.memory_space<vmem>>, vector<1x16xf32>,
      %swap3A_296 = vector.shape_cast %swap3A_295 : vector<1x16xf32> to vector<16xf32>
      %swap3A_297 = vector.shape_cast %broadcast_in_dim3A_218 : vector<16xf32> to vector<1x16xf32>
      tpu.vector_store %arg7[%swap3A_293, %swap3A_294], %swap3A_297 {strides = array<i32>} : memref<80x128xf32, #tpu.memory_space<vmem>>, vector<1x16xf32>,
      %swap3A_298 = arith.index_cast %scan3A_277 : i32 to index
      %swap3A_299 = arith.constant 64 : index
      %swap3A_300 = tpu.vector_load %arg7[%swap3A_298, %swap3A_299] {strides = array<i32>} : memref<80x128xf32, #tpu.memory_space<vmem>>, vector<1x16xf32>,
      %swap3A_301 = vector.shape_cast %swap3A_300 : vector<1x16xf32> to vector<16xf32>
      %swap3A_302 = vector.shape_cast %broadcast_in_dim3A_218 : vector<16xf32> to vector<1x16xf32>
      tpu.vector_store %arg7[%swap3A_298, %swap3A_299], %swap3A_302 {strides = array<i32>} : memref<80x128xf32, #tpu.memory_space<vmem>>, vector<1x16xf32>,
      %swap3A_303 = arith.index_cast %scan3A_277 : i32 to index
      %swap3A_304 = arith.constant 80 : index
      %swap3A_305 = tpu.vector_load %arg7[%swap3A_303, %swap3A_304] {strides = array<i32>} : memref<80x128xf32, #tpu.memory_space<vmem>>, vector<1x16xf32>,
      %swap3A_306 = vector.shape_cast %swap3A_305 : vector<1x16xf32> to vector<16xf32>
      %swap3A_307 = vector.shape_cast %broadcast_in_dim3A_218 : vector<16xf32> to vector<1x16xf32>
      tpu.vector_store %arg7[%swap3A_303, %swap3A_304], %swap3A_307 {strides = array<i32>} : memref<80x128xf32, #tpu.memory_space<vmem>>, vector<1x16xf32>,
      %swap3A_308 = arith.index_cast %scan3A_277 : i32 to index
      %swap3A_309 = arith.constant 96 : index
      %swap3A_310 = tpu.vector_load %arg7[%swap3A_308, %swap3A_309] {strides = array<i32>} : memref<80x128xf32, #tpu.memory_space<vmem>>, vector<1x16xf32>,
      %swap3A_311 = vector.shape_cast %swap3A_310 : vector<1x16xf32> to vector<16xf32>
      %swap3A_312 = vector.shape_cast %broadcast_in_dim3A_218 : vector<16xf32> to vector<1x16xf32>
      tpu.vector_store %arg7[%swap3A_308, %swap3A_309], %swap3A_312 {strides = array<i32>} : memref<80x128xf32, #tpu.memory_space<vmem>>, vector<1x16xf32>,
      %swap3A_313 = arith.index_cast %scan3A_277 : i32 to index
      %swap3A_314 = arith.constant 112 : index
      %swap3A_315 = tpu.vector_load %arg7[%swap3A_313, %swap3A_314] {strides = array<i32>} : memref<80x128xf32, #tpu.memory_space<vmem>>, vector<1x16xf32>,
      %swap3A_316 = vector.shape_cast %swap3A_315 : vector<1x16xf32> to vector<16xf32>
      %swap3A_317 = vector.shape_cast %broadcast_in_dim3A_218 : vector<16xf32> to vector<1x16xf32>
      tpu.vector_store %arg7[%swap3A_313, %swap3A_314], %swap3A_317 {strides = array<i32>} : memref<80x128xf32, #tpu.memory_space<vmem>>, vector<1x16xf32>,
    }
    %scan3A_223 = arith.constant 80 : i32
    %mul3A_224 = arith.constant 632 : i32
    %mul3A_225 = arith.muli %arg1, %mul3A_224 : i32
    %add3A_226 = arith.constant 0 : i32
    %add3A_227 = arith.addi %mul3A_225, %add3A_226 : i32
    "tpu.region"() ({
      %run_scoped3A = tpu.sem_alloc : memref<!tpu.dma_semaphore, #tpu.memory_space<semaphore_mem>>
      %dma_start3A_277 = arith.constant 0 : i32
      %dma_start3A_278 = tpu.memref_slice %arg15[%add3A_227, %dma_start3A_277] : memref<10112x128xf32, #tpu.memory_space<vmem_shared>> -> memref<80x128xf32, #tpu.memory_space<vmem_shared>>
      %dma_start3A_279 = arith.constant 0 : i32
      %dma_start3A_280 = tpu.memref_slice %arg15[%add3A_227, %dma_start3A_279] : memref<10112x128xf32, #tpu.memory_space<vmem_shared>> -> memref<80x128xf32, #tpu.memory_space<vmem_shared>>
      tpu.enqueue_dma source(%arg7 : memref<80x128xf32, #tpu.memory_space<vmem>>) target(%dma_start3A_280 : memref<80x128xf32, #tpu.memory_space<vmem_shared>>) target_semaphore(%run_scoped3A : memref<!tpu.dma_semaphore, #tpu.memory_space<semaphore_mem>>)
      %dma_wait3A_281 = arith.constant 0 : i32
      %dma_wait3A_282 = tpu.memref_slice %arg15[%add3A_227, %dma_wait3A_281] : memref<10112x128xf32, #tpu.memory_space<vmem_shared>> -> memref<80x128xf32, #tpu.memory_space<vmem_shared>>
      %dma_wait3A_283 = arith.constant 0 : i32
      %dma_wait3A_284 = tpu.memref_slice %arg15[%add3A_227, %dma_wait3A_283] : memref<10112x128xf32, #tpu.memory_space<vmem_shared>> -> memref<80x128xf32, #tpu.memory_space<vmem_shared>>
      tpu.wait_dma2 semaphore(%run_scoped3A : memref<!tpu.dma_semaphore, #tpu.memory_space<semaphore_mem>>) src(%arg7 : memref<80x128xf32, #tpu.memory_space<vmem>>) dst(%dma_wait3A_284 : memref<80x128xf32, #tpu.memory_space<vmem_shared>>)
      tpu.yield
    }) : () -> ()
    %mul3A_228 = arith.constant 632 : i32
    %mul3A_229 = arith.muli %arg1, %mul3A_228 : i32
    %add3A_230 = arith.constant 80 : i32
    %add3A_231 = arith.addi %mul3A_229, %add3A_230 : i32
    "tpu.region"() ({
      %run_scoped3A = tpu.sem_alloc : memref<!tpu.dma_semaphore, #tpu.memory_space<semaphore_mem>>
      %dma_start3A_277 = arith.constant 0 : i32
      %dma_start3A_278 = tpu.memref_slice %arg15[%add3A_231, %dma_start3A_277] : memref<10112x128xf32, #tpu.memory_space<vmem_shared>> -> memref<80x128xf32, #tpu.memory_space<vmem_shared>>
      %dma_start3A_279 = arith.constant 0 : i32
      %dma_start3A_280 = tpu.memref_slice %arg15[%add3A_231, %dma_start3A_279] : memref<10112x128xf32, #tpu.memory_space<vmem_shared>> -> memref<80x128xf32, #tpu.memory_space<vmem_shared>>
      tpu.enqueue_dma source(%arg7 : memref<80x128xf32, #tpu.memory_space<vmem>>) target(%dma_start3A_280 : memref<80x128xf32, #tpu.memory_space<vmem_shared>>) target_semaphore(%run_scoped3A : memref<!tpu.dma_semaphore, #tpu.memory_space<semaphore_mem>>)
      %dma_wait3A_281 = arith.constant 0 : i32
      %dma_wait3A_282 = tpu.memref_slice %arg15[%add3A_231, %dma_wait3A_281] : memref<10112x128xf32, #tpu.memory_space<vmem_shared>> -> memref<80x128xf32, #tpu.memory_space<vmem_shared>>
      %dma_wait3A_283 = arith.constant 0 : i32
      %dma_wait3A_284 = tpu.memref_slice %arg15[%add3A_231, %dma_wait3A_283] : memref<10112x128xf32, #tpu.memory_space<vmem_shared>> -> memref<80x128xf32, #tpu.memory_space<vmem_shared>>
      tpu.wait_dma2 semaphore(%run_scoped3A : memref<!tpu.dma_semaphore, #tpu.memory_space<semaphore_mem>>) src(%arg7 : memref<80x128xf32, #tpu.memory_space<vmem>>) dst(%dma_wait3A_284 : memref<80x128xf32, #tpu.memory_space<vmem_shared>>)
      tpu.yield
    }) : () -> ()
    %mul3A_232 = arith.constant 632 : i32
    %mul3A_233 = arith.muli %arg1, %mul3A_232 : i32
    %add3A_234 = arith.constant 160 : i32
    %add3A_235 = arith.addi %mul3A_233, %add3A_234 : i32
    "tpu.region"() ({
      %run_scoped3A = tpu.sem_alloc : memref<!tpu.dma_semaphore, #tpu.memory_space<semaphore_mem>>
      %dma_start3A_277 = arith.constant 0 : i32
      %dma_start3A_278 = tpu.memref_slice %arg15[%add3A_235, %dma_start3A_277] : memref<10112x128xf32, #tpu.memory_space<vmem_shared>> -> memref<80x128xf32, #tpu.memory_space<vmem_shared>>
      %dma_start3A_279 = arith.constant 0 : i32
      %dma_start3A_280 = tpu.memref_slice %arg15[%add3A_235, %dma_start3A_279] : memref<10112x128xf32, #tpu.memory_space<vmem_shared>> -> memref<80x128xf32, #tpu.memory_space<vmem_shared>>
      tpu.enqueue_dma source(%arg7 : memref<80x128xf32, #tpu.memory_space<vmem>>) target(%dma_start3A_280 : memref<80x128xf32, #tpu.memory_space<vmem_shared>>) target_semaphore(%run_scoped3A : memref<!tpu.dma_semaphore, #tpu.memory_space<semaphore_mem>>)
      %dma_wait3A_281 = arith.constant 0 : i32
      %dma_wait3A_282 = tpu.memref_slice %arg15[%add3A_235, %dma_wait3A_281] : memref<10112x128xf32, #tpu.memory_space<vmem_shared>> -> memref<80x128xf32, #tpu.memory_space<vmem_shared>>
      %dma_wait3A_283 = arith.constant 0 : i32
      %dma_wait3A_284 = tpu.memref_slice %arg15[%add3A_235, %dma_wait3A_283] : memref<10112x128xf32, #tpu.memory_space<vmem_shared>> -> memref<80x128xf32, #tpu.memory_space<vmem_shared>>
      tpu.wait_dma2 semaphore(%run_scoped3A : memref<!tpu.dma_semaphore, #tpu.memory_space<semaphore_mem>>) src(%arg7 : memref<80x128xf32, #tpu.memory_space<vmem>>) dst(%dma_wait3A_284 : memref<80x128xf32, #tpu.memory_space<vmem_shared>>)
      tpu.yield
    }) : () -> ()
    %mul3A_236 = arith.constant 632 : i32
    %mul3A_237 = arith.muli %arg1, %mul3A_236 : i32
    %add3A_238 = arith.constant 240 : i32
    %add3A_239 = arith.addi %mul3A_237, %add3A_238 : i32
    "tpu.region"() ({
      %run_scoped3A = tpu.sem_alloc : memref<!tpu.dma_semaphore, #tpu.memory_space<semaphore_mem>>
      %dma_start3A_277 = arith.constant 0 : i32
      %dma_start3A_278 = tpu.memref_slice %arg15[%add3A_239, %dma_start3A_277] : memref<10112x128xf32, #tpu.memory_space<vmem_shared>> -> memref<80x128xf32, #tpu.memory_space<vmem_shared>>
      %dma_start3A_279 = arith.constant 0 : i32
      %dma_start3A_280 = tpu.memref_slice %arg15[%add3A_239, %dma_start3A_279] : memref<10112x128xf32, #tpu.memory_space<vmem_shared>> -> memref<80x128xf32, #tpu.memory_space<vmem_shared>>
      tpu.enqueue_dma source(%arg7 : memref<80x128xf32, #tpu.memory_space<vmem>>) target(%dma_start3A_280 : memref<80x128xf32, #tpu.memory_space<vmem_shared>>) target_semaphore(%run_scoped3A : memref<!tpu.dma_semaphore, #tpu.memory_space<semaphore_mem>>)
      %dma_wait3A_281 = arith.constant 0 : i32
      %dma_wait3A_282 = tpu.memref_slice %arg15[%add3A_239, %dma_wait3A_281] : memref<10112x128xf32, #tpu.memory_space<vmem_shared>> -> memref<80x128xf32, #tpu.memory_space<vmem_shared>>
      %dma_wait3A_283 = arith.constant 0 : i32
      %dma_wait3A_284 = tpu.memref_slice %arg15[%add3A_239, %dma_wait3A_283] : memref<10112x128xf32, #tpu.memory_space<vmem_shared>> -> memref<80x128xf32, #tpu.memory_space<vmem_shared>>
      tpu.wait_dma2 semaphore(%run_scoped3A : memref<!tpu.dma_semaphore, #tpu.memory_space<semaphore_mem>>) src(%arg7 : memref<80x128xf32, #tpu.memory_space<vmem>>) dst(%dma_wait3A_284 : memref<80x128xf32, #tpu.memory_space<vmem_shared>>)
      tpu.yield
    }) : () -> ()
    %mul3A_240 = arith.constant 632 : i32
    %mul3A_241 = arith.muli %arg1, %mul3A_240 : i32
    %add3A_242 = arith.constant 320 : i32
    %add3A_243 = arith.addi %mul3A_241, %add3A_242 : i32
    "tpu.region"() ({
      %run_scoped3A = tpu.sem_alloc : memref<!tpu.dma_semaphore, #tpu.memory_space<semaphore_mem>>
      %dma_start3A_277 = arith.constant 0 : i32
      %dma_start3A_278 = tpu.memref_slice %arg15[%add3A_243, %dma_start3A_277] : memref<10112x128xf32, #tpu.memory_space<vmem_shared>> -> memref<80x128xf32, #tpu.memory_space<vmem_shared>>
      %dma_start3A_279 = arith.constant 0 : i32
      %dma_start3A_280 = tpu.memref_slice %arg15[%add3A_243, %dma_start3A_279] : memref<10112x128xf32, #tpu.memory_space<vmem_shared>> -> memref<80x128xf32, #tpu.memory_space<vmem_shared>>
      tpu.enqueue_dma source(%arg7 : memref<80x128xf32, #tpu.memory_space<vmem>>) target(%dma_start3A_280 : memref<80x128xf32, #tpu.memory_space<vmem_shared>>) target_semaphore(%run_scoped3A : memref<!tpu.dma_semaphore, #tpu.memory_space<semaphore_mem>>)
      %dma_wait3A_281 = arith.constant 0 : i32
      %dma_wait3A_282 = tpu.memref_slice %arg15[%add3A_243, %dma_wait3A_281] : memref<10112x128xf32, #tpu.memory_space<vmem_shared>> -> memref<80x128xf32, #tpu.memory_space<vmem_shared>>
      %dma_wait3A_283 = arith.constant 0 : i32
      %dma_wait3A_284 = tpu.memref_slice %arg15[%add3A_243, %dma_wait3A_283] : memref<10112x128xf32, #tpu.memory_space<vmem_shared>> -> memref<80x128xf32, #tpu.memory_space<vmem_shared>>
      tpu.wait_dma2 semaphore(%run_scoped3A : memref<!tpu.dma_semaphore, #tpu.memory_space<semaphore_mem>>) src(%arg7 : memref<80x128xf32, #tpu.memory_space<vmem>>) dst(%dma_wait3A_284 : memref<80x128xf32, #tpu.memory_space<vmem_shared>>)
      tpu.yield
    }) : () -> ()
    %mul3A_244 = arith.constant 632 : i32
    %mul3A_245 = arith.muli %arg1, %mul3A_244 : i32
    %add3A_246 = arith.constant 400 : i32
    %add3A_247 = arith.addi %mul3A_245, %add3A_246 : i32
    "tpu.region"() ({
      %run_scoped3A = tpu.sem_alloc : memref<!tpu.dma_semaphore, #tpu.memory_space<semaphore_mem>>
      %dma_start3A_277 = arith.constant 0 : i32
      %dma_start3A_278 = tpu.memref_slice %arg15[%add3A_247, %dma_start3A_277] : memref<10112x128xf32, #tpu.memory_space<vmem_shared>> -> memref<80x128xf32, #tpu.memory_space<vmem_shared>>
      %dma_start3A_279 = arith.constant 0 : i32
      %dma_start3A_280 = tpu.memref_slice %arg15[%add3A_247, %dma_start3A_279] : memref<10112x128xf32, #tpu.memory_space<vmem_shared>> -> memref<80x128xf32, #tpu.memory_space<vmem_shared>>
      tpu.enqueue_dma source(%arg7 : memref<80x128xf32, #tpu.memory_space<vmem>>) target(%dma_start3A_280 : memref<80x128xf32, #tpu.memory_space<vmem_shared>>) target_semaphore(%run_scoped3A : memref<!tpu.dma_semaphore, #tpu.memory_space<semaphore_mem>>)
      %dma_wait3A_281 = arith.constant 0 : i32
      %dma_wait3A_282 = tpu.memref_slice %arg15[%add3A_247, %dma_wait3A_281] : memref<10112x128xf32, #tpu.memory_space<vmem_shared>> -> memref<80x128xf32, #tpu.memory_space<vmem_shared>>
      %dma_wait3A_283 = arith.constant 0 : i32
      %dma_wait3A_284 = tpu.memref_slice %arg15[%add3A_247, %dma_wait3A_283] : memref<10112x128xf32, #tpu.memory_space<vmem_shared>> -> memref<80x128xf32, #tpu.memory_space<vmem_shared>>
      tpu.wait_dma2 semaphore(%run_scoped3A : memref<!tpu.dma_semaphore, #tpu.memory_space<semaphore_mem>>) src(%arg7 : memref<80x128xf32, #tpu.memory_space<vmem>>) dst(%dma_wait3A_284 : memref<80x128xf32, #tpu.memory_space<vmem_shared>>)
      tpu.yield
    }) : () -> ()
    %mul3A_248 = arith.constant 632 : i32
    %mul3A_249 = arith.muli %arg1, %mul3A_248 : i32
    %add3A_250 = arith.constant 480 : i32
    %add3A_251 = arith.addi %mul3A_249, %add3A_250 : i32
    "tpu.region"() ({
      %run_scoped3A = tpu.sem_alloc : memref<!tpu.dma_semaphore, #tpu.memory_space<semaphore_mem>>
      %dma_start3A_277 = arith.constant 0 : i32
      %dma_start3A_278 = tpu.memref_slice %arg15[%add3A_251, %dma_start3A_277] : memref<10112x128xf32, #tpu.memory_space<vmem_shared>> -> memref<80x128xf32, #tpu.memory_space<vmem_shared>>
      %dma_start3A_279 = arith.constant 0 : i32
      %dma_start3A_280 = tpu.memref_slice %arg15[%add3A_251, %dma_start3A_279] : memref<10112x128xf32, #tpu.memory_space<vmem_shared>> -> memref<80x128xf32, #tpu.memory_space<vmem_shared>>
      tpu.enqueue_dma source(%arg7 : memref<80x128xf32, #tpu.memory_space<vmem>>) target(%dma_start3A_280 : memref<80x128xf32, #tpu.memory_space<vmem_shared>>) target_semaphore(%run_scoped3A : memref<!tpu.dma_semaphore, #tpu.memory_space<semaphore_mem>>)
      %dma_wait3A_281 = arith.constant 0 : i32
      %dma_wait3A_282 = tpu.memref_slice %arg15[%add3A_251, %dma_wait3A_281] : memref<10112x128xf32, #tpu.memory_space<vmem_shared>> -> memref<80x128xf32, #tpu.memory_space<vmem_shared>>
      %dma_wait3A_283 = arith.constant 0 : i32
      %dma_wait3A_284 = tpu.memref_slice %arg15[%add3A_251, %dma_wait3A_283] : memref<10112x128xf32, #tpu.memory_space<vmem_shared>> -> memref<80x128xf32, #tpu.memory_space<vmem_shared>>
      tpu.wait_dma2 semaphore(%run_scoped3A : memref<!tpu.dma_semaphore, #tpu.memory_space<semaphore_mem>>) src(%arg7 : memref<80x128xf32, #tpu.memory_space<vmem>>) dst(%dma_wait3A_284 : memref<80x128xf32, #tpu.memory_space<vmem_shared>>)
      tpu.yield
    }) : () -> ()
    %mul3A_252 = arith.constant 632 : i32
    %mul3A_253 = arith.muli %arg1, %mul3A_252 : i32
    %add3A_254 = arith.constant 560 : i32
    %add3A_255 = arith.addi %mul3A_253, %add3A_254 : i32
    "tpu.region"() ({
      %run_scoped3A = tpu.sem_alloc : memref<!tpu.dma_semaphore, #tpu.memory_space<semaphore_mem>>
      %dma_start3A_277 = arith.constant 0 : i32
      %dma_start3A_278 = arith.constant 0 : i32
      %dma_start3A_279 = tpu.memref_slice %arg7[%dma_start3A_277, %dma_start3A_278] : memref<80x128xf32, #tpu.memory_space<vmem>> -> memref<72x128xf32, #tpu.memory_space<vmem>>
      %dma_start3A_280 = arith.constant 0 : i32
      %dma_start3A_281 = tpu.memref_slice %arg15[%add3A_255, %dma_start3A_280] : memref<10112x128xf32, #tpu.memory_space<vmem_shared>> -> memref<72x128xf32, #tpu.memory_space<vmem_shared>>
      %dma_start3A_282 = arith.constant 0 : i32
      %dma_start3A_283 = tpu.memref_slice %arg15[%add3A_255, %dma_start3A_282] : memref<10112x128xf32, #tpu.memory_space<vmem_shared>> -> memref<72x128xf32, #tpu.memory_space<vmem_shared>>
      %dma_start3A_284 = arith.constant 0 : i32
      %dma_start3A_285 = arith.constant 0 : i32
      %dma_start3A_286 = tpu.memref_slice %arg7[%dma_start3A_284, %dma_start3A_285] : memref<80x128xf32, #tpu.memory_space<vmem>> -> memref<72x128xf32, #tpu.memory_space<vmem>>
      tpu.enqueue_dma source(%dma_start3A_286 : memref<72x128xf32, #tpu.memory_space<vmem>>) target(%dma_start3A_283 : memref<72x128xf32, #tpu.memory_space<vmem_shared>>) target_semaphore(%run_scoped3A : memref<!tpu.dma_semaphore, #tpu.memory_space<semaphore_mem>>)
      %dma_wait3A_287 = arith.constant 0 : i32
      %dma_wait3A_288 = arith.constant 0 : i32
      %dma_wait3A_289 = tpu.memref_slice %arg7[%dma_wait3A_287, %dma_wait3A_288] : memref<80x128xf32, #tpu.memory_space<vmem>> -> memref<72x128xf32, #tpu.memory_space<vmem>>
      %dma_wait3A_290 = arith.constant 0 : i32
      %dma_wait3A_291 = tpu.memref_slice %arg15[%add3A_255, %dma_wait3A_290] : memref<10112x128xf32, #tpu.memory_space<vmem_shared>> -> memref<72x128xf32, #tpu.memory_space<vmem_shared>>
      %dma_wait3A_292 = arith.constant 0 : i32
      %dma_wait3A_293 = tpu.memref_slice %arg15[%add3A_255, %dma_wait3A_292] : memref<10112x128xf32, #tpu.memory_space<vmem_shared>> -> memref<72x128xf32, #tpu.memory_space<vmem_shared>>
      %dma_wait3A_294 = arith.constant 0 : i32
      %dma_wait3A_295 = arith.constant 0 : i32
      %dma_wait3A_296 = tpu.memref_slice %arg7[%dma_wait3A_294, %dma_wait3A_295] : memref<80x128xf32, #tpu.memory_space<vmem>> -> memref<72x128xf32, #tpu.memory_space<vmem>>
      tpu.wait_dma2 semaphore(%run_scoped3A : memref<!tpu.dma_semaphore, #tpu.memory_space<semaphore_mem>>) src(%dma_wait3A_296 : memref<72x128xf32, #tpu.memory_space<vmem>>) dst(%dma_wait3A_293 : memref<72x128xf32, #tpu.memory_space<vmem_shared>>)
      tpu.yield
    }) : () -> ()
    %barrier3A = arith.constant 0 : index
    tpu.barrier barrier_id(%barrier3A)
    %scan3A_256 = arith.constant 0 : i32
    %scan3A_257 = arith.constant 0 : i32
    %scan3A_258 = arith.constant 42 : i32
    %scan3A_259 = arith.addi %scan3A_257, %scan3A_258 : i32
    %scan3A_260 = arith.constant 1 : i32
    scf.for %scan3A_277 = %scan3A_257 to %scan3A_259 step %scan3A_260  : i32 {
      %mul3A_278 = arith.constant 3 : i32
      %mul3A_279 = arith.muli %mul3A_278, %scan3A_277 : i32
      %add3A_280 = arith.constant 0 : i32
      %add3A_281 = arith.addi %mul3A_279, %add3A_280 : i32
      %dma_wait3A_282 = arith.constant 0 : i32
      %dma_wait3A_283 = arith.constant 0 : i32
      %dma_wait3A_284 = tpu.memref_slice %arg5[%dma_wait3A_282, %dma_wait3A_283] : memref<80x128xf32, #tpu.memory_space<vmem>> -> memref<32x128xf32, #tpu.memory_space<vmem>>
      %dma_wait3A_285 = arith.constant 0 : i32
      %dma_wait3A_286 = tpu.memref_slice %arg9[%dma_wait3A_285] : memref<80xi32, #tpu.memory_space<vmem>> -> memref<32xi32, #tpu.memory_space<vmem>>
      %dma_wait3A_287 = arith.constant 0 : i32
      %dma_wait3A_288 = arith.constant 0 : i32
      %dma_wait3A_289 = tpu.memref_slice %arg2[%dma_wait3A_287, %dma_wait3A_288] : memref<10000x128xf32, #tpu.memory_space<hbm>> -> memref<10000x128xf32, #tpu.memory_space<hbm>>
      tpu.wait_indirect_dma semaphore(%arg16 : memref<!tpu.dma_semaphore, #tpu.memory_space<semaphore_mem>>) src(%dma_wait3A_289 : memref<10000x128xf32, #tpu.memory_space<hbm>>) dst(%dma_wait3A_284 : memref<32x128xf32, #tpu.memory_space<vmem>>)
      %dma_wait3A_290 = arith.constant 32 : i32
      %dma_wait3A_291 = arith.constant 0 : i32
      %dma_wait3A_292 = tpu.memref_slice %arg5[%dma_wait3A_290, %dma_wait3A_291] : memref<80x128xf32, #tpu.memory_space<vmem>> -> memref<48x128xf32, #tpu.memory_space<vmem>>
      %dma_wait3A_293 = arith.constant 32 : i32
      %dma_wait3A_294 = tpu.memref_slice %arg9[%dma_wait3A_293] : memref<80xi32, #tpu.memory_space<vmem>> -> memref<48xi32, #tpu.memory_space<vmem>>
      %dma_wait3A_295 = arith.constant 0 : i32
      %dma_wait3A_296 = arith.constant 0 : i32
      %dma_wait3A_297 = tpu.memref_slice %arg2[%dma_wait3A_295, %dma_wait3A_296] : memref<10000x128xf32, #tpu.memory_space<hbm>> -> memref<10000x128xf32, #tpu.memory_space<hbm>>
      tpu.wait_indirect_dma semaphore(%arg19 : memref<!tpu.dma_semaphore, #tpu.memory_space<semaphore_mem>>) src(%dma_wait3A_297 : memref<10000x128xf32, #tpu.memory_space<hbm>>) dst(%dma_wait3A_292 : memref<48x128xf32, #tpu.memory_space<vmem>>)
      %dma_start3A_298 = arith.constant 0 : i32
      %dma_start3A_299 = arith.constant 0 : i32
      %dma_start3A_300 = tpu.memref_slice %arg15[%dma_start3A_298, %dma_start3A_299] : memref<10112x128xf32, #tpu.memory_space<vmem_shared>> -> memref<10112x128xf32, #tpu.memory_space<vmem_shared>>
      tpu.enqueue_indirect_dma source(%arg5 : memref<80x128xf32, #tpu.memory_space<vmem>>) target(%dma_start3A_300 : memref<10112x128xf32, #tpu.memory_space<vmem_shared>>) offsets(%arg12 : memref<80xi32, #tpu.memory_space<vmem>>) semaphore(%arg22 : memref<!tpu.dma_semaphore, #tpu.memory_space<semaphore_mem>>) {add = true}
      %ge3A = arith.constant 1 : i32
      %ge3A_301 = arith.cmpi sge, %add3A_281, %ge3A : i32
      %add3A_302 = arith.constant 2 : i32
      %add3A_303 = arith.addi %add3A_281, %add3A_302 : i32
      %lt3A_304 = arith.constant 126 : i32
      %lt3A_305 = arith.cmpi slt, %add3A_303, %lt3A_304 : i32
      %and3A_306 = arith.andi %ge3A_301, %lt3A_305 : i1
      %convert_element_type3A_307 = arith.extui %and3A_306 : i1 to i32
      %cond3A_308 = arith.constant 0 : i32
      %cond3A_309 = arith.cmpi ne, %convert_element_type3A_307, %cond3A_308 : i32
      scf.if %cond3A_309 {
        %dma_wait3A_397 = arith.constant 0 : i32
        %dma_wait3A_398 = arith.constant 0 : i32
        %dma_wait3A_399 = tpu.memref_slice %arg15[%dma_wait3A_397, %dma_wait3A_398] : memref<10112x128xf32, #tpu.memory_space<vmem_shared>> -> memref<10112x128xf32, #tpu.memory_space<vmem_shared>>
        tpu.wait_indirect_dma semaphore(%arg24 : memref<!tpu.dma_semaphore, #tpu.memory_space<semaphore_mem>>) src(%arg7 : memref<80x128xf32, #tpu.memory_space<vmem>>) dst(%dma_wait3A_399 : memref<10112x128xf32, #tpu.memory_space<vmem_shared>>)
      } else {
      }
      %add3A_310 = arith.constant 2 : i32
      %add3A_311 = arith.addi %add3A_281, %add3A_310 : i32
      %lt3A_312 = arith.constant 126 : i32
      %lt3A_313 = arith.cmpi slt, %add3A_311, %lt3A_312 : i32
      %convert_element_type3A_314 = arith.extui %lt3A_313 : i1 to i32
      %cond3A_315 = arith.constant 0 : i32
      %cond3A_316 = arith.cmpi ne, %convert_element_type3A_314, %cond3A_315 : i32
      scf.if %cond3A_316 {
        %add3A_397 = arith.constant 2 : i32
        %add3A_398 = arith.addi %add3A_281, %add3A_397 : i32
        %get3A_399 = arith.index_cast %add3A_398 : i32 to index
        %get3A_400 = arith.constant 0 : index
        %get3A_401 = tpu.vector_load %arg8[%get3A_399, %get3A_400] {strides = array<i32>} : memref<126x80xi32, #tpu.memory_space<vmem>>, vector<1x16xi32>,
        %get3A_402 = vector.shape_cast %get3A_401 : vector<1x16xi32> to vector<16xi32>
        %shift_right_logical3A_403 = arith.constant 14 : i32
        %shift_right_logical3A_404 = vector.broadcast %shift_right_logical3A_403 : i32 to vector<16xi32>
        %shift_right_logical3A_405 = arith.shrui %get3A_402, %shift_right_logical3A_404 : vector<16xi32>
        %swap3A_406 = arith.constant 0 : index
        %swap3A_407 = tpu.vector_load %arg11[%swap3A_406] {strides = array<i32>} : memref<80xi32, #tpu.memory_space<vmem>>, vector<16xi32>,
        %swap3A_408 = vector.shape_cast %swap3A_407 : vector<16xi32> to vector<16xi32>
        %swap3A_409 = vector.shape_cast %shift_right_logical3A_405 : vector<16xi32> to vector<16xi32>
        tpu.vector_store %arg11[%swap3A_406], %swap3A_409 {strides = array<i32>} : memref<80xi32, #tpu.memory_space<vmem>>, vector<16xi32>,
        %and3A_410 = arith.constant 16383 : i32
        %and3A_411 = vector.broadcast %and3A_410 : i32 to vector<16xi32>
        %and3A_412 = arith.andi %get3A_402, %and3A_411 : vector<16xi32>
        %swap3A_413 = arith.constant 0 : index
        %swap3A_414 = tpu.vector_load %arg14[%swap3A_413] {strides = array<i32>} : memref<80xi32, #tpu.memory_space<vmem>>, vector<16xi32>,
        %swap3A_415 = vector.shape_cast %swap3A_414 : vector<16xi32> to vector<16xi32>
        %swap3A_416 = vector.shape_cast %and3A_412 : vector<16xi32> to vector<16xi32>
        tpu.vector_store %arg14[%swap3A_413], %swap3A_416 {strides = array<i32>} : memref<80xi32, #tpu.memory_space<vmem>>, vector<16xi32>,
        %get3A_417 = arith.index_cast %add3A_398 : i32 to index
        %get3A_418 = arith.constant 16 : index
        %get3A_419 = tpu.vector_load %arg8[%get3A_417, %get3A_418] {strides = array<i32>} : memref<126x80xi32, #tpu.memory_space<vmem>>, vector<1x16xi32>,
        %get3A_420 = vector.shape_cast %get3A_419 : vector<1x16xi32> to vector<16xi32>
        %shift_right_logical3A_421 = arith.constant 14 : i32
        %shift_right_logical3A_422 = vector.broadcast %shift_right_logical3A_421 : i32 to vector<16xi32>
        %shift_right_logical3A_423 = arith.shrui %get3A_420, %shift_right_logical3A_422 : vector<16xi32>
        %swap3A_424 = arith.constant 16 : index
        %swap3A_425 = tpu.vector_load %arg11[%swap3A_424] {strides = array<i32>} : memref<80xi32, #tpu.memory_space<vmem>>, vector<16xi32>,
        %swap3A_426 = vector.shape_cast %swap3A_425 : vector<16xi32> to vector<16xi32>
        %swap3A_427 = vector.shape_cast %shift_right_logical3A_423 : vector<16xi32> to vector<16xi32>
        tpu.vector_store %arg11[%swap3A_424], %swap3A_427 {strides = array<i32>} : memref<80xi32, #tpu.memory_space<vmem>>, vector<16xi32>,
        %and3A_428 = arith.constant 16383 : i32
        %and3A_429 = vector.broadcast %and3A_428 : i32 to vector<16xi32>
        %and3A_430 = arith.andi %get3A_420, %and3A_429 : vector<16xi32>
        %swap3A_431 = arith.constant 16 : index
        %swap3A_432 = tpu.vector_load %arg14[%swap3A_431] {strides = array<i32>} : memref<80xi32, #tpu.memory_space<vmem>>, vector<16xi32>,
        %swap3A_433 = vector.shape_cast %swap3A_432 : vector<16xi32> to vector<16xi32>
        %swap3A_434 = vector.shape_cast %and3A_430 : vector<16xi32> to vector<16xi32>
        tpu.vector_store %arg14[%swap3A_431], %swap3A_434 {strides = array<i32>} : memref<80xi32, #tpu.memory_space<vmem>>, vector<16xi32>,
        %get3A_435 = arith.index_cast %add3A_398 : i32 to index
        %get3A_436 = arith.constant 32 : index
        %get3A_437 = tpu.vector_load %arg8[%get3A_435, %get3A_436] {strides = array<i32>} : memref<126x80xi32, #tpu.memory_space<vmem>>, vector<1x16xi32>,
        %get3A_438 = vector.shape_cast %get3A_437 : vector<1x16xi32> to vector<16xi32>
        %shift_right_logical3A_439 = arith.constant 14 : i32
        %shift_right_logical3A_440 = vector.broadcast %shift_right_logical3A_439 : i32 to vector<16xi32>
        %shift_right_logical3A_441 = arith.shrui %get3A_438, %shift_right_logical3A_440 : vector<16xi32>
        %swap3A_442 = arith.constant 32 : index
        %swap3A_443 = tpu.vector_load %arg11[%swap3A_442] {strides = array<i32>} : memref<80xi32, #tpu.memory_space<vmem>>, vector<16xi32>,
        %swap3A_444 = vector.shape_cast %swap3A_443 : vector<16xi32> to vector<16xi32>
        %swap3A_445 = vector.shape_cast %shift_right_logical3A_441 : vector<16xi32> to vector<16xi32>
        tpu.vector_store %arg11[%swap3A_442], %swap3A_445 {strides = array<i32>} : memref<80xi32, #tpu.memory_space<vmem>>, vector<16xi32>,
        %and3A_446 = arith.constant 16383 : i32
        %and3A_447 = vector.broadcast %and3A_446 : i32 to vector<16xi32>
        %and3A_448 = arith.andi %get3A_438, %and3A_447 : vector<16xi32>
        %swap3A_449 = arith.constant 32 : index
        %swap3A_450 = tpu.vector_load %arg14[%swap3A_449] {strides = array<i32>} : memref<80xi32, #tpu.memory_space<vmem>>, vector<16xi32>,
        %swap3A_451 = vector.shape_cast %swap3A_450 : vector<16xi32> to vector<16xi32>
        %swap3A_452 = vector.shape_cast %and3A_448 : vector<16xi32> to vector<16xi32>
        tpu.vector_store %arg14[%swap3A_449], %swap3A_452 {strides = array<i32>} : memref<80xi32, #tpu.memory_space<vmem>>, vector<16xi32>,
        %get3A_453 = arith.index_cast %add3A_398 : i32 to index
        %get3A_454 = arith.constant 48 : index
        %get3A_455 = tpu.vector_load %arg8[%get3A_453, %get3A_454] {strides = array<i32>} : memref<126x80xi32, #tpu.memory_space<vmem>>, vector<1x16xi32>,
        %get3A_456 = vector.shape_cast %get3A_455 : vector<1x16xi32> to vector<16xi32>
        %shift_right_logical3A_457 = arith.constant 14 : i32
        %shift_right_logical3A_458 = vector.broadcast %shift_right_logical3A_457 : i32 to vector<16xi32>
        %shift_right_logical3A_459 = arith.shrui %get3A_456, %shift_right_logical3A_458 : vector<16xi32>
        %swap3A_460 = arith.constant 48 : index
        %swap3A_461 = tpu.vector_load %arg11[%swap3A_460] {strides = array<i32>} : memref<80xi32, #tpu.memory_space<vmem>>, vector<16xi32>,
        %swap3A_462 = vector.shape_cast %swap3A_461 : vector<16xi32> to vector<16xi32>
        %swap3A_463 = vector.shape_cast %shift_right_logical3A_459 : vector<16xi32> to vector<16xi32>
        tpu.vector_store %arg11[%swap3A_460], %swap3A_463 {strides = array<i32>} : memref<80xi32, #tpu.memory_space<vmem>>, vector<16xi32>,
        %and3A_464 = arith.constant 16383 : i32
        %and3A_465 = vector.broadcast %and3A_464 : i32 to vector<16xi32>
        %and3A_466 = arith.andi %get3A_456, %and3A_465 : vector<16xi32>
        %swap3A_467 = arith.constant 48 : index
        %swap3A_468 = tpu.vector_load %arg14[%swap3A_467] {strides = array<i32>} : memref<80xi32, #tpu.memory_space<vmem>>, vector<16xi32>,
        %swap3A_469 = vector.shape_cast %swap3A_468 : vector<16xi32> to vector<16xi32>
        %swap3A_470 = vector.shape_cast %and3A_466 : vector<16xi32> to vector<16xi32>
        tpu.vector_store %arg14[%swap3A_467], %swap3A_470 {strides = array<i32>} : memref<80xi32, #tpu.memory_space<vmem>>, vector<16xi32>,
        %get3A_471 = arith.index_cast %add3A_398 : i32 to index
        %get3A_472 = arith.constant 64 : index
        %get3A_473 = tpu.vector_load %arg8[%get3A_471, %get3A_472] {strides = array<i32>} : memref<126x80xi32, #tpu.memory_space<vmem>>, vector<1x16xi32>,
        %get3A_474 = vector.shape_cast %get3A_473 : vector<1x16xi32> to vector<16xi32>
        %shift_right_logical3A_475 = arith.constant 14 : i32
        %shift_right_logical3A_476 = vector.broadcast %shift_right_logical3A_475 : i32 to vector<16xi32>
        %shift_right_logical3A_477 = arith.shrui %get3A_474, %shift_right_logical3A_476 : vector<16xi32>
        %swap3A_478 = arith.constant 64 : index
        %swap3A_479 = tpu.vector_load %arg11[%swap3A_478] {strides = array<i32>} : memref<80xi32, #tpu.memory_space<vmem>>, vector<16xi32>,
        %swap3A_480 = vector.shape_cast %swap3A_479 : vector<16xi32> to vector<16xi32>
        %swap3A_481 = vector.shape_cast %shift_right_logical3A_477 : vector<16xi32> to vector<16xi32>
        tpu.vector_store %arg11[%swap3A_478], %swap3A_481 {strides = array<i32>} : memref<80xi32, #tpu.memory_space<vmem>>, vector<16xi32>,
        %and3A_482 = arith.constant 16383 : i32
        %and3A_483 = vector.broadcast %and3A_482 : i32 to vector<16xi32>
        %and3A_484 = arith.andi %get3A_474, %and3A_483 : vector<16xi32>
        %swap3A_485 = arith.constant 64 : index
        %swap3A_486 = tpu.vector_load %arg14[%swap3A_485] {strides = array<i32>} : memref<80xi32, #tpu.memory_space<vmem>>, vector<16xi32>,
        %swap3A_487 = vector.shape_cast %swap3A_486 : vector<16xi32> to vector<16xi32>
        %swap3A_488 = vector.shape_cast %and3A_484 : vector<16xi32> to vector<16xi32>
        tpu.vector_store %arg14[%swap3A_485], %swap3A_488 {strides = array<i32>} : memref<80xi32, #tpu.memory_space<vmem>>, vector<16xi32>,
        %dma_start3A_489 = arith.constant 0 : i32
        %dma_start3A_490 = arith.constant 0 : i32
        %dma_start3A_491 = tpu.memref_slice %arg7[%dma_start3A_489, %dma_start3A_490] : memref<80x128xf32, #tpu.memory_space<vmem>> -> memref<32x128xf32, #tpu.memory_space<vmem>>
        %dma_start3A_492 = arith.constant 0 : i32
        %dma_start3A_493 = tpu.memref_slice %arg11[%dma_start3A_492] : memref<80xi32, #tpu.memory_space<vmem>> -> memref<32xi32, #tpu.memory_space<vmem>>
        %dma_start3A_494 = arith.constant 0 : i32
        %dma_start3A_495 = arith.constant 0 : i32
        %dma_start3A_496 = tpu.memref_slice %arg2[%dma_start3A_494, %dma_start3A_495] : memref<10000x128xf32, #tpu.memory_space<hbm>> -> memref<10000x128xf32, #tpu.memory_space<hbm>>
        tpu.enqueue_indirect_dma source(%dma_start3A_496 : memref<10000x128xf32, #tpu.memory_space<hbm>>) target(%dma_start3A_491 : memref<32x128xf32, #tpu.memory_space<vmem>>) offsets(%dma_start3A_493 : memref<32xi32, #tpu.memory_space<vmem>>) semaphore(%arg18 : memref<!tpu.dma_semaphore, #tpu.memory_space<semaphore_mem>>)
        %dma_start3A_497 = arith.constant 32 : i32
        %dma_start3A_498 = arith.constant 0 : i32
        %dma_start3A_499 = tpu.memref_slice %arg7[%dma_start3A_497, %dma_start3A_498] : memref<80x128xf32, #tpu.memory_space<vmem>> -> memref<48x128xf32, #tpu.memory_space<vmem>>
        %dma_start3A_500 = arith.constant 32 : i32
        %dma_start3A_501 = tpu.memref_slice %arg11[%dma_start3A_500] : memref<80xi32, #tpu.memory_space<vmem>> -> memref<48xi32, #tpu.memory_space<vmem>>
        %dma_start3A_502 = arith.constant 0 : i32
        %dma_start3A_503 = arith.constant 0 : i32
        %dma_start3A_504 = tpu.memref_slice %arg2[%dma_start3A_502, %dma_start3A_503] : memref<10000x128xf32, #tpu.memory_space<hbm>> -> memref<10000x128xf32, #tpu.memory_space<hbm>>
        tpu.enqueue_indirect_dma source(%dma_start3A_504 : memref<10000x128xf32, #tpu.memory_space<hbm>>) target(%dma_start3A_499 : memref<48x128xf32, #tpu.memory_space<vmem>>) offsets(%dma_start3A_501 : memref<48xi32, #tpu.memory_space<vmem>>) semaphore(%arg21 : memref<!tpu.dma_semaphore, #tpu.memory_space<semaphore_mem>>)
      } else {
      }
      %mul3A_317 = arith.constant 3 : i32
      %mul3A_318 = arith.muli %mul3A_317, %scan3A_277 : i32
      %add3A_319 = arith.constant 1 : i32
      %add3A_320 = arith.addi %mul3A_318, %add3A_319 : i32
      %dma_wait3A_321 = arith.constant 0 : i32
      %dma_wait3A_322 = arith.constant 0 : i32
      %dma_wait3A_323 = tpu.memref_slice %arg6[%dma_wait3A_321, %dma_wait3A_322] : memref<80x128xf32, #tpu.memory_space<vmem>> -> memref<32x128xf32, #tpu.memory_space<vmem>>
      %dma_wait3A_324 = arith.constant 0 : i32
      %dma_wait3A_325 = tpu.memref_slice %arg10[%dma_wait3A_324] : memref<80xi32, #tpu.memory_space<vmem>> -> memref<32xi32, #tpu.memory_space<vmem>>
      %dma_wait3A_326 = arith.constant 0 : i32
      %dma_wait3A_327 = arith.constant 0 : i32
      %dma_wait3A_328 = tpu.memref_slice %arg2[%dma_wait3A_326, %dma_wait3A_327] : memref<10000x128xf32, #tpu.memory_space<hbm>> -> memref<10000x128xf32, #tpu.memory_space<hbm>>
      tpu.wait_indirect_dma semaphore(%arg17 : memref<!tpu.dma_semaphore, #tpu.memory_space<semaphore_mem>>) src(%dma_wait3A_328 : memref<10000x128xf32, #tpu.memory_space<hbm>>) dst(%dma_wait3A_323 : memref<32x128xf32, #tpu.memory_space<vmem>>)
      %dma_wait3A_329 = arith.constant 32 : i32
      %dma_wait3A_330 = arith.constant 0 : i32
      %dma_wait3A_331 = tpu.memref_slice %arg6[%dma_wait3A_329, %dma_wait3A_330] : memref<80x128xf32, #tpu.memory_space<vmem>> -> memref<48x128xf32, #tpu.memory_space<vmem>>
      %dma_wait3A_332 = arith.constant 32 : i32
      %dma_wait3A_333 = tpu.memref_slice %arg10[%dma_wait3A_332] : memref<80xi32, #tpu.memory_space<vmem>> -> memref<48xi32, #tpu.memory_space<vmem>>
      %dma_wait3A_334 = arith.constant 0 : i32
      %dma_wait3A_335 = arith.constant 0 : i32
      %dma_wait3A_336 = tpu.memref_slice %arg2[%dma_wait3A_334, %dma_wait3A_335] : memref<10000x128xf32, #tpu.memory_space<hbm>> -> memref<10000x128xf32, #tpu.memory_space<hbm>>
      tpu.wait_indirect_dma semaphore(%arg20 : memref<!tpu.dma_semaphore, #tpu.memory_space<semaphore_mem>>) src(%dma_wait3A_336 : memref<10000x128xf32, #tpu.memory_space<hbm>>) dst(%dma_wait3A_331 : memref<48x128xf32, #tpu.memory_space<vmem>>)
      %dma_start3A_337 = arith.constant 0 : i32
      %dma_start3A_338 = arith.constant 0 : i32
      %dma_start3A_339 = tpu.memref_slice %arg15[%dma_start3A_337, %dma_start3A_338] : memref<10112x128xf32, #tpu.memory_space<vmem_shared>> -> memref<10112x128xf32, #tpu.memory_space<vmem_shared>>
      tpu.enqueue_indirect_dma source(%arg6 : memref<80x128xf32, #tpu.memory_space<vmem>>) target(%dma_start3A_339 : memref<10112x128xf32, #tpu.memory_space<vmem_shared>>) offsets(%arg13 : memref<80xi32, #tpu.memory_space<vmem>>) semaphore(%arg23 : memref<!tpu.dma_semaphore, #tpu.memory_space<semaphore_mem>>) {add = true}
      %ge3A_340 = arith.constant 1 : i32
      %ge3A_341 = arith.cmpi sge, %add3A_320, %ge3A_340 : i32
      %add3A_342 = arith.constant 2 : i32
      %add3A_343 = arith.addi %add3A_320, %add3A_342 : i32
      %lt3A_344 = arith.constant 126 : i32
      %lt3A_345 = arith.cmpi slt, %add3A_343, %lt3A_344 : i32
      %and3A_346 = arith.andi %ge3A_341, %lt3A_345 : i1
      %convert_element_type3A_347 = arith.extui %and3A_346 : i1 to i32
      %cond3A_348 = arith.constant 0 : i32
      %cond3A_349 = arith.cmpi ne, %convert_element_type3A_347, %cond3A_348 : i32
      scf.if %cond3A_349 {
        %dma_wait3A_397 = arith.constant 0 : i32
        %dma_wait3A_398 = arith.constant 0 : i32
        %dma_wait3A_399 = tpu.memref_slice %arg15[%dma_wait3A_397, %dma_wait3A_398] : memref<10112x128xf32, #tpu.memory_space<vmem_shared>> -> memref<10112x128xf32, #tpu.memory_space<vmem_shared>>
        tpu.wait_indirect_dma semaphore(%arg22 : memref<!tpu.dma_semaphore, #tpu.memory_space<semaphore_mem>>) src(%arg5 : memref<80x128xf32, #tpu.memory_space<vmem>>) dst(%dma_wait3A_399 : memref<10112x128xf32, #tpu.memory_space<vmem_shared>>)
      } else {
      }
      %add3A_350 = arith.constant 2 : i32
      %add3A_351 = arith.addi %add3A_320, %add3A_350 : i32
      %lt3A_352 = arith.constant 126 : i32
      %lt3A_353 = arith.cmpi slt, %add3A_351, %lt3A_352 : i32
      %convert_element_type3A_354 = arith.extui %lt3A_353 : i1 to i32
      %cond3A_355 = arith.constant 0 : i32
      %cond3A_356 = arith.cmpi ne, %convert_element_type3A_354, %cond3A_355 : i32
      scf.if %cond3A_356 {
        %add3A_397 = arith.constant 2 : i32
        %add3A_398 = arith.addi %add3A_320, %add3A_397 : i32
        %get3A_399 = arith.index_cast %add3A_398 : i32 to index
        %get3A_400 = arith.constant 0 : index
        %get3A_401 = tpu.vector_load %arg8[%get3A_399, %get3A_400] {strides = array<i32>} : memref<126x80xi32, #tpu.memory_space<vmem>>, vector<1x16xi32>,
        %get3A_402 = vector.shape_cast %get3A_401 : vector<1x16xi32> to vector<16xi32>
        %shift_right_logical3A_403 = arith.constant 14 : i32
        %shift_right_logical3A_404 = vector.broadcast %shift_right_logical3A_403 : i32 to vector<16xi32>
        %shift_right_logical3A_405 = arith.shrui %get3A_402, %shift_right_logical3A_404 : vector<16xi32>
        %swap3A_406 = arith.constant 0 : index
        %swap3A_407 = tpu.vector_load %arg9[%swap3A_406] {strides = array<i32>} : memref<80xi32, #tpu.memory_space<vmem>>, vector<16xi32>,
        %swap3A_408 = vector.shape_cast %swap3A_407 : vector<16xi32> to vector<16xi32>
        %swap3A_409 = vector.shape_cast %shift_right_logical3A_405 : vector<16xi32> to vector<16xi32>
        tpu.vector_store %arg9[%swap3A_406], %swap3A_409 {strides = array<i32>} : memref<80xi32, #tpu.memory_space<vmem>>, vector<16xi32>,
        %and3A_410 = arith.constant 16383 : i32
        %and3A_411 = vector.broadcast %and3A_410 : i32 to vector<16xi32>
        %and3A_412 = arith.andi %get3A_402, %and3A_411 : vector<16xi32>
        %swap3A_413 = arith.constant 0 : index
        %swap3A_414 = tpu.vector_load %arg12[%swap3A_413] {strides = array<i32>} : memref<80xi32, #tpu.memory_space<vmem>>, vector<16xi32>,
        %swap3A_415 = vector.shape_cast %swap3A_414 : vector<16xi32> to vector<16xi32>
        %swap3A_416 = vector.shape_cast %and3A_412 : vector<16xi32> to vector<16xi32>
        tpu.vector_store %arg12[%swap3A_413], %swap3A_416 {strides = array<i32>} : memref<80xi32, #tpu.memory_space<vmem>>, vector<16xi32>,
        %get3A_417 = arith.index_cast %add3A_398 : i32 to index
        %get3A_418 = arith.constant 16 : index
        %get3A_419 = tpu.vector_load %arg8[%get3A_417, %get3A_418] {strides = array<i32>} : memref<126x80xi32, #tpu.memory_space<vmem>>, vector<1x16xi32>,
        %get3A_420 = vector.shape_cast %get3A_419 : vector<1x16xi32> to vector<16xi32>
        %shift_right_logical3A_421 = arith.constant 14 : i32
        %shift_right_logical3A_422 = vector.broadcast %shift_right_logical3A_421 : i32 to vector<16xi32>
        %shift_right_logical3A_423 = arith.shrui %get3A_420, %shift_right_logical3A_422 : vector<16xi32>
        %swap3A_424 = arith.constant 16 : index
        %swap3A_425 = tpu.vector_load %arg9[%swap3A_424] {strides = array<i32>} : memref<80xi32, #tpu.memory_space<vmem>>, vector<16xi32>,
        %swap3A_426 = vector.shape_cast %swap3A_425 : vector<16xi32> to vector<16xi32>
        %swap3A_427 = vector.shape_cast %shift_right_logical3A_423 : vector<16xi32> to vector<16xi32>
        tpu.vector_store %arg9[%swap3A_424], %swap3A_427 {strides = array<i32>} : memref<80xi32, #tpu.memory_space<vmem>>, vector<16xi32>,
        %and3A_428 = arith.constant 16383 : i32
        %and3A_429 = vector.broadcast %and3A_428 : i32 to vector<16xi32>
        %and3A_430 = arith.andi %get3A_420, %and3A_429 : vector<16xi32>
        %swap3A_431 = arith.constant 16 : index
        %swap3A_432 = tpu.vector_load %arg12[%swap3A_431] {strides = array<i32>} : memref<80xi32, #tpu.memory_space<vmem>>, vector<16xi32>,
        %swap3A_433 = vector.shape_cast %swap3A_432 : vector<16xi32> to vector<16xi32>
        %swap3A_434 = vector.shape_cast %and3A_430 : vector<16xi32> to vector<16xi32>
        tpu.vector_store %arg12[%swap3A_431], %swap3A_434 {strides = array<i32>} : memref<80xi32, #tpu.memory_space<vmem>>, vector<16xi32>,
        %get3A_435 = arith.index_cast %add3A_398 : i32 to index
        %get3A_436 = arith.constant 32 : index
        %get3A_437 = tpu.vector_load %arg8[%get3A_435, %get3A_436] {strides = array<i32>} : memref<126x80xi32, #tpu.memory_space<vmem>>, vector<1x16xi32>,
        %get3A_438 = vector.shape_cast %get3A_437 : vector<1x16xi32> to vector<16xi32>
        %shift_right_logical3A_439 = arith.constant 14 : i32
        %shift_right_logical3A_440 = vector.broadcast %shift_right_logical3A_439 : i32 to vector<16xi32>
        %shift_right_logical3A_441 = arith.shrui %get3A_438, %shift_right_logical3A_440 : vector<16xi32>
        %swap3A_442 = arith.constant 32 : index
        %swap3A_443 = tpu.vector_load %arg9[%swap3A_442] {strides = array<i32>} : memref<80xi32, #tpu.memory_space<vmem>>, vector<16xi32>,
        %swap3A_444 = vector.shape_cast %swap3A_443 : vector<16xi32> to vector<16xi32>
        %swap3A_445 = vector.shape_cast %shift_right_logical3A_441 : vector<16xi32> to vector<16xi32>
        tpu.vector_store %arg9[%swap3A_442], %swap3A_445 {strides = array<i32>} : memref<80xi32, #tpu.memory_space<vmem>>, vector<16xi32>,
        %and3A_446 = arith.constant 16383 : i32
        %and3A_447 = vector.broadcast %and3A_446 : i32 to vector<16xi32>
        %and3A_448 = arith.andi %get3A_438, %and3A_447 : vector<16xi32>
        %swap3A_449 = arith.constant 32 : index
        %swap3A_450 = tpu.vector_load %arg12[%swap3A_449] {strides = array<i32>} : memref<80xi32, #tpu.memory_space<vmem>>, vector<16xi32>,
        %swap3A_451 = vector.shape_cast %swap3A_450 : vector<16xi32> to vector<16xi32>
        %swap3A_452 = vector.shape_cast %and3A_448 : vector<16xi32> to vector<16xi32>
        tpu.vector_store %arg12[%swap3A_449], %swap3A_452 {strides = array<i32>} : memref<80xi32, #tpu.memory_space<vmem>>, vector<16xi32>,
        %get3A_453 = arith.index_cast %add3A_398 : i32 to index
        %get3A_454 = arith.constant 48 : index
        %get3A_455 = tpu.vector_load %arg8[%get3A_453, %get3A_454] {strides = array<i32>} : memref<126x80xi32, #tpu.memory_space<vmem>>, vector<1x16xi32>,
        %get3A_456 = vector.shape_cast %get3A_455 : vector<1x16xi32> to vector<16xi32>
        %shift_right_logical3A_457 = arith.constant 14 : i32
        %shift_right_logical3A_458 = vector.broadcast %shift_right_logical3A_457 : i32 to vector<16xi32>
        %shift_right_logical3A_459 = arith.shrui %get3A_456, %shift_right_logical3A_458 : vector<16xi32>
        %swap3A_460 = arith.constant 48 : index
        %swap3A_461 = tpu.vector_load %arg9[%swap3A_460] {strides = array<i32>} : memref<80xi32, #tpu.memory_space<vmem>>, vector<16xi32>,
        %swap3A_462 = vector.shape_cast %swap3A_461 : vector<16xi32> to vector<16xi32>
        %swap3A_463 = vector.shape_cast %shift_right_logical3A_459 : vector<16xi32> to vector<16xi32>
        tpu.vector_store %arg9[%swap3A_460], %swap3A_463 {strides = array<i32>} : memref<80xi32, #tpu.memory_space<vmem>>, vector<16xi32>,
        %and3A_464 = arith.constant 16383 : i32
        %and3A_465 = vector.broadcast %and3A_464 : i32 to vector<16xi32>
        %and3A_466 = arith.andi %get3A_456, %and3A_465 : vector<16xi32>
        %swap3A_467 = arith.constant 48 : index
        %swap3A_468 = tpu.vector_load %arg12[%swap3A_467] {strides = array<i32>} : memref<80xi32, #tpu.memory_space<vmem>>, vector<16xi32>,
        %swap3A_469 = vector.shape_cast %swap3A_468 : vector<16xi32> to vector<16xi32>
        %swap3A_470 = vector.shape_cast %and3A_466 : vector<16xi32> to vector<16xi32>
        tpu.vector_store %arg12[%swap3A_467], %swap3A_470 {strides = array<i32>} : memref<80xi32, #tpu.memory_space<vmem>>, vector<16xi32>,
        %get3A_471 = arith.index_cast %add3A_398 : i32 to index
        %get3A_472 = arith.constant 64 : index
        %get3A_473 = tpu.vector_load %arg8[%get3A_471, %get3A_472] {strides = array<i32>} : memref<126x80xi32, #tpu.memory_space<vmem>>, vector<1x16xi32>,
        %get3A_474 = vector.shape_cast %get3A_473 : vector<1x16xi32> to vector<16xi32>
        %shift_right_logical3A_475 = arith.constant 14 : i32
        %shift_right_logical3A_476 = vector.broadcast %shift_right_logical3A_475 : i32 to vector<16xi32>
        %shift_right_logical3A_477 = arith.shrui %get3A_474, %shift_right_logical3A_476 : vector<16xi32>
        %swap3A_478 = arith.constant 64 : index
        %swap3A_479 = tpu.vector_load %arg9[%swap3A_478] {strides = array<i32>} : memref<80xi32, #tpu.memory_space<vmem>>, vector<16xi32>,
        %swap3A_480 = vector.shape_cast %swap3A_479 : vector<16xi32> to vector<16xi32>
        %swap3A_481 = vector.shape_cast %shift_right_logical3A_477 : vector<16xi32> to vector<16xi32>
        tpu.vector_store %arg9[%swap3A_478], %swap3A_481 {strides = array<i32>} : memref<80xi32, #tpu.memory_space<vmem>>, vector<16xi32>,
        %and3A_482 = arith.constant 16383 : i32
        %and3A_483 = vector.broadcast %and3A_482 : i32 to vector<16xi32>
        %and3A_484 = arith.andi %get3A_474, %and3A_483 : vector<16xi32>
        %swap3A_485 = arith.constant 64 : index
        %swap3A_486 = tpu.vector_load %arg12[%swap3A_485] {strides = array<i32>} : memref<80xi32, #tpu.memory_space<vmem>>, vector<16xi32>,
        %swap3A_487 = vector.shape_cast %swap3A_486 : vector<16xi32> to vector<16xi32>
        %swap3A_488 = vector.shape_cast %and3A_484 : vector<16xi32> to vector<16xi32>
        tpu.vector_store %arg12[%swap3A_485], %swap3A_488 {strides = array<i32>} : memref<80xi32, #tpu.memory_space<vmem>>, vector<16xi32>,
        %dma_start3A_489 = arith.constant 0 : i32
        %dma_start3A_490 = arith.constant 0 : i32
        %dma_start3A_491 = tpu.memref_slice %arg5[%dma_start3A_489, %dma_start3A_490] : memref<80x128xf32, #tpu.memory_space<vmem>> -> memref<32x128xf32, #tpu.memory_space<vmem>>
        %dma_start3A_492 = arith.constant 0 : i32
        %dma_start3A_493 = tpu.memref_slice %arg9[%dma_start3A_492] : memref<80xi32, #tpu.memory_space<vmem>> -> memref<32xi32, #tpu.memory_space<vmem>>
        %dma_start3A_494 = arith.constant 0 : i32
        %dma_start3A_495 = arith.constant 0 : i32
        %dma_start3A_496 = tpu.memref_slice %arg2[%dma_start3A_494, %dma_start3A_495] : memref<10000x128xf32, #tpu.memory_space<hbm>> -> memref<10000x128xf32, #tpu.memory_space<hbm>>
        tpu.enqueue_indirect_dma source(%dma_start3A_496 : memref<10000x128xf32, #tpu.memory_space<hbm>>) target(%dma_start3A_491 : memref<32x128xf32, #tpu.memory_space<vmem>>) offsets(%dma_start3A_493 : memref<32xi32, #tpu.memory_space<vmem>>) semaphore(%arg16 : memref<!tpu.dma_semaphore, #tpu.memory_space<semaphore_mem>>)
        %dma_start3A_497 = arith.constant 32 : i32
        %dma_start3A_498 = arith.constant 0 : i32
        %dma_start3A_499 = tpu.memref_slice %arg5[%dma_start3A_497, %dma_start3A_498] : memref<80x128xf32, #tpu.memory_space<vmem>> -> memref<48x128xf32, #tpu.memory_space<vmem>>
        %dma_start3A_500 = arith.constant 32 : i32
        %dma_start3A_501 = tpu.memref_slice %arg9[%dma_start3A_500] : memref<80xi32, #tpu.memory_space<vmem>> -> memref<48xi32, #tpu.memory_space<vmem>>
        %dma_start3A_502 = arith.constant 0 : i32
        %dma_start3A_503 = arith.constant 0 : i32
        %dma_start3A_504 = tpu.memref_slice %arg2[%dma_start3A_502, %dma_start3A_503] : memref<10000x128xf32, #tpu.memory_space<hbm>> -> memref<10000x128xf32, #tpu.memory_space<hbm>>
        tpu.enqueue_indirect_dma source(%dma_start3A_504 : memref<10000x128xf32, #tpu.memory_space<hbm>>) target(%dma_start3A_499 : memref<48x128xf32, #tpu.memory_space<vmem>>) offsets(%dma_start3A_501 : memref<48xi32, #tpu.memory_space<vmem>>) semaphore(%arg19 : memref<!tpu.dma_semaphore, #tpu.memory_space<semaphore_mem>>)
      } else {
      }
      %mul3A_357 = arith.constant 3 : i32
      %mul3A_358 = arith.muli %mul3A_357, %scan3A_277 : i32
      %add3A_359 = arith.constant 2 : i32
      %add3A_360 = arith.addi %mul3A_358, %add3A_359 : i32
      %dma_wait3A_361 = arith.constant 0 : i32
      %dma_wait3A_362 = arith.constant 0 : i32
      %dma_wait3A_363 = tpu.memref_slice %arg7[%dma_wait3A_361, %dma_wait3A_362] : memref<80x128xf32, #tpu.memory_space<vmem>> -> memref<32x128xf32, #tpu.memory_space<vmem>>
      %dma_wait3A_364 = arith.constant 0 : i32
      %dma_wait3A_365 = tpu.memref_slice %arg11[%dma_wait3A_364] : memref<80xi32, #tpu.memory_space<vmem>> -> memref<32xi32, #tpu.memory_space<vmem>>
      %dma_wait3A_366 = arith.constant 0 : i32
      %dma_wait3A_367 = arith.constant 0 : i32
      %dma_wait3A_368 = tpu.memref_slice %arg2[%dma_wait3A_366, %dma_wait3A_367] : memref<10000x128xf32, #tpu.memory_space<hbm>> -> memref<10000x128xf32, #tpu.memory_space<hbm>>
      tpu.wait_indirect_dma semaphore(%arg18 : memref<!tpu.dma_semaphore, #tpu.memory_space<semaphore_mem>>) src(%dma_wait3A_368 : memref<10000x128xf32, #tpu.memory_space<hbm>>) dst(%dma_wait3A_363 : memref<32x128xf32, #tpu.memory_space<vmem>>)
      %dma_wait3A_369 = arith.constant 32 : i32
      %dma_wait3A_370 = arith.constant 0 : i32
      %dma_wait3A_371 = tpu.memref_slice %arg7[%dma_wait3A_369, %dma_wait3A_370] : memref<80x128xf32, #tpu.memory_space<vmem>> -> memref<48x128xf32, #tpu.memory_space<vmem>>
      %dma_wait3A_372 = arith.constant 32 : i32
      %dma_wait3A_373 = tpu.memref_slice %arg11[%dma_wait3A_372] : memref<80xi32, #tpu.memory_space<vmem>> -> memref<48xi32, #tpu.memory_space<vmem>>
      %dma_wait3A_374 = arith.constant 0 : i32
      %dma_wait3A_375 = arith.constant 0 : i32
      %dma_wait3A_376 = tpu.memref_slice %arg2[%dma_wait3A_374, %dma_wait3A_375] : memref<10000x128xf32, #tpu.memory_space<hbm>> -> memref<10000x128xf32, #tpu.memory_space<hbm>>
      tpu.wait_indirect_dma semaphore(%arg21 : memref<!tpu.dma_semaphore, #tpu.memory_space<semaphore_mem>>) src(%dma_wait3A_376 : memref<10000x128xf32, #tpu.memory_space<hbm>>) dst(%dma_wait3A_371 : memref<48x128xf32, #tpu.memory_space<vmem>>)
      %dma_start3A_377 = arith.constant 0 : i32
      %dma_start3A_378 = arith.constant 0 : i32
      %dma_start3A_379 = tpu.memref_slice %arg15[%dma_start3A_377, %dma_start3A_378] : memref<10112x128xf32, #tpu.memory_space<vmem_shared>> -> memref<10112x128xf32, #tpu.memory_space<vmem_shared>>
      tpu.enqueue_indirect_dma source(%arg7 : memref<80x128xf32, #tpu.memory_space<vmem>>) target(%dma_start3A_379 : memref<10112x128xf32, #tpu.memory_space<vmem_shared>>) offsets(%arg14 : memref<80xi32, #tpu.memory_space<vmem>>) semaphore(%arg24 : memref<!tpu.dma_semaphore, #tpu.memory_space<semaphore_mem>>) {add = true}
      %ge3A_380 = arith.constant 1 : i32
      %ge3A_381 = arith.cmpi sge, %add3A_360, %ge3A_380 : i32
      %add3A_382 = arith.constant 2 : i32
      %add3A_383 = arith.addi %add3A_360, %add3A_382 : i32
      %lt3A_384 = arith.constant 126 : i32
      %lt3A_385 = arith.cmpi slt, %add3A_383, %lt3A_384 : i32
      %and3A_386 = arith.andi %ge3A_381, %lt3A_385 : i1
      %convert_element_type3A_387 = arith.extui %and3A_386 : i1 to i32
      %cond3A_388 = arith.constant 0 : i32
      %cond3A_389 = arith.cmpi ne, %convert_element_type3A_387, %cond3A_388 : i32
      scf.if %cond3A_389 {
        %dma_wait3A_397 = arith.constant 0 : i32
        %dma_wait3A_398 = arith.constant 0 : i32
        %dma_wait3A_399 = tpu.memref_slice %arg15[%dma_wait3A_397, %dma_wait3A_398] : memref<10112x128xf32, #tpu.memory_space<vmem_shared>> -> memref<10112x128xf32, #tpu.memory_space<vmem_shared>>
        tpu.wait_indirect_dma semaphore(%arg23 : memref<!tpu.dma_semaphore, #tpu.memory_space<semaphore_mem>>) src(%arg6 : memref<80x128xf32, #tpu.memory_space<vmem>>) dst(%dma_wait3A_399 : memref<10112x128xf32, #tpu.memory_space<vmem_shared>>)
      } else {
      }
      %add3A_390 = arith.constant 2 : i32
      %add3A_391 = arith.addi %add3A_360, %add3A_390 : i32
      %lt3A_392 = arith.constant 126 : i32
      %lt3A_393 = arith.cmpi slt, %add3A_391, %lt3A_392 : i32
      %convert_element_type3A_394 = arith.extui %lt3A_393 : i1 to i32
      %cond3A_395 = arith.constant 0 : i32
      %cond3A_396 = arith.cmpi ne, %convert_element_type3A_394, %cond3A_395 : i32
      scf.if %cond3A_396 {
        %add3A_397 = arith.constant 2 : i32
        %add3A_398 = arith.addi %add3A_360, %add3A_397 : i32
        %get3A_399 = arith.index_cast %add3A_398 : i32 to index
        %get3A_400 = arith.constant 0 : index
        %get3A_401 = tpu.vector_load %arg8[%get3A_399, %get3A_400] {strides = array<i32>} : memref<126x80xi32, #tpu.memory_space<vmem>>, vector<1x16xi32>,
        %get3A_402 = vector.shape_cast %get3A_401 : vector<1x16xi32> to vector<16xi32>
        %shift_right_logical3A_403 = arith.constant 14 : i32
        %shift_right_logical3A_404 = vector.broadcast %shift_right_logical3A_403 : i32 to vector<16xi32>
        %shift_right_logical3A_405 = arith.shrui %get3A_402, %shift_right_logical3A_404 : vector<16xi32>
        %swap3A_406 = arith.constant 0 : index
        %swap3A_407 = tpu.vector_load %arg10[%swap3A_406] {strides = array<i32>} : memref<80xi32, #tpu.memory_space<vmem>>, vector<16xi32>,
        %swap3A_408 = vector.shape_cast %swap3A_407 : vector<16xi32> to vector<16xi32>
        %swap3A_409 = vector.shape_cast %shift_right_logical3A_405 : vector<16xi32> to vector<16xi32>
        tpu.vector_store %arg10[%swap3A_406], %swap3A_409 {strides = array<i32>} : memref<80xi32, #tpu.memory_space<vmem>>, vector<16xi32>,
        %and3A_410 = arith.constant 16383 : i32
        %and3A_411 = vector.broadcast %and3A_410 : i32 to vector<16xi32>
        %and3A_412 = arith.andi %get3A_402, %and3A_411 : vector<16xi32>
        %swap3A_413 = arith.constant 0 : index
        %swap3A_414 = tpu.vector_load %arg13[%swap3A_413] {strides = array<i32>} : memref<80xi32, #tpu.memory_space<vmem>>, vector<16xi32>,
        %swap3A_415 = vector.shape_cast %swap3A_414 : vector<16xi32> to vector<16xi32>
        %swap3A_416 = vector.shape_cast %and3A_412 : vector<16xi32> to vector<16xi32>
        tpu.vector_store %arg13[%swap3A_413], %swap3A_416 {strides = array<i32>} : memref<80xi32, #tpu.memory_space<vmem>>, vector<16xi32>,
        %get3A_417 = arith.index_cast %add3A_398 : i32 to index
        %get3A_418 = arith.constant 16 : index
        %get3A_419 = tpu.vector_load %arg8[%get3A_417, %get3A_418] {strides = array<i32>} : memref<126x80xi32, #tpu.memory_space<vmem>>, vector<1x16xi32>,
        %get3A_420 = vector.shape_cast %get3A_419 : vector<1x16xi32> to vector<16xi32>
        %shift_right_logical3A_421 = arith.constant 14 : i32
        %shift_right_logical3A_422 = vector.broadcast %shift_right_logical3A_421 : i32 to vector<16xi32>
        %shift_right_logical3A_423 = arith.shrui %get3A_420, %shift_right_logical3A_422 : vector<16xi32>
        %swap3A_424 = arith.constant 16 : index
        %swap3A_425 = tpu.vector_load %arg10[%swap3A_424] {strides = array<i32>} : memref<80xi32, #tpu.memory_space<vmem>>, vector<16xi32>,
        %swap3A_426 = vector.shape_cast %swap3A_425 : vector<16xi32> to vector<16xi32>
        %swap3A_427 = vector.shape_cast %shift_right_logical3A_423 : vector<16xi32> to vector<16xi32>
        tpu.vector_store %arg10[%swap3A_424], %swap3A_427 {strides = array<i32>} : memref<80xi32, #tpu.memory_space<vmem>>, vector<16xi32>,
        %and3A_428 = arith.constant 16383 : i32
        %and3A_429 = vector.broadcast %and3A_428 : i32 to vector<16xi32>
        %and3A_430 = arith.andi %get3A_420, %and3A_429 : vector<16xi32>
        %swap3A_431 = arith.constant 16 : index
        %swap3A_432 = tpu.vector_load %arg13[%swap3A_431] {strides = array<i32>} : memref<80xi32, #tpu.memory_space<vmem>>, vector<16xi32>,
        %swap3A_433 = vector.shape_cast %swap3A_432 : vector<16xi32> to vector<16xi32>
        %swap3A_434 = vector.shape_cast %and3A_430 : vector<16xi32> to vector<16xi32>
        tpu.vector_store %arg13[%swap3A_431], %swap3A_434 {strides = array<i32>} : memref<80xi32, #tpu.memory_space<vmem>>, vector<16xi32>,
        %get3A_435 = arith.index_cast %add3A_398 : i32 to index
        %get3A_436 = arith.constant 32 : index
        %get3A_437 = tpu.vector_load %arg8[%get3A_435, %get3A_436] {strides = array<i32>} : memref<126x80xi32, #tpu.memory_space<vmem>>, vector<1x16xi32>,
        %get3A_438 = vector.shape_cast %get3A_437 : vector<1x16xi32> to vector<16xi32>
        %shift_right_logical3A_439 = arith.constant 14 : i32
        %shift_right_logical3A_440 = vector.broadcast %shift_right_logical3A_439 : i32 to vector<16xi32>
        %shift_right_logical3A_441 = arith.shrui %get3A_438, %shift_right_logical3A_440 : vector<16xi32>
        %swap3A_442 = arith.constant 32 : index
        %swap3A_443 = tpu.vector_load %arg10[%swap3A_442] {strides = array<i32>} : memref<80xi32, #tpu.memory_space<vmem>>, vector<16xi32>,
        %swap3A_444 = vector.shape_cast %swap3A_443 : vector<16xi32> to vector<16xi32>
        %swap3A_445 = vector.shape_cast %shift_right_logical3A_441 : vector<16xi32> to vector<16xi32>
        tpu.vector_store %arg10[%swap3A_442], %swap3A_445 {strides = array<i32>} : memref<80xi32, #tpu.memory_space<vmem>>, vector<16xi32>,
        %and3A_446 = arith.constant 16383 : i32
        %and3A_447 = vector.broadcast %and3A_446 : i32 to vector<16xi32>
        %and3A_448 = arith.andi %get3A_438, %and3A_447 : vector<16xi32>
        %swap3A_449 = arith.constant 32 : index
        %swap3A_450 = tpu.vector_load %arg13[%swap3A_449] {strides = array<i32>} : memref<80xi32, #tpu.memory_space<vmem>>, vector<16xi32>,
        %swap3A_451 = vector.shape_cast %swap3A_450 : vector<16xi32> to vector<16xi32>
        %swap3A_452 = vector.shape_cast %and3A_448 : vector<16xi32> to vector<16xi32>
        tpu.vector_store %arg13[%swap3A_449], %swap3A_452 {strides = array<i32>} : memref<80xi32, #tpu.memory_space<vmem>>, vector<16xi32>,
        %get3A_453 = arith.index_cast %add3A_398 : i32 to index
        %get3A_454 = arith.constant 48 : index
        %get3A_455 = tpu.vector_load %arg8[%get3A_453, %get3A_454] {strides = array<i32>} : memref<126x80xi32, #tpu.memory_space<vmem>>, vector<1x16xi32>,
        %get3A_456 = vector.shape_cast %get3A_455 : vector<1x16xi32> to vector<16xi32>
        %shift_right_logical3A_457 = arith.constant 14 : i32
        %shift_right_logical3A_458 = vector.broadcast %shift_right_logical3A_457 : i32 to vector<16xi32>
        %shift_right_logical3A_459 = arith.shrui %get3A_456, %shift_right_logical3A_458 : vector<16xi32>
        %swap3A_460 = arith.constant 48 : index
        %swap3A_461 = tpu.vector_load %arg10[%swap3A_460] {strides = array<i32>} : memref<80xi32, #tpu.memory_space<vmem>>, vector<16xi32>,
        %swap3A_462 = vector.shape_cast %swap3A_461 : vector<16xi32> to vector<16xi32>
        %swap3A_463 = vector.shape_cast %shift_right_logical3A_459 : vector<16xi32> to vector<16xi32>
        tpu.vector_store %arg10[%swap3A_460], %swap3A_463 {strides = array<i32>} : memref<80xi32, #tpu.memory_space<vmem>>, vector<16xi32>,
        %and3A_464 = arith.constant 16383 : i32
        %and3A_465 = vector.broadcast %and3A_464 : i32 to vector<16xi32>
        %and3A_466 = arith.andi %get3A_456, %and3A_465 : vector<16xi32>
        %swap3A_467 = arith.constant 48 : index
        %swap3A_468 = tpu.vector_load %arg13[%swap3A_467] {strides = array<i32>} : memref<80xi32, #tpu.memory_space<vmem>>, vector<16xi32>,
        %swap3A_469 = vector.shape_cast %swap3A_468 : vector<16xi32> to vector<16xi32>
        %swap3A_470 = vector.shape_cast %and3A_466 : vector<16xi32> to vector<16xi32>
        tpu.vector_store %arg13[%swap3A_467], %swap3A_470 {strides = array<i32>} : memref<80xi32, #tpu.memory_space<vmem>>, vector<16xi32>,
        %get3A_471 = arith.index_cast %add3A_398 : i32 to index
        %get3A_472 = arith.constant 64 : index
        %get3A_473 = tpu.vector_load %arg8[%get3A_471, %get3A_472] {strides = array<i32>} : memref<126x80xi32, #tpu.memory_space<vmem>>, vector<1x16xi32>,
        %get3A_474 = vector.shape_cast %get3A_473 : vector<1x16xi32> to vector<16xi32>
        %shift_right_logical3A_475 = arith.constant 14 : i32
        %shift_right_logical3A_476 = vector.broadcast %shift_right_logical3A_475 : i32 to vector<16xi32>
        %shift_right_logical3A_477 = arith.shrui %get3A_474, %shift_right_logical3A_476 : vector<16xi32>
        %swap3A_478 = arith.constant 64 : index
        %swap3A_479 = tpu.vector_load %arg10[%swap3A_478] {strides = array<i32>} : memref<80xi32, #tpu.memory_space<vmem>>, vector<16xi32>,
        %swap3A_480 = vector.shape_cast %swap3A_479 : vector<16xi32> to vector<16xi32>
        %swap3A_481 = vector.shape_cast %shift_right_logical3A_477 : vector<16xi32> to vector<16xi32>
        tpu.vector_store %arg10[%swap3A_478], %swap3A_481 {strides = array<i32>} : memref<80xi32, #tpu.memory_space<vmem>>, vector<16xi32>,
        %and3A_482 = arith.constant 16383 : i32
        %and3A_483 = vector.broadcast %and3A_482 : i32 to vector<16xi32>
        %and3A_484 = arith.andi %get3A_474, %and3A_483 : vector<16xi32>
        %swap3A_485 = arith.constant 64 : index
        %swap3A_486 = tpu.vector_load %arg13[%swap3A_485] {strides = array<i32>} : memref<80xi32, #tpu.memory_space<vmem>>, vector<16xi32>,
        %swap3A_487 = vector.shape_cast %swap3A_486 : vector<16xi32> to vector<16xi32>
        %swap3A_488 = vector.shape_cast %and3A_484 : vector<16xi32> to vector<16xi32>
        tpu.vector_store %arg13[%swap3A_485], %swap3A_488 {strides = array<i32>} : memref<80xi32, #tpu.memory_space<vmem>>, vector<16xi32>,
        %dma_start3A_489 = arith.constant 0 : i32
        %dma_start3A_490 = arith.constant 0 : i32
        %dma_start3A_491 = tpu.memref_slice %arg6[%dma_start3A_489, %dma_start3A_490] : memref<80x128xf32, #tpu.memory_space<vmem>> -> memref<32x128xf32, #tpu.memory_space<vmem>>
        %dma_start3A_492 = arith.constant 0 : i32
        %dma_start3A_493 = tpu.memref_slice %arg10[%dma_start3A_492] : memref<80xi32, #tpu.memory_space<vmem>> -> memref<32xi32, #tpu.memory_space<vmem>>
        %dma_start3A_494 = arith.constant 0 : i32
        %dma_start3A_495 = arith.constant 0 : i32
        %dma_start3A_496 = tpu.memref_slice %arg2[%dma_start3A_494, %dma_start3A_495] : memref<10000x128xf32, #tpu.memory_space<hbm>> -> memref<10000x128xf32, #tpu.memory_space<hbm>>
        tpu.enqueue_indirect_dma source(%dma_start3A_496 : memref<10000x128xf32, #tpu.memory_space<hbm>>) target(%dma_start3A_491 : memref<32x128xf32, #tpu.memory_space<vmem>>) offsets(%dma_start3A_493 : memref<32xi32, #tpu.memory_space<vmem>>) semaphore(%arg17 : memref<!tpu.dma_semaphore, #tpu.memory_space<semaphore_mem>>)
        %dma_start3A_497 = arith.constant 32 : i32
        %dma_start3A_498 = arith.constant 0 : i32
        %dma_start3A_499 = tpu.memref_slice %arg6[%dma_start3A_497, %dma_start3A_498] : memref<80x128xf32, #tpu.memory_space<vmem>> -> memref<48x128xf32, #tpu.memory_space<vmem>>
        %dma_start3A_500 = arith.constant 32 : i32
        %dma_start3A_501 = tpu.memref_slice %arg10[%dma_start3A_500] : memref<80xi32, #tpu.memory_space<vmem>> -> memref<48xi32, #tpu.memory_space<vmem>>
        %dma_start3A_502 = arith.constant 0 : i32
        %dma_start3A_503 = arith.constant 0 : i32
        %dma_start3A_504 = tpu.memref_slice %arg2[%dma_start3A_502, %dma_start3A_503] : memref<10000x128xf32, #tpu.memory_space<hbm>> -> memref<10000x128xf32, #tpu.memory_space<hbm>>
        tpu.enqueue_indirect_dma source(%dma_start3A_504 : memref<10000x128xf32, #tpu.memory_space<hbm>>) target(%dma_start3A_499 : memref<48x128xf32, #tpu.memory_space<vmem>>) offsets(%dma_start3A_501 : memref<48xi32, #tpu.memory_space<vmem>>) semaphore(%arg20 : memref<!tpu.dma_semaphore, #tpu.memory_space<semaphore_mem>>)
      } else {
      }
    }
    %scan3A_261 = arith.constant 42 : i32
    %dma_wait3A = arith.constant 0 : i32
    %dma_wait3A_262 = arith.constant 0 : i32
    %dma_wait3A_263 = tpu.memref_slice %arg15[%dma_wait3A, %dma_wait3A_262] : memref<10112x128xf32, #tpu.memory_space<vmem_shared>> -> memref<10112x128xf32, #tpu.memory_space<vmem_shared>>
    tpu.wait_indirect_dma semaphore(%arg22 : memref<!tpu.dma_semaphore, #tpu.memory_space<semaphore_mem>>) src(%arg5 : memref<80x128xf32, #tpu.memory_space<vmem>>) dst(%dma_wait3A_263 : memref<10112x128xf32, #tpu.memory_space<vmem_shared>>)
    %dma_wait3A_264 = arith.constant 0 : i32
    %dma_wait3A_265 = arith.constant 0 : i32
    %dma_wait3A_266 = tpu.memref_slice %arg15[%dma_wait3A_264, %dma_wait3A_265] : memref<10112x128xf32, #tpu.memory_space<vmem_shared>> -> memref<10112x128xf32, #tpu.memory_space<vmem_shared>>
    tpu.wait_indirect_dma semaphore(%arg23 : memref<!tpu.dma_semaphore, #tpu.memory_space<semaphore_mem>>) src(%arg6 : memref<80x128xf32, #tpu.memory_space<vmem>>) dst(%dma_wait3A_266 : memref<10112x128xf32, #tpu.memory_space<vmem_shared>>)
    %dma_wait3A_267 = arith.constant 0 : i32
    %dma_wait3A_268 = arith.constant 0 : i32
    %dma_wait3A_269 = tpu.memref_slice %arg15[%dma_wait3A_267, %dma_wait3A_268] : memref<10112x128xf32, #tpu.memory_space<vmem_shared>> -> memref<10112x128xf32, #tpu.memory_space<vmem_shared>>
    tpu.wait_indirect_dma semaphore(%arg24 : memref<!tpu.dma_semaphore, #tpu.memory_space<semaphore_mem>>) src(%arg7 : memref<80x128xf32, #tpu.memory_space<vmem>>) dst(%dma_wait3A_269 : memref<10112x128xf32, #tpu.memory_space<vmem_shared>>)
    %barrier3A_270 = arith.constant 0 : index
    tpu.barrier barrier_id(%barrier3A_270)
    %lt3A = arith.constant 15 : i32
    %lt3A_271 = arith.cmpi slt, %arg1, %lt3A : i32
    %convert_element_type3A = arith.extui %lt3A_271 : i1 to i32
    %cond3A = arith.constant 0 : i32
    %cond3A_272 = arith.cmpi ne, %convert_element_type3A, %cond3A : i32
    scf.if %cond3A_272 {
      %mul3A_277 = arith.constant 632 : i32
      %mul3A_278 = arith.muli %arg1, %mul3A_277 : i32
      %mul3A_279 = arith.constant 632 : i32
      %mul3A_280 = arith.muli %arg1, %mul3A_279 : i32
      "tpu.region"() ({
        %run_scoped3A = tpu.sem_alloc : memref<!tpu.dma_semaphore, #tpu.memory_space<semaphore_mem>>
        %dma_start3A_281 = arith.constant 0 : i32
        %dma_start3A_282 = tpu.memref_slice %arg4[%arg0, %mul3A_280, %dma_start3A_281] : memref<2x10000x128xf32, #tpu.memory_space<hbm>> -> memref<1x632x128xf32, #tpu.memory_space<hbm>>
        %dma_start3A_283 = tpu.memref_squeeze %dma_start3A_282 : memref<1x632x128xf32, #tpu.memory_space<hbm>> -> memref<632x128xf32, #tpu.memory_space<hbm>>
        %dma_start3A_284 = arith.constant 0 : i32
        %dma_start3A_285 = tpu.memref_slice %arg15[%mul3A_278, %dma_start3A_284] : memref<10112x128xf32, #tpu.memory_space<vmem_shared>> -> memref<632x128xf32, #tpu.memory_space<vmem_shared>>
        tpu.enqueue_dma source(%dma_start3A_285 : memref<632x128xf32, #tpu.memory_space<vmem_shared>>) target(%dma_start3A_283 : memref<632x128xf32, #tpu.memory_space<hbm>>) target_semaphore(%run_scoped3A : memref<!tpu.dma_semaphore, #tpu.memory_space<semaphore_mem>>)
        %dma_wait3A_286 = arith.constant 0 : i32
        %dma_wait3A_287 = tpu.memref_slice %arg4[%arg0, %mul3A_280, %dma_wait3A_286] : memref<2x10000x128xf32, #tpu.memory_space<hbm>> -> memref<1x632x128xf32, #tpu.memory_space<hbm>>
        %dma_wait3A_288 = tpu.memref_squeeze %dma_wait3A_287 : memref<1x632x128xf32, #tpu.memory_space<hbm>> -> memref<632x128xf32, #tpu.memory_space<hbm>>
        %dma_wait3A_289 = arith.constant 0 : i32
        %dma_wait3A_290 = tpu.memref_slice %arg15[%mul3A_278, %dma_wait3A_289] : memref<10112x128xf32, #tpu.memory_space<vmem_shared>> -> memref<632x128xf32, #tpu.memory_space<vmem_shared>>
        tpu.wait_dma2 semaphore(%run_scoped3A : memref<!tpu.dma_semaphore, #tpu.memory_space<semaphore_mem>>) src(%dma_wait3A_290 : memref<632x128xf32, #tpu.memory_space<vmem_shared>>) dst(%dma_wait3A_288 : memref<632x128xf32, #tpu.memory_space<hbm>>)
        tpu.yield
      }) : () -> ()
    } else {
    }
    %eq3A = arith.constant 15 : i32
    %eq3A_273 = arith.cmpi eq, %arg1, %eq3A : i32
    %convert_element_type3A_274 = arith.extui %eq3A_273 : i1 to i32
    %cond3A_275 = arith.constant 0 : i32
    %cond3A_276 = arith.cmpi ne, %convert_element_type3A_274, %cond3A_275 : i32
    scf.if %cond3A_276 {
      "tpu.region"() ({
        %run_scoped3A = tpu.sem_alloc : memref<!tpu.dma_semaphore, #tpu.memory_space<semaphore_mem>>
        %dma_start3A_277 = arith.constant 9480 : i32
        %dma_start3A_278 = arith.constant 0 : i32
        %dma_start3A_279 = tpu.memref_slice %arg4[%arg0, %dma_start3A_277, %dma_start3A_278] : memref<2x10000x128xf32, #tpu.memory_space<hbm>> -> memref<1x520x128xf32, #tpu.memory_space<hbm>>
        %dma_start3A_280 = tpu.memref_squeeze %dma_start3A_279 : memref<1x520x128xf32, #tpu.memory_space<hbm>> -> memref<520x128xf32, #tpu.memory_space<hbm>>
        %dma_start3A_281 = arith.constant 9480 : i32
        %dma_start3A_282 = arith.constant 0 : i32
        %dma_start3A_283 = tpu.memref_slice %arg15[%dma_start3A_281, %dma_start3A_282] : memref<10112x128xf32, #tpu.memory_space<vmem_shared>> -> memref<520x128xf32, #tpu.memory_space<vmem_shared>>
        tpu.enqueue_dma source(%dma_start3A_283 : memref<520x128xf32, #tpu.memory_space<vmem_shared>>) target(%dma_start3A_280 : memref<520x128xf32, #tpu.memory_space<hbm>>) target_semaphore(%run_scoped3A : memref<!tpu.dma_semaphore, #tpu.memory_space<semaphore_mem>>)
        %dma_wait3A_284 = arith.constant 9480 : i32
        %dma_wait3A_285 = arith.constant 0 : i32
        %dma_wait3A_286 = tpu.memref_slice %arg4[%arg0, %dma_wait3A_284, %dma_wait3A_285] : memref<2x10000x128xf32, #tpu.memory_space<hbm>> -> memref<1x520x128xf32, #tpu.memory_space<hbm>>
        %dma_wait3A_287 = tpu.memref_squeeze %dma_wait3A_286 : memref<1x520x128xf32, #tpu.memory_space<hbm>> -> memref<520x128xf32, #tpu.memory_space<hbm>>
        %dma_wait3A_288 = arith.constant 9480 : i32
        %dma_wait3A_289 = arith.constant 0 : i32
        %dma_wait3A_290 = tpu.memref_slice %arg15[%dma_wait3A_288, %dma_wait3A_289] : memref<10112x128xf32, #tpu.memory_space<vmem_shared>> -> memref<520x128xf32, #tpu.memory_space<vmem_shared>>
        tpu.wait_dma2 semaphore(%run_scoped3A : memref<!tpu.dma_semaphore, #tpu.memory_space<semaphore_mem>>) src(%dma_wait3A_290 : memref<520x128xf32, #tpu.memory_space<vmem_shared>>) dst(%dma_wait3A_287 : memref<520x128xf32, #tpu.memory_space<hbm>>)
        tpu.yield
      }) : () -> ()
    } else {
    }
    return
  }
}

module attributes {stable_mosaic.version = 14 : i64} {
  func.func @body(%arg0: memref<10000x128xf32, #tpu.memory_space<vmem>>, %arg1: memref<128x128xf32, #tpu.memory_space<vmem>>, %arg2: memref<10000x1xf32, #tpu.memory_space<vmem>>, %arg3: memref<10000x1xf32, #tpu.memory_space<vmem>>, %arg4: memref<10000x128xf32, #tpu.memory_space<vmem>>, %arg5: memref<10000x1xf32, #tpu.memory_space<vmem>>) attributes {dimension_semantics = [], scalar_prefetch = 0 : i64, scratch_operands = 0 : i64, tpu.core_type = #tpu.core_type<tc>} {
    %get3A = arith.constant 0 : index
    %get3A_0 = arith.constant 0 : index
    %get3A_1 = vector.load %arg2[%get3A, %get3A_0] : memref<10000x1xf32, #tpu.memory_space<vmem>>, vector<10000x1xf32>
    %get3A_2 = arith.constant 0 : index
    %get3A_3 = arith.constant 0 : index
    %get3A_4 = vector.load %arg3[%get3A_2, %get3A_3] : memref<10000x1xf32, #tpu.memory_space<vmem>>, vector<10000x1xf32>
    %add3A = arith.addf %get3A_1, %get3A_4 : vector<10000x1xf32>
    %add3A_5 = arith.constant 1.000000e+00 : f32
    %add3A_6 = vector.broadcast %add3A_5 : f32 to vector<10000x1xf32>
    %add3A_7 = arith.addf %add3A, %add3A_6 : vector<10000x1xf32>
    %rsqrt3A = math.rsqrt %add3A_7 : vector<10000x1xf32>
    %get3A_8 = arith.constant 0 : index
    %get3A_9 = arith.constant 0 : index
    %get3A_10 = vector.load %arg0[%get3A_8, %get3A_9] : memref<10000x128xf32, #tpu.memory_space<vmem>>, vector<10000x128xf32>
    %get3A_11 = arith.constant 0 : index
    %get3A_12 = arith.constant 0 : index
    %get3A_13 = vector.load %arg1[%get3A_11, %get3A_12] : memref<128x128xf32, #tpu.memory_space<vmem>>, vector<128x128xf32>
    %dot_general3A = arith.constant dense<0.000000e+00> : vector<10000x128xf32>
    %dot_general3A_14 = tpu.matmul %get3A_10, %get3A_13, %dot_general3A {dimension_numbers = #tpu.dot_dimension_numbers<[1], [0], [0], [1], [0, 0, 1, 1], [], []>, transpose_lhs_hint = false} : vector<10000x128xf32>, vector<128x128xf32>, vector<10000x128xf32> -> vector<10000x128xf32>
    %mul3A = vector.broadcast %rsqrt3A : vector<10000x1xf32> to vector<10000x128xf32>
    %mul3A_15 = arith.mulf %mul3A, %dot_general3A_14 : vector<10000x128xf32>
    %swap3A = arith.constant 0 : index
    %swap3A_16 = arith.constant 0 : index
    %swap3A_17 = vector.load %arg4[%swap3A, %swap3A_16] : memref<10000x128xf32, #tpu.memory_space<vmem>>, vector<10000x128xf32>
    tpu.vector_store %arg4[%swap3A, %swap3A_16], %mul3A_15 {strides = array<i32>} : memref<10000x128xf32, #tpu.memory_space<vmem>>, vector<10000x128xf32>,
    %swap3A_18 = arith.constant 0 : index
    %swap3A_19 = arith.constant 0 : index
    %swap3A_20 = vector.load %arg5[%swap3A_18, %swap3A_19] : memref<10000x1xf32, #tpu.memory_space<vmem>>, vector<10000x1xf32>
    tpu.vector_store %arg5[%swap3A_18, %swap3A_19], %rsqrt3A {strides = array<i32>} : memref<10000x1xf32, #tpu.memory_space<vmem>>, vector<10000x1xf32>,
    return
  }
}

module attributes {stable_mosaic.version = 14 : i64} {
  func.func @body(%arg0: memref<10000x128xf32, #tpu.memory_space<vmem>>, %arg1: memref<10000x128xf32, #tpu.memory_space<vmem>>, %arg2: memref<10000x128xf32, #tpu.memory_space<vmem>>, %arg3: memref<10000x1xf32, #tpu.memory_space<vmem>>, %arg4: memref<1x128xf32, #tpu.memory_space<vmem>>, %arg5: memref<1x128xf32, #tpu.memory_space<vmem>>, %arg6: memref<1x128xf32, #tpu.memory_space<vmem>>, %arg7: memref<1x128xf32, #tpu.memory_space<vmem>>, %arg8: memref<1x128xf32, #tpu.memory_space<vmem>>, %arg9: memref<128x128xf32, #tpu.memory_space<vmem>>, %arg10: memref<10000x128xf32, #tpu.memory_space<vmem>>) attributes {dimension_semantics = [], scalar_prefetch = 0 : i64, scratch_operands = 0 : i64, tpu.core_type = #tpu.core_type<tc>} {
    %get3A = arith.constant 0 : index
    %get3A_0 = arith.constant 0 : index
    %get3A_1 = vector.load %arg3[%get3A, %get3A_0] : memref<10000x1xf32, #tpu.memory_space<vmem>>, vector<10000x1xf32>
    %get3A_2 = arith.constant 0 : index
    %get3A_3 = arith.constant 0 : index
    %get3A_4 = vector.load %arg0[%get3A_2, %get3A_3] : memref<10000x128xf32, #tpu.memory_space<vmem>>, vector<10000x128xf32>
    %get3A_5 = arith.constant 0 : index
    %get3A_6 = arith.constant 0 : index
    %get3A_7 = vector.load %arg1[%get3A_5, %get3A_6] : memref<10000x128xf32, #tpu.memory_space<vmem>>, vector<10000x128xf32>
    %add3A = arith.addf %get3A_4, %get3A_7 : vector<10000x128xf32>
    %get3A_8 = arith.constant 0 : index
    %get3A_9 = arith.constant 0 : index
    %get3A_10 = vector.load %arg2[%get3A_8, %get3A_9] : memref<10000x128xf32, #tpu.memory_space<vmem>>, vector<10000x128xf32>
    %add3A_11 = arith.addf %add3A, %get3A_10 : vector<10000x128xf32>
    %mul3A = vector.broadcast %get3A_1 : vector<10000x1xf32> to vector<10000x128xf32>
    %mul3A_12 = arith.mulf %mul3A, %add3A_11 : vector<10000x128xf32>
    %get3A_13 = arith.constant 0 : index
    %get3A_14 = arith.constant 0 : index
    %get3A_15 = vector.load %arg4[%get3A_13, %get3A_14] : memref<1x128xf32, #tpu.memory_space<vmem>>, vector<1x128xf32>
    %add3A_16 = vector.broadcast %get3A_15 : vector<1x128xf32> to vector<10000x128xf32>
    %add3A_17 = arith.addf %mul3A_12, %add3A_16 : vector<10000x128xf32>
    %get3A_18 = arith.constant 0 : index
    %get3A_19 = arith.constant 0 : index
    %get3A_20 = vector.load %arg7[%get3A_18, %get3A_19] : memref<1x128xf32, #tpu.memory_space<vmem>>, vector<1x128xf32>
    %sub3A = vector.broadcast %get3A_20 : vector<1x128xf32> to vector<10000x128xf32>
    %sub3A_21 = arith.subf %add3A_17, %sub3A : vector<10000x128xf32>
    %get3A_22 = arith.constant 0 : index
    %get3A_23 = arith.constant 0 : index
    %get3A_24 = vector.load %arg8[%get3A_22, %get3A_23] : memref<1x128xf32, #tpu.memory_space<vmem>>, vector<1x128xf32>
    %add3A_25 = arith.constant 9.99999974E-6 : f32
    %add3A_26 = vector.broadcast %add3A_25 : f32 to vector<1x128xf32>
    %add3A_27 = arith.addf %get3A_24, %add3A_26 : vector<1x128xf32>
    %rsqrt3A = math.rsqrt %add3A_27 : vector<1x128xf32>
    %mul3A_28 = vector.broadcast %rsqrt3A : vector<1x128xf32> to vector<10000x128xf32>
    %mul3A_29 = arith.mulf %sub3A_21, %mul3A_28 : vector<10000x128xf32>
    %get3A_30 = arith.constant 0 : index
    %get3A_31 = arith.constant 0 : index
    %get3A_32 = vector.load %arg5[%get3A_30, %get3A_31] : memref<1x128xf32, #tpu.memory_space<vmem>>, vector<1x128xf32>
    %mul3A_33 = vector.broadcast %get3A_32 : vector<1x128xf32> to vector<10000x128xf32>
    %mul3A_34 = arith.mulf %mul3A_29, %mul3A_33 : vector<10000x128xf32>
    %get3A_35 = arith.constant 0 : index
    %get3A_36 = arith.constant 0 : index
    %get3A_37 = vector.load %arg6[%get3A_35, %get3A_36] : memref<1x128xf32, #tpu.memory_space<vmem>>, vector<1x128xf32>
    %add3A_38 = vector.broadcast %get3A_37 : vector<1x128xf32> to vector<10000x128xf32>
    %add3A_39 = arith.addf %mul3A_34, %add3A_38 : vector<10000x128xf32>
    %max3A = arith.constant 0.000000e+00 : f32
    %max3A_40 = vector.broadcast %max3A : f32 to vector<10000x128xf32>
    %max3A_41 = arith.maximumf %add3A_39, %max3A_40 : vector<10000x128xf32>
    %get3A_42 = arith.constant 0 : index
    %get3A_43 = arith.constant 0 : index
    %get3A_44 = vector.load %arg9[%get3A_42, %get3A_43] : memref<128x128xf32, #tpu.memory_space<vmem>>, vector<128x128xf32>
    %dot_general3A = arith.constant dense<0.000000e+00> : vector<10000x128xf32>
    %dot_general3A_45 = tpu.matmul %max3A_41, %get3A_44, %dot_general3A {dimension_numbers = #tpu.dot_dimension_numbers<[1], [0], [0], [1], [0, 0, 1, 1], [], []>, transpose_lhs_hint = false} : vector<10000x128xf32>, vector<128x128xf32>, vector<10000x128xf32> -> vector<10000x128xf32>
    %mul3A_46 = vector.broadcast %get3A_1 : vector<10000x1xf32> to vector<10000x128xf32>
    %mul3A_47 = arith.mulf %mul3A_46, %dot_general3A_45 : vector<10000x128xf32>
    %swap3A = arith.constant 0 : index
    %swap3A_48 = arith.constant 0 : index
    %swap3A_49 = vector.load %arg10[%swap3A, %swap3A_48] : memref<10000x128xf32, #tpu.memory_space<vmem>>, vector<10000x128xf32>
    tpu.vector_store %arg10[%swap3A, %swap3A_48], %mul3A_47 {strides = array<i32>} : memref<10000x128xf32, #tpu.memory_space<vmem>>, vector<10000x128xf32>,
    return
  }
}

module attributes {stable_mosaic.version = 14 : i64} {
  func.func @body(%arg0: memref<10000x128xf32, #tpu.memory_space<vmem>>, %arg1: memref<10000x128xf32, #tpu.memory_space<vmem>>, %arg2: memref<10000x128xf32, #tpu.memory_space<vmem>>, %arg3: memref<10000x1xf32, #tpu.memory_space<vmem>>, %arg4: memref<1x128xf32, #tpu.memory_space<vmem>>, %arg5: memref<10000x128xf32, #tpu.memory_space<vmem>>) attributes {dimension_semantics = [], scalar_prefetch = 0 : i64, scratch_operands = 0 : i64, tpu.core_type = #tpu.core_type<tc>} {
    %get3A = arith.constant 0 : index
    %get3A_0 = arith.constant 0 : index
    %get3A_1 = vector.load %arg3[%get3A, %get3A_0] : memref<10000x1xf32, #tpu.memory_space<vmem>>, vector<10000x1xf32>
    %get3A_2 = arith.constant 0 : index
    %get3A_3 = arith.constant 0 : index
    %get3A_4 = vector.load %arg0[%get3A_2, %get3A_3] : memref<10000x128xf32, #tpu.memory_space<vmem>>, vector<10000x128xf32>
    %get3A_5 = arith.constant 0 : index
    %get3A_6 = arith.constant 0 : index
    %get3A_7 = vector.load %arg1[%get3A_5, %get3A_6] : memref<10000x128xf32, #tpu.memory_space<vmem>>, vector<10000x128xf32>
    %add3A = arith.addf %get3A_4, %get3A_7 : vector<10000x128xf32>
    %get3A_8 = arith.constant 0 : index
    %get3A_9 = arith.constant 0 : index
    %get3A_10 = vector.load %arg2[%get3A_8, %get3A_9] : memref<10000x128xf32, #tpu.memory_space<vmem>>, vector<10000x128xf32>
    %add3A_11 = arith.addf %add3A, %get3A_10 : vector<10000x128xf32>
    %mul3A = vector.broadcast %get3A_1 : vector<10000x1xf32> to vector<10000x128xf32>
    %mul3A_12 = arith.mulf %mul3A, %add3A_11 : vector<10000x128xf32>
    %get3A_13 = arith.constant 0 : index
    %get3A_14 = arith.constant 0 : index
    %get3A_15 = vector.load %arg4[%get3A_13, %get3A_14] : memref<1x128xf32, #tpu.memory_space<vmem>>, vector<1x128xf32>
    %add3A_16 = vector.broadcast %get3A_15 : vector<1x128xf32> to vector<10000x128xf32>
    %add3A_17 = arith.addf %mul3A_12, %add3A_16 : vector<10000x128xf32>
    %swap3A = arith.constant 0 : index
    %swap3A_18 = arith.constant 0 : index
    %swap3A_19 = vector.load %arg5[%swap3A, %swap3A_18] : memref<10000x128xf32, #tpu.memory_space<vmem>>, vector<10000x128xf32>
    tpu.vector_store %arg5[%swap3A, %swap3A_18], %add3A_17 {strides = array<i32>} : memref<10000x128xf32, #tpu.memory_space<vmem>>, vector<10000x128xf32>,
    return
  }
}

</mosaic_0001>

<sc_bundles>
// kernel: kernel.11.cloned.1.call-start
scs
__scs_entry_jumppad:
0x0: {  	(pc) =	sbr.rel $0x88, $3  }
0x1: {  	(tag) =	ssettag $0x0;
	lr =	simm.s32 $0x1  }
0x2: {  	[smem:$0x3F97] =	sst lr;
	_ =	strace $0xD0000000  }
0x3: {  	_ = 	snop  }
0x4: {  	_ = 	snop  }
0x5: {  	_ = 	snop  }
0x6: {  	_ = 	snop  }
0x7: {  	_ = 	snop  }
__scs_overlays_trampoline_lowered:
0x8: {  	[smem:$0x3FA6] =	sst s0  }
0x9: {  	[smem:$0x3FA7] =	sst s1  }
0xa: {  	[smem:$0x3FA8] =	sst s2  }
0xb: {  	[smem:$0x3FA9] =	sst s3  }
0xc: {  	[smem:$0x3FAA] =	sst s4  }
0xd: {  	[smem:$0x3FAB] =	sst s5  }
0xe: {  	[smem:$0x3FAC] =	sst s6  }
0xf: {  	[smem:$0x3FAD] =	sst s7  }
0x10: {  	[smem:$0x3FAE] =	sst s8  }
0x11: {  	[smem:$0x3FAF] =	sst s9;
	s0 =	simm.s32 @!p0 $0x0  }
0x12: {  	s1 =	sld [smem:$0x3F95];
	s0 =	simm.s32 @p0 $0x1  }
0x13: {  	[smem:$0x3FB0] =	sst s0;
	s0 =	simm.s32 @!p1 $0x0  }
0x14: {  	s2 =	sld [smem:$0x3F94];
	s0 =	simm.s32 @p1 $0x1  }
0x15: {  	[smem:$0x3FB1] =	sst s0;
	s0 =	simm.s32 @!p2 $0x0  }
0x16: {  	s3 =	sld [smem:$0x3FDB];
	s0 =	simm.s32 @p2 $0x1  }
0x17: {  	s4 =	simm.s32 $0x1BF5;
	[smem:$0x3FB3] =	sst s0  }
0x18: {  	s0 =	sld [smem:$0x3F96];
	_ =	swait.ge [sflag:s4], $0x0  }
0x19: {  	s7 =	sld [smem:$0x3F97]  }
0x1a: {  	s8 =	sadd.s32 $0xFFFFE003, lr  }
0x1b: {  	s9 =	sadd.s32 $0xFFFFFEF7, lr;
	s5 =	simm.s32 $0xFFFFFFFF;
	p2 =	slt.u32 s8, $0xFFFFF086  }
0x1c: {  	p1 =	slt.u32 s9, $0xF7A;
	s5 =	simm.s32 @!p2 $0x0  }
0x1d: {  	s5 =	simm.s32 @p1 $0x1;
	p0 =	seq.s32 s7, s2  }
0x1e: {  	s7 =	smul.u32 @!p0 $0xF7A, s2;
	p2 =	seq.s32 @!p0 s5, $0x0  }
0x1f: {  	s9 =	smul.u32 $0xF7A, s1;
	s8 =	simm.s32 @!p0 $0x1BF5;
	p2 =	por !p2, p0  }
0x20: {  	[sflag:s8] =	ssyncset.s32 @!p0 $0xFFFFF086;
	s6 =	sadd.s32 @!p0 s3, s7;
	s7 =	simm.s32 @!p0 $0x108  }
0x21: {  	s3 =	sadd.s32 s3, s9;
	s6 =	sadd.s32 @!p0 $0x88, s6;
	s7 =	simm.s32 @p2 $0x1082  }
0x22: {  	[simem:s7], [sflag:s8] =	dma.local @!p0 [hbm:s6], $0xF7A  }
0x23: {  	s9 =	sor.u32 $0xD0000000, s2;
	s6 =	simm.s32 $0x108;
	_ =	swait.ge @!p0 [sflag:s8], $0x0  }
0x24: {  	s3 =	sadd.s32 $0x88, s3;
	s6 =	simm.s32 @!p1 $0x1082;
	[sflag:s4] =	ssyncset.s32 $0xFFFFF086  }
0x25: {  	[simem:s6], [sflag:s4] =	dma.local [hbm:s3], $0xF7A  }
0x26: {  	[smem:$0x3F97] =	sst s1;
	(tag) =	ssettag s2;
	_ =	strace s9  }
0x27: {  	s1 =	sld [smem:$0x3FA7]  }
0x28: {  	s2 =	sld [smem:$0x3FA8]  }
0x29: {  	s4 =	sld [smem:$0x3FAA]  }
0x2a: {  	p0 =	seq.s32 s5, $0x0;
	s5 =	sld [smem:$0x3FAB]  }
0x2b: {  	s6 =	sld [smem:$0x3FAC]  }
0x2c: {  	s7 =	sld [smem:$0x3FAD]  }
0x2d: {  	s3 =	simm.s32 $0x108;
	s8 =	sld [smem:$0x3FAE]  }
0x2e: {  	s3 =	simm.s32 @!p0 $0x1082;
	s9 =	sld [smem:$0x3FAF]  }
0x2f: {  	lr =	sadd.s32 s0, s3;
	s0 =	sld [smem:$0x3FA6]  }
0x30: {  	s3 =	sld [smem:$0x3FA9]  }
0x31: {  	[smem:$0x3FB2] =	sst s10  }
0x32: {  	s10 =	sld [smem:$0x3FB0];
	_ =	sdelay $0x3  }
0x33: {  	p0 =	seq.s32 s10, $0x1;
	s10 =	sld [smem:$0x3FB2];
	_ =	sdelay $0x3  }
0x34: {  	[smem:$0x3FB2] =	sst s10  }
0x35: {  	s10 =	sld [smem:$0x3FB1];
	_ =	sdelay $0x3  }
0x36: {  	p1 =	seq.s32 s10, $0x1;
	s10 =	sld [smem:$0x3FB2];
	_ =	sdelay $0x3  }
0x37: {  	[smem:$0x3FB2] =	sst s10  }
0x38: {  	s10 =	sld [smem:$0x3FB3]  }
0x39: {  	_ = 	snop;
	(pc) =	sbr.ind lr, $3  }
0x3a: {  	_ = 	snop  }
0x3b: {  	_ = 	snop  }
0x3c: {  	p2 =	seq.s32 s10, $0x1;
	s10 =	sld [smem:$0x3FB2]  }
0x3d: {  	_ =	shalt  }
0x3e: {  	_ =	shalt  }
0x3f: {  	_ =	shalt  }
0x40: {  	_ =	shalt  }
0x41: {  	_ =	shalt  }
0x42: {  	_ =	shalt  }
0x43: {  	_ =	shalt  }
0x44: {  	_ =	shalt  }
0x45: {  	_ =	shalt  }
0x46: {  	_ =	shalt  }
0x47: {  	_ =	shalt  }
0x48: {  	_ =	shalt  }
0x49: {  	_ =	shalt  }
0x4a: {  	_ =	shalt  }
0x4b: {  	_ =	shalt  }
0x4c: {  	_ =	shalt  }
0x4d: {  	_ =	shalt  }
0x4e: {  	_ =	shalt  }
0x4f: {  	_ =	shalt  }
0x50: {  	_ =	shalt  }
0x51: {  	_ =	shalt  }
0x52: {  	_ =	shalt  }
0x53: {  	_ =	shalt  }
0x54: {  	_ =	shalt  }
0x55: {  	_ =	shalt  }
0x56: {  	_ =	shalt  }
0x57: {  	_ =	shalt  }
0x58: {  	_ =	shalt  }
0x59: {  	_ =	shalt  }
0x5a: {  	_ =	shalt  }
0x5b: {  	_ =	shalt  }
0x5c: {  	_ =	shalt  }
0x5d: {  	_ =	shalt  }
0x5e: {  	_ =	shalt  }
0x5f: {  	_ =	shalt  }
0x60: {  	_ =	shalt  }
0x61: {  	_ =	shalt  }
0x62: {  	_ =	shalt  }
0x63: {  	_ =	shalt  }
0x64: {  	_ =	shalt  }
0x65: {  	_ =	shalt  }
0x66: {  	_ =	shalt  }
0x67: {  	_ =	shalt  }
0x68: {  	_ =	shalt  }
0x69: {  	_ =	shalt  }
0x6a: {  	_ =	shalt  }
0x6b: {  	_ =	shalt  }
0x6c: {  	_ =	shalt  }
0x6d: {  	_ =	shalt  }
0x6e: {  	_ =	shalt  }
0x6f: {  	_ =	shalt  }
0x70: {  	_ =	shalt  }
0x71: {  	_ =	shalt  }
0x72: {  	_ =	shalt  }
0x73: {  	_ =	shalt  }
0x74: {  	_ =	shalt  }
0x75: {  	_ =	shalt  }
0x76: {  	_ =	shalt  }
0x77: {  	_ =	shalt  }
0x78: {  	_ =	shalt  }
0x79: {  	_ =	shalt  }
0x7a: {  	_ =	shalt  }
0x7b: {  	_ =	shalt  }
0x7c: {  	_ =	shalt  }
0x7d: {  	_ =	shalt  }
0x7e: {  	_ =	shalt  }
0x7f: {  	_ =	shalt  }
0x80: {  	_ =	shalt  }
0x81: {  	_ =	shalt  }
0x82: {  	_ =	shalt  }
0x83: {  	_ =	shalt  }
0x84: {  	_ =	shalt  }
0x85: {  	_ =	shalt  }
0x86: {  	_ =	shalt  }
0x87: {  	_ =	shalt  }
.Lfunc_end0:
.L_simem_size_0:
called_computation.1_lowered:
.L_overlay_start_0:
0x88: {  	s2 =	sld [smem:$0x3FD9]  }
0x89: {  	s3 =	sld [smem:$0x3FFE];
	_ =	sdelay $0x1  }
0x8a: {  	s1 =	srdreg.scid  }
0x8b: {  	s0 =	sand.u32 $0x1, s1  }
0x8c: {  	s17 =	sshll.u32 s0, $0xA;
	s2 =	sadd.s32 s3, s2  }
0x8d: {  	s2 =	sadd.s32 s2, s17  }
0x8e: {  	[smem:$0x3FBE] =	sst s2  }
0x8f: {  	_ = 	snop  }
0x90: {  	s2 =	sld [smem:$0x3FD0];
	(tm) =	ssettm $0x1  }
0x91: {  	s18 =	sld [smem:$0x3FFB];
	_ =	sdelay $0x3  }
0x92: {  	_ =	strace s18  }
0x93: {  	s3 =	sld [smem:$0x3FFC];
	_ =	sdelay $0x3  }
0x94: {  	_ =	strace s3  }
0x95: {  	s3 =	sld [smem:$0x3FFD];
	_ =	sdelay $0x3  }
0x96: {  	_ =	strace s3  }
0x97: {  	_ =	strace $0x8FFFFFFF  }
0x98: {  	s19 =	sld [smem:$0x3FDB];
	_ =	sdelay $0x1  }
0x99: {  	s4 =	simm.s32 $_scs_section_size  }
0x9a: {  	s5 =	simm.s32 $_size__tile_overlayer_lowered;
	s6 =	simm.s32 $_tile_overlayer_lowered  }
0x9b: {  	s22 =	simm.s32 $0x1BFF;
	s21 =	sshll.u32 s6, $0x1;
	s3 =	sadd.s32 s4, s19  }
0x9c: {  	s7 =	simm.s32 $0x0;
	s20 =	sshll.u32 s5, $0x1;
	s5 =	sadd.s32 s21, s3  }
0x9d: {  	[timem:s7], [sflag:s22] =	dma.local [hbm:s5], s20  }
0x9e: {  	_ =	swait.ge [sflag:s22], s20  }
0x9f: {  	s4 =	ssub.s32 $0x0, s20;
	[sflag:s22] =	ssyncset.done $0x0  }
0xa0: {  	[sflag:s22] =	ssyncadd.s32 s4;
	_ =	sdelay $0x1  }
0xa1: {  	s23 =	simm.s32 $0x1B8B  }
0xa2: {  	_ =	swait.ge [sflag:s23], $0x1  }
0xa3: {  	[sflag:s23] =	ssyncset.done $0x0  }
0xa4: {  	s25 =	simm.s32 $0x1B8E;
	s24 =	sld [smem:$0x3FFE];
	[sflag:s23] =	ssyncadd.s32 $0xFFFFFFFF  }
0xa5: {  	s26 =	simm.s32 $execute0_lowered;
	[smem:$0x3FD2] =	sst s25  }
0xa6: {  	s5 =	sshll.u32 s26, $0x1;
	_ =	strace $0x80000049;
	[dreg:$0x1] =	wrdreg $0xFFFFFFFF  }
0xa7: {  	s28 =	simm.s32 $_size_execute0_lowered;
	s3 =	sadd.s32 s3, s5;
	[dreg:$0x0] =	wrdreg $0x0  }
0xa8: {  	s5 =	sshll.u32 s28, $0x1;
	[dreg:$0x2] =	wrdreg s3  }
0xa9: {  	[dreg:$0x3] =	wrdreg s5  }
0xaa: {  	[dreg:$0x4] =	wrdreg $0xC0  }
0xab: {  	_ =	task [dreg:s7], $0x5FFFF  }
0xac: {  	[dreg:$0x1] =	wrdreg $0xFFFFFFFF  }
0xad: {  	[dreg:$0x0] =	wrdreg $0x60  }
0xae: {  	[dreg:$0x2] =	wrdreg s2  }
0xaf: {  	[dreg:$0x3] =	wrdreg s24  }
0xb0: {  	[dreg:$0x4] =	wrdreg $0xBB000  }
0xb1: {  	[dreg:$0x5] =	wrdreg $0x9  }
0xb2: {  	_ =	task.clear_ibuf [dreg:s7], $0x6FFFF;
	_ =	strace $0x90000049  }
0xb3: {  	s29 =	simm.s32 $0x9;
	_ =	strace $0x8000004B  }
0xb4: {  	_ =	swait.ge [sflag:s29], $0x1  }
0xb5: {  	[sflag:s29] =	ssyncadd.s32 $0xFFFFFFFF  }
0xb6: {  	_ =	strace $0x9000004B  }
0xb7: {  	_ =	sfence  }
0xb8: {  	s30 =	sld [smem:$0x0];
	_ =	sdelay $0x2  }
0xb9: {  	s31 =	sshll.u32 s1, $0xD;
	s1 =	sshrl.u32 s1, $0x2  }
0xba: {  	s3 =	sand.u32 $0x4000, s31;
	s1 =	sadd.s32 s1, s30  }
0xbb: {  	s0 =	sor.u32 s3, s0;
	s1 =	sshll.u32 s1, $0x11  }
0xbc: {  	s0 =	sor.u32 s1, s0  }
0xbd: {  	s0 =	sadd.s32 $0x8F2B, s0  }
0xbe: {  	[sflag:s0] =	ssyncadd.remote.s32 $0x1  }
0xbf: {  	_ =	sfence.sel $0xFFFF  }
0xc0: {  	[dreg:$0x0] =	wrdreg $0xFFFFFFFF;
	(pc) =	sbr.abs _section_cstart, $3  }
0xc1: {  	[dreg:$0x1] =	wrdreg $0xFFFFFFFF  }
0xc2: {  	_ =	task.clear_ibuf [dreg:s7], $0x2FFFF;
	_ =	strace $0x9FFFFFFF  }
0xc3: {  	(tm) =	ssettm $0x7FFFFFFF  }
tec
execute0_lowered:
.L_overlay_start_1:
0x0: {  	(tag) =	ssettag $0x1  }
0x1: {  	s1 =	rddreg [dreg:$0x0]  }
0x2: {  	s0 =	rddreg [dreg:$0x1]  }
0x3: {  	s2 =	rddreg [dreg:$0x2];
	s4 =	simm.s32 $0x0;
	s3 =	srdreg.scid  }
0x4: {  	s9 =	stileid.u32;
	s28 =	simm.s32 $0xB8A0;
	s29 =	simm.s32 $0x3800  }
0x5: {  	s30 =	simm.s32 $0x5000;
	s31 =	simm.s32 $0x1;
	s10 =	simm.s32 $0x5  }
0x6: {  	s11 =	simm.s32 $0xBA00;
	s12 =	simm.s32 $0x3;
	s13 =	simm.s32 $0x6  }
0x7: {  	s14 =	simm.s32 $0xBA80;
	s15 =	simm.s32 $0x7;
	s16 =	simm.s32 $0x8  }
0x8: {  	[smem:$0x7FF] =	sst s4;
	s3 =	sand.u32 $0x1, s3;
	s7 =	smul.u32 $0x4F000, s9  }
0x9: {  	s5 =	sshll.u32 s9, $0xB;
	s19 =	smul.u32 $0x13C00, s9;
	p0 =	seq.s32 s9, $0xF  }
0xa: {  	s9 =	simm.s32 $0x2;
	s5 =	sadd.s32 s5, s0;
	s17 =	sshll.u32 s3, $0xF  }
0xb: {  	_ =	strace $0x8000004A;
	s6 =	ssub.s32 $0x2, s3;
	s5 =	sadd.s32 s17, s5  }
0xc: {  	s0 =	sadd.s32 $0x3C800, s0;
	s7 =	sshrl.u32 s7, $0x2;
	s5 =	sadd.s32 $0x5600, s5  }
0xd: {  	s3 =	smul.u32 $0x138800, s3;
	s7 =	sadd.s32 s7, s2;
	[dreg:$0x5] =	wrdreg s5  }
0xe: {  	s8 =	sshrl.u32 s6, $0x1;
	s18 =	sadd.s32 $0x2800, s7;
	[dreg:$0x4] =	wrdreg s7  }
0xf: {  	s17 =	simm.s32 $0x50;
	s20 =	sadd.s32 $0x5000, s7;
	[dreg:$0x6] =	wrdreg s18  }
0x10: {  	s6 =	ssub.s32 s6, s8;
	s21 =	sadd.s32 $0x7800, s7;
	[dreg:$0x7] =	wrdreg s20  }
0x11: {  	s8 =	simm.s32 $0x6000;
	s22 =	sadd.s32 $0xA000, s7;
	[dreg:$0x8] =	wrdreg s21  }
0x12: {  	s23 =	sadd.s32 $0xC800, s7;
	s5 =	sadd.s32 s19, s3;
	[dreg:$0x9] =	wrdreg s22  }
0x13: {  	s3 =	sshrl.u32 s3, $0x3;
	s24 =	sadd.s32 $0xF000, s7;
	[dreg:$0xa] =	wrdreg s23  }
0x14: {  	s7 =	sadd.s32 $0x11800, s7;
	s26 =	smax.u32 s6, $0x1;
	[dreg:$0xb] =	wrdreg s24  }
0x15: {  	s19 =	simm.s32 $0x20;
	s6 =	simm.s32 $0xB900;
	[dreg:$0xc] =	wrdreg s7  }
0x16: {  	s5 =	sshrl.u32 s5, $0x3;
	s3 =	sadd.s32 s0, s3;
	[dreg:$0xf] =	wrdreg s26  }
0x17: {  	s20 =	simm.s32 $0xB800;
	s21 =	simm.s32 $0x30;
	s22 =	simm.s32 $0xB820  }
.Ltmp0:
0x18: {  	s23 =	simm.s32 $0x1000;
	s24 =	simm.s32 $0xB880;
	(pc) =	sbr.rel .LBB2_1-.Ltmp0, $4  }
0x19: {  	s26 =	simm.s32 $0x2800;
	s7 =	simm.s32 $0xB920;
	s0 =	sadd.s32 s0, s5  }
0x1a: {  	s25 =	sadd.s32 $0x25080, s3;
	[dreg:$0xd] =	wrdreg s0;
	s0 =	sadd.s32 $0x128400, s2  }
0x1b: {  	s3 =	simm.s32 $0xB980;
	[dreg:$0xe] =	wrdreg s25;
	s0 =	sshrl.u32 @p0 s0, $0x3  }
0x1c: {  	v0 =	vimm.f32 $0.0e+00;
	s25 =	simm.s32 $0x0;
	[dreg:$0x10] =	wrdreg s0;
	s0 =	simm.s32 $0x4  }
.LBB2_6:
0x1d: {  	_ =	swait.ge [sflag:s12], $0x1000  }
0x1e: {  	[sflag:s12] =	ssyncset.done $0x0  }
0x1f: {  	[sflag:s12] =	ssyncadd.s32 $0xFFFFF000  }
0x20: {  	_ =	swait.ge [sflag:s13], $0x1800  }
0x21: {  	[sflag:s13] =	ssyncset.done $0x0  }
0x22: {  	[sflag:s13] =	ssyncadd.s32 $0xFFFFE800  }
0x23: {  	[spmem:s2] =	stream.indirect.scatter.add.f32 [tilespmem:s30], [sflag:$0x9], $0x80, s14, s17, $0xb8;
	[tilespmem:$0x1F700] =	vst v63  }
0x24: {  	_ =	swait.ge [sflag:s15], $0x2800  }
0x25: {  	[sflag:s15] =	ssyncset.done $0x0  }
0x26: {  	[sflag:s15] =	ssyncadd.s32 $0xFFFFD800  }
0x27: {  	_ =	swait.ge [sflag:s16], $0x2800  }
0x28: {  	[sflag:s16] =	ssyncset.done $0x0  }
0x29: {  	s5 =	simm.s32 $0x9;
	[sflag:s16] =	ssyncadd.s32 $0xFFFFD800  }
0x2a: {  	_ =	swait.ge [sflag:s5], $0x2800  }
0x2b: {  	[sflag:s5] =	ssyncset.done $0x0  }
0x2c: {  	[sflag:s5] =	ssyncadd.s32 $0xFFFFD800  }
0x2d: {  	[bflag:$0x0] =	sbarrier.arrive $0xFFFF  }
0x2e: {  	s18 =	rddreg [dreg:$0xe]  }
0x2f: {  	s5 =	simm.s32 @p0 $0x1FCA;
	s25 =	rddreg [dreg:$0x10]  }
0x30: {  	[hbm:s18], [sflag:s5] =	dma.local @p0 [spmem:s25], $0x2080  }
0x31: {  	s5 =	simm.s32 @p0 $0xA  }
0x32: {  	s25 =	stileid.u32;
	_ =	swait.ge @p0 [sflag:s5], $0x2080  }
0x33: {  	s25 =	sshll.u32 @!p0 s25, $0x6;
	[sflag:s5] =	ssyncset.done @p0 $0x0  }
0x34: {  	[sflag:s5] =	ssyncadd.s32 @p0 $0xFFFFDF80;
	s5 =	sor.u32 @!p0 $0x1C0A, s25;
	s25 =	rddreg [dreg:$0x4]  }
0x35: {  	s18 =	rddreg [dreg:$0xd];
	s25 =	sshrl.u32 @!p0 s25, $0x3  }
0x36: {  	[hbm:s18], [sflag:s5] =	dma.local @!p0 [spmem:s25], $0x2780  }
0x37: {  	s5 =	simm.s32 @!p0 $0xA  }
0x38: {  	_ =	swait.ge @!p0 [sflag:s5], $0x2780  }
0x39: {  	s18 =	rddreg [dreg:$0x11]  }
0x3a: {  	s25 =	sadd.s32 $0x1, s18;
	s18 =	rddreg [dreg:$0xf]  }
0x3b: {  	p1 =	sne.s32 s25, s18  }
.Ltmp1:
0x3c: {  	_ = 	snop;
	(pc) =	sbr.rel @!p1 .LBB2_7-.Ltmp1, $3  }
0x3d: {  	_ =	sdelay $0x1  }
0x3e: {  	[sflag:s5] =	ssyncset.done @!p0 $0x0  }
0x3f: {  	[sflag:s5] =	ssyncadd.s32 @!p0 $0xFFFFD880  }
.LBB2_1:
0x40: {  	[dreg:$0x11] =	wrdreg s25  }
0x41: {  	s5 =	rddreg [dreg:$0x5];
	s18 =	simm.s32 $0x7800;
	s25 =	simm.s32 $0xA  }
0x42: {  	[tilespmem:s18], [sflag:$0xA] =	stream.linear.gather [hbm4b:s5+s4], $0x3F00, $0x38;
	[tilespmem:$0x1F700] =	vst v63  }
0x43: {  	_ =	swait.ge [sflag:s25], $0x3F00  }
0x44: {  	[sflag:s25] =	ssyncset.done $0x0  }
0x45: {  	[sflag:s25] =	ssyncadd.s32 $0xFFFFC100  }
0x46: {  	v1 =	vld [tilespmem:$0x7800];
	_ =	sdelay $0x1  }
0x47: {  	v2 =	vld [tilespmem:$0x7810];
	_ =	sdelay $0x1  }
0x48: {  	v3 =	vld [tilespmem:$0x7820]  }
0x49: {  	v4 =	vshrl.u32 v1, $0xE  }
0x4a: {  	v61 =	vld [tilespmem:$0x7830];
	v1 =	vand.u32 $0x3FFF, v1;
	[tilespmem:$0xB800] =	vst v4  }
0x4b: {  	[tilespmem:$0xB980] =	vst v1;
	v1 =	vshrl.u32 v2, $0xE  }
0x4c: {  	[tilespmem:$0xB810] =	vst v1;
	v1 =	vand.u32 $0x3FFF, v2;
	v2 =	vld [tilespmem:$0x7840]  }
0x4d: {  	[tilespmem:$0xB990] =	vst v1;
	v1 =	vshrl.u32 v3, $0xE  }
0x4e: {  	[tilespmem:$0xB820] =	vst v1;
	v1 =	vand.u32 $0x3FFF, v3  }
0x4f: {  	[tilespmem:$0xB9A0] =	vst v1;
	v1 =	vshrl.u32 v61, $0xE  }
0x50: {  	[tilespmem:$0xB830] =	vst v1;
	v1 =	vand.u32 $0x3FFF, v61  }
0x51: {  	[tilespmem:$0xB9B0] =	vst v1;
	v1 =	vshrl.u32 v2, $0xE  }
0x52: {  	[tilespmem:$0xB840] =	vst v1;
	v1 =	vand.u32 $0x3FFF, v2  }
0x53: {  	[tilespmem:$0xB9C0] =	vst v1  }
0x54: {  	[tilespmem:s4], [sflag:$0x1] =	stream.indirect.gather [hbm4b:s1+s19], $0x80, s20, s19, $0xb8;
	[tilespmem:$0x1F700] =	vst v63  }
0x55: {  	_ = 	snop  }
0x56: {  	[tilespmem:s23], [sflag:$0x4] =	stream.indirect.gather [hbm4b:s1+s21], $0x80, s22, s21, $0xb8;
	[tilespmem:$0x1F700] =	vst v63  }
0x57: {  	v1 =	vld [tilespmem:$0x7880];
	_ =	sdelay $0x1  }
0x58: {  	v2 =	vld [tilespmem:$0x7890];
	_ =	sdelay $0x1  }
0x59: {  	v3 =	vld [tilespmem:$0x78A0]  }
0x5a: {  	v62 =	vshrl.u32 v1, $0xE  }
0x5b: {  	v63 =	vld [tilespmem:$0x78B0];
	v1 =	vand.u32 $0x3FFF, v1;
	[tilespmem:$0xB880] =	vst v62  }
0x5c: {  	[tilespmem:$0xBA00] =	vst v1;
	v1 =	vshrl.u32 v2, $0xE  }
0x5d: {  	[tilespmem:$0xB890] =	vst v1;
	v1 =	vand.u32 $0x3FFF, v2;
	v2 =	vld [tilespmem:$0x78C0]  }
0x5e: {  	[tilespmem:$0xBA10] =	vst v1;
	v1 =	vshrl.u32 v3, $0xE  }
0x5f: {  	[tilespmem:$0xB8A0] =	vst v1;
	v1 =	vand.u32 $0x3FFF, v3  }
0x60: {  	[tilespmem:$0xBA20] =	vst v1;
	v1 =	vshrl.u32 v63, $0xE  }
0x61: {  	[tilespmem:$0xB8B0] =	vst v1;
	v1 =	vand.u32 $0x3FFF, v63  }
0x62: {  	[tilespmem:$0xBA30] =	vst v1;
	v1 =	vshrl.u32 v2, $0xE  }
0x63: {  	[tilespmem:$0xB8C0] =	vst v1;
	v1 =	vand.u32 $0x3FFF, v2  }
0x64: {  	[tilespmem:$0xBA40] =	vst v1  }
0x65: {  	[tilespmem:s26], [sflag:$0x2] =	stream.indirect.gather [hbm4b:s1+s19], $0x80, s24, s19, $0xb8;
	[tilespmem:$0x1F700] =	vst v63  }
0x66: {  	s5 =	simm.s32 $0x0;
	s25 =	simm.s32 $0x200  }
0x67: {  	[tilespmem:s29], [sflag:$0x5] =	stream.indirect.gather [hbm4b:s1+s21], $0x80, s28, s21, $0xb8;
	[tilespmem:$0x1F700] =	vst v63  }
.LBB2_2:
0x68: {  	p1 =	sne.s32 s25, $0x9E00;
	[tilespmem:s5+$0x5070] =	vst v0  }
0x69: {  	[tilespmem:s5+$0x5000] =	vst v0  }
0x6a: {  	[tilespmem:s5+$0x5010] =	vst v0  }
.Ltmp2:
0x6b: {  	[tilespmem:s5+$0x5020] =	vst v0;
	(pc) =	sbr.rel @p1 .LBB2_2-.Ltmp2, $4  }
0x6c: {  	[tilespmem:s5+$0x5030] =	vst v0  }
0x6d: {  	[tilespmem:s5+$0x5040] =	vst v0  }
0x6e: {  	[tilespmem:s5+$0x5050] =	vst v0  }
0x6f: {  	[tilespmem:s5+$0x5060] =	vst v0;
	s5 =	sshra.s32 s25, $0x2;
	s25 =	sadd.s32 $0x200, s25  }
0x70: {  	[tilespmem:s5+$0x5070] =	vst v0  }
0x71: {  	[tilespmem:s5+$0x5000] =	vst v0  }
0x72: {  	[tilespmem:s5+$0x5010] =	vst v0  }
0x73: {  	[tilespmem:s5+$0x5020] =	vst v0  }
0x74: {  	[tilespmem:s5+$0x5030] =	vst v0  }
0x75: {  	[tilespmem:s5+$0x5040] =	vst v0  }
0x76: {  	[tilespmem:s5+$0x5050] =	vst v0  }
0x77: {  	[tilespmem:s5+$0x5060] =	vst v0;
	s18 =	rddreg [dreg:$0x4]  }
0x78: {  	[spmem:s18] =	stream.linear.scatter [tilespmem:s30], [sflag:$0xA], $0x2800, $0x38;
	[tilespmem:$0x1F700] =	vst v63  }
0x79: {  	s18 =	simm.s32 $0xA  }
0x7a: {  	_ =	swait.ge [sflag:s18], $0x2800  }
0x7b: {  	[sflag:s18] =	ssyncset.done $0x0  }
0x7c: {  	s25 =	rddreg [dreg:$0x6];
	[sflag:s18] =	ssyncadd.s32 $0xFFFFD800  }
0x7d: {  	[spmem:s25] =	stream.linear.scatter [tilespmem:s30], [sflag:$0xA], $0x2800, $0x38;
	[tilespmem:$0x1F700] =	vst v63  }
0x7e: {  	_ =	swait.ge [sflag:s18], $0x2800  }
0x7f: {  	[sflag:s18] =	ssyncset.done $0x0  }
0x80: {  	s25 =	rddreg [dreg:$0x7];
	[sflag:s18] =	ssyncadd.s32 $0xFFFFD800  }
0x81: {  	[spmem:s25] =	stream.linear.scatter [tilespmem:s30], [sflag:$0xA], $0x2800, $0x38;
	[tilespmem:$0x1F700] =	vst v63  }
0x82: {  	_ =	swait.ge [sflag:s18], $0x2800  }
0x83: {  	[sflag:s18] =	ssyncset.done $0x0  }
0x84: {  	s25 =	rddreg [dreg:$0x8];
	[sflag:s18] =	ssyncadd.s32 $0xFFFFD800  }
0x85: {  	[spmem:s25] =	stream.linear.scatter [tilespmem:s30], [sflag:$0xA], $0x2800, $0x38;
	[tilespmem:$0x1F700] =	vst v63  }
0x86: {  	_ =	swait.ge [sflag:s18], $0x2800  }
0x87: {  	[sflag:s18] =	ssyncset.done $0x0  }
0x88: {  	s25 =	rddreg [dreg:$0x9];
	[sflag:s18] =	ssyncadd.s32 $0xFFFFD800  }
0x89: {  	[spmem:s25] =	stream.linear.scatter [tilespmem:s30], [sflag:$0xA], $0x2800, $0x38;
	[tilespmem:$0x1F700] =	vst v63  }
0x8a: {  	_ =	swait.ge [sflag:s18], $0x2800  }
0x8b: {  	[sflag:s18] =	ssyncset.done $0x0  }
0x8c: {  	s25 =	rddreg [dreg:$0xa];
	[sflag:s18] =	ssyncadd.s32 $0xFFFFD800  }
0x8d: {  	[spmem:s25] =	stream.linear.scatter [tilespmem:s30], [sflag:$0xA], $0x2800, $0x38;
	[tilespmem:$0x1F700] =	vst v63  }
0x8e: {  	_ =	swait.ge [sflag:s18], $0x2800  }
0x8f: {  	[sflag:s18] =	ssyncset.done $0x0  }
0x90: {  	s25 =	rddreg [dreg:$0xb];
	[sflag:s18] =	ssyncadd.s32 $0xFFFFD800  }
0x91: {  	[spmem:s25] =	stream.linear.scatter [tilespmem:s30], [sflag:$0xA], $0x2800, $0x38;
	[tilespmem:$0x1F700] =	vst v63  }
0x92: {  	_ =	swait.ge [sflag:s18], $0x2800  }
0x93: {  	[sflag:s18] =	ssyncset.done $0x0  }
0x94: {  	s25 =	rddreg [dreg:$0xc];
	[sflag:s18] =	ssyncadd.s32 $0xFFFFD800  }
0x95: {  	[spmem:s25] =	stream.linear.scatter [tilespmem:s30], [sflag:$0xA], $0x2400, $0x38;
	[tilespmem:$0x1F700] =	vst v63  }
0x96: {  	_ =	swait.ge [sflag:s18], $0x2400  }
0x97: {  	[sflag:s18] =	ssyncset.done $0x0  }
0x98: {  	[sflag:s18] =	ssyncadd.s32 $0xFFFFDC00  }
0x99: {  	s5 =	simm.s32 $0x0;
	[bflag:$0x0] =	sbarrier.arrive $0xFFFF  }
.LBB2_4:
0x9a: {  	_ =	swait.ge [sflag:s31], $0x1000  }
0x9b: {  	[sflag:s31] =	ssyncset.done $0x0  }
0x9c: {  	[sflag:s31] =	ssyncadd.s32 $0xFFFFF000  }
0x9d: {  	_ =	swait.ge [sflag:s0], $0x1800  }
0x9e: {  	p1 =	seq.s32 s5, $0x0;
	[sflag:s0] =	ssyncset.done $0x0  }
0x9f: {  	s25 =	simm.s32 @!p1 $0x9;
	[sflag:s0] =	ssyncadd.s32 $0xFFFFE800  }
0xa0: {  	[spmem:s2] =	stream.indirect.scatter.add.f32 [tilespmem:s4], [sflag:$0x7], $0x80, s3, s17, $0xb8;
	[tilespmem:$0x1F700] =	vst v63  }
0xa1: {  	_ =	swait.ge @!p1 [sflag:s25], $0x2800  }
0xa2: {  	[sflag:s25] =	ssyncset.done @!p1 $0x0  }
0xa3: {  	[sflag:s25] =	ssyncadd.s32 @!p1 $0xFFFFD800;
	s25 =	sshra.s32 s5, $0x2  }
0xa4: {  	v1 =	vld [tilespmem:s25+$0x7900];
	_ =	sdelay $0x4  }
0xa5: {  	v2 =	vshrl.u32 v1, $0xE  }
0xa6: {  	v1 =	vand.u32 $0x3FFF, v1;
	[tilespmem:$0xB900] =	vst v2  }
0xa7: {  	[tilespmem:$0xBA80] =	vst v1  }
0xa8: {  	v1 =	vld [tilespmem:s25+$0x7910];
	_ =	sdelay $0x4  }
0xa9: {  	v2 =	vshrl.u32 v1, $0xE  }
0xaa: {  	v1 =	vand.u32 $0x3FFF, v1;
	[tilespmem:$0xB910] =	vst v2  }
0xab: {  	[tilespmem:$0xBA90] =	vst v1  }
0xac: {  	v1 =	vld [tilespmem:s25+$0x7920];
	_ =	sdelay $0x4  }
0xad: {  	v2 =	vshrl.u32 v1, $0xE  }
0xae: {  	v1 =	vand.u32 $0x3FFF, v1;
	[tilespmem:$0xB920] =	vst v2  }
0xaf: {  	[tilespmem:$0xBAA0] =	vst v1  }
0xb0: {  	v1 =	vld [tilespmem:s25+$0x7930];
	_ =	sdelay $0x4  }
0xb1: {  	v2 =	vshrl.u32 v1, $0xE  }
0xb2: {  	v1 =	vand.u32 $0x3FFF, v1;
	[tilespmem:$0xB930] =	vst v2  }
0xb3: {  	[tilespmem:$0xBAB0] =	vst v1  }
0xb4: {  	v1 =	vld [tilespmem:s25+$0x7940];
	_ =	sdelay $0x4  }
0xb5: {  	v2 =	vshrl.u32 v1, $0xE  }
0xb6: {  	v1 =	vand.u32 $0x3FFF, v1;
	[tilespmem:$0xB940] =	vst v2  }
0xb7: {  	[tilespmem:$0xBAC0] =	vst v1  }
0xb8: {  	[tilespmem:s30], [sflag:$0x3] =	stream.indirect.gather [hbm4b:s1+s19], $0x80, s6, s19, $0xb8;
	[tilespmem:$0x1F700] =	vst v63  }
0xb9: {  	_ = 	snop  }
0xba: {  	[tilespmem:s8], [sflag:$0x6] =	stream.indirect.gather [hbm4b:s1+s21], $0x80, s7, s21, $0xb8;
	[tilespmem:$0x1F700] =	vst v63  }
0xbb: {  	_ =	swait.ge [sflag:s9], $0x1000  }
0xbc: {  	p1 =	seq.s32 s5, $0xF600;
	[sflag:s9] =	ssyncset.done $0x0  }
.Ltmp3:
0xbd: {  	[sflag:s9] =	ssyncadd.s32 $0xFFFFF000;
	(pc) =	sbr.rel @p1 .LBB2_6-.Ltmp3, $4  }
0xbe: {  	_ =	swait.ge [sflag:s10], $0x1800  }
0xbf: {  	[sflag:s10] =	ssyncset.done $0x0  }
0xc0: {  	[sflag:s10] =	ssyncadd.s32 $0xFFFFE800  }
0xc1: {  	[spmem:s2] =	stream.indirect.scatter.add.f32 [tilespmem:s26], [sflag:$0x8], $0x80, s11, s17, $0xb8;
	[tilespmem:$0x1F700] =	vst v63  }
0xc2: {  	_ =	swait.ge [sflag:s15], $0x2800  }
0xc3: {  	[sflag:s15] =	ssyncset.done $0x0  }
0xc4: {  	[sflag:s15] =	ssyncadd.s32 $0xFFFFD800  }
0xc5: {  	v1 =	vld [tilespmem:s25+$0x7980];
	_ =	sdelay $0x4  }
0xc6: {  	v2 =	vshrl.u32 v1, $0xE  }
0xc7: {  	v1 =	vand.u32 $0x3FFF, v1;
	[tilespmem:$0xB800] =	vst v2  }
0xc8: {  	[tilespmem:$0xB980] =	vst v1  }
0xc9: {  	v1 =	vld [tilespmem:s25+$0x7990];
	_ =	sdelay $0x4  }
0xca: {  	v2 =	vshrl.u32 v1, $0xE  }
0xcb: {  	v1 =	vand.u32 $0x3FFF, v1;
	[tilespmem:$0xB810] =	vst v2  }
0xcc: {  	[tilespmem:$0xB990] =	vst v1  }
0xcd: {  	v1 =	vld [tilespmem:s25+$0x79A0];
	_ =	sdelay $0x4  }
0xce: {  	v2 =	vshrl.u32 v1, $0xE  }
0xcf: {  	v1 =	vand.u32 $0x3FFF, v1;
	[tilespmem:$0xB820] =	vst v2  }
0xd0: {  	[tilespmem:$0xB9A0] =	vst v1  }
0xd1: {  	v1 =	vld [tilespmem:s25+$0x79B0];
	_ =	sdelay $0x4  }
0xd2: {  	v2 =	vshrl.u32 v1, $0xE  }
0xd3: {  	v1 =	vand.u32 $0x3FFF, v1;
	[tilespmem:$0xB830] =	vst v2  }
0xd4: {  	[tilespmem:$0xB9B0] =	vst v1  }
0xd5: {  	v1 =	vld [tilespmem:s25+$0x79C0];
	_ =	sdelay $0x4  }
0xd6: {  	v2 =	vshrl.u32 v1, $0xE  }
0xd7: {  	v1 =	vand.u32 $0x3FFF, v1;
	[tilespmem:$0xB840] =	vst v2  }
0xd8: {  	[tilespmem:$0xB9C0] =	vst v1  }
0xd9: {  	[tilespmem:s4], [sflag:$0x1] =	stream.indirect.gather [hbm4b:s1+s19], $0x80, s20, s19, $0xb8;
	[tilespmem:$0x1F700] =	vst v63  }
0xda: {  	_ = 	snop  }
0xdb: {  	[tilespmem:s23], [sflag:$0x4] =	stream.indirect.gather [hbm4b:s1+s21], $0x80, s22, s21, $0xb8;
	[tilespmem:$0x1F700] =	vst v63  }
0xdc: {  	_ =	swait.ge [sflag:s12], $0x1000  }
0xdd: {  	[sflag:s12] =	ssyncset.done $0x0  }
0xde: {  	[sflag:s12] =	ssyncadd.s32 $0xFFFFF000  }
0xdf: {  	_ =	swait.ge [sflag:s13], $0x1800  }
0xe0: {  	[sflag:s13] =	ssyncset.done $0x0  }
0xe1: {  	[sflag:s13] =	ssyncadd.s32 $0xFFFFE800  }
0xe2: {  	[spmem:s2] =	stream.indirect.scatter.add.f32 [tilespmem:s30], [sflag:$0x9], $0x80, s14, s17, $0xb8;
	[tilespmem:$0x1F700] =	vst v63  }
0xe3: {  	_ =	swait.ge [sflag:s16], $0x2800  }
0xe4: {  	[sflag:s16] =	ssyncset.done $0x0  }
0xe5: {  	[sflag:s16] =	ssyncadd.s32 $0xFFFFD800  }
0xe6: {  	v1 =	vld [tilespmem:s25+$0x7A00];
	_ =	sdelay $0x4  }
0xe7: {  	v2 =	vshrl.u32 v1, $0xE  }
0xe8: {  	v1 =	vand.u32 $0x3FFF, v1;
	[tilespmem:$0xB880] =	vst v2  }
0xe9: {  	[tilespmem:$0xBA00] =	vst v1  }
0xea: {  	v1 =	vld [tilespmem:s25+$0x7A10];
	_ =	sdelay $0x4  }
0xeb: {  	v2 =	vshrl.u32 v1, $0xE  }
0xec: {  	v1 =	vand.u32 $0x3FFF, v1;
	[tilespmem:$0xB890] =	vst v2  }
0xed: {  	[tilespmem:$0xBA10] =	vst v1  }
0xee: {  	v1 =	vld [tilespmem:s25+$0x7A20];
	_ =	sdelay $0x4  }
0xef: {  	v2 =	vshrl.u32 v1, $0xE  }
0xf0: {  	v1 =	vand.u32 $0x3FFF, v1;
	[tilespmem:$0xB8A0] =	vst v2  }
0xf1: {  	[tilespmem:$0xBA20] =	vst v1  }
0xf2: {  	v1 =	vld [tilespmem:s25+$0x7A30];
	_ =	sdelay $0x4  }
0xf3: {  	v2 =	vshrl.u32 v1, $0xE  }
0xf4: {  	v1 =	vand.u32 $0x3FFF, v1;
	[tilespmem:$0xB8B0] =	vst v2  }
0xf5: {  	[tilespmem:$0xBA30] =	vst v1  }
0xf6: {  	v1 =	vld [tilespmem:s25+$0x7A40];
	_ =	sdelay $0x4  }
0xf7: {  	v2 =	vshrl.u32 v1, $0xE  }
.Ltmp4:
0xf8: {  	v1 =	vand.u32 $0x3FFF, v1;
	[tilespmem:$0xB8C0] =	vst v2;
	(pc) =	sbr.rel .LBB2_4-.Ltmp4, $4  }
0xf9: {  	[tilespmem:$0xBA40] =	vst v1  }
0xfa: {  	[tilespmem:s26], [sflag:$0x2] =	stream.indirect.gather [hbm4b:s1+s19], $0x80, s24, s19, $0xb8;
	[tilespmem:$0x1F700] =	vst v63  }
0xfb: {  	s5 =	sadd.s32 $0x600, s5  }
0xfc: {  	[tilespmem:s29], [sflag:$0x5] =	stream.indirect.gather [hbm4b:s1+s21], $0x80, s28, s21, $0xb8;
	[tilespmem:$0x1F700] =	vst v63  }
.LBB2_7:
0xfd: {  	_ =	sfence.sel $0x180000  }
0xfe: {  	[bflag:$0x0] =	sbarrier.arrive $0xFFFF  }
0xff: {  	_ =	strace $0x9000004A  }
0x100: {  	s0 =	stileid.u32;
	[bflag:$0x2] =	sbarrier.arrive $0xFFFF  }
0x101: {  	p0 =	sne.s32 s0, $0x0;
	s0 =	rddreg [dreg:$0x3]  }
0x102: {  	s0 =	sadd.s32 @!p0 $0x100000, s0  }
0x103: {  	[sflag:s0] =	ssyncadd.tile.s32 @!p0 $0x1;
	_ =	shalt  }
.Lfunc_end2:
_tile_overlayer_lowered:
.L_overlay_start_2:
0x104: {  	(tag) =	ssettag $0x2  }
0x105: {  	s0 =	rddreg [dreg:$0x0];
	s2 =	stileid.u32  }
0x106: {  	s1 =	rddreg [dreg:$0x1];
	p0 =	sne.s32 s2, $0x0  }
0x107: {  	s3 =	rddreg [dreg:$0x2];
	[bflag:$0x3] =	sbarrier.arrive $0xFFFF;
	s2 =	simm.s32 @!p0 $0x1C0A  }
0x108: {  	[timem:s3], [sflag:s2] =	dma.local @!p0 [hbm:s0], s1  }
0x109: {  	s0 =	simm.s32 @!p0 $0xA  }
0x10a: {  	_ =	swait.ge @!p0 [sflag:s0], s1  }
0x10b: {  	s1 =	ssub.s32 @!p0 $0x0, s1;
	[sflag:s0] =	ssyncset.done @!p0 $0x0  }
0x10c: {  	[sflag:s0] =	ssyncadd.s32 @!p0 s1  }
0x10d: {  	[bflag:$0x3] =	sbarrier.arrive $0xFFFF  }
0x10e: {  	_ =	shalt  }

// kernel: kernel.14.cloned.1.call-start
scs
__scs_entry_jumppad:
0x0: {  	(pc) =	sbr.rel $0x88, $3  }
0x1: {  	(tag) =	ssettag $0x0;
	lr =	simm.s32 $0x1  }
0x2: {  	[smem:$0x3F97] =	sst lr;
	_ =	strace $0xD0000000  }
0x3: {  	_ = 	snop  }
0x4: {  	_ = 	snop  }
0x5: {  	_ = 	snop  }
0x6: {  	_ = 	snop  }
0x7: {  	_ = 	snop  }
__scs_overlays_trampoline_lowered:
0x8: {  	[smem:$0x3FA6] =	sst s0  }
0x9: {  	[smem:$0x3FA7] =	sst s1  }
0xa: {  	[smem:$0x3FA8] =	sst s2  }
0xb: {  	[smem:$0x3FA9] =	sst s3  }
0xc: {  	[smem:$0x3FAA] =	sst s4  }
0xd: {  	[smem:$0x3FAB] =	sst s5  }
0xe: {  	[smem:$0x3FAC] =	sst s6  }
0xf: {  	[smem:$0x3FAD] =	sst s7  }
0x10: {  	[smem:$0x3FAE] =	sst s8  }
0x11: {  	[smem:$0x3FAF] =	sst s9;
	s0 =	simm.s32 @!p0 $0x0  }
0x12: {  	s1 =	sld [smem:$0x3F95];
	s0 =	simm.s32 @p0 $0x1  }
0x13: {  	[smem:$0x3FB0] =	sst s0;
	s0 =	simm.s32 @!p1 $0x0  }
0x14: {  	s2 =	sld [smem:$0x3F94];
	s0 =	simm.s32 @p1 $0x1  }
0x15: {  	[smem:$0x3FB1] =	sst s0;
	s0 =	simm.s32 @!p2 $0x0  }
0x16: {  	s3 =	sld [smem:$0x3FDB];
	s0 =	simm.s32 @p2 $0x1  }
0x17: {  	s4 =	simm.s32 $0x1BF5;
	[smem:$0x3FB3] =	sst s0  }
0x18: {  	s0 =	sld [smem:$0x3F96];
	_ =	swait.ge [sflag:s4], $0x0  }
0x19: {  	s7 =	sld [smem:$0x3F97]  }
0x1a: {  	s8 =	sadd.s32 $0xFFFFE003, lr  }
0x1b: {  	s9 =	sadd.s32 $0xFFFFFEF7, lr;
	s5 =	simm.s32 $0xFFFFFFFF;
	p2 =	slt.u32 s8, $0xFFFFF086  }
0x1c: {  	p1 =	slt.u32 s9, $0xF7A;
	s5 =	simm.s32 @!p2 $0x0  }
0x1d: {  	s5 =	simm.s32 @p1 $0x1;
	p0 =	seq.s32 s7, s2  }
0x1e: {  	s7 =	smul.u32 @!p0 $0xF7A, s2;
	p2 =	seq.s32 @!p0 s5, $0x0  }
0x1f: {  	s9 =	smul.u32 $0xF7A, s1;
	s8 =	simm.s32 @!p0 $0x1BF5;
	p2 =	por !p2, p0  }
0x20: {  	[sflag:s8] =	ssyncset.s32 @!p0 $0xFFFFF086;
	s6 =	sadd.s32 @!p0 s3, s7;
	s7 =	simm.s32 @!p0 $0x108  }
0x21: {  	s3 =	sadd.s32 s3, s9;
	s6 =	sadd.s32 @!p0 $0x88, s6;
	s7 =	simm.s32 @p2 $0x1082  }
0x22: {  	[simem:s7], [sflag:s8] =	dma.local @!p0 [hbm:s6], $0xF7A  }
0x23: {  	s9 =	sor.u32 $0xD0000000, s2;
	s6 =	simm.s32 $0x108;
	_ =	swait.ge @!p0 [sflag:s8], $0x0  }
0x24: {  	s3 =	sadd.s32 $0x88, s3;
	s6 =	simm.s32 @!p1 $0x1082;
	[sflag:s4] =	ssyncset.s32 $0xFFFFF086  }
0x25: {  	[simem:s6], [sflag:s4] =	dma.local [hbm:s3], $0xF7A  }
0x26: {  	[smem:$0x3F97] =	sst s1;
	(tag) =	ssettag s2;
	_ =	strace s9  }
0x27: {  	s1 =	sld [smem:$0x3FA7]  }
0x28: {  	s2 =	sld [smem:$0x3FA8]  }
0x29: {  	s4 =	sld [smem:$0x3FAA]  }
0x2a: {  	p0 =	seq.s32 s5, $0x0;
	s5 =	sld [smem:$0x3FAB]  }
0x2b: {  	s6 =	sld [smem:$0x3FAC]  }
0x2c: {  	s7 =	sld [smem:$0x3FAD]  }
0x2d: {  	s3 =	simm.s32 $0x108;
	s8 =	sld [smem:$0x3FAE]  }
0x2e: {  	s3 =	simm.s32 @!p0 $0x1082;
	s9 =	sld [smem:$0x3FAF]  }
0x2f: {  	lr =	sadd.s32 s0, s3;
	s0 =	sld [smem:$0x3FA6]  }
0x30: {  	s3 =	sld [smem:$0x3FA9]  }
0x31: {  	[smem:$0x3FB2] =	sst s10  }
0x32: {  	s10 =	sld [smem:$0x3FB0];
	_ =	sdelay $0x3  }
0x33: {  	p0 =	seq.s32 s10, $0x1;
	s10 =	sld [smem:$0x3FB2];
	_ =	sdelay $0x3  }
0x34: {  	[smem:$0x3FB2] =	sst s10  }
0x35: {  	s10 =	sld [smem:$0x3FB1];
	_ =	sdelay $0x3  }
0x36: {  	p1 =	seq.s32 s10, $0x1;
	s10 =	sld [smem:$0x3FB2];
	_ =	sdelay $0x3  }
0x37: {  	[smem:$0x3FB2] =	sst s10  }
0x38: {  	s10 =	sld [smem:$0x3FB3]  }
0x39: {  	_ = 	snop;
	(pc) =	sbr.ind lr, $3  }
0x3a: {  	_ = 	snop  }
0x3b: {  	_ = 	snop  }
0x3c: {  	p2 =	seq.s32 s10, $0x1;
	s10 =	sld [smem:$0x3FB2]  }
0x3d: {  	_ =	shalt  }
0x3e: {  	_ =	shalt  }
0x3f: {  	_ =	shalt  }
0x40: {  	_ =	shalt  }
0x41: {  	_ =	shalt  }
0x42: {  	_ =	shalt  }
0x43: {  	_ =	shalt  }
0x44: {  	_ =	shalt  }
0x45: {  	_ =	shalt  }
0x46: {  	_ =	shalt  }
0x47: {  	_ =	shalt  }
0x48: {  	_ =	shalt  }
0x49: {  	_ =	shalt  }
0x4a: {  	_ =	shalt  }
0x4b: {  	_ =	shalt  }
0x4c: {  	_ =	shalt  }
0x4d: {  	_ =	shalt  }
0x4e: {  	_ =	shalt  }
0x4f: {  	_ =	shalt  }
0x50: {  	_ =	shalt  }
0x51: {  	_ =	shalt  }
0x52: {  	_ =	shalt  }
0x53: {  	_ =	shalt  }
0x54: {  	_ =	shalt  }
0x55: {  	_ =	shalt  }
0x56: {  	_ =	shalt  }
0x57: {  	_ =	shalt  }
0x58: {  	_ =	shalt  }
0x59: {  	_ =	shalt  }
0x5a: {  	_ =	shalt  }
0x5b: {  	_ =	shalt  }
0x5c: {  	_ =	shalt  }
0x5d: {  	_ =	shalt  }
0x5e: {  	_ =	shalt  }
0x5f: {  	_ =	shalt  }
0x60: {  	_ =	shalt  }
0x61: {  	_ =	shalt  }
0x62: {  	_ =	shalt  }
0x63: {  	_ =	shalt  }
0x64: {  	_ =	shalt  }
0x65: {  	_ =	shalt  }
0x66: {  	_ =	shalt  }
0x67: {  	_ =	shalt  }
0x68: {  	_ =	shalt  }
0x69: {  	_ =	shalt  }
0x6a: {  	_ =	shalt  }
0x6b: {  	_ =	shalt  }
0x6c: {  	_ =	shalt  }
0x6d: {  	_ =	shalt  }
0x6e: {  	_ =	shalt  }
0x6f: {  	_ =	shalt  }
0x70: {  	_ =	shalt  }
0x71: {  	_ =	shalt  }
0x72: {  	_ =	shalt  }
0x73: {  	_ =	shalt  }
0x74: {  	_ =	shalt  }
0x75: {  	_ =	shalt  }
0x76: {  	_ =	shalt  }
0x77: {  	_ =	shalt  }
0x78: {  	_ =	shalt  }
0x79: {  	_ =	shalt  }
0x7a: {  	_ =	shalt  }
0x7b: {  	_ =	shalt  }
0x7c: {  	_ =	shalt  }
0x7d: {  	_ =	shalt  }
0x7e: {  	_ =	shalt  }
0x7f: {  	_ =	shalt  }
0x80: {  	_ =	shalt  }
0x81: {  	_ =	shalt  }
0x82: {  	_ =	shalt  }
0x83: {  	_ =	shalt  }
0x84: {  	_ =	shalt  }
0x85: {  	_ =	shalt  }
0x86: {  	_ =	shalt  }
0x87: {  	_ =	shalt  }
.Lfunc_end0:
.L_simem_size_0:
called_computation.2_lowered:
.L_overlay_start_0:
0x88: {  	s2 =	sld [smem:$0x3FD9]  }
0x89: {  	s3 =	sld [smem:$0x3FFE];
	_ =	sdelay $0x1  }
0x8a: {  	s1 =	srdreg.scid  }
0x8b: {  	s0 =	sand.u32 $0x1, s1  }
0x8c: {  	s17 =	sshll.u32 s0, $0xA;
	s2 =	sadd.s32 s3, s2  }
0x8d: {  	s2 =	sadd.s32 s2, s17  }
0x8e: {  	[smem:$0x3FBE] =	sst s2  }
0x8f: {  	_ = 	snop  }
0x90: {  	s2 =	sld [smem:$0x3FD0];
	(tm) =	ssettm $0x1  }
0x91: {  	s18 =	sld [smem:$0x3FFB];
	_ =	sdelay $0x3  }
0x92: {  	_ =	strace s18  }
0x93: {  	s3 =	sld [smem:$0x3FFC];
	_ =	sdelay $0x3  }
0x94: {  	_ =	strace s3  }
0x95: {  	s3 =	sld [smem:$0x3FFD];
	_ =	sdelay $0x3  }
0x96: {  	_ =	strace s3  }
0x97: {  	_ =	strace $0x8FFFFFFF  }
0x98: {  	s19 =	sld [smem:$0x3FDB];
	_ =	sdelay $0x1  }
0x99: {  	s4 =	simm.s32 $_scs_section_size  }
0x9a: {  	s5 =	simm.s32 $_size__tile_overlayer_lowered;
	s6 =	simm.s32 $_tile_overlayer_lowered  }
0x9b: {  	s22 =	simm.s32 $0x1BFF;
	s21 =	sshll.u32 s6, $0x1;
	s3 =	sadd.s32 s4, s19  }
0x9c: {  	s7 =	simm.s32 $0x0;
	s20 =	sshll.u32 s5, $0x1;
	s5 =	sadd.s32 s21, s3  }
0x9d: {  	[timem:s7], [sflag:s22] =	dma.local [hbm:s5], s20  }
0x9e: {  	_ =	swait.ge [sflag:s22], s20  }
0x9f: {  	s4 =	ssub.s32 $0x0, s20;
	[sflag:s22] =	ssyncset.done $0x0  }
0xa0: {  	[sflag:s22] =	ssyncadd.s32 s4;
	_ =	sdelay $0x1  }
0xa1: {  	s23 =	simm.s32 $0x1B8B  }
0xa2: {  	_ =	swait.ge [sflag:s23], $0x1  }
0xa3: {  	[sflag:s23] =	ssyncset.done $0x0  }
0xa4: {  	s25 =	simm.s32 $0x1B8E;
	s24 =	sld [smem:$0x3FFE];
	[sflag:s23] =	ssyncadd.s32 $0xFFFFFFFF  }
0xa5: {  	s26 =	simm.s32 $execute0_lowered;
	[smem:$0x3FD2] =	sst s25  }
0xa6: {  	s5 =	sshll.u32 s26, $0x1;
	_ =	strace $0x8000004C;
	[dreg:$0x1] =	wrdreg $0xFFFFFFFF  }
0xa7: {  	s28 =	simm.s32 $_size_execute0_lowered;
	s3 =	sadd.s32 s3, s5;
	[dreg:$0x0] =	wrdreg $0x0  }
0xa8: {  	s5 =	sshll.u32 s28, $0x1;
	[dreg:$0x2] =	wrdreg s3  }
0xa9: {  	[dreg:$0x3] =	wrdreg s5  }
0xaa: {  	[dreg:$0x4] =	wrdreg $0xC0  }
0xab: {  	_ =	task [dreg:s7], $0x5FFFF  }
0xac: {  	[dreg:$0x1] =	wrdreg $0xFFFFFFFF  }
0xad: {  	[dreg:$0x0] =	wrdreg $0x60  }
0xae: {  	[dreg:$0x2] =	wrdreg s2  }
0xaf: {  	[dreg:$0x3] =	wrdreg s24  }
0xb0: {  	[dreg:$0x4] =	wrdreg $0xBB000  }
0xb1: {  	[dreg:$0x5] =	wrdreg $0x9  }
0xb2: {  	_ =	task.clear_ibuf [dreg:s7], $0x6FFFF;
	_ =	strace $0x9000004C  }
0xb3: {  	s29 =	simm.s32 $0x9;
	_ =	strace $0x8000004E  }
0xb4: {  	_ =	swait.ge [sflag:s29], $0x1  }
0xb5: {  	[sflag:s29] =	ssyncadd.s32 $0xFFFFFFFF  }
0xb6: {  	_ =	strace $0x9000004E  }
0xb7: {  	_ =	sfence  }
0xb8: {  	s30 =	sld [smem:$0x0];
	_ =	sdelay $0x2  }
0xb9: {  	s31 =	sshll.u32 s1, $0xD;
	s1 =	sshrl.u32 s1, $0x2  }
0xba: {  	s3 =	sand.u32 $0x4000, s31;
	s1 =	sadd.s32 s1, s30  }
0xbb: {  	s0 =	sor.u32 s3, s0;
	s1 =	sshll.u32 s1, $0x11  }
0xbc: {  	s0 =	sor.u32 s1, s0  }
0xbd: {  	s0 =	sadd.s32 $0x8F2B, s0  }
0xbe: {  	[sflag:s0] =	ssyncadd.remote.s32 $0x1  }
0xbf: {  	_ =	sfence.sel $0xFFFF  }
0xc0: {  	[dreg:$0x0] =	wrdreg $0xFFFFFFFF;
	(pc) =	sbr.abs _section_cstart, $3  }
0xc1: {  	[dreg:$0x1] =	wrdreg $0xFFFFFFFF  }
0xc2: {  	_ =	task.clear_ibuf [dreg:s7], $0x2FFFF;
	_ =	strace $0x9FFFFFFF  }
0xc3: {  	(tm) =	ssettm $0x7FFFFFFF  }
tec
execute0_lowered:
.L_overlay_start_1:
0x0: {  	(tag) =	ssettag $0x1  }
0x1: {  	s1 =	rddreg [dreg:$0x0]  }
0x2: {  	s0 =	rddreg [dreg:$0x1]  }
0x3: {  	s2 =	rddreg [dreg:$0x2];
	s4 =	simm.s32 $0x0;
	s3 =	srdreg.scid  }
0x4: {  	s9 =	stileid.u32;
	s28 =	simm.s32 $0xB8A0;
	s29 =	simm.s32 $0x3800  }
0x5: {  	s30 =	simm.s32 $0x5000;
	s31 =	simm.s32 $0x1;
	s10 =	simm.s32 $0x5  }
0x6: {  	s11 =	simm.s32 $0xBA00;
	s12 =	simm.s32 $0x3;
	s13 =	simm.s32 $0x6  }
0x7: {  	s14 =	simm.s32 $0xBA80;
	s15 =	simm.s32 $0x7;
	s16 =	simm.s32 $0x8  }
0x8: {  	[smem:$0x7FF] =	sst s4;
	s3 =	sand.u32 $0x1, s3;
	s7 =	smul.u32 $0x4F000, s9  }
0x9: {  	s5 =	sshll.u32 s9, $0xB;
	s19 =	smul.u32 $0x13C00, s9;
	p0 =	seq.s32 s9, $0xF  }
0xa: {  	s9 =	simm.s32 $0x2;
	s5 =	sadd.s32 s5, s0;
	s17 =	sshll.u32 s3, $0xF  }
0xb: {  	_ =	strace $0x8000004D;
	s6 =	ssub.s32 $0x2, s3;
	s5 =	sadd.s32 s17, s5  }
0xc: {  	s0 =	sadd.s32 $0x3C800, s0;
	s7 =	sshrl.u32 s7, $0x2;
	s5 =	sadd.s32 $0x5600, s5  }
0xd: {  	s3 =	smul.u32 $0x138800, s3;
	s7 =	sadd.s32 s7, s2;
	[dreg:$0x5] =	wrdreg s5  }
0xe: {  	s8 =	sshrl.u32 s6, $0x1;
	s18 =	sadd.s32 $0x2800, s7;
	[dreg:$0x4] =	wrdreg s7  }
0xf: {  	s17 =	simm.s32 $0x50;
	s20 =	sadd.s32 $0x5000, s7;
	[dreg:$0x6] =	wrdreg s18  }
0x10: {  	s6 =	ssub.s32 s6, s8;
	s21 =	sadd.s32 $0x7800, s7;
	[dreg:$0x7] =	wrdreg s20  }
0x11: {  	s8 =	simm.s32 $0x6000;
	s22 =	sadd.s32 $0xA000, s7;
	[dreg:$0x8] =	wrdreg s21  }
0x12: {  	s23 =	sadd.s32 $0xC800, s7;
	s5 =	sadd.s32 s19, s3;
	[dreg:$0x9] =	wrdreg s22  }
0x13: {  	s3 =	sshrl.u32 s3, $0x3;
	s24 =	sadd.s32 $0xF000, s7;
	[dreg:$0xa] =	wrdreg s23  }
0x14: {  	s7 =	sadd.s32 $0x11800, s7;
	s26 =	smax.u32 s6, $0x1;
	[dreg:$0xb] =	wrdreg s24  }
0x15: {  	s19 =	simm.s32 $0x20;
	s6 =	simm.s32 $0xB900;
	[dreg:$0xc] =	wrdreg s7  }
0x16: {  	s5 =	sshrl.u32 s5, $0x3;
	s3 =	sadd.s32 s0, s3;
	[dreg:$0xf] =	wrdreg s26  }
0x17: {  	s20 =	simm.s32 $0xB800;
	s21 =	simm.s32 $0x30;
	s22 =	simm.s32 $0xB820  }
.Ltmp0:
0x18: {  	s23 =	simm.s32 $0x1000;
	s24 =	simm.s32 $0xB880;
	(pc) =	sbr.rel .LBB2_1-.Ltmp0, $4  }
0x19: {  	s26 =	simm.s32 $0x2800;
	s7 =	simm.s32 $0xB920;
	s0 =	sadd.s32 s0, s5  }
0x1a: {  	s25 =	sadd.s32 $0x25080, s3;
	[dreg:$0xd] =	wrdreg s0;
	s0 =	sadd.s32 $0x128400, s2  }
0x1b: {  	s3 =	simm.s32 $0xB980;
	[dreg:$0xe] =	wrdreg s25;
	s0 =	sshrl.u32 @p0 s0, $0x3  }
0x1c: {  	v0 =	vimm.f32 $0.0e+00;
	s25 =	simm.s32 $0x0;
	[dreg:$0x10] =	wrdreg s0;
	s0 =	simm.s32 $0x4  }
.LBB2_6:
0x1d: {  	_ =	swait.ge [sflag:s12], $0x1000  }
0x1e: {  	[sflag:s12] =	ssyncset.done $0x0  }
0x1f: {  	[sflag:s12] =	ssyncadd.s32 $0xFFFFF000  }
0x20: {  	_ =	swait.ge [sflag:s13], $0x1800  }
0x21: {  	[sflag:s13] =	ssyncset.done $0x0  }
0x22: {  	[sflag:s13] =	ssyncadd.s32 $0xFFFFE800  }
0x23: {  	[spmem:s2] =	stream.indirect.scatter.add.f32 [tilespmem:s30], [sflag:$0x9], $0x80, s14, s17, $0xb8;
	[tilespmem:$0x1F700] =	vst v63  }
0x24: {  	_ =	swait.ge [sflag:s15], $0x2800  }
0x25: {  	[sflag:s15] =	ssyncset.done $0x0  }
0x26: {  	[sflag:s15] =	ssyncadd.s32 $0xFFFFD800  }
0x27: {  	_ =	swait.ge [sflag:s16], $0x2800  }
0x28: {  	[sflag:s16] =	ssyncset.done $0x0  }
0x29: {  	s5 =	simm.s32 $0x9;
	[sflag:s16] =	ssyncadd.s32 $0xFFFFD800  }
0x2a: {  	_ =	swait.ge [sflag:s5], $0x2800  }
0x2b: {  	[sflag:s5] =	ssyncset.done $0x0  }
0x2c: {  	[sflag:s5] =	ssyncadd.s32 $0xFFFFD800  }
0x2d: {  	[bflag:$0x0] =	sbarrier.arrive $0xFFFF  }
0x2e: {  	s18 =	rddreg [dreg:$0xe]  }
0x2f: {  	s5 =	simm.s32 @p0 $0x1FCA;
	s25 =	rddreg [dreg:$0x10]  }
0x30: {  	[hbm:s18], [sflag:s5] =	dma.local @p0 [spmem:s25], $0x2080  }
0x31: {  	s5 =	simm.s32 @p0 $0xA  }
0x32: {  	s25 =	stileid.u32;
	_ =	swait.ge @p0 [sflag:s5], $0x2080  }
0x33: {  	s25 =	sshll.u32 @!p0 s25, $0x6;
	[sflag:s5] =	ssyncset.done @p0 $0x0  }
0x34: {  	[sflag:s5] =	ssyncadd.s32 @p0 $0xFFFFDF80;
	s5 =	sor.u32 @!p0 $0x1C0A, s25;
	s25 =	rddreg [dreg:$0x4]  }
0x35: {  	s18 =	rddreg [dreg:$0xd];
	s25 =	sshrl.u32 @!p0 s25, $0x3  }
0x36: {  	[hbm:s18], [sflag:s5] =	dma.local @!p0 [spmem:s25], $0x2780  }
0x37: {  	s5 =	simm.s32 @!p0 $0xA  }
0x38: {  	_ =	swait.ge @!p0 [sflag:s5], $0x2780  }
0x39: {  	s18 =	rddreg [dreg:$0x11]  }
0x3a: {  	s25 =	sadd.s32 $0x1, s18;
	s18 =	rddreg [dreg:$0xf]  }
0x3b: {  	p1 =	sne.s32 s25, s18  }
.Ltmp1:
0x3c: {  	_ = 	snop;
	(pc) =	sbr.rel @!p1 .LBB2_7-.Ltmp1, $3  }
0x3d: {  	_ =	sdelay $0x1  }
0x3e: {  	[sflag:s5] =	ssyncset.done @!p0 $0x0  }
0x3f: {  	[sflag:s5] =	ssyncadd.s32 @!p0 $0xFFFFD880  }
.LBB2_1:
0x40: {  	[dreg:$0x11] =	wrdreg s25  }
0x41: {  	s5 =	rddreg [dreg:$0x5];
	s18 =	simm.s32 $0x7800;
	s25 =	simm.s32 $0xA  }
0x42: {  	[tilespmem:s18], [sflag:$0xA] =	stream.linear.gather [hbm4b:s5+s4], $0x3F00, $0x38;
	[tilespmem:$0x1F700] =	vst v63  }
0x43: {  	_ =	swait.ge [sflag:s25], $0x3F00  }
0x44: {  	[sflag:s25] =	ssyncset.done $0x0  }
0x45: {  	[sflag:s25] =	ssyncadd.s32 $0xFFFFC100  }
0x46: {  	v1 =	vld [tilespmem:$0x7800];
	_ =	sdelay $0x1  }
0x47: {  	v2 =	vld [tilespmem:$0x7810];
	_ =	sdelay $0x1  }
0x48: {  	v3 =	vld [tilespmem:$0x7820]  }
0x49: {  	v4 =	vshrl.u32 v1, $0xE  }
0x4a: {  	v61 =	vld [tilespmem:$0x7830];
	v1 =	vand.u32 $0x3FFF, v1;
	[tilespmem:$0xB800] =	vst v4  }
0x4b: {  	[tilespmem:$0xB980] =	vst v1;
	v1 =	vshrl.u32 v2, $0xE  }
0x4c: {  	[tilespmem:$0xB810] =	vst v1;
	v1 =	vand.u32 $0x3FFF, v2;
	v2 =	vld [tilespmem:$0x7840]  }
0x4d: {  	[tilespmem:$0xB990] =	vst v1;
	v1 =	vshrl.u32 v3, $0xE  }
0x4e: {  	[tilespmem:$0xB820] =	vst v1;
	v1 =	vand.u32 $0x3FFF, v3  }
0x4f: {  	[tilespmem:$0xB9A0] =	vst v1;
	v1 =	vshrl.u32 v61, $0xE  }
0x50: {  	[tilespmem:$0xB830] =	vst v1;
	v1 =	vand.u32 $0x3FFF, v61  }
0x51: {  	[tilespmem:$0xB9B0] =	vst v1;
	v1 =	vshrl.u32 v2, $0xE  }
0x52: {  	[tilespmem:$0xB840] =	vst v1;
	v1 =	vand.u32 $0x3FFF, v2  }
0x53: {  	[tilespmem:$0xB9C0] =	vst v1  }
0x54: {  	[tilespmem:s4], [sflag:$0x1] =	stream.indirect.gather [hbm4b:s1+s19], $0x80, s20, s19, $0xb8;
	[tilespmem:$0x1F700] =	vst v63  }
0x55: {  	_ = 	snop  }
0x56: {  	[tilespmem:s23], [sflag:$0x4] =	stream.indirect.gather [hbm4b:s1+s21], $0x80, s22, s21, $0xb8;
	[tilespmem:$0x1F700] =	vst v63  }
0x57: {  	v1 =	vld [tilespmem:$0x7880];
	_ =	sdelay $0x1  }
0x58: {  	v2 =	vld [tilespmem:$0x7890];
	_ =	sdelay $0x1  }
0x59: {  	v3 =	vld [tilespmem:$0x78A0]  }
0x5a: {  	v62 =	vshrl.u32 v1, $0xE  }
0x5b: {  	v63 =	vld [tilespmem:$0x78B0];
	v1 =	vand.u32 $0x3FFF, v1;
	[tilespmem:$0xB880] =	vst v62  }
0x5c: {  	[tilespmem:$0xBA00] =	vst v1;
	v1 =	vshrl.u32 v2, $0xE  }
0x5d: {  	[tilespmem:$0xB890] =	vst v1;
	v1 =	vand.u32 $0x3FFF, v2;
	v2 =	vld [tilespmem:$0x78C0]  }
0x5e: {  	[tilespmem:$0xBA10] =	vst v1;
	v1 =	vshrl.u32 v3, $0xE  }
0x5f: {  	[tilespmem:$0xB8A0] =	vst v1;
	v1 =	vand.u32 $0x3FFF, v3  }
0x60: {  	[tilespmem:$0xBA20] =	vst v1;
	v1 =	vshrl.u32 v63, $0xE  }
0x61: {  	[tilespmem:$0xB8B0] =	vst v1;
	v1 =	vand.u32 $0x3FFF, v63  }
0x62: {  	[tilespmem:$0xBA30] =	vst v1;
	v1 =	vshrl.u32 v2, $0xE  }
0x63: {  	[tilespmem:$0xB8C0] =	vst v1;
	v1 =	vand.u32 $0x3FFF, v2  }
0x64: {  	[tilespmem:$0xBA40] =	vst v1  }
0x65: {  	[tilespmem:s26], [sflag:$0x2] =	stream.indirect.gather [hbm4b:s1+s19], $0x80, s24, s19, $0xb8;
	[tilespmem:$0x1F700] =	vst v63  }
0x66: {  	s5 =	simm.s32 $0x0;
	s25 =	simm.s32 $0x200  }
0x67: {  	[tilespmem:s29], [sflag:$0x5] =	stream.indirect.gather [hbm4b:s1+s21], $0x80, s28, s21, $0xb8;
	[tilespmem:$0x1F700] =	vst v63  }
.LBB2_2:
0x68: {  	p1 =	sne.s32 s25, $0x9E00;
	[tilespmem:s5+$0x5070] =	vst v0  }
0x69: {  	[tilespmem:s5+$0x5000] =	vst v0  }
0x6a: {  	[tilespmem:s5+$0x5010] =	vst v0  }
.Ltmp2:
0x6b: {  	[tilespmem:s5+$0x5020] =	vst v0;
	(pc) =	sbr.rel @p1 .LBB2_2-.Ltmp2, $4  }
0x6c: {  	[tilespmem:s5+$0x5030] =	vst v0  }
0x6d: {  	[tilespmem:s5+$0x5040] =	vst v0  }
0x6e: {  	[tilespmem:s5+$0x5050] =	vst v0  }
0x6f: {  	[tilespmem:s5+$0x5060] =	vst v0;
	s5 =	sshra.s32 s25, $0x2;
	s25 =	sadd.s32 $0x200, s25  }
0x70: {  	[tilespmem:s5+$0x5070] =	vst v0  }
0x71: {  	[tilespmem:s5+$0x5000] =	vst v0  }
0x72: {  	[tilespmem:s5+$0x5010] =	vst v0  }
0x73: {  	[tilespmem:s5+$0x5020] =	vst v0  }
0x74: {  	[tilespmem:s5+$0x5030] =	vst v0  }
0x75: {  	[tilespmem:s5+$0x5040] =	vst v0  }
0x76: {  	[tilespmem:s5+$0x5050] =	vst v0  }
0x77: {  	[tilespmem:s5+$0x5060] =	vst v0;
	s18 =	rddreg [dreg:$0x4]  }
0x78: {  	[spmem:s18] =	stream.linear.scatter [tilespmem:s30], [sflag:$0xA], $0x2800, $0x38;
	[tilespmem:$0x1F700] =	vst v63  }
0x79: {  	s18 =	simm.s32 $0xA  }
0x7a: {  	_ =	swait.ge [sflag:s18], $0x2800  }
0x7b: {  	[sflag:s18] =	ssyncset.done $0x0  }
0x7c: {  	s25 =	rddreg [dreg:$0x6];
	[sflag:s18] =	ssyncadd.s32 $0xFFFFD800  }
0x7d: {  	[spmem:s25] =	stream.linear.scatter [tilespmem:s30], [sflag:$0xA], $0x2800, $0x38;
	[tilespmem:$0x1F700] =	vst v63  }
0x7e: {  	_ =	swait.ge [sflag:s18], $0x2800  }
0x7f: {  	[sflag:s18] =	ssyncset.done $0x0  }
0x80: {  	s25 =	rddreg [dreg:$0x7];
	[sflag:s18] =	ssyncadd.s32 $0xFFFFD800  }
0x81: {  	[spmem:s25] =	stream.linear.scatter [tilespmem:s30], [sflag:$0xA], $0x2800, $0x38;
	[tilespmem:$0x1F700] =	vst v63  }
0x82: {  	_ =	swait.ge [sflag:s18], $0x2800  }
0x83: {  	[sflag:s18] =	ssyncset.done $0x0  }
0x84: {  	s25 =	rddreg [dreg:$0x8];
	[sflag:s18] =	ssyncadd.s32 $0xFFFFD800  }
0x85: {  	[spmem:s25] =	stream.linear.scatter [tilespmem:s30], [sflag:$0xA], $0x2800, $0x38;
	[tilespmem:$0x1F700] =	vst v63  }
0x86: {  	_ =	swait.ge [sflag:s18], $0x2800  }
0x87: {  	[sflag:s18] =	ssyncset.done $0x0  }
0x88: {  	s25 =	rddreg [dreg:$0x9];
	[sflag:s18] =	ssyncadd.s32 $0xFFFFD800  }
0x89: {  	[spmem:s25] =	stream.linear.scatter [tilespmem:s30], [sflag:$0xA], $0x2800, $0x38;
	[tilespmem:$0x1F700] =	vst v63  }
0x8a: {  	_ =	swait.ge [sflag:s18], $0x2800  }
0x8b: {  	[sflag:s18] =	ssyncset.done $0x0  }
0x8c: {  	s25 =	rddreg [dreg:$0xa];
	[sflag:s18] =	ssyncadd.s32 $0xFFFFD800  }
0x8d: {  	[spmem:s25] =	stream.linear.scatter [tilespmem:s30], [sflag:$0xA], $0x2800, $0x38;
	[tilespmem:$0x1F700] =	vst v63  }
0x8e: {  	_ =	swait.ge [sflag:s18], $0x2800  }
0x8f: {  	[sflag:s18] =	ssyncset.done $0x0  }
0x90: {  	s25 =	rddreg [dreg:$0xb];
	[sflag:s18] =	ssyncadd.s32 $0xFFFFD800  }
0x91: {  	[spmem:s25] =	stream.linear.scatter [tilespmem:s30], [sflag:$0xA], $0x2800, $0x38;
	[tilespmem:$0x1F700] =	vst v63  }
0x92: {  	_ =	swait.ge [sflag:s18], $0x2800  }
0x93: {  	[sflag:s18] =	ssyncset.done $0x0  }
0x94: {  	s25 =	rddreg [dreg:$0xc];
	[sflag:s18] =	ssyncadd.s32 $0xFFFFD800  }
0x95: {  	[spmem:s25] =	stream.linear.scatter [tilespmem:s30], [sflag:$0xA], $0x2400, $0x38;
	[tilespmem:$0x1F700] =	vst v63  }
0x96: {  	_ =	swait.ge [sflag:s18], $0x2400  }
0x97: {  	[sflag:s18] =	ssyncset.done $0x0  }
0x98: {  	[sflag:s18] =	ssyncadd.s32 $0xFFFFDC00  }
0x99: {  	s5 =	simm.s32 $0x0;
	[bflag:$0x0] =	sbarrier.arrive $0xFFFF  }
.LBB2_4:
0x9a: {  	_ =	swait.ge [sflag:s31], $0x1000  }
0x9b: {  	[sflag:s31] =	ssyncset.done $0x0  }
0x9c: {  	[sflag:s31] =	ssyncadd.s32 $0xFFFFF000  }
0x9d: {  	_ =	swait.ge [sflag:s0], $0x1800  }
0x9e: {  	p1 =	seq.s32 s5, $0x0;
	[sflag:s0] =	ssyncset.done $0x0  }
0x9f: {  	s25 =	simm.s32 @!p1 $0x9;
	[sflag:s0] =	ssyncadd.s32 $0xFFFFE800  }
0xa0: {  	[spmem:s2] =	stream.indirect.scatter.add.f32 [tilespmem:s4], [sflag:$0x7], $0x80, s3, s17, $0xb8;
	[tilespmem:$0x1F700] =	vst v63  }
0xa1: {  	_ =	swait.ge @!p1 [sflag:s25], $0x2800  }
0xa2: {  	[sflag:s25] =	ssyncset.done @!p1 $0x0  }
0xa3: {  	[sflag:s25] =	ssyncadd.s32 @!p1 $0xFFFFD800;
	s25 =	sshra.s32 s5, $0x2  }
0xa4: {  	v1 =	vld [tilespmem:s25+$0x7900];
	_ =	sdelay $0x4  }
0xa5: {  	v2 =	vshrl.u32 v1, $0xE  }
0xa6: {  	v1 =	vand.u32 $0x3FFF, v1;
	[tilespmem:$0xB900] =	vst v2  }
0xa7: {  	[tilespmem:$0xBA80] =	vst v1  }
0xa8: {  	v1 =	vld [tilespmem:s25+$0x7910];
	_ =	sdelay $0x4  }
0xa9: {  	v2 =	vshrl.u32 v1, $0xE  }
0xaa: {  	v1 =	vand.u32 $0x3FFF, v1;
	[tilespmem:$0xB910] =	vst v2  }
0xab: {  	[tilespmem:$0xBA90] =	vst v1  }
0xac: {  	v1 =	vld [tilespmem:s25+$0x7920];
	_ =	sdelay $0x4  }
0xad: {  	v2 =	vshrl.u32 v1, $0xE  }
0xae: {  	v1 =	vand.u32 $0x3FFF, v1;
	[tilespmem:$0xB920] =	vst v2  }
0xaf: {  	[tilespmem:$0xBAA0] =	vst v1  }
0xb0: {  	v1 =	vld [tilespmem:s25+$0x7930];
	_ =	sdelay $0x4  }
0xb1: {  	v2 =	vshrl.u32 v1, $0xE  }
0xb2: {  	v1 =	vand.u32 $0x3FFF, v1;
	[tilespmem:$0xB930] =	vst v2  }
0xb3: {  	[tilespmem:$0xBAB0] =	vst v1  }
0xb4: {  	v1 =	vld [tilespmem:s25+$0x7940];
	_ =	sdelay $0x4  }
0xb5: {  	v2 =	vshrl.u32 v1, $0xE  }
0xb6: {  	v1 =	vand.u32 $0x3FFF, v1;
	[tilespmem:$0xB940] =	vst v2  }
0xb7: {  	[tilespmem:$0xBAC0] =	vst v1  }
0xb8: {  	[tilespmem:s30], [sflag:$0x3] =	stream.indirect.gather [hbm4b:s1+s19], $0x80, s6, s19, $0xb8;
	[tilespmem:$0x1F700] =	vst v63  }
0xb9: {  	_ = 	snop  }
0xba: {  	[tilespmem:s8], [sflag:$0x6] =	stream.indirect.gather [hbm4b:s1+s21], $0x80, s7, s21, $0xb8;
	[tilespmem:$0x1F700] =	vst v63  }
0xbb: {  	_ =	swait.ge [sflag:s9], $0x1000  }
0xbc: {  	p1 =	seq.s32 s5, $0xF600;
	[sflag:s9] =	ssyncset.done $0x0  }
.Ltmp3:
0xbd: {  	[sflag:s9] =	ssyncadd.s32 $0xFFFFF000;
	(pc) =	sbr.rel @p1 .LBB2_6-.Ltmp3, $4  }
0xbe: {  	_ =	swait.ge [sflag:s10], $0x1800  }
0xbf: {  	[sflag:s10] =	ssyncset.done $0x0  }
0xc0: {  	[sflag:s10] =	ssyncadd.s32 $0xFFFFE800  }
0xc1: {  	[spmem:s2] =	stream.indirect.scatter.add.f32 [tilespmem:s26], [sflag:$0x8], $0x80, s11, s17, $0xb8;
	[tilespmem:$0x1F700] =	vst v63  }
0xc2: {  	_ =	swait.ge [sflag:s15], $0x2800  }
0xc3: {  	[sflag:s15] =	ssyncset.done $0x0  }
0xc4: {  	[sflag:s15] =	ssyncadd.s32 $0xFFFFD800  }
0xc5: {  	v1 =	vld [tilespmem:s25+$0x7980];
	_ =	sdelay $0x4  }
0xc6: {  	v2 =	vshrl.u32 v1, $0xE  }
0xc7: {  	v1 =	vand.u32 $0x3FFF, v1;
	[tilespmem:$0xB800] =	vst v2  }
0xc8: {  	[tilespmem:$0xB980] =	vst v1  }
0xc9: {  	v1 =	vld [tilespmem:s25+$0x7990];
	_ =	sdelay $0x4  }
0xca: {  	v2 =	vshrl.u32 v1, $0xE  }
0xcb: {  	v1 =	vand.u32 $0x3FFF, v1;
	[tilespmem:$0xB810] =	vst v2  }
0xcc: {  	[tilespmem:$0xB990] =	vst v1  }
0xcd: {  	v1 =	vld [tilespmem:s25+$0x79A0];
	_ =	sdelay $0x4  }
0xce: {  	v2 =	vshrl.u32 v1, $0xE  }
0xcf: {  	v1 =	vand.u32 $0x3FFF, v1;
	[tilespmem:$0xB820] =	vst v2  }
0xd0: {  	[tilespmem:$0xB9A0] =	vst v1  }
0xd1: {  	v1 =	vld [tilespmem:s25+$0x79B0];
	_ =	sdelay $0x4  }
0xd2: {  	v2 =	vshrl.u32 v1, $0xE  }
0xd3: {  	v1 =	vand.u32 $0x3FFF, v1;
	[tilespmem:$0xB830] =	vst v2  }
0xd4: {  	[tilespmem:$0xB9B0] =	vst v1  }
0xd5: {  	v1 =	vld [tilespmem:s25+$0x79C0];
	_ =	sdelay $0x4  }
0xd6: {  	v2 =	vshrl.u32 v1, $0xE  }
0xd7: {  	v1 =	vand.u32 $0x3FFF, v1;
	[tilespmem:$0xB840] =	vst v2  }
0xd8: {  	[tilespmem:$0xB9C0] =	vst v1  }
0xd9: {  	[tilespmem:s4], [sflag:$0x1] =	stream.indirect.gather [hbm4b:s1+s19], $0x80, s20, s19, $0xb8;
	[tilespmem:$0x1F700] =	vst v63  }
0xda: {  	_ = 	snop  }
0xdb: {  	[tilespmem:s23], [sflag:$0x4] =	stream.indirect.gather [hbm4b:s1+s21], $0x80, s22, s21, $0xb8;
	[tilespmem:$0x1F700] =	vst v63  }
0xdc: {  	_ =	swait.ge [sflag:s12], $0x1000  }
0xdd: {  	[sflag:s12] =	ssyncset.done $0x0  }
0xde: {  	[sflag:s12] =	ssyncadd.s32 $0xFFFFF000  }
0xdf: {  	_ =	swait.ge [sflag:s13], $0x1800  }
0xe0: {  	[sflag:s13] =	ssyncset.done $0x0  }
0xe1: {  	[sflag:s13] =	ssyncadd.s32 $0xFFFFE800  }
0xe2: {  	[spmem:s2] =	stream.indirect.scatter.add.f32 [tilespmem:s30], [sflag:$0x9], $0x80, s14, s17, $0xb8;
	[tilespmem:$0x1F700] =	vst v63  }
0xe3: {  	_ =	swait.ge [sflag:s16], $0x2800  }
0xe4: {  	[sflag:s16] =	ssyncset.done $0x0  }
0xe5: {  	[sflag:s16] =	ssyncadd.s32 $0xFFFFD800  }
0xe6: {  	v1 =	vld [tilespmem:s25+$0x7A00];
	_ =	sdelay $0x4  }
0xe7: {  	v2 =	vshrl.u32 v1, $0xE  }
0xe8: {  	v1 =	vand.u32 $0x3FFF, v1;
	[tilespmem:$0xB880] =	vst v2  }
0xe9: {  	[tilespmem:$0xBA00] =	vst v1  }
0xea: {  	v1 =	vld [tilespmem:s25+$0x7A10];
	_ =	sdelay $0x4  }
0xeb: {  	v2 =	vshrl.u32 v1, $0xE  }
0xec: {  	v1 =	vand.u32 $0x3FFF, v1;
	[tilespmem:$0xB890] =	vst v2  }
0xed: {  	[tilespmem:$0xBA10] =	vst v1  }
0xee: {  	v1 =	vld [tilespmem:s25+$0x7A20];
	_ =	sdelay $0x4  }
0xef: {  	v2 =	vshrl.u32 v1, $0xE  }
0xf0: {  	v1 =	vand.u32 $0x3FFF, v1;
	[tilespmem:$0xB8A0] =	vst v2  }
0xf1: {  	[tilespmem:$0xBA20] =	vst v1  }
0xf2: {  	v1 =	vld [tilespmem:s25+$0x7A30];
	_ =	sdelay $0x4  }
0xf3: {  	v2 =	vshrl.u32 v1, $0xE  }
0xf4: {  	v1 =	vand.u32 $0x3FFF, v1;
	[tilespmem:$0xB8B0] =	vst v2  }
0xf5: {  	[tilespmem:$0xBA30] =	vst v1  }
0xf6: {  	v1 =	vld [tilespmem:s25+$0x7A40];
	_ =	sdelay $0x4  }
0xf7: {  	v2 =	vshrl.u32 v1, $0xE  }
.Ltmp4:
0xf8: {  	v1 =	vand.u32 $0x3FFF, v1;
	[tilespmem:$0xB8C0] =	vst v2;
	(pc) =	sbr.rel .LBB2_4-.Ltmp4, $4  }
0xf9: {  	[tilespmem:$0xBA40] =	vst v1  }
0xfa: {  	[tilespmem:s26], [sflag:$0x2] =	stream.indirect.gather [hbm4b:s1+s19], $0x80, s24, s19, $0xb8;
	[tilespmem:$0x1F700] =	vst v63  }
0xfb: {  	s5 =	sadd.s32 $0x600, s5  }
0xfc: {  	[tilespmem:s29], [sflag:$0x5] =	stream.indirect.gather [hbm4b:s1+s21], $0x80, s28, s21, $0xb8;
	[tilespmem:$0x1F700] =	vst v63  }
.LBB2_7:
0xfd: {  	_ =	sfence.sel $0x180000  }
0xfe: {  	[bflag:$0x0] =	sbarrier.arrive $0xFFFF  }
0xff: {  	_ =	strace $0x9000004D  }
0x100: {  	s0 =	stileid.u32;
	[bflag:$0x2] =	sbarrier.arrive $0xFFFF  }
0x101: {  	p0 =	sne.s32 s0, $0x0;
	s0 =	rddreg [dreg:$0x3]  }
0x102: {  	s0 =	sadd.s32 @!p0 $0x100000, s0  }
0x103: {  	[sflag:s0] =	ssyncadd.tile.s32 @!p0 $0x1;
	_ =	shalt  }
.Lfunc_end2:
_tile_overlayer_lowered:
.L_overlay_start_2:
0x104: {  	(tag) =	ssettag $0x2  }
0x105: {  	s0 =	rddreg [dreg:$0x0];
	s2 =	stileid.u32  }
0x106: {  	s1 =	rddreg [dreg:$0x1];
	p0 =	sne.s32 s2, $0x0  }
0x107: {  	s3 =	rddreg [dreg:$0x2];
	[bflag:$0x3] =	sbarrier.arrive $0xFFFF;
	s2 =	simm.s32 @!p0 $0x1C0A  }
0x108: {  	[timem:s3], [sflag:s2] =	dma.local @!p0 [hbm:s0], s1  }
0x109: {  	s0 =	simm.s32 @!p0 $0xA  }
0x10a: {  	_ =	swait.ge @!p0 [sflag:s0], s1  }
0x10b: {  	s1 =	ssub.s32 @!p0 $0x0, s1;
	[sflag:s0] =	ssyncset.done @!p0 $0x0  }
0x10c: {  	[sflag:s0] =	ssyncadd.s32 @!p0 s1  }
0x10d: {  	[bflag:$0x3] =	sbarrier.arrive $0xFFFF  }
0x10e: {  	_ =	shalt  }

// kernel: kernel.8.cloned.1.call-start
scs
__scs_entry_jumppad:
0x0: {  	(pc) =	sbr.rel $0x88, $3  }
0x1: {  	(tag) =	ssettag $0x0;
	lr =	simm.s32 $0x1  }
0x2: {  	[smem:$0x3F97] =	sst lr;
	_ =	strace $0xD0000000  }
0x3: {  	_ = 	snop  }
0x4: {  	_ = 	snop  }
0x5: {  	_ = 	snop  }
0x6: {  	_ = 	snop  }
0x7: {  	_ = 	snop  }
__scs_overlays_trampoline_lowered:
0x8: {  	[smem:$0x3FA6] =	sst s0  }
0x9: {  	[smem:$0x3FA7] =	sst s1  }
0xa: {  	[smem:$0x3FA8] =	sst s2  }
0xb: {  	[smem:$0x3FA9] =	sst s3  }
0xc: {  	[smem:$0x3FAA] =	sst s4  }
0xd: {  	[smem:$0x3FAB] =	sst s5  }
0xe: {  	[smem:$0x3FAC] =	sst s6  }
0xf: {  	[smem:$0x3FAD] =	sst s7  }
0x10: {  	[smem:$0x3FAE] =	sst s8  }
0x11: {  	[smem:$0x3FAF] =	sst s9;
	s0 =	simm.s32 @!p0 $0x0  }
0x12: {  	s1 =	sld [smem:$0x3F95];
	s0 =	simm.s32 @p0 $0x1  }
0x13: {  	[smem:$0x3FB0] =	sst s0;
	s0 =	simm.s32 @!p1 $0x0  }
0x14: {  	s2 =	sld [smem:$0x3F94];
	s0 =	simm.s32 @p1 $0x1  }
0x15: {  	[smem:$0x3FB1] =	sst s0;
	s0 =	simm.s32 @!p2 $0x0  }
0x16: {  	s3 =	sld [smem:$0x3FDB];
	s0 =	simm.s32 @p2 $0x1  }
0x17: {  	s4 =	simm.s32 $0x1BF5;
	[smem:$0x3FB3] =	sst s0  }
0x18: {  	s0 =	sld [smem:$0x3F96];
	_ =	swait.ge [sflag:s4], $0x0  }
0x19: {  	s7 =	sld [smem:$0x3F97]  }
0x1a: {  	s8 =	sadd.s32 $0xFFFFE003, lr  }
0x1b: {  	s9 =	sadd.s32 $0xFFFFFEF7, lr;
	s5 =	simm.s32 $0xFFFFFFFF;
	p2 =	slt.u32 s8, $0xFFFFF086  }
0x1c: {  	p1 =	slt.u32 s9, $0xF7A;
	s5 =	simm.s32 @!p2 $0x0  }
0x1d: {  	s5 =	simm.s32 @p1 $0x1;
	p0 =	seq.s32 s7, s2  }
0x1e: {  	s7 =	smul.u32 @!p0 $0xF7A, s2;
	p2 =	seq.s32 @!p0 s5, $0x0  }
0x1f: {  	s9 =	smul.u32 $0xF7A, s1;
	s8 =	simm.s32 @!p0 $0x1BF5;
	p2 =	por !p2, p0  }
0x20: {  	[sflag:s8] =	ssyncset.s32 @!p0 $0xFFFFF086;
	s6 =	sadd.s32 @!p0 s3, s7;
	s7 =	simm.s32 @!p0 $0x108  }
0x21: {  	s3 =	sadd.s32 s3, s9;
	s6 =	sadd.s32 @!p0 $0x88, s6;
	s7 =	simm.s32 @p2 $0x1082  }
0x22: {  	[simem:s7], [sflag:s8] =	dma.local @!p0 [hbm:s6], $0xF7A  }
0x23: {  	s9 =	sor.u32 $0xD0000000, s2;
	s6 =	simm.s32 $0x108;
	_ =	swait.ge @!p0 [sflag:s8], $0x0  }
0x24: {  	s3 =	sadd.s32 $0x88, s3;
	s6 =	simm.s32 @!p1 $0x1082;
	[sflag:s4] =	ssyncset.s32 $0xFFFFF086  }
0x25: {  	[simem:s6], [sflag:s4] =	dma.local [hbm:s3], $0xF7A  }
0x26: {  	[smem:$0x3F97] =	sst s1;
	(tag) =	ssettag s2;
	_ =	strace s9  }
0x27: {  	s1 =	sld [smem:$0x3FA7]  }
0x28: {  	s2 =	sld [smem:$0x3FA8]  }
0x29: {  	s4 =	sld [smem:$0x3FAA]  }
0x2a: {  	p0 =	seq.s32 s5, $0x0;
	s5 =	sld [smem:$0x3FAB]  }
0x2b: {  	s6 =	sld [smem:$0x3FAC]  }
0x2c: {  	s7 =	sld [smem:$0x3FAD]  }
0x2d: {  	s3 =	simm.s32 $0x108;
	s8 =	sld [smem:$0x3FAE]  }
0x2e: {  	s3 =	simm.s32 @!p0 $0x1082;
	s9 =	sld [smem:$0x3FAF]  }
0x2f: {  	lr =	sadd.s32 s0, s3;
	s0 =	sld [smem:$0x3FA6]  }
0x30: {  	s3 =	sld [smem:$0x3FA9]  }
0x31: {  	[smem:$0x3FB2] =	sst s10  }
0x32: {  	s10 =	sld [smem:$0x3FB0];
	_ =	sdelay $0x3  }
0x33: {  	p0 =	seq.s32 s10, $0x1;
	s10 =	sld [smem:$0x3FB2];
	_ =	sdelay $0x3  }
0x34: {  	[smem:$0x3FB2] =	sst s10  }
0x35: {  	s10 =	sld [smem:$0x3FB1];
	_ =	sdelay $0x3  }
0x36: {  	p1 =	seq.s32 s10, $0x1;
	s10 =	sld [smem:$0x3FB2];
	_ =	sdelay $0x3  }
0x37: {  	[smem:$0x3FB2] =	sst s10  }
0x38: {  	s10 =	sld [smem:$0x3FB3]  }
0x39: {  	_ = 	snop;
	(pc) =	sbr.ind lr, $3  }
0x3a: {  	_ = 	snop  }
0x3b: {  	_ = 	snop  }
0x3c: {  	p2 =	seq.s32 s10, $0x1;
	s10 =	sld [smem:$0x3FB2]  }
0x3d: {  	_ =	shalt  }
0x3e: {  	_ =	shalt  }
0x3f: {  	_ =	shalt  }
0x40: {  	_ =	shalt  }
0x41: {  	_ =	shalt  }
0x42: {  	_ =	shalt  }
0x43: {  	_ =	shalt  }
0x44: {  	_ =	shalt  }
0x45: {  	_ =	shalt  }
0x46: {  	_ =	shalt  }
0x47: {  	_ =	shalt  }
0x48: {  	_ =	shalt  }
0x49: {  	_ =	shalt  }
0x4a: {  	_ =	shalt  }
0x4b: {  	_ =	shalt  }
0x4c: {  	_ =	shalt  }
0x4d: {  	_ =	shalt  }
0x4e: {  	_ =	shalt  }
0x4f: {  	_ =	shalt  }
0x50: {  	_ =	shalt  }
0x51: {  	_ =	shalt  }
0x52: {  	_ =	shalt  }
0x53: {  	_ =	shalt  }
0x54: {  	_ =	shalt  }
0x55: {  	_ =	shalt  }
0x56: {  	_ =	shalt  }
0x57: {  	_ =	shalt  }
0x58: {  	_ =	shalt  }
0x59: {  	_ =	shalt  }
0x5a: {  	_ =	shalt  }
0x5b: {  	_ =	shalt  }
0x5c: {  	_ =	shalt  }
0x5d: {  	_ =	shalt  }
0x5e: {  	_ =	shalt  }
0x5f: {  	_ =	shalt  }
0x60: {  	_ =	shalt  }
0x61: {  	_ =	shalt  }
0x62: {  	_ =	shalt  }
0x63: {  	_ =	shalt  }
0x64: {  	_ =	shalt  }
0x65: {  	_ =	shalt  }
0x66: {  	_ =	shalt  }
0x67: {  	_ =	shalt  }
0x68: {  	_ =	shalt  }
0x69: {  	_ =	shalt  }
0x6a: {  	_ =	shalt  }
0x6b: {  	_ =	shalt  }
0x6c: {  	_ =	shalt  }
0x6d: {  	_ =	shalt  }
0x6e: {  	_ =	shalt  }
0x6f: {  	_ =	shalt  }
0x70: {  	_ =	shalt  }
0x71: {  	_ =	shalt  }
0x72: {  	_ =	shalt  }
0x73: {  	_ =	shalt  }
0x74: {  	_ =	shalt  }
0x75: {  	_ =	shalt  }
0x76: {  	_ =	shalt  }
0x77: {  	_ =	shalt  }
0x78: {  	_ =	shalt  }
0x79: {  	_ =	shalt  }
0x7a: {  	_ =	shalt  }
0x7b: {  	_ =	shalt  }
0x7c: {  	_ =	shalt  }
0x7d: {  	_ =	shalt  }
0x7e: {  	_ =	shalt  }
0x7f: {  	_ =	shalt  }
0x80: {  	_ =	shalt  }
0x81: {  	_ =	shalt  }
0x82: {  	_ =	shalt  }
0x83: {  	_ =	shalt  }
0x84: {  	_ =	shalt  }
0x85: {  	_ =	shalt  }
0x86: {  	_ =	shalt  }
0x87: {  	_ =	shalt  }
.Lfunc_end0:
.L_simem_size_0:
called_computation_lowered:
.L_overlay_start_0:
0x88: {  	s2 =	sld [smem:$0x3FD9]  }
0x89: {  	s3 =	sld [smem:$0x3FFE];
	_ =	sdelay $0x1  }
0x8a: {  	s1 =	srdreg.scid  }
0x8b: {  	s0 =	sand.u32 $0x1, s1  }
0x8c: {  	s17 =	sshll.u32 s0, $0xA;
	s2 =	sadd.s32 s3, s2  }
0x8d: {  	s2 =	sadd.s32 s2, s17  }
0x8e: {  	[smem:$0x3FBE] =	sst s2  }
0x8f: {  	_ = 	snop  }
0x90: {  	s2 =	sld [smem:$0x3FD0];
	(tm) =	ssettm $0x1  }
0x91: {  	s18 =	sld [smem:$0x3FFB];
	_ =	sdelay $0x3  }
0x92: {  	_ =	strace s18  }
0x93: {  	s3 =	sld [smem:$0x3FFC];
	_ =	sdelay $0x3  }
0x94: {  	_ =	strace s3  }
0x95: {  	s3 =	sld [smem:$0x3FFD];
	_ =	sdelay $0x3  }
0x96: {  	_ =	strace s3  }
0x97: {  	_ =	strace $0x8FFFFFFF  }
0x98: {  	s19 =	sld [smem:$0x3FDB];
	_ =	sdelay $0x1  }
0x99: {  	s4 =	simm.s32 $_scs_section_size  }
0x9a: {  	s5 =	simm.s32 $_size__tile_overlayer_lowered;
	s6 =	simm.s32 $_tile_overlayer_lowered  }
0x9b: {  	s22 =	simm.s32 $0x1BFF;
	s21 =	sshll.u32 s6, $0x1;
	s3 =	sadd.s32 s4, s19  }
0x9c: {  	s7 =	simm.s32 $0x0;
	s20 =	sshll.u32 s5, $0x1;
	s5 =	sadd.s32 s21, s3  }
0x9d: {  	[timem:s7], [sflag:s22] =	dma.local [hbm:s5], s20  }
0x9e: {  	_ =	swait.ge [sflag:s22], s20  }
0x9f: {  	s4 =	ssub.s32 $0x0, s20;
	[sflag:s22] =	ssyncset.done $0x0  }
0xa0: {  	[sflag:s22] =	ssyncadd.s32 s4;
	_ =	sdelay $0x1  }
0xa1: {  	s23 =	simm.s32 $0x1B8B  }
0xa2: {  	_ =	swait.ge [sflag:s23], $0x1  }
0xa3: {  	[sflag:s23] =	ssyncset.done $0x0  }
0xa4: {  	s25 =	simm.s32 $0x1B8E;
	s24 =	sld [smem:$0x3FFE];
	[sflag:s23] =	ssyncadd.s32 $0xFFFFFFFF  }
0xa5: {  	s26 =	simm.s32 $execute0_lowered;
	[smem:$0x3FD2] =	sst s25  }
0xa6: {  	s5 =	sshll.u32 s26, $0x1;
	_ =	strace $0x80000046;
	[dreg:$0x1] =	wrdreg $0xFFFFFFFF  }
0xa7: {  	s28 =	simm.s32 $_size_execute0_lowered;
	s3 =	sadd.s32 s3, s5;
	[dreg:$0x0] =	wrdreg $0x0  }
0xa8: {  	s5 =	sshll.u32 s28, $0x1;
	[dreg:$0x2] =	wrdreg s3  }
0xa9: {  	[dreg:$0x3] =	wrdreg s5  }
0xaa: {  	[dreg:$0x4] =	wrdreg $0xC0  }
0xab: {  	_ =	task [dreg:s7], $0x5FFFF  }
0xac: {  	[dreg:$0x1] =	wrdreg $0xFFFFFFFF  }
0xad: {  	[dreg:$0x0] =	wrdreg $0x60  }
0xae: {  	[dreg:$0x2] =	wrdreg s2  }
0xaf: {  	[dreg:$0x3] =	wrdreg s24  }
0xb0: {  	[dreg:$0x4] =	wrdreg $0x28800  }
0xb1: {  	[dreg:$0x5] =	wrdreg $0x9  }
0xb2: {  	_ =	task.clear_ibuf [dreg:s7], $0x6FFFF;
	_ =	strace $0x90000046  }
0xb3: {  	s29 =	simm.s32 $0x9;
	_ =	strace $0x80000048  }
0xb4: {  	_ =	swait.ge [sflag:s29], $0x1  }
0xb5: {  	[sflag:s29] =	ssyncadd.s32 $0xFFFFFFFF  }
0xb6: {  	_ =	strace $0x90000048  }
0xb7: {  	_ =	sfence  }
0xb8: {  	s30 =	sld [smem:$0x0];
	_ =	sdelay $0x2  }
0xb9: {  	s31 =	sshll.u32 s1, $0xD;
	s1 =	sshrl.u32 s1, $0x2  }
0xba: {  	s3 =	sand.u32 $0x4000, s31;
	s1 =	sadd.s32 s1, s30  }
0xbb: {  	s0 =	sor.u32 s3, s0;
	s1 =	sshll.u32 s1, $0x11  }
0xbc: {  	s0 =	sor.u32 s1, s0  }
0xbd: {  	s0 =	sadd.s32 $0x8F2B, s0  }
0xbe: {  	[sflag:s0] =	ssyncadd.remote.s32 $0x1  }
0xbf: {  	_ =	sfence.sel $0xFFFF  }
0xc0: {  	[dreg:$0x0] =	wrdreg $0xFFFFFFFF;
	(pc) =	sbr.abs _section_cstart, $3  }
0xc1: {  	[dreg:$0x1] =	wrdreg $0xFFFFFFFF  }
0xc2: {  	_ =	task.clear_ibuf [dreg:s7], $0x2FFFF;
	_ =	strace $0x9FFFFFFF  }
0xc3: {  	(tm) =	ssettm $0x7FFFFFFF  }
tec
execute0_lowered:
.L_overlay_start_1:
0x0: {  	(tag) =	ssettag $0x1  }
0x1: {  	s7 =	rddreg [dreg:$0x0]  }
0x2: {  	s6 =	rddreg [dreg:$0x1]  }
0x3: {  	s1 =	rddreg [dreg:$0x2]  }
0x4: {  	s0 =	rddreg [dreg:$0x3];
	s2 =	simm.s32 $0x0;
	s3 =	srdreg.scid  }
0x5: {  	s12 =	stileid.u32;
	s13 =	simm.s32 $0x1;
	s17 =	simm.s32 $0x0  }
0x6: {  	[smem:$0x7FF] =	sst s2;
	s8 =	sand.u32 $0x1, s3;
	s3 =	sadd.s32 $0x4400, s6  }
0x7: {  	s4 =	sadd.s32 $0x4200, s6;
	s5 =	sadd.s32 $0x5000, s6;
	s6 =	sadd.s32 $0x4A00, s6  }
0x8: {  	p0 =	seq.s32 s12, $0x0;
	_ =	strace $0x80000047;
	s9 =	sshll.u32 s8, $0x4  }
0x9: {  	s10 =	ssub.s32 $0x2, s8;
	p1 =	seq.s32 s8, $0x1;
	s31 =	sor.u32 s8, s12  }
0xa: {  	s9 =	sor.u32 s12, s9;
	s11 =	sshrl.u32 s10, $0x1;
	p0 =	por !p0, !p1  }
0xb: {  	p2 =	sne.s32 s31, $0x0;
	s9 =	smul.u32 $0x500, s9;
	s10 =	ssub.s32 s10, s11  }
0xc: {  	p1 =	por !p0, !p0;
	p0 =	sne.s32 s12, $0x0;
	s11 =	simm.s32 $0x2  }
0xd: {  	s14 =	sshll.u32 @!p2 s12, $0x6;
	s12 =	simm.s32 $0x80;
	s15 =	sshrl.u32 @!p2 s1, $0x3  }
0xe: {  	s8 =	smax.u32 s10, $0x1;
	s10 =	simm.s32 $0x2800;
	s14 =	sor.u32 @!p2 $0x1C02, s14  }
0xf: {  	s16 =	sshrl.u32 @p1 s1, $0x3;
	s7 =	sadd.s32 s7, s9;
	s9 =	sshrl.u32 @!p0 s1, $0x3  }
.LBB2_1:
0x10: {  	s18 =	simm.s32 @!p0 $0x1C02  }
0x11: {  	[spmem:s9], [sflag:s18] =	dma.local @!p0 [hbm:s3], $0x4F0  }
0x12: {  	s18 =	simm.s32 @!p0 $0x2  }
0x13: {  	_ =	swait.ge @!p0 [sflag:s18], $0x4F0  }
0x14: {  	[sflag:s18] =	ssyncset.done @!p0 $0x0  }
0x15: {  	[sflag:s18] =	ssyncadd.s32 @!p0 $0xFFFFFB10  }
0x16: {  	[tilespmem:s10], [sflag:$0x2] =	stream.linear.gather [hbm4b:s4+s2], $0x80, $0x38;
	[tilespmem:$0x2AF8] =	vst v63  }
0x17: {  	_ =	swait.ge [sflag:s11], $0x80  }
0x18: {  	[sflag:s11] =	ssyncset.done $0x0  }
0x19: {  	[sflag:s11] =	ssyncadd.s32 $0xFFFFFF80  }
0x1a: {  	[tilespmem:s2], [sflag:$0x2] =	stream.linear.gather [hbm4b:s7+s2], $0x2800, $0x38;
	[tilespmem:$0x2AF8] =	vst v63  }
0x1b: {  	_ =	swait.ge [sflag:s11], $0x2800  }
0x1c: {  	[sflag:s11] =	ssyncset.done $0x0  }
0x1d: {  	[sflag:s11] =	ssyncadd.s32 $0xFFFFD800  }
0x1e: {  	s23 =	simm.s32 $0x0;
	[bflag:$0x0] =	sbarrier.arrive $0xFFFF  }
0x1f: {  	[spmem:s1] =	stream.indirect.scatter.add.f32 [tilespmem:s10], [sflag:$0x1], $0x1, s23, s12, $0xb8;
	[tilespmem:$0x2AF8] =	vst v63  }
0x20: {  	s24 =	simm.s32 $0x80  }
0x21: {  	[spmem:s1] =	stream.indirect.scatter.add.f32 [tilespmem:s10], [sflag:$0x1], $0x1, s24, s12, $0xb8;
	[tilespmem:$0x2AF8] =	vst v63  }
0x22: {  	s25 =	simm.s32 $0x100  }
0x23: {  	[spmem:s1] =	stream.indirect.scatter.add.f32 [tilespmem:s10], [sflag:$0x1], $0x1, s25, s12, $0xb8;
	[tilespmem:$0x2AF8] =	vst v63  }
0x24: {  	s26 =	simm.s32 $0x180  }
0x25: {  	[spmem:s1] =	stream.indirect.scatter.add.f32 [tilespmem:s10], [sflag:$0x1], $0x1, s26, s12, $0xb8;
	[tilespmem:$0x2AF8] =	vst v63  }
0x26: {  	s28 =	simm.s32 $0x200  }
0x27: {  	[spmem:s1] =	stream.indirect.scatter.add.f32 [tilespmem:s10], [sflag:$0x1], $0x1, s28, s12, $0xb8;
	[tilespmem:$0x2AF8] =	vst v63  }
0x28: {  	s29 =	simm.s32 $0x280  }
0x29: {  	[spmem:s1] =	stream.indirect.scatter.add.f32 [tilespmem:s10], [sflag:$0x1], $0x1, s29, s12, $0xb8;
	[tilespmem:$0x2AF8] =	vst v63  }
0x2a: {  	s30 =	simm.s32 $0x300  }
0x2b: {  	[spmem:s1] =	stream.indirect.scatter.add.f32 [tilespmem:s10], [sflag:$0x1], $0x1, s30, s12, $0xb8;
	[tilespmem:$0x2AF8] =	vst v63  }
0x2c: {  	s31 =	simm.s32 $0x380  }
0x2d: {  	[spmem:s1] =	stream.indirect.scatter.add.f32 [tilespmem:s10], [sflag:$0x1], $0x1, s31, s12, $0xb8;
	[tilespmem:$0x2AF8] =	vst v63  }
0x2e: {  	_ =	swait.ge [sflag:s13], $0x80  }
0x2f: {  	[sflag:s13] =	ssyncset.done $0x0  }
0x30: {  	[sflag:s13] =	ssyncadd.s32 $0xFFFFFF80  }
0x31: {  	_ =	swait.ge [sflag:s13], $0x80  }
0x32: {  	[sflag:s13] =	ssyncset.done $0x0  }
0x33: {  	[sflag:s13] =	ssyncadd.s32 $0xFFFFFF80  }
0x34: {  	_ =	swait.ge [sflag:s13], $0x80  }
0x35: {  	[sflag:s13] =	ssyncset.done $0x0  }
0x36: {  	[sflag:s13] =	ssyncadd.s32 $0xFFFFFF80  }
0x37: {  	_ =	swait.ge [sflag:s13], $0x80  }
0x38: {  	[sflag:s13] =	ssyncset.done $0x0  }
0x39: {  	[sflag:s13] =	ssyncadd.s32 $0xFFFFFF80  }
0x3a: {  	_ =	swait.ge [sflag:s13], $0x80  }
0x3b: {  	[sflag:s13] =	ssyncset.done $0x0  }
0x3c: {  	[sflag:s13] =	ssyncadd.s32 $0xFFFFFF80  }
0x3d: {  	_ =	swait.ge [sflag:s13], $0x80  }
0x3e: {  	[sflag:s13] =	ssyncset.done $0x0  }
0x3f: {  	[sflag:s13] =	ssyncadd.s32 $0xFFFFFF80  }
0x40: {  	_ =	swait.ge [sflag:s13], $0x80  }
0x41: {  	[sflag:s13] =	ssyncset.done $0x0  }
0x42: {  	[sflag:s13] =	ssyncadd.s32 $0xFFFFFF80  }
0x43: {  	_ =	swait.ge [sflag:s13], $0x80  }
0x44: {  	s20 =	simm.s32 $0x2000;
	s18 =	simm.s32 $0x1000;
	[sflag:s13] =	ssyncset.done $0x0  }
.LBB2_2:
0x45: {  	s21 =	sshra.s32 s18, $0x2  }
0x46: {  	[sflag:s13] =	ssyncadd.s32 $0xFFFFFF80;
	s18 =	smov.u32 s20;
	s19 =	sadd.s32 $0x1000, s20  }
0x47: {  	[spmem:s1] =	stream.indirect.scatter.add.f32 [tilespmem:s10], [sflag:$0x1], $0x1, s21, s12, $0xb8;
	[tilespmem:$0x2AF8] =	vst v63  }
0x48: {  	p3 =	sne.s32 s20, $0x9000;
	s20 =	sadd.s32 $0x80, s21  }
0x49: {  	[spmem:s1] =	stream.indirect.scatter.add.f32 [tilespmem:s10], [sflag:$0x1], $0x1, s20, s12, $0xb8;
	[tilespmem:$0x2AF8] =	vst v63  }
0x4a: {  	s20 =	sadd.s32 $0x100, s21  }
0x4b: {  	[spmem:s1] =	stream.indirect.scatter.add.f32 [tilespmem:s10], [sflag:$0x1], $0x1, s20, s12, $0xb8;
	[tilespmem:$0x2AF8] =	vst v63  }
0x4c: {  	s20 =	sadd.s32 $0x180, s21  }
0x4d: {  	[spmem:s1] =	stream.indirect.scatter.add.f32 [tilespmem:s10], [sflag:$0x1], $0x1, s20, s12, $0xb8;
	[tilespmem:$0x2AF8] =	vst v63  }
0x4e: {  	s20 =	sadd.s32 $0x200, s21  }
0x4f: {  	[spmem:s1] =	stream.indirect.scatter.add.f32 [tilespmem:s10], [sflag:$0x1], $0x1, s20, s12, $0xb8;
	[tilespmem:$0x2AF8] =	vst v63  }
0x50: {  	s20 =	sadd.s32 $0x280, s21  }
0x51: {  	[spmem:s1] =	stream.indirect.scatter.add.f32 [tilespmem:s10], [sflag:$0x1], $0x1, s20, s12, $0xb8;
	[tilespmem:$0x2AF8] =	vst v63  }
0x52: {  	s20 =	sadd.s32 $0x300, s21  }
0x53: {  	[spmem:s1] =	stream.indirect.scatter.add.f32 [tilespmem:s10], [sflag:$0x1], $0x1, s20, s12, $0xb8;
	[tilespmem:$0x2AF8] =	vst v63  }
0x54: {  	s20 =	sadd.s32 $0x380, s21  }
0x55: {  	[spmem:s1] =	stream.indirect.scatter.add.f32 [tilespmem:s10], [sflag:$0x1], $0x1, s20, s12, $0xb8;
	[tilespmem:$0x2AF8] =	vst v63  }
0x56: {  	_ =	swait.ge [sflag:s13], $0x80  }
0x57: {  	[sflag:s13] =	ssyncset.done $0x0  }
0x58: {  	[sflag:s13] =	ssyncadd.s32 $0xFFFFFF80  }
0x59: {  	_ =	swait.ge [sflag:s13], $0x80  }
0x5a: {  	[sflag:s13] =	ssyncset.done $0x0  }
0x5b: {  	[sflag:s13] =	ssyncadd.s32 $0xFFFFFF80  }
0x5c: {  	_ =	swait.ge [sflag:s13], $0x80  }
0x5d: {  	[sflag:s13] =	ssyncset.done $0x0  }
0x5e: {  	[sflag:s13] =	ssyncadd.s32 $0xFFFFFF80  }
0x5f: {  	_ =	swait.ge [sflag:s13], $0x80  }
0x60: {  	[sflag:s13] =	ssyncset.done $0x0  }
0x61: {  	[sflag:s13] =	ssyncadd.s32 $0xFFFFFF80  }
0x62: {  	_ =	swait.ge [sflag:s13], $0x80  }
0x63: {  	[sflag:s13] =	ssyncset.done $0x0  }
0x64: {  	[sflag:s13] =	ssyncadd.s32 $0xFFFFFF80  }
0x65: {  	_ =	swait.ge [sflag:s13], $0x80  }
0x66: {  	[sflag:s13] =	ssyncset.done $0x0  }
0x67: {  	[sflag:s13] =	ssyncadd.s32 $0xFFFFFF80  }
.Ltmp0:
0x68: {  	_ =	swait.ge [sflag:s13], $0x80;
	(pc) =	sbr.rel @p3 .LBB2_2-.Ltmp0, $4  }
0x69: {  	[sflag:s13] =	ssyncset.done $0x0  }
0x6a: {  	[sflag:s13] =	ssyncadd.s32 $0xFFFFFF80  }
0x6b: {  	_ =	swait.ge [sflag:s13], $0x80  }
0x6c: {  	s20 =	smov.u32 s19;
	[sflag:s13] =	ssyncset.done $0x0  }
0x6d: {  	s18 =	sshra.s32 s18, $0x2;
	[sflag:s13] =	ssyncadd.s32 $0xFFFFFF80  }
0x6e: {  	[spmem:s1] =	stream.indirect.scatter.add.f32 [tilespmem:s10], [sflag:$0x1], $0x1, s18, s12, $0xb8;
	[tilespmem:$0x2AF8] =	vst v63  }
0x6f: {  	s19 =	sadd.s32 $0x80, s18  }
0x70: {  	[spmem:s1] =	stream.indirect.scatter.add.f32 [tilespmem:s10], [sflag:$0x1], $0x1, s19, s12, $0xb8;
	[tilespmem:$0x2AF8] =	vst v63  }
0x71: {  	s26 =	sadd.s32 $0x100, s18  }
0x72: {  	[spmem:s1] =	stream.indirect.scatter.add.f32 [tilespmem:s10], [sflag:$0x1], $0x1, s26, s12, $0xb8;
	[tilespmem:$0x2AF8] =	vst v63  }
0x73: {  	s28 =	sadd.s32 $0x180, s18  }
0x74: {  	[spmem:s1] =	stream.indirect.scatter.add.f32 [tilespmem:s10], [sflag:$0x1], $0x1, s28, s12, $0xb8;
	[tilespmem:$0x2AF8] =	vst v63  }
0x75: {  	s29 =	sadd.s32 $0x200, s18  }
0x76: {  	[spmem:s1] =	stream.indirect.scatter.add.f32 [tilespmem:s10], [sflag:$0x1], $0x1, s29, s12, $0xb8;
	[tilespmem:$0x2AF8] =	vst v63  }
0x77: {  	s30 =	sadd.s32 $0x280, s18  }
0x78: {  	[spmem:s1] =	stream.indirect.scatter.add.f32 [tilespmem:s10], [sflag:$0x1], $0x1, s30, s12, $0xb8;
	[tilespmem:$0x2AF8] =	vst v63  }
0x79: {  	s31 =	sadd.s32 $0x300, s18  }
0x7a: {  	[spmem:s1] =	stream.indirect.scatter.add.f32 [tilespmem:s10], [sflag:$0x1], $0x1, s31, s12, $0xb8;
	[tilespmem:$0x2AF8] =	vst v63  }
0x7b: {  	s18 =	sadd.s32 $0x380, s18  }
0x7c: {  	[spmem:s1] =	stream.indirect.scatter.add.f32 [tilespmem:s10], [sflag:$0x1], $0x1, s18, s12, $0xb8;
	[tilespmem:$0x2AF8] =	vst v63  }
0x7d: {  	_ =	swait.ge [sflag:s13], $0x80  }
0x7e: {  	[sflag:s13] =	ssyncset.done $0x0  }
0x7f: {  	[sflag:s13] =	ssyncadd.s32 $0xFFFFFF80  }
0x80: {  	_ =	swait.ge [sflag:s13], $0x80  }
0x81: {  	[sflag:s13] =	ssyncset.done $0x0  }
0x82: {  	[sflag:s13] =	ssyncadd.s32 $0xFFFFFF80  }
0x83: {  	_ =	swait.ge [sflag:s13], $0x80  }
0x84: {  	[sflag:s13] =	ssyncset.done $0x0  }
0x85: {  	[sflag:s13] =	ssyncadd.s32 $0xFFFFFF80  }
0x86: {  	_ =	swait.ge [sflag:s13], $0x80  }
0x87: {  	[sflag:s13] =	ssyncset.done $0x0  }
0x88: {  	[sflag:s13] =	ssyncadd.s32 $0xFFFFFF80  }
0x89: {  	_ =	swait.ge [sflag:s13], $0x80  }
0x8a: {  	[sflag:s13] =	ssyncset.done $0x0  }
0x8b: {  	[sflag:s13] =	ssyncadd.s32 $0xFFFFFF80  }
0x8c: {  	_ =	swait.ge [sflag:s13], $0x80  }
0x8d: {  	[sflag:s13] =	ssyncset.done $0x0  }
0x8e: {  	[sflag:s13] =	ssyncadd.s32 $0xFFFFFF80  }
0x8f: {  	_ =	swait.ge [sflag:s13], $0x80  }
0x90: {  	[sflag:s13] =	ssyncset.done $0x0  }
0x91: {  	[sflag:s13] =	ssyncadd.s32 $0xFFFFFF80  }
0x92: {  	_ =	swait.ge [sflag:s13], $0x80  }
0x93: {  	[sflag:s13] =	ssyncset.done $0x0  }
0x94: {  	[sflag:s13] =	ssyncadd.s32 $0xFFFFFF80  }
0x95: {  	s18 =	simm.s32 @!p2 $0x2;
	[bflag:$0x0] =	sbarrier.arrive $0xFFFF  }
0x96: {  	[hbm:s5], [sflag:s14] =	dma.local @!p2 [spmem:s15], $0x4F0  }
0x97: {  	_ =	swait.ge @!p2 [sflag:s18], $0x4F0  }
0x98: {  	s17 =	sadd.s32 $0x1, s17;
	[sflag:s18] =	ssyncset.done @!p2 $0x0  }
0x99: {  	p3 =	sne.s32 s17, s8;
	[sflag:s18] =	ssyncadd.s32 @!p2 $0xFFFFFB10;
	s18 =	simm.s32 @p1 $0x1C02  }
0x9a: {  	[hbm:s6], [sflag:s18] =	dma.local @p1 [spmem:s16], $0x4F0  }
.Ltmp1:
0x9b: {  	_ = 	snop;
	(pc) =	sbr.rel @p3 .LBB2_1-.Ltmp1, $4  }
0x9c: {  	s18 =	simm.s32 @p1 $0x2  }
0x9d: {  	_ =	swait.ge @p1 [sflag:s18], $0x4F0  }
0x9e: {  	[sflag:s18] =	ssyncset.done @p1 $0x0  }
0x9f: {  	[sflag:s18] =	ssyncadd.s32 @p1 $0xFFFFFB10  }
0xa0: {  	_ =	sfence.sel $0x180000  }
0xa1: {  	[bflag:$0x0] =	sbarrier.arrive $0xFFFF  }
0xa2: {  	_ =	strace $0x90000047  }
0xa3: {  	s0 =	sadd.s32 @!p0 $0x100000, s0;
	[bflag:$0x2] =	sbarrier.arrive $0xFFFF  }
0xa4: {  	[sflag:s0] =	ssyncadd.tile.s32 @!p0 $0x1;
	_ =	shalt  }
.Lfunc_end2:
_tile_overlayer_lowered:
.L_overlay_start_2:
0xa5: {  	(tag) =	ssettag $0x2  }
0xa6: {  	s0 =	rddreg [dreg:$0x0];
	s2 =	stileid.u32  }
0xa7: {  	s1 =	rddreg [dreg:$0x1];
	p0 =	sne.s32 s2, $0x0  }
0xa8: {  	s3 =	rddreg [dreg:$0x2];
	[bflag:$0x3] =	sbarrier.arrive $0xFFFF;
	s2 =	simm.s32 @!p0 $0x1C02  }
0xa9: {  	[timem:s3], [sflag:s2] =	dma.local @!p0 [hbm:s0], s1  }
0xaa: {  	s0 =	simm.s32 @!p0 $0x2  }
0xab: {  	_ =	swait.ge @!p0 [sflag:s0], s1  }
0xac: {  	s1 =	ssub.s32 @!p0 $0x0, s1;
	[sflag:s0] =	ssyncset.done @!p0 $0x0  }
0xad: {  	[sflag:s0] =	ssyncadd.s32 @!p0 s1  }
0xae: {  	[bflag:$0x3] =	sbarrier.arrive $0xFFFF  }
0xaf: {  	_ =	shalt  }

</sc_bundles>
